<compile_context>
chip_gen: v7x
topology: tpu7x:2x2x1
jax: 0.10.2.dev20260603
libtpu: 0.0.44.dev20260713+nightly
codegen_flags: <defaults>
</compile_context>

<pallas_src>
import functools

import jax
import jax.numpy as jnp
from jax import lax
from jax.experimental import pallas as pl
from jax.experimental.pallas import tpu as pltpu
from jax.experimental.pallas import tpu_sc as plsc

N = 10000
E = 320000
IN_F = 128
H = 4
D = 64
HD = H * D
NEG = 0.2

CH = 128
NCHUNK = 157
EPT = CH * NCHUNK
EPAD = 16 * EPT
RC = 128
NRC = N // RC
NTAIL = N - NRC * RC

_R = 2000


def _tc_body(f_ref, wcat_ref, alr_ref, h_ref, res_ref, elr_ref):
    f = f_ref[...]
    hr = jnp.dot(f, wcat_ref[...], preferred_element_type=jnp.float32)
    h_ref[0, :, :] = hr[:, 0:128]
    h_ref[1, :, :] = hr[:, 128:256]
    res_ref[0, :, :] = hr[:, 256:384]
    res_ref[1, :, :] = hr[:, 384:512]
    elr = jnp.dot(hr[:, 0:256], alr_ref[...], preferred_element_type=jnp.float32)
    elr_ref[...] = jnp.concatenate(
        [elr, jnp.zeros((_R, 8), jnp.float32)], axis=1)


def _tc_matmuls(feats, wcat, alr):
    grid = (N // _R,)
    return pl.pallas_call(
        _tc_body,
        grid=grid,
        in_specs=[
            pl.BlockSpec((_R, IN_F), lambda i: (i, 0)),
            pl.BlockSpec((IN_F, 2 * HD), lambda i: (0, 0)),
            pl.BlockSpec((HD, 8), lambda i: (0, 0)),
        ],
        out_specs=[
            pl.BlockSpec((2, _R, 128), lambda i: (0, i, 0)),
            pl.BlockSpec((2, _R, 128), lambda i: (0, i, 0)),
            pl.BlockSpec((_R, 16), lambda i: (i, 0)),
        ],
        out_shape=[
            jax.ShapeDtypeStruct((2, N, 128), jnp.float32),
            jax.ShapeDtypeStruct((2, N, 128), jnp.float32),
            jax.ShapeDtypeStruct((N, 16), jnp.float32),
        ],
    )(feats, wcat, alr)


def _sc_gat_body(hflat, elr, resflat, srcp, dstp, bias2, out,
                 srcb, dstb, sob, bufS, bufD, ebuf, hbuf,
                 accb, biasb, acc_sh, den_sh, sem):
    c = lax.axis_index("c")
    s = lax.axis_index("s")
    iota = lax.iota(jnp.int32, 16)
    zf = jnp.zeros((16,), jnp.float32)
    zi = jnp.zeros((16,), jnp.int32)

    def _zacc(i, _):
        for k in range(8):
            accb[i, pl.ds(k * 16, 16)] = zf
        ebuf[i, :] = zf
        return 0
    lax.fori_loop(0, RC, _zacc, 0)

    for k in range(5):
        cid = s + 16 * k
        r0 = pl.multiple_of(cid * RC, RC)

        @pl.when(cid < NRC)
        def _():
            pltpu.sync_copy(accb, acc_sh.at[pl.ds(r0, RC)])
            pltpu.sync_copy(ebuf, den_sh.at[pl.ds(r0, RC)])

    @pl.when(s == 15)
    def _():
        pltpu.sync_copy(accb.at[pl.ds(0, NTAIL)],
                        acc_sh.at[pl.ds(NRC * RC, NTAIL)])
        pltpu.sync_copy(ebuf.at[pl.ds(0, NTAIL)],
                        den_sh.at[pl.ds(NRC * RC, NTAIL)])
    plsc.subcore_barrier()

    ebase = s * EPT
    coffs = c * N

    def _chunk(ci, _):
        eb = pl.multiple_of(ebase + ci * CH, CH)
        d1 = pltpu.async_copy(srcp.at[pl.ds(eb, CH)], srcb, sem)
        d2 = pltpu.async_copy(dstp.at[pl.ds(eb, CH)], dstb, sem)
        d1.wait()
        d2.wait()
        for g in range(8):
            sv = srcb[pl.ds(g * 16, 16)]
            sob[pl.ds(g * 16, 16)] = sv + coffs
        g3 = pltpu.async_copy(hflat.at[sob], hbuf, sem)
        g1 = pltpu.async_copy(elr.at[srcb], bufS, sem)
        g2 = pltpu.async_copy(elr.at[dstb], bufD, sem)
        g1.wait()
        g2.wait()
        for g in range(8):
            ev = iota + (g * 16)
            egl = ev + eb
            msk = egl < E
            for j in range(2):
                colv = zi + (2 * c + j)
                elv = plsc.load_gather(bufS, [ev, colv])
                erv = plsc.load_gather(bufD, [ev, colv + 4])
                e = elv + erv
                e = jnp.where(e >= 0.0, e, e * NEG)
                ex = jnp.exp(e)
                ex = jnp.where(msk, ex, 0.0)
                plsc.store_scatter(ebuf, [ev, zi + j], ex)
        g3.wait()
        @plsc.parallel_loop(0, CH, step=1, unroll=4)
        def _scale(l):
            lv = zi + l
            sp0 = plsc.load_gather(ebuf, [lv, zi])
            sp1 = plsc.load_gather(ebuf, [lv, zi + 1])
            for k in range(8):
                sl = pl.ds(k * 16, 16)
                hv = hbuf[l, sl]
                hbuf[l, sl] = hv * (sp0 if k < 4 else sp1)
        s1 = pltpu.async_copy(ebuf, den_sh.at[dstb], sem, add=True)
        s2 = pltpu.async_copy(hbuf, acc_sh.at[dstb], sem, add=True)
        s1.wait()
        s2.wait()
        return 0

    lax.fori_loop(0, NCHUNK, _chunk, 0)
    plsc.subcore_barrier()

    pltpu.sync_copy(bias2, biasb)

    def _rows(r_lo, r_hi):
        @plsc.parallel_loop(r_lo, r_hi, step=1, unroll=4)
        def _row(r):
            rv = zi + r
            inv0 = 1.0 / jnp.maximum(
                plsc.load_gather(ebuf, [rv, zi]), 1e-9)
            inv1 = 1.0 / jnp.maximum(
                plsc.load_gather(ebuf, [rv, zi + 1]), 1e-9)
            for kk in range(8):
                sl = pl.ds(kk * 16, 16)
                v = accb[r, sl] * (inv0 if kk < 4 else inv1)
                accb[r, sl] = v + hbuf[r, sl] + biasb[c, sl]

    for k in range(5):
        cid = s + 16 * k
        r0 = pl.multiple_of(cid * RC, RC)

        @pl.when(cid < NRC)
        def _():
            pltpu.sync_copy(acc_sh.at[pl.ds(r0, RC)], accb)
            pltpu.sync_copy(den_sh.at[pl.ds(r0, RC)], ebuf)
            pltpu.sync_copy(resflat.at[pl.ds(coffs + r0, RC)], hbuf)
            _rows(0, RC)
            pltpu.sync_copy(accb, out.at[pl.ds(coffs + r0, RC)])

    @pl.when(s == 15)
    def _():
        t0 = NRC * RC
        pltpu.sync_copy(acc_sh.at[pl.ds(t0, NTAIL)], accb.at[pl.ds(0, NTAIL)])
        pltpu.sync_copy(den_sh.at[pl.ds(t0, NTAIL)], ebuf.at[pl.ds(0, NTAIL)])
        pltpu.sync_copy(resflat.at[pl.ds(coffs + t0, NTAIL)],
                        hbuf.at[pl.ds(0, NTAIL)])
        _rows(0, NTAIL)
        pltpu.sync_copy(accb.at[pl.ds(0, NTAIL)],
                        out.at[pl.ds(coffs + t0, NTAIL)])


def _sc_gat(hflat, elr, resflat, srcp, dstp, bias2):
    mesh = plsc.VectorSubcoreMesh(core_axis_name="c", subcore_axis_name="s",
                                  num_cores=2, num_subcores=16)
    return pl.kernel(
        _sc_gat_body,
        out_type=jax.ShapeDtypeStruct((2 * N, 128), jnp.float32),
        mesh=mesh,
        compiler_params=pltpu.CompilerParams(
            needs_layout_passes=False, use_tc_tiling_on_sc=False),
        scratch_types=[
            pltpu.VMEM((CH,), jnp.int32),
            pltpu.VMEM((CH,), jnp.int32),
            pltpu.VMEM((CH,), jnp.int32),
            pltpu.VMEM((CH, 16), jnp.float32),
            pltpu.VMEM((CH, 16), jnp.float32),
            pltpu.VMEM((CH, 16), jnp.float32),
            pltpu.VMEM((CH, 128), jnp.float32),
            pltpu.VMEM((RC, 128), jnp.float32),
            pltpu.VMEM((2, 128), jnp.float32),
            pltpu.VMEM_SHARED((N, 128), jnp.float32),
            pltpu.VMEM_SHARED((N, 16), jnp.float32),
            pltpu.SemaphoreType.DMA,
        ],
    )(hflat, elr, resflat, srcp, dstp, bias2)


def kernel(feats, edge_index, W, attn_l, attn_r, W_res, bias):
    wcat = jnp.concatenate([W, W_res], axis=1)
    eye = jnp.eye(H, dtype=jnp.float32)
    alr_l = (eye[:, None, :] * attn_l[:, :, None]).reshape(HD, H)
    alr_r = (eye[:, None, :] * attn_r[:, :, None]).reshape(HD, H)
    alr = jnp.concatenate([alr_l, alr_r], axis=1)

    h2, res2, elr = _tc_matmuls(feats, wcat, alr)
    hflat = h2.reshape(2 * N, 128)
    resflat = res2.reshape(2 * N, 128)

    src = edge_index[0].astype(jnp.int32)
    dst = edge_index[1].astype(jnp.int32)
    pad = jnp.zeros((EPAD - E,), jnp.int32)
    srcp = jnp.concatenate([src, pad])
    dstp = jnp.concatenate([dst, pad])

    bias2 = bias.astype(jnp.float32).reshape(2, 128)

    outflat = _sc_gat(hflat, elr, resflat, srcp, dstp, bias2)
    return outflat.reshape(2, N, 128).transpose(1, 0, 2).reshape(N, HD)

# --- scband reference (transcript-rebuilt; emitter-appended) ---
"""Pipeline reference for scband-gatlayer-9689446219977 (READ-ONLY COPY).

The authoritative reference and input builder live on the scoring server;
editing this copy changes nothing except your own understanding.
"""

import jax, jax.numpy as jnp
import numpy as np

IN_FEATS = 128
OUT_FEATS = 64
NUM_HEADS = 4
N_NODES = 10000
N_EDGES = 320000
NEG_SLOPE = 0.2


def setup_inputs(seed: int = 0) -> dict:
    key = jax.random.key(seed)
    k1, k2, k3, k4, k5, k6, k7 = jax.random.split(key, 7)
    feats = jax.random.normal(k1, (N_NODES, IN_FEATS), dtype=jnp.float32)
    edge_index = jax.random.randint(k2, (2, N_EDGES), 0, N_NODES, dtype=jnp.int64)
    # Learned parameters (dropout probs are 0.0, so dropout is identity at eval)
    W = jax.random.normal(k3, (IN_FEATS, NUM_HEADS * OUT_FEATS), dtype=jnp.float32) * 0.05
    attn_l = jax.random.normal(k4, (NUM_HEADS, OUT_FEATS), dtype=jnp.float32) * 0.05
    attn_r = jax.random.normal(k5, (NUM_HEADS, OUT_FEATS), dtype=jnp.float32) * 0.05
    # residual projection (in_feats != num_heads*out_feats -> linear, no bias in DGL)
    W_res = jax.random.normal(k6, (IN_FEATS, NUM_HEADS * OUT_FEATS), dtype=jnp.float32) * 0.05
    bias = jax.random.normal(k7, (NUM_HEADS, OUT_FEATS), dtype=jnp.float32) * 0.05
    return {"feats": feats, "edge_index": edge_index, "W": W, "attn_l": attn_l,
            "attn_r": attn_r, "W_res": W_res, "bias": bias}


def reference(feats, edge_index, W, attn_l, attn_r, W_res, bias):
    N = feats.shape[0]
    H, D = attn_l.shape
    src = edge_index[0]
    dst = edge_index[1]
    # feat_drop / attn_drop are 0.0 -> identity at eval time
    h = (feats @ W).reshape(N, H, D)  # [N, H, D]
    el = jnp.sum(h * attn_l[None, :, :], axis=-1)  # [N, H]
    er = jnp.sum(h * attn_r[None, :, :], axis=-1)  # [N, H]
    e = el[src] + er[dst]  # [E, H]
    e = jax.nn.leaky_relu(e, negative_slope=NEG_SLOPE)
    # edge softmax over incoming edges per destination node (numerically stable)
    emax = jax.ops.segment_max(e, dst, num_segments=N)  # [N, H]
    emax = jnp.where(jnp.isfinite(emax), emax, 0.0)
    eexp = jnp.exp(e - emax[dst])  # [E, H]
    denom = jax.ops.segment_sum(eexp, dst, num_segments=N)  # [N, H]
    a = eexp / jnp.maximum(denom[dst], 1e-9)  # [E, H]
    # weighted message aggregation
    msg = h[src] * a[:, :, None]  # [E, H, D]
    rst = jax.ops.segment_sum(msg, dst, num_segments=N)  # [N, H, D]
    # residual connection
    resval = (feats @ W_res).reshape(N, H, D)
    rst = rst + resval + bias[None, :, :]
    # agg_mode == 'flatten', activation is None
    return rst.reshape(N, H * D)

if __name__ == "__main__":
    import jax
    _d = setup_inputs()
    print(jax.jit(kernel)(*tuple(_d.values())))

</pallas_src>

<mosaic_0001>
#map = affine_map<(d0, d1) -> (0, 0)>
#map1 = affine_map<(d0, d1) -> (0)>
module attributes {stable_mosaic.version = 14 : i64} {
  func.func @_sc_gat_body(%arg0: i32, %arg1: i32, %arg2: memref<20000x128xf32, #tpu.memory_space<hbm>>, %arg3: memref<10000x16xf32, #tpu.memory_space<hbm>>, %arg4: memref<20000x128xf32, #tpu.memory_space<hbm>>, %arg5: memref<321536xi32, #tpu.memory_space<hbm>>, %arg6: memref<321536xi32, #tpu.memory_space<hbm>>, %arg7: memref<2x128xf32, #tpu.memory_space<hbm>>, %arg8: memref<20000x128xf32, #tpu.memory_space<hbm>>, %arg9: memref<128xi32, #tpu.memory_space<vmem>>, %arg10: memref<128xi32, #tpu.memory_space<vmem>>, %arg11: memref<128xi32, #tpu.memory_space<vmem>>, %arg12: memref<128x16xf32, #tpu.memory_space<vmem>>, %arg13: memref<128x16xf32, #tpu.memory_space<vmem>>, %arg14: memref<128x16xf32, #tpu.memory_space<vmem>>, %arg15: memref<128x128xf32, #tpu.memory_space<vmem>>, %arg16: memref<128x128xf32, #tpu.memory_space<vmem>>, %arg17: memref<2x128xf32, #tpu.memory_space<vmem>>, %arg18: memref<10000x128xf32, #tpu.memory_space<vmem_shared>>, %arg19: memref<10000x16xf32, #tpu.memory_space<vmem_shared>>, %arg20: memref<!tpu.dma_semaphore, #tpu.memory_space<semaphore_mem>>) attributes {dimension_semantics = [#tpu.dimension_semantics<core_parallel>, #tpu.dimension_semantics<subcore_parallel>], iteration_bounds = array<i64: 2, 16>, scalar_prefetch = 0 : i64, scratch_operands = 12 : i64, tpu.core_type = #tpu.core_type<sc_vector_subcore>, window_params = [{transform_indices = #map}, {transform_indices = #map}, {transform_indices = #map}, {transform_indices = #map1}, {transform_indices = #map1}, {transform_indices = #map}, {transform_indices = #map}]} {
    %iota3A = tpu.iota {dimensions = array<i32: 0>} : vector<16xi32>
    %broadcast_in_dim3A = arith.constant 0.000000e+00 : f32
    %broadcast_in_dim3A_0 = vector.broadcast %broadcast_in_dim3A : f32 to vector<16xf32>
    %broadcast_in_dim3A_1 = arith.constant 0 : i32
    %broadcast_in_dim3A_2 = vector.broadcast %broadcast_in_dim3A_1 : i32 to vector<16xi32>
    %scan3A = arith.constant 0 : i32
    %scan3A_3 = arith.constant 0 : i32
    %scan3A_4 = arith.constant 128 : i32
    %scan3A_5 = arith.addi %scan3A_3, %scan3A_4 : i32
    %scan3A_6 = arith.constant 1 : i32
    %scan3A_7 = scf.for %scan3A_124 = %scan3A_3 to %scan3A_5 step %scan3A_6 iter_args(%scan3A_125 = %scan3A) -> (i32)  : i32 {
      %swap3A = arith.index_cast %scan3A_124 : i32 to index
      %swap3A_126 = arith.constant 0 : index
      %swap3A_127 = tpu.vector_load %arg16[%swap3A, %swap3A_126] {strides = array<i32>} : memref<128x128xf32, #tpu.memory_space<vmem>>, vector<16xf32>,
      tpu.vector_store %arg16[%swap3A, %swap3A_126], %broadcast_in_dim3A_0 {strides = array<i32>} : memref<128x128xf32, #tpu.memory_space<vmem>>, vector<16xf32>,
      %swap3A_128 = arith.index_cast %scan3A_124 : i32 to index
      %swap3A_129 = arith.constant 16 : index
      %swap3A_130 = tpu.vector_load %arg16[%swap3A_128, %swap3A_129] {strides = array<i32>} : memref<128x128xf32, #tpu.memory_space<vmem>>, vector<16xf32>,
      tpu.vector_store %arg16[%swap3A_128, %swap3A_129], %broadcast_in_dim3A_0 {strides = array<i32>} : memref<128x128xf32, #tpu.memory_space<vmem>>, vector<16xf32>,
      %swap3A_131 = arith.index_cast %scan3A_124 : i32 to index
      %swap3A_132 = arith.constant 32 : index
      %swap3A_133 = tpu.vector_load %arg16[%swap3A_131, %swap3A_132] {strides = array<i32>} : memref<128x128xf32, #tpu.memory_space<vmem>>, vector<16xf32>,
      tpu.vector_store %arg16[%swap3A_131, %swap3A_132], %broadcast_in_dim3A_0 {strides = array<i32>} : memref<128x128xf32, #tpu.memory_space<vmem>>, vector<16xf32>,
      %swap3A_134 = arith.index_cast %scan3A_124 : i32 to index
      %swap3A_135 = arith.constant 48 : index
      %swap3A_136 = tpu.vector_load %arg16[%swap3A_134, %swap3A_135] {strides = array<i32>} : memref<128x128xf32, #tpu.memory_space<vmem>>, vector<16xf32>,
      tpu.vector_store %arg16[%swap3A_134, %swap3A_135], %broadcast_in_dim3A_0 {strides = array<i32>} : memref<128x128xf32, #tpu.memory_space<vmem>>, vector<16xf32>,
      %swap3A_137 = arith.index_cast %scan3A_124 : i32 to index
      %swap3A_138 = arith.constant 64 : index
      %swap3A_139 = tpu.vector_load %arg16[%swap3A_137, %swap3A_138] {strides = array<i32>} : memref<128x128xf32, #tpu.memory_space<vmem>>, vector<16xf32>,
      tpu.vector_store %arg16[%swap3A_137, %swap3A_138], %broadcast_in_dim3A_0 {strides = array<i32>} : memref<128x128xf32, #tpu.memory_space<vmem>>, vector<16xf32>,
      %swap3A_140 = arith.index_cast %scan3A_124 : i32 to index
      %swap3A_141 = arith.constant 80 : index
      %swap3A_142 = tpu.vector_load %arg16[%swap3A_140, %swap3A_141] {strides = array<i32>} : memref<128x128xf32, #tpu.memory_space<vmem>>, vector<16xf32>,
      tpu.vector_store %arg16[%swap3A_140, %swap3A_141], %broadcast_in_dim3A_0 {strides = array<i32>} : memref<128x128xf32, #tpu.memory_space<vmem>>, vector<16xf32>,
      %swap3A_143 = arith.index_cast %scan3A_124 : i32 to index
      %swap3A_144 = arith.constant 96 : index
      %swap3A_145 = tpu.vector_load %arg16[%swap3A_143, %swap3A_144] {strides = array<i32>} : memref<128x128xf32, #tpu.memory_space<vmem>>, vector<16xf32>,
      tpu.vector_store %arg16[%swap3A_143, %swap3A_144], %broadcast_in_dim3A_0 {strides = array<i32>} : memref<128x128xf32, #tpu.memory_space<vmem>>, vector<16xf32>,
      %swap3A_146 = arith.index_cast %scan3A_124 : i32 to index
      %swap3A_147 = arith.constant 112 : index
      %swap3A_148 = tpu.vector_load %arg16[%swap3A_146, %swap3A_147] {strides = array<i32>} : memref<128x128xf32, #tpu.memory_space<vmem>>, vector<16xf32>,
      tpu.vector_store %arg16[%swap3A_146, %swap3A_147], %broadcast_in_dim3A_0 {strides = array<i32>} : memref<128x128xf32, #tpu.memory_space<vmem>>, vector<16xf32>,
      %swap3A_149 = arith.index_cast %scan3A_124 : i32 to index
      %swap3A_150 = arith.constant 0 : index
      %swap3A_151 = tpu.vector_load %arg14[%swap3A_149, %swap3A_150] {strides = array<i32>} : memref<128x16xf32, #tpu.memory_space<vmem>>, vector<16xf32>,
      tpu.vector_store %arg14[%swap3A_149, %swap3A_150], %broadcast_in_dim3A_0 {strides = array<i32>} : memref<128x16xf32, #tpu.memory_space<vmem>>, vector<16xf32>,
      %scan3A_152 = arith.constant 0 : i32
      scf.yield %scan3A_152 : i32
    }
    %scan3A_8 = arith.constant 128 : i32
    %add3A = arith.constant 0 : i32
    %add3A_9 = arith.addi %arg1, %add3A : i32
    %mul3A = arith.constant 128 : i32
    %mul3A_10 = arith.muli %add3A_9, %mul3A : i32
    %multiple_of3A = tpu.assume_multiple %mul3A_10, 128 : i32
    %lt3A = arith.constant 78 : i32
    %lt3A_11 = arith.cmpi slt, %add3A_9, %lt3A : i32
    %convert_element_type3A = arith.extui %lt3A_11 : i1 to i32
    %cond3A = arith.constant 0 : i32
    %cond3A_12 = arith.cmpi ne, %convert_element_type3A, %cond3A : i32
    scf.if %cond3A_12 {
      "tpu.region"() ({
        %run_scoped3A = tpu.sem_alloc : memref<!tpu.dma_semaphore, #tpu.memory_space<semaphore_mem>>
        %dma_start3A = arith.constant 0 : i32
        %dma_start3A_124 = tpu.memref_slice %arg18[%multiple_of3A, %dma_start3A] : memref<10000x128xf32, #tpu.memory_space<vmem_shared>> -> memref<128x128xf32, #tpu.memory_space<vmem_shared>>
        %dma_start3A_125 = arith.constant 0 : i32
        %dma_start3A_126 = tpu.memref_slice %arg18[%multiple_of3A, %dma_start3A_125] : memref<10000x128xf32, #tpu.memory_space<vmem_shared>> -> memref<128x128xf32, #tpu.memory_space<vmem_shared>>
        tpu.enqueue_dma source(%arg16 : memref<128x128xf32, #tpu.memory_space<vmem>>) target(%dma_start3A_126 : memref<128x128xf32, #tpu.memory_space<vmem_shared>>) target_semaphore(%run_scoped3A : memref<!tpu.dma_semaphore, #tpu.memory_space<semaphore_mem>>)
        %dma_wait3A = arith.constant 0 : i32
        %dma_wait3A_127 = tpu.memref_slice %arg18[%multiple_of3A, %dma_wait3A] : memref<10000x128xf32, #tpu.memory_space<vmem_shared>> -> memref<128x128xf32, #tpu.memory_space<vmem_shared>>
        %dma_wait3A_128 = arith.constant 0 : i32
        %dma_wait3A_129 = tpu.memref_slice %arg18[%multiple_of3A, %dma_wait3A_128] : memref<10000x128xf32, #tpu.memory_space<vmem_shared>> -> memref<128x128xf32, #tpu.memory_space<vmem_shared>>
        tpu.wait_dma2 semaphore(%run_scoped3A : memref<!tpu.dma_semaphore, #tpu.memory_space<semaphore_mem>>) src(%arg16 : memref<128x128xf32, #tpu.memory_space<vmem>>) dst(%dma_wait3A_129 : memref<128x128xf32, #tpu.memory_space<vmem_shared>>)
        tpu.yield
      }) : () -> ()
      "tpu.region"() ({
        %run_scoped3A = tpu.sem_alloc : memref<!tpu.dma_semaphore, #tpu.memory_space<semaphore_mem>>
        %dma_start3A = arith.constant 0 : i32
        %dma_start3A_124 = tpu.memref_slice %arg19[%multiple_of3A, %dma_start3A] : memref<10000x16xf32, #tpu.memory_space<vmem_shared>> -> memref<128x16xf32, #tpu.memory_space<vmem_shared>>
        %dma_start3A_125 = arith.constant 0 : i32
        %dma_start3A_126 = tpu.memref_slice %arg19[%multiple_of3A, %dma_start3A_125] : memref<10000x16xf32, #tpu.memory_space<vmem_shared>> -> memref<128x16xf32, #tpu.memory_space<vmem_shared>>
        tpu.enqueue_dma source(%arg14 : memref<128x16xf32, #tpu.memory_space<vmem>>) target(%dma_start3A_126 : memref<128x16xf32, #tpu.memory_space<vmem_shared>>) target_semaphore(%run_scoped3A : memref<!tpu.dma_semaphore, #tpu.memory_space<semaphore_mem>>)
        %dma_wait3A = arith.constant 0 : i32
        %dma_wait3A_127 = tpu.memref_slice %arg19[%multiple_of3A, %dma_wait3A] : memref<10000x16xf32, #tpu.memory_space<vmem_shared>> -> memref<128x16xf32, #tpu.memory_space<vmem_shared>>
        %dma_wait3A_128 = arith.constant 0 : i32
        %dma_wait3A_129 = tpu.memref_slice %arg19[%multiple_of3A, %dma_wait3A_128] : memref<10000x16xf32, #tpu.memory_space<vmem_shared>> -> memref<128x16xf32, #tpu.memory_space<vmem_shared>>
        tpu.wait_dma2 semaphore(%run_scoped3A : memref<!tpu.dma_semaphore, #tpu.memory_space<semaphore_mem>>) src(%arg14 : memref<128x16xf32, #tpu.memory_space<vmem>>) dst(%dma_wait3A_129 : memref<128x16xf32, #tpu.memory_space<vmem_shared>>)
        tpu.yield
      }) : () -> ()
    } else {
    }
    %add3A_13 = arith.constant 16 : i32
    %add3A_14 = arith.addi %arg1, %add3A_13 : i32
    %mul3A_15 = arith.constant 128 : i32
    %mul3A_16 = arith.muli %add3A_14, %mul3A_15 : i32
    %multiple_of3A_17 = tpu.assume_multiple %mul3A_16, 128 : i32
    %lt3A_18 = arith.constant 78 : i32
    %lt3A_19 = arith.cmpi slt, %add3A_14, %lt3A_18 : i32
    %convert_element_type3A_20 = arith.extui %lt3A_19 : i1 to i32
    %cond3A_21 = arith.constant 0 : i32
    %cond3A_22 = arith.cmpi ne, %convert_element_type3A_20, %cond3A_21 : i32
    scf.if %cond3A_22 {
      "tpu.region"() ({
        %run_scoped3A = tpu.sem_alloc : memref<!tpu.dma_semaphore, #tpu.memory_space<semaphore_mem>>
        %dma_start3A = arith.constant 0 : i32
        %dma_start3A_124 = tpu.memref_slice %arg18[%multiple_of3A_17, %dma_start3A] : memref<10000x128xf32, #tpu.memory_space<vmem_shared>> -> memref<128x128xf32, #tpu.memory_space<vmem_shared>>
        %dma_start3A_125 = arith.constant 0 : i32
        %dma_start3A_126 = tpu.memref_slice %arg18[%multiple_of3A_17, %dma_start3A_125] : memref<10000x128xf32, #tpu.memory_space<vmem_shared>> -> memref<128x128xf32, #tpu.memory_space<vmem_shared>>
        tpu.enqueue_dma source(%arg16 : memref<128x128xf32, #tpu.memory_space<vmem>>) target(%dma_start3A_126 : memref<128x128xf32, #tpu.memory_space<vmem_shared>>) target_semaphore(%run_scoped3A : memref<!tpu.dma_semaphore, #tpu.memory_space<semaphore_mem>>)
        %dma_wait3A = arith.constant 0 : i32
        %dma_wait3A_127 = tpu.memref_slice %arg18[%multiple_of3A_17, %dma_wait3A] : memref<10000x128xf32, #tpu.memory_space<vmem_shared>> -> memref<128x128xf32, #tpu.memory_space<vmem_shared>>
        %dma_wait3A_128 = arith.constant 0 : i32
        %dma_wait3A_129 = tpu.memref_slice %arg18[%multiple_of3A_17, %dma_wait3A_128] : memref<10000x128xf32, #tpu.memory_space<vmem_shared>> -> memref<128x128xf32, #tpu.memory_space<vmem_shared>>
        tpu.wait_dma2 semaphore(%run_scoped3A : memref<!tpu.dma_semaphore, #tpu.memory_space<semaphore_mem>>) src(%arg16 : memref<128x128xf32, #tpu.memory_space<vmem>>) dst(%dma_wait3A_129 : memref<128x128xf32, #tpu.memory_space<vmem_shared>>)
        tpu.yield
      }) : () -> ()
      "tpu.region"() ({
        %run_scoped3A = tpu.sem_alloc : memref<!tpu.dma_semaphore, #tpu.memory_space<semaphore_mem>>
        %dma_start3A = arith.constant 0 : i32
        %dma_start3A_124 = tpu.memref_slice %arg19[%multiple_of3A_17, %dma_start3A] : memref<10000x16xf32, #tpu.memory_space<vmem_shared>> -> memref<128x16xf32, #tpu.memory_space<vmem_shared>>
        %dma_start3A_125 = arith.constant 0 : i32
        %dma_start3A_126 = tpu.memref_slice %arg19[%multiple_of3A_17, %dma_start3A_125] : memref<10000x16xf32, #tpu.memory_space<vmem_shared>> -> memref<128x16xf32, #tpu.memory_space<vmem_shared>>
        tpu.enqueue_dma source(%arg14 : memref<128x16xf32, #tpu.memory_space<vmem>>) target(%dma_start3A_126 : memref<128x16xf32, #tpu.memory_space<vmem_shared>>) target_semaphore(%run_scoped3A : memref<!tpu.dma_semaphore, #tpu.memory_space<semaphore_mem>>)
        %dma_wait3A = arith.constant 0 : i32
        %dma_wait3A_127 = tpu.memref_slice %arg19[%multiple_of3A_17, %dma_wait3A] : memref<10000x16xf32, #tpu.memory_space<vmem_shared>> -> memref<128x16xf32, #tpu.memory_space<vmem_shared>>
        %dma_wait3A_128 = arith.constant 0 : i32
        %dma_wait3A_129 = tpu.memref_slice %arg19[%multiple_of3A_17, %dma_wait3A_128] : memref<10000x16xf32, #tpu.memory_space<vmem_shared>> -> memref<128x16xf32, #tpu.memory_space<vmem_shared>>
        tpu.wait_dma2 semaphore(%run_scoped3A : memref<!tpu.dma_semaphore, #tpu.memory_space<semaphore_mem>>) src(%arg14 : memref<128x16xf32, #tpu.memory_space<vmem>>) dst(%dma_wait3A_129 : memref<128x16xf32, #tpu.memory_space<vmem_shared>>)
        tpu.yield
      }) : () -> ()
    } else {
    }
    %add3A_23 = arith.constant 32 : i32
    %add3A_24 = arith.addi %arg1, %add3A_23 : i32
    %mul3A_25 = arith.constant 128 : i32
    %mul3A_26 = arith.muli %add3A_24, %mul3A_25 : i32
    %multiple_of3A_27 = tpu.assume_multiple %mul3A_26, 128 : i32
    %lt3A_28 = arith.constant 78 : i32
    %lt3A_29 = arith.cmpi slt, %add3A_24, %lt3A_28 : i32
    %convert_element_type3A_30 = arith.extui %lt3A_29 : i1 to i32
    %cond3A_31 = arith.constant 0 : i32
    %cond3A_32 = arith.cmpi ne, %convert_element_type3A_30, %cond3A_31 : i32
    scf.if %cond3A_32 {
      "tpu.region"() ({
        %run_scoped3A = tpu.sem_alloc : memref<!tpu.dma_semaphore, #tpu.memory_space<semaphore_mem>>
        %dma_start3A = arith.constant 0 : i32
        %dma_start3A_124 = tpu.memref_slice %arg18[%multiple_of3A_27, %dma_start3A] : memref<10000x128xf32, #tpu.memory_space<vmem_shared>> -> memref<128x128xf32, #tpu.memory_space<vmem_shared>>
        %dma_start3A_125 = arith.constant 0 : i32
        %dma_start3A_126 = tpu.memref_slice %arg18[%multiple_of3A_27, %dma_start3A_125] : memref<10000x128xf32, #tpu.memory_space<vmem_shared>> -> memref<128x128xf32, #tpu.memory_space<vmem_shared>>
        tpu.enqueue_dma source(%arg16 : memref<128x128xf32, #tpu.memory_space<vmem>>) target(%dma_start3A_126 : memref<128x128xf32, #tpu.memory_space<vmem_shared>>) target_semaphore(%run_scoped3A : memref<!tpu.dma_semaphore, #tpu.memory_space<semaphore_mem>>)
        %dma_wait3A = arith.constant 0 : i32
        %dma_wait3A_127 = tpu.memref_slice %arg18[%multiple_of3A_27, %dma_wait3A] : memref<10000x128xf32, #tpu.memory_space<vmem_shared>> -> memref<128x128xf32, #tpu.memory_space<vmem_shared>>
        %dma_wait3A_128 = arith.constant 0 : i32
        %dma_wait3A_129 = tpu.memref_slice %arg18[%multiple_of3A_27, %dma_wait3A_128] : memref<10000x128xf32, #tpu.memory_space<vmem_shared>> -> memref<128x128xf32, #tpu.memory_space<vmem_shared>>
        tpu.wait_dma2 semaphore(%run_scoped3A : memref<!tpu.dma_semaphore, #tpu.memory_space<semaphore_mem>>) src(%arg16 : memref<128x128xf32, #tpu.memory_space<vmem>>) dst(%dma_wait3A_129 : memref<128x128xf32, #tpu.memory_space<vmem_shared>>)
        tpu.yield
      }) : () -> ()
      "tpu.region"() ({
        %run_scoped3A = tpu.sem_alloc : memref<!tpu.dma_semaphore, #tpu.memory_space<semaphore_mem>>
        %dma_start3A = arith.constant 0 : i32
        %dma_start3A_124 = tpu.memref_slice %arg19[%multiple_of3A_27, %dma_start3A] : memref<10000x16xf32, #tpu.memory_space<vmem_shared>> -> memref<128x16xf32, #tpu.memory_space<vmem_shared>>
        %dma_start3A_125 = arith.constant 0 : i32
        %dma_start3A_126 = tpu.memref_slice %arg19[%multiple_of3A_27, %dma_start3A_125] : memref<10000x16xf32, #tpu.memory_space<vmem_shared>> -> memref<128x16xf32, #tpu.memory_space<vmem_shared>>
        tpu.enqueue_dma source(%arg14 : memref<128x16xf32, #tpu.memory_space<vmem>>) target(%dma_start3A_126 : memref<128x16xf32, #tpu.memory_space<vmem_shared>>) target_semaphore(%run_scoped3A : memref<!tpu.dma_semaphore, #tpu.memory_space<semaphore_mem>>)
        %dma_wait3A = arith.constant 0 : i32
        %dma_wait3A_127 = tpu.memref_slice %arg19[%multiple_of3A_27, %dma_wait3A] : memref<10000x16xf32, #tpu.memory_space<vmem_shared>> -> memref<128x16xf32, #tpu.memory_space<vmem_shared>>
        %dma_wait3A_128 = arith.constant 0 : i32
        %dma_wait3A_129 = tpu.memref_slice %arg19[%multiple_of3A_27, %dma_wait3A_128] : memref<10000x16xf32, #tpu.memory_space<vmem_shared>> -> memref<128x16xf32, #tpu.memory_space<vmem_shared>>
        tpu.wait_dma2 semaphore(%run_scoped3A : memref<!tpu.dma_semaphore, #tpu.memory_space<semaphore_mem>>) src(%arg14 : memref<128x16xf32, #tpu.memory_space<vmem>>) dst(%dma_wait3A_129 : memref<128x16xf32, #tpu.memory_space<vmem_shared>>)
        tpu.yield
      }) : () -> ()
    } else {
    }
    %add3A_33 = arith.constant 48 : i32
    %add3A_34 = arith.addi %arg1, %add3A_33 : i32
    %mul3A_35 = arith.constant 128 : i32
    %mul3A_36 = arith.muli %add3A_34, %mul3A_35 : i32
    %multiple_of3A_37 = tpu.assume_multiple %mul3A_36, 128 : i32
    %lt3A_38 = arith.constant 78 : i32
    %lt3A_39 = arith.cmpi slt, %add3A_34, %lt3A_38 : i32
    %convert_element_type3A_40 = arith.extui %lt3A_39 : i1 to i32
    %cond3A_41 = arith.constant 0 : i32
    %cond3A_42 = arith.cmpi ne, %convert_element_type3A_40, %cond3A_41 : i32
    scf.if %cond3A_42 {
      "tpu.region"() ({
        %run_scoped3A = tpu.sem_alloc : memref<!tpu.dma_semaphore, #tpu.memory_space<semaphore_mem>>
        %dma_start3A = arith.constant 0 : i32
        %dma_start3A_124 = tpu.memref_slice %arg18[%multiple_of3A_37, %dma_start3A] : memref<10000x128xf32, #tpu.memory_space<vmem_shared>> -> memref<128x128xf32, #tpu.memory_space<vmem_shared>>
        %dma_start3A_125 = arith.constant 0 : i32
        %dma_start3A_126 = tpu.memref_slice %arg18[%multiple_of3A_37, %dma_start3A_125] : memref<10000x128xf32, #tpu.memory_space<vmem_shared>> -> memref<128x128xf32, #tpu.memory_space<vmem_shared>>
        tpu.enqueue_dma source(%arg16 : memref<128x128xf32, #tpu.memory_space<vmem>>) target(%dma_start3A_126 : memref<128x128xf32, #tpu.memory_space<vmem_shared>>) target_semaphore(%run_scoped3A : memref<!tpu.dma_semaphore, #tpu.memory_space<semaphore_mem>>)
        %dma_wait3A = arith.constant 0 : i32
        %dma_wait3A_127 = tpu.memref_slice %arg18[%multiple_of3A_37, %dma_wait3A] : memref<10000x128xf32, #tpu.memory_space<vmem_shared>> -> memref<128x128xf32, #tpu.memory_space<vmem_shared>>
        %dma_wait3A_128 = arith.constant 0 : i32
        %dma_wait3A_129 = tpu.memref_slice %arg18[%multiple_of3A_37, %dma_wait3A_128] : memref<10000x128xf32, #tpu.memory_space<vmem_shared>> -> memref<128x128xf32, #tpu.memory_space<vmem_shared>>
        tpu.wait_dma2 semaphore(%run_scoped3A : memref<!tpu.dma_semaphore, #tpu.memory_space<semaphore_mem>>) src(%arg16 : memref<128x128xf32, #tpu.memory_space<vmem>>) dst(%dma_wait3A_129 : memref<128x128xf32, #tpu.memory_space<vmem_shared>>)
        tpu.yield
      }) : () -> ()
      "tpu.region"() ({
        %run_scoped3A = tpu.sem_alloc : memref<!tpu.dma_semaphore, #tpu.memory_space<semaphore_mem>>
        %dma_start3A = arith.constant 0 : i32
        %dma_start3A_124 = tpu.memref_slice %arg19[%multiple_of3A_37, %dma_start3A] : memref<10000x16xf32, #tpu.memory_space<vmem_shared>> -> memref<128x16xf32, #tpu.memory_space<vmem_shared>>
        %dma_start3A_125 = arith.constant 0 : i32
        %dma_start3A_126 = tpu.memref_slice %arg19[%multiple_of3A_37, %dma_start3A_125] : memref<10000x16xf32, #tpu.memory_space<vmem_shared>> -> memref<128x16xf32, #tpu.memory_space<vmem_shared>>
        tpu.enqueue_dma source(%arg14 : memref<128x16xf32, #tpu.memory_space<vmem>>) target(%dma_start3A_126 : memref<128x16xf32, #tpu.memory_space<vmem_shared>>) target_semaphore(%run_scoped3A : memref<!tpu.dma_semaphore, #tpu.memory_space<semaphore_mem>>)
        %dma_wait3A = arith.constant 0 : i32
        %dma_wait3A_127 = tpu.memref_slice %arg19[%multiple_of3A_37, %dma_wait3A] : memref<10000x16xf32, #tpu.memory_space<vmem_shared>> -> memref<128x16xf32, #tpu.memory_space<vmem_shared>>
        %dma_wait3A_128 = arith.constant 0 : i32
        %dma_wait3A_129 = tpu.memref_slice %arg19[%multiple_of3A_37, %dma_wait3A_128] : memref<10000x16xf32, #tpu.memory_space<vmem_shared>> -> memref<128x16xf32, #tpu.memory_space<vmem_shared>>
        tpu.wait_dma2 semaphore(%run_scoped3A : memref<!tpu.dma_semaphore, #tpu.memory_space<semaphore_mem>>) src(%arg14 : memref<128x16xf32, #tpu.memory_space<vmem>>) dst(%dma_wait3A_129 : memref<128x16xf32, #tpu.memory_space<vmem_shared>>)
        tpu.yield
      }) : () -> ()
    } else {
    }
    %add3A_43 = arith.constant 64 : i32
    %add3A_44 = arith.addi %arg1, %add3A_43 : i32
    %mul3A_45 = arith.constant 128 : i32
    %mul3A_46 = arith.muli %add3A_44, %mul3A_45 : i32
    %multiple_of3A_47 = tpu.assume_multiple %mul3A_46, 128 : i32
    %lt3A_48 = arith.constant 78 : i32
    %lt3A_49 = arith.cmpi slt, %add3A_44, %lt3A_48 : i32
    %convert_element_type3A_50 = arith.extui %lt3A_49 : i1 to i32
    %cond3A_51 = arith.constant 0 : i32
    %cond3A_52 = arith.cmpi ne, %convert_element_type3A_50, %cond3A_51 : i32
    scf.if %cond3A_52 {
      "tpu.region"() ({
        %run_scoped3A = tpu.sem_alloc : memref<!tpu.dma_semaphore, #tpu.memory_space<semaphore_mem>>
        %dma_start3A = arith.constant 0 : i32
        %dma_start3A_124 = tpu.memref_slice %arg18[%multiple_of3A_47, %dma_start3A] : memref<10000x128xf32, #tpu.memory_space<vmem_shared>> -> memref<128x128xf32, #tpu.memory_space<vmem_shared>>
        %dma_start3A_125 = arith.constant 0 : i32
        %dma_start3A_126 = tpu.memref_slice %arg18[%multiple_of3A_47, %dma_start3A_125] : memref<10000x128xf32, #tpu.memory_space<vmem_shared>> -> memref<128x128xf32, #tpu.memory_space<vmem_shared>>
        tpu.enqueue_dma source(%arg16 : memref<128x128xf32, #tpu.memory_space<vmem>>) target(%dma_start3A_126 : memref<128x128xf32, #tpu.memory_space<vmem_shared>>) target_semaphore(%run_scoped3A : memref<!tpu.dma_semaphore, #tpu.memory_space<semaphore_mem>>)
        %dma_wait3A = arith.constant 0 : i32
        %dma_wait3A_127 = tpu.memref_slice %arg18[%multiple_of3A_47, %dma_wait3A] : memref<10000x128xf32, #tpu.memory_space<vmem_shared>> -> memref<128x128xf32, #tpu.memory_space<vmem_shared>>
        %dma_wait3A_128 = arith.constant 0 : i32
        %dma_wait3A_129 = tpu.memref_slice %arg18[%multiple_of3A_47, %dma_wait3A_128] : memref<10000x128xf32, #tpu.memory_space<vmem_shared>> -> memref<128x128xf32, #tpu.memory_space<vmem_shared>>
        tpu.wait_dma2 semaphore(%run_scoped3A : memref<!tpu.dma_semaphore, #tpu.memory_space<semaphore_mem>>) src(%arg16 : memref<128x128xf32, #tpu.memory_space<vmem>>) dst(%dma_wait3A_129 : memref<128x128xf32, #tpu.memory_space<vmem_shared>>)
        tpu.yield
      }) : () -> ()
      "tpu.region"() ({
        %run_scoped3A = tpu.sem_alloc : memref<!tpu.dma_semaphore, #tpu.memory_space<semaphore_mem>>
        %dma_start3A = arith.constant 0 : i32
        %dma_start3A_124 = tpu.memref_slice %arg19[%multiple_of3A_47, %dma_start3A] : memref<10000x16xf32, #tpu.memory_space<vmem_shared>> -> memref<128x16xf32, #tpu.memory_space<vmem_shared>>
        %dma_start3A_125 = arith.constant 0 : i32
        %dma_start3A_126 = tpu.memref_slice %arg19[%multiple_of3A_47, %dma_start3A_125] : memref<10000x16xf32, #tpu.memory_space<vmem_shared>> -> memref<128x16xf32, #tpu.memory_space<vmem_shared>>
        tpu.enqueue_dma source(%arg14 : memref<128x16xf32, #tpu.memory_space<vmem>>) target(%dma_start3A_126 : memref<128x16xf32, #tpu.memory_space<vmem_shared>>) target_semaphore(%run_scoped3A : memref<!tpu.dma_semaphore, #tpu.memory_space<semaphore_mem>>)
        %dma_wait3A = arith.constant 0 : i32
        %dma_wait3A_127 = tpu.memref_slice %arg19[%multiple_of3A_47, %dma_wait3A] : memref<10000x16xf32, #tpu.memory_space<vmem_shared>> -> memref<128x16xf32, #tpu.memory_space<vmem_shared>>
        %dma_wait3A_128 = arith.constant 0 : i32
        %dma_wait3A_129 = tpu.memref_slice %arg19[%multiple_of3A_47, %dma_wait3A_128] : memref<10000x16xf32, #tpu.memory_space<vmem_shared>> -> memref<128x16xf32, #tpu.memory_space<vmem_shared>>
        tpu.wait_dma2 semaphore(%run_scoped3A : memref<!tpu.dma_semaphore, #tpu.memory_space<semaphore_mem>>) src(%arg14 : memref<128x16xf32, #tpu.memory_space<vmem>>) dst(%dma_wait3A_129 : memref<128x16xf32, #tpu.memory_space<vmem_shared>>)
        tpu.yield
      }) : () -> ()
    } else {
    }
    %eq3A = arith.constant 15 : i32
    %eq3A_53 = arith.cmpi eq, %arg1, %eq3A : i32
    %convert_element_type3A_54 = arith.extui %eq3A_53 : i1 to i32
    %cond3A_55 = arith.constant 0 : i32
    %cond3A_56 = arith.cmpi ne, %convert_element_type3A_54, %cond3A_55 : i32
    scf.if %cond3A_56 {
      "tpu.region"() ({
        %run_scoped3A = tpu.sem_alloc : memref<!tpu.dma_semaphore, #tpu.memory_space<semaphore_mem>>
        %dma_start3A = arith.constant 0 : i32
        %dma_start3A_124 = arith.constant 0 : i32
        %dma_start3A_125 = tpu.memref_slice %arg16[%dma_start3A, %dma_start3A_124] : memref<128x128xf32, #tpu.memory_space<vmem>> -> memref<16x128xf32, #tpu.memory_space<vmem>>
        %dma_start3A_126 = arith.constant 9984 : i32
        %dma_start3A_127 = arith.constant 0 : i32
        %dma_start3A_128 = tpu.memref_slice %arg18[%dma_start3A_126, %dma_start3A_127] : memref<10000x128xf32, #tpu.memory_space<vmem_shared>> -> memref<16x128xf32, #tpu.memory_space<vmem_shared>>
        %dma_start3A_129 = arith.constant 9984 : i32
        %dma_start3A_130 = arith.constant 0 : i32
        %dma_start3A_131 = tpu.memref_slice %arg18[%dma_start3A_129, %dma_start3A_130] : memref<10000x128xf32, #tpu.memory_space<vmem_shared>> -> memref<16x128xf32, #tpu.memory_space<vmem_shared>>
        %dma_start3A_132 = arith.constant 0 : i32
        %dma_start3A_133 = arith.constant 0 : i32
        %dma_start3A_134 = tpu.memref_slice %arg16[%dma_start3A_132, %dma_start3A_133] : memref<128x128xf32, #tpu.memory_space<vmem>> -> memref<16x128xf32, #tpu.memory_space<vmem>>
        tpu.enqueue_dma source(%dma_start3A_134 : memref<16x128xf32, #tpu.memory_space<vmem>>) target(%dma_start3A_131 : memref<16x128xf32, #tpu.memory_space<vmem_shared>>) target_semaphore(%run_scoped3A : memref<!tpu.dma_semaphore, #tpu.memory_space<semaphore_mem>>)
        %dma_wait3A = arith.constant 0 : i32
        %dma_wait3A_135 = arith.constant 0 : i32
        %dma_wait3A_136 = tpu.memref_slice %arg16[%dma_wait3A, %dma_wait3A_135] : memref<128x128xf32, #tpu.memory_space<vmem>> -> memref<16x128xf32, #tpu.memory_space<vmem>>
        %dma_wait3A_137 = arith.constant 9984 : i32
        %dma_wait3A_138 = arith.constant 0 : i32
        %dma_wait3A_139 = tpu.memref_slice %arg18[%dma_wait3A_137, %dma_wait3A_138] : memref<10000x128xf32, #tpu.memory_space<vmem_shared>> -> memref<16x128xf32, #tpu.memory_space<vmem_shared>>
        %dma_wait3A_140 = arith.constant 9984 : i32
        %dma_wait3A_141 = arith.constant 0 : i32
        %dma_wait3A_142 = tpu.memref_slice %arg18[%dma_wait3A_140, %dma_wait3A_141] : memref<10000x128xf32, #tpu.memory_space<vmem_shared>> -> memref<16x128xf32, #tpu.memory_space<vmem_shared>>
        %dma_wait3A_143 = arith.constant 0 : i32
        %dma_wait3A_144 = arith.constant 0 : i32
        %dma_wait3A_145 = tpu.memref_slice %arg16[%dma_wait3A_143, %dma_wait3A_144] : memref<128x128xf32, #tpu.memory_space<vmem>> -> memref<16x128xf32, #tpu.memory_space<vmem>>
        tpu.wait_dma2 semaphore(%run_scoped3A : memref<!tpu.dma_semaphore, #tpu.memory_space<semaphore_mem>>) src(%dma_wait3A_145 : memref<16x128xf32, #tpu.memory_space<vmem>>) dst(%dma_wait3A_142 : memref<16x128xf32, #tpu.memory_space<vmem_shared>>)
        tpu.yield
      }) : () -> ()
      "tpu.region"() ({
        %run_scoped3A = tpu.sem_alloc : memref<!tpu.dma_semaphore, #tpu.memory_space<semaphore_mem>>
        %dma_start3A = arith.constant 0 : i32
        %dma_start3A_124 = arith.constant 0 : i32
        %dma_start3A_125 = tpu.memref_slice %arg14[%dma_start3A, %dma_start3A_124] : memref<128x16xf32, #tpu.memory_space<vmem>> -> memref<16x16xf32, #tpu.memory_space<vmem>>
        %dma_start3A_126 = arith.constant 9984 : i32
        %dma_start3A_127 = arith.constant 0 : i32
        %dma_start3A_128 = tpu.memref_slice %arg19[%dma_start3A_126, %dma_start3A_127] : memref<10000x16xf32, #tpu.memory_space<vmem_shared>> -> memref<16x16xf32, #tpu.memory_space<vmem_shared>>
        %dma_start3A_129 = arith.constant 9984 : i32
        %dma_start3A_130 = arith.constant 0 : i32
        %dma_start3A_131 = tpu.memref_slice %arg19[%dma_start3A_129, %dma_start3A_130] : memref<10000x16xf32, #tpu.memory_space<vmem_shared>> -> memref<16x16xf32, #tpu.memory_space<vmem_shared>>
        %dma_start3A_132 = arith.constant 0 : i32
        %dma_start3A_133 = arith.constant 0 : i32
        %dma_start3A_134 = tpu.memref_slice %arg14[%dma_start3A_132, %dma_start3A_133] : memref<128x16xf32, #tpu.memory_space<vmem>> -> memref<16x16xf32, #tpu.memory_space<vmem>>
        tpu.enqueue_dma source(%dma_start3A_134 : memref<16x16xf32, #tpu.memory_space<vmem>>) target(%dma_start3A_131 : memref<16x16xf32, #tpu.memory_space<vmem_shared>>) target_semaphore(%run_scoped3A : memref<!tpu.dma_semaphore, #tpu.memory_space<semaphore_mem>>)
        %dma_wait3A = arith.constant 0 : i32
        %dma_wait3A_135 = arith.constant 0 : i32
        %dma_wait3A_136 = tpu.memref_slice %arg14[%dma_wait3A, %dma_wait3A_135] : memref<128x16xf32, #tpu.memory_space<vmem>> -> memref<16x16xf32, #tpu.memory_space<vmem>>
        %dma_wait3A_137 = arith.constant 9984 : i32
        %dma_wait3A_138 = arith.constant 0 : i32
        %dma_wait3A_139 = tpu.memref_slice %arg19[%dma_wait3A_137, %dma_wait3A_138] : memref<10000x16xf32, #tpu.memory_space<vmem_shared>> -> memref<16x16xf32, #tpu.memory_space<vmem_shared>>
        %dma_wait3A_140 = arith.constant 9984 : i32
        %dma_wait3A_141 = arith.constant 0 : i32
        %dma_wait3A_142 = tpu.memref_slice %arg19[%dma_wait3A_140, %dma_wait3A_141] : memref<10000x16xf32, #tpu.memory_space<vmem_shared>> -> memref<16x16xf32, #tpu.memory_space<vmem_shared>>
        %dma_wait3A_143 = arith.constant 0 : i32
        %dma_wait3A_144 = arith.constant 0 : i32
        %dma_wait3A_145 = tpu.memref_slice %arg14[%dma_wait3A_143, %dma_wait3A_144] : memref<128x16xf32, #tpu.memory_space<vmem>> -> memref<16x16xf32, #tpu.memory_space<vmem>>
        tpu.wait_dma2 semaphore(%run_scoped3A : memref<!tpu.dma_semaphore, #tpu.memory_space<semaphore_mem>>) src(%dma_wait3A_145 : memref<16x16xf32, #tpu.memory_space<vmem>>) dst(%dma_wait3A_142 : memref<16x16xf32, #tpu.memory_space<vmem_shared>>)
        tpu.yield
      }) : () -> ()
    } else {
    }
    %barrier3A = arith.constant 0 : index
    tpu.barrier barrier_id(%barrier3A)
    %mul3A_57 = arith.constant 20096 : i32
    %mul3A_58 = arith.muli %arg1, %mul3A_57 : i32
    %mul3A_59 = arith.constant 10000 : i32
    %mul3A_60 = arith.muli %arg0, %mul3A_59 : i32
    %scan3A_61 = arith.constant 0 : i32
    %scan3A_62 = arith.constant 0 : i32
    %scan3A_63 = arith.constant 157 : i32
    %scan3A_64 = arith.addi %scan3A_62, %scan3A_63 : i32
    %scan3A_65 = arith.constant 1 : i32
    %scan3A_66 = scf.for %scan3A_124 = %scan3A_62 to %scan3A_64 step %scan3A_65 iter_args(%scan3A_125 = %scan3A_61) -> (i32)  : i32 {
      %mul3A_126 = arith.constant 128 : i32
      %mul3A_127 = arith.muli %scan3A_124, %mul3A_126 : i32
      %add3A_128 = arith.addi %mul3A_58, %mul3A_127 : i32
      %multiple_of3A_129 = tpu.assume_multiple %add3A_128, 128 : i32
      %dma_start3A = tpu.memref_slice %arg5[%multiple_of3A_129] : memref<321536xi32, #tpu.memory_space<hbm>> -> memref<128xi32, #tpu.memory_space<hbm>>
      %dma_start3A_130 = tpu.memref_slice %arg5[%multiple_of3A_129] : memref<321536xi32, #tpu.memory_space<hbm>> -> memref<128xi32, #tpu.memory_space<hbm>>
      tpu.enqueue_dma source(%dma_start3A_130 : memref<128xi32, #tpu.memory_space<hbm>>) target(%arg9 : memref<128xi32, #tpu.memory_space<vmem>>) target_semaphore(%arg20 : memref<!tpu.dma_semaphore, #tpu.memory_space<semaphore_mem>>)
      %dma_start3A_131 = tpu.memref_slice %arg6[%multiple_of3A_129] : memref<321536xi32, #tpu.memory_space<hbm>> -> memref<128xi32, #tpu.memory_space<hbm>>
      %dma_start3A_132 = tpu.memref_slice %arg6[%multiple_of3A_129] : memref<321536xi32, #tpu.memory_space<hbm>> -> memref<128xi32, #tpu.memory_space<hbm>>
      tpu.enqueue_dma source(%dma_start3A_132 : memref<128xi32, #tpu.memory_space<hbm>>) target(%arg10 : memref<128xi32, #tpu.memory_space<vmem>>) target_semaphore(%arg20 : memref<!tpu.dma_semaphore, #tpu.memory_space<semaphore_mem>>)
      %dma_wait3A = tpu.memref_slice %arg5[%multiple_of3A_129] : memref<321536xi32, #tpu.memory_space<hbm>> -> memref<128xi32, #tpu.memory_space<hbm>>
      %dma_wait3A_133 = tpu.memref_slice %arg5[%multiple_of3A_129] : memref<321536xi32, #tpu.memory_space<hbm>> -> memref<128xi32, #tpu.memory_space<hbm>>
      tpu.wait_dma2 semaphore(%arg20 : memref<!tpu.dma_semaphore, #tpu.memory_space<semaphore_mem>>) src(%dma_wait3A_133 : memref<128xi32, #tpu.memory_space<hbm>>) dst(%arg9 : memref<128xi32, #tpu.memory_space<vmem>>)
      %dma_wait3A_134 = tpu.memref_slice %arg6[%multiple_of3A_129] : memref<321536xi32, #tpu.memory_space<hbm>> -> memref<128xi32, #tpu.memory_space<hbm>>
      %dma_wait3A_135 = tpu.memref_slice %arg6[%multiple_of3A_129] : memref<321536xi32, #tpu.memory_space<hbm>> -> memref<128xi32, #tpu.memory_space<hbm>>
      tpu.wait_dma2 semaphore(%arg20 : memref<!tpu.dma_semaphore, #tpu.memory_space<semaphore_mem>>) src(%dma_wait3A_135 : memref<128xi32, #tpu.memory_space<hbm>>) dst(%arg10 : memref<128xi32, #tpu.memory_space<vmem>>)
      %get3A = arith.constant 0 : index
      %get3A_136 = tpu.vector_load %arg9[%get3A] {strides = array<i32>} : memref<128xi32, #tpu.memory_space<vmem>>, vector<16xi32>,
      %add3A_137 = vector.broadcast %mul3A_60 : i32 to vector<16xi32>
      %add3A_138 = arith.addi %get3A_136, %add3A_137 : vector<16xi32>
      %swap3A = arith.constant 0 : index
      %swap3A_139 = tpu.vector_load %arg11[%swap3A] {strides = array<i32>} : memref<128xi32, #tpu.memory_space<vmem>>, vector<16xi32>,
      tpu.vector_store %arg11[%swap3A], %add3A_138 {strides = array<i32>} : memref<128xi32, #tpu.memory_space<vmem>>, vector<16xi32>,
      %get3A_140 = arith.constant 16 : index
      %get3A_141 = tpu.vector_load %arg9[%get3A_140] {strides = array<i32>} : memref<128xi32, #tpu.memory_space<vmem>>, vector<16xi32>,
      %add3A_142 = vector.broadcast %mul3A_60 : i32 to vector<16xi32>
      %add3A_143 = arith.addi %get3A_141, %add3A_142 : vector<16xi32>
      %swap3A_144 = arith.constant 16 : index
      %swap3A_145 = tpu.vector_load %arg11[%swap3A_144] {strides = array<i32>} : memref<128xi32, #tpu.memory_space<vmem>>, vector<16xi32>,
      tpu.vector_store %arg11[%swap3A_144], %add3A_143 {strides = array<i32>} : memref<128xi32, #tpu.memory_space<vmem>>, vector<16xi32>,
      %get3A_146 = arith.constant 32 : index
      %get3A_147 = tpu.vector_load %arg9[%get3A_146] {strides = array<i32>} : memref<128xi32, #tpu.memory_space<vmem>>, vector<16xi32>,
      %add3A_148 = vector.broadcast %mul3A_60 : i32 to vector<16xi32>
      %add3A_149 = arith.addi %get3A_147, %add3A_148 : vector<16xi32>
      %swap3A_150 = arith.constant 32 : index
      %swap3A_151 = tpu.vector_load %arg11[%swap3A_150] {strides = array<i32>} : memref<128xi32, #tpu.memory_space<vmem>>, vector<16xi32>,
      tpu.vector_store %arg11[%swap3A_150], %add3A_149 {strides = array<i32>} : memref<128xi32, #tpu.memory_space<vmem>>, vector<16xi32>,
      %get3A_152 = arith.constant 48 : index
      %get3A_153 = tpu.vector_load %arg9[%get3A_152] {strides = array<i32>} : memref<128xi32, #tpu.memory_space<vmem>>, vector<16xi32>,
      %add3A_154 = vector.broadcast %mul3A_60 : i32 to vector<16xi32>
      %add3A_155 = arith.addi %get3A_153, %add3A_154 : vector<16xi32>
      %swap3A_156 = arith.constant 48 : index
      %swap3A_157 = tpu.vector_load %arg11[%swap3A_156] {strides = array<i32>} : memref<128xi32, #tpu.memory_space<vmem>>, vector<16xi32>,
      tpu.vector_store %arg11[%swap3A_156], %add3A_155 {strides = array<i32>} : memref<128xi32, #tpu.memory_space<vmem>>, vector<16xi32>,
      %get3A_158 = arith.constant 64 : index
      %get3A_159 = tpu.vector_load %arg9[%get3A_158] {strides = array<i32>} : memref<128xi32, #tpu.memory_space<vmem>>, vector<16xi32>,
      %add3A_160 = vector.broadcast %mul3A_60 : i32 to vector<16xi32>
      %add3A_161 = arith.addi %get3A_159, %add3A_160 : vector<16xi32>
      %swap3A_162 = arith.constant 64 : index
      %swap3A_163 = tpu.vector_load %arg11[%swap3A_162] {strides = array<i32>} : memref<128xi32, #tpu.memory_space<vmem>>, vector<16xi32>,
      tpu.vector_store %arg11[%swap3A_162], %add3A_161 {strides = array<i32>} : memref<128xi32, #tpu.memory_space<vmem>>, vector<16xi32>,
      %get3A_164 = arith.constant 80 : index
      %get3A_165 = tpu.vector_load %arg9[%get3A_164] {strides = array<i32>} : memref<128xi32, #tpu.memory_space<vmem>>, vector<16xi32>,
      %add3A_166 = vector.broadcast %mul3A_60 : i32 to vector<16xi32>
      %add3A_167 = arith.addi %get3A_165, %add3A_166 : vector<16xi32>
      %swap3A_168 = arith.constant 80 : index
      %swap3A_169 = tpu.vector_load %arg11[%swap3A_168] {strides = array<i32>} : memref<128xi32, #tpu.memory_space<vmem>>, vector<16xi32>,
      tpu.vector_store %arg11[%swap3A_168], %add3A_167 {strides = array<i32>} : memref<128xi32, #tpu.memory_space<vmem>>, vector<16xi32>,
      %get3A_170 = arith.constant 96 : index
      %get3A_171 = tpu.vector_load %arg9[%get3A_170] {strides = array<i32>} : memref<128xi32, #tpu.memory_space<vmem>>, vector<16xi32>,
      %add3A_172 = vector.broadcast %mul3A_60 : i32 to vector<16xi32>
      %add3A_173 = arith.addi %get3A_171, %add3A_172 : vector<16xi32>
      %swap3A_174 = arith.constant 96 : index
      %swap3A_175 = tpu.vector_load %arg11[%swap3A_174] {strides = array<i32>} : memref<128xi32, #tpu.memory_space<vmem>>, vector<16xi32>,
      tpu.vector_store %arg11[%swap3A_174], %add3A_173 {strides = array<i32>} : memref<128xi32, #tpu.memory_space<vmem>>, vector<16xi32>,
      %get3A_176 = arith.constant 112 : index
      %get3A_177 = tpu.vector_load %arg9[%get3A_176] {strides = array<i32>} : memref<128xi32, #tpu.memory_space<vmem>>, vector<16xi32>,
      %add3A_178 = vector.broadcast %mul3A_60 : i32 to vector<16xi32>
      %add3A_179 = arith.addi %get3A_177, %add3A_178 : vector<16xi32>
      %swap3A_180 = arith.constant 112 : index
      %swap3A_181 = tpu.vector_load %arg11[%swap3A_180] {strides = array<i32>} : memref<128xi32, #tpu.memory_space<vmem>>, vector<16xi32>,
      tpu.vector_store %arg11[%swap3A_180], %add3A_179 {strides = array<i32>} : memref<128xi32, #tpu.memory_space<vmem>>, vector<16xi32>,
      %dma_start3A_182 = arith.constant 0 : i32
      %dma_start3A_183 = arith.constant 0 : i32
      %dma_start3A_184 = tpu.memref_slice %arg2[%dma_start3A_182, %dma_start3A_183] : memref<20000x128xf32, #tpu.memory_space<hbm>> -> memref<20000x128xf32, #tpu.memory_space<hbm>>
      tpu.enqueue_indirect_dma source(%dma_start3A_184 : memref<20000x128xf32, #tpu.memory_space<hbm>>) target(%arg15 : memref<128x128xf32, #tpu.memory_space<vmem>>) offsets(%arg11 : memref<128xi32, #tpu.memory_space<vmem>>) semaphore(%arg20 : memref<!tpu.dma_semaphore, #tpu.memory_space<semaphore_mem>>)
      %dma_start3A_185 = arith.constant 0 : i32
      %dma_start3A_186 = arith.constant 0 : i32
      %dma_start3A_187 = tpu.memref_slice %arg3[%dma_start3A_185, %dma_start3A_186] : memref<10000x16xf32, #tpu.memory_space<hbm>> -> memref<10000x16xf32, #tpu.memory_space<hbm>>
      tpu.enqueue_indirect_dma source(%dma_start3A_187 : memref<10000x16xf32, #tpu.memory_space<hbm>>) target(%arg12 : memref<128x16xf32, #tpu.memory_space<vmem>>) offsets(%arg9 : memref<128xi32, #tpu.memory_space<vmem>>) semaphore(%arg20 : memref<!tpu.dma_semaphore, #tpu.memory_space<semaphore_mem>>)
      %dma_start3A_188 = arith.constant 0 : i32
      %dma_start3A_189 = arith.constant 0 : i32
      %dma_start3A_190 = tpu.memref_slice %arg3[%dma_start3A_188, %dma_start3A_189] : memref<10000x16xf32, #tpu.memory_space<hbm>> -> memref<10000x16xf32, #tpu.memory_space<hbm>>
      tpu.enqueue_indirect_dma source(%dma_start3A_190 : memref<10000x16xf32, #tpu.memory_space<hbm>>) target(%arg13 : memref<128x16xf32, #tpu.memory_space<vmem>>) offsets(%arg10 : memref<128xi32, #tpu.memory_space<vmem>>) semaphore(%arg20 : memref<!tpu.dma_semaphore, #tpu.memory_space<semaphore_mem>>)
      %dma_wait3A_191 = arith.constant 0 : i32
      %dma_wait3A_192 = arith.constant 0 : i32
      %dma_wait3A_193 = tpu.memref_slice %arg3[%dma_wait3A_191, %dma_wait3A_192] : memref<10000x16xf32, #tpu.memory_space<hbm>> -> memref<10000x16xf32, #tpu.memory_space<hbm>>
      tpu.wait_indirect_dma semaphore(%arg20 : memref<!tpu.dma_semaphore, #tpu.memory_space<semaphore_mem>>) src(%dma_wait3A_193 : memref<10000x16xf32, #tpu.memory_space<hbm>>) dst(%arg12 : memref<128x16xf32, #tpu.memory_space<vmem>>)
      %dma_wait3A_194 = arith.constant 0 : i32
      %dma_wait3A_195 = arith.constant 0 : i32
      %dma_wait3A_196 = tpu.memref_slice %arg3[%dma_wait3A_194, %dma_wait3A_195] : memref<10000x16xf32, #tpu.memory_space<hbm>> -> memref<10000x16xf32, #tpu.memory_space<hbm>>
      tpu.wait_indirect_dma semaphore(%arg20 : memref<!tpu.dma_semaphore, #tpu.memory_space<semaphore_mem>>) src(%dma_wait3A_196 : memref<10000x16xf32, #tpu.memory_space<hbm>>) dst(%arg13 : memref<128x16xf32, #tpu.memory_space<vmem>>)
      %add3A_197 = arith.constant 0 : i32
      %add3A_198 = vector.broadcast %add3A_197 : i32 to vector<16xi32>
      %add3A_199 = arith.addi %iota3A, %add3A_198 : vector<16xi32>
      %add3A_200 = vector.broadcast %multiple_of3A_129 : i32 to vector<16xi32>
      %add3A_201 = arith.addi %add3A_199, %add3A_200 : vector<16xi32>
      %lt3A_202 = arith.constant 320000 : i32
      %lt3A_203 = vector.broadcast %lt3A_202 : i32 to vector<16xi32>
      %lt3A_204 = arith.cmpi slt, %add3A_201, %lt3A_203 : vector<16xi32>
      %mul3A_205 = arith.constant 2 : i32
      %mul3A_206 = arith.muli %mul3A_205, %arg0 : i32
      %add3A_207 = arith.constant 0 : i32
      %add3A_208 = arith.addi %mul3A_206, %add3A_207 : i32
      %add3A_209 = vector.broadcast %add3A_208 : i32 to vector<16xi32>
      %add3A_210 = arith.addi %broadcast_in_dim3A_2, %add3A_209 : vector<16xi32>
      %gather3A = tpu.vector_load_idx %arg12[%add3A_199, %add3A_210] : memref<128x16xf32, #tpu.memory_space<vmem>>[vector<16xi32>, vector<16xi32>], vector<16xf32>,
      %add3A_211 = arith.constant 4 : i32
      %add3A_212 = vector.broadcast %add3A_211 : i32 to vector<16xi32>
      %add3A_213 = arith.addi %add3A_210, %add3A_212 : vector<16xi32>
      %gather3A_214 = tpu.vector_load_idx %arg13[%add3A_199, %add3A_213] : memref<128x16xf32, #tpu.memory_space<vmem>>[vector<16xi32>, vector<16xi32>], vector<16xf32>,
      %add3A_215 = arith.addf %gather3A, %gather3A_214 : vector<16xf32>
      %ge3A = arith.constant 0.000000e+00 : f32
      %ge3A_216 = vector.broadcast %ge3A : f32 to vector<16xf32>
      %ge3A_217 = arith.cmpf oge, %add3A_215, %ge3A_216 : vector<16xf32>
      %mul3A_218 = arith.constant 2.000000e-01 : f32
      %mul3A_219 = vector.broadcast %mul3A_218 : f32 to vector<16xf32>
      %mul3A_220 = arith.mulf %add3A_215, %mul3A_219 : vector<16xf32>
      %select_n3A = arith.select %ge3A_217, %add3A_215, %mul3A_220 : vector<16xi1>, vector<16xf32>
      %exp3A = math.exp %select_n3A : vector<16xf32>
      %jit3A = arith.constant 0.000000e+00 : f32
      %broadcast_in_dim3A_221 = vector.broadcast %jit3A : f32 to vector<16xf32>
      %select_n3A_222 = arith.select %lt3A_204, %exp3A, %broadcast_in_dim3A_221 : vector<16xi1>, vector<16xf32>
      %add3A_223 = arith.constant 0 : i32
      %add3A_224 = vector.broadcast %add3A_223 : i32 to vector<16xi32>
      %add3A_225 = arith.addi %broadcast_in_dim3A_2, %add3A_224 : vector<16xi32>
      tpu.vector_store_idx %arg14[%add3A_199, %add3A_225], %select_n3A_222 : memref<128x16xf32, #tpu.memory_space<vmem>>[vector<16xi32>, vector<16xi32>], vector<16xf32>,
      %mul3A_226 = arith.constant 2 : i32
      %mul3A_227 = arith.muli %mul3A_226, %arg0 : i32
      %add3A_228 = arith.constant 1 : i32
      %add3A_229 = arith.addi %mul3A_227, %add3A_228 : i32
      %add3A_230 = vector.broadcast %add3A_229 : i32 to vector<16xi32>
      %add3A_231 = arith.addi %broadcast_in_dim3A_2, %add3A_230 : vector<16xi32>
      %gather3A_232 = tpu.vector_load_idx %arg12[%add3A_199, %add3A_231] : memref<128x16xf32, #tpu.memory_space<vmem>>[vector<16xi32>, vector<16xi32>], vector<16xf32>,
      %add3A_233 = arith.constant 4 : i32
      %add3A_234 = vector.broadcast %add3A_233 : i32 to vector<16xi32>
      %add3A_235 = arith.addi %add3A_231, %add3A_234 : vector<16xi32>
      %gather3A_236 = tpu.vector_load_idx %arg13[%add3A_199, %add3A_235] : memref<128x16xf32, #tpu.memory_space<vmem>>[vector<16xi32>, vector<16xi32>], vector<16xf32>,
      %add3A_237 = arith.addf %gather3A_232, %gather3A_236 : vector<16xf32>
      %ge3A_238 = arith.constant 0.000000e+00 : f32
      %ge3A_239 = vector.broadcast %ge3A_238 : f32 to vector<16xf32>
      %ge3A_240 = arith.cmpf oge, %add3A_237, %ge3A_239 : vector<16xf32>
      %mul3A_241 = arith.constant 2.000000e-01 : f32
      %mul3A_242 = vector.broadcast %mul3A_241 : f32 to vector<16xf32>
      %mul3A_243 = arith.mulf %add3A_237, %mul3A_242 : vector<16xf32>
      %select_n3A_244 = arith.select %ge3A_240, %add3A_237, %mul3A_243 : vector<16xi1>, vector<16xf32>
      %exp3A_245 = math.exp %select_n3A_244 : vector<16xf32>
      %jit3A_246 = arith.constant 0.000000e+00 : f32
      %broadcast_in_dim3A_247 = vector.broadcast %jit3A_246 : f32 to vector<16xf32>
      %select_n3A_248 = arith.select %lt3A_204, %exp3A_245, %broadcast_in_dim3A_247 : vector<16xi1>, vector<16xf32>
      %add3A_249 = arith.constant 1 : i32
      %add3A_250 = vector.broadcast %add3A_249 : i32 to vector<16xi32>
      %add3A_251 = arith.addi %broadcast_in_dim3A_2, %add3A_250 : vector<16xi32>
      tpu.vector_store_idx %arg14[%add3A_199, %add3A_251], %select_n3A_248 : memref<128x16xf32, #tpu.memory_space<vmem>>[vector<16xi32>, vector<16xi32>], vector<16xf32>,
      %add3A_252 = arith.constant 16 : i32
      %add3A_253 = vector.broadcast %add3A_252 : i32 to vector<16xi32>
      %add3A_254 = arith.addi %iota3A, %add3A_253 : vector<16xi32>
      %add3A_255 = vector.broadcast %multiple_of3A_129 : i32 to vector<16xi32>
      %add3A_256 = arith.addi %add3A_254, %add3A_255 : vector<16xi32>
      %lt3A_257 = arith.constant 320000 : i32
      %lt3A_258 = vector.broadcast %lt3A_257 : i32 to vector<16xi32>
      %lt3A_259 = arith.cmpi slt, %add3A_256, %lt3A_258 : vector<16xi32>
      %mul3A_260 = arith.constant 2 : i32
      %mul3A_261 = arith.muli %mul3A_260, %arg0 : i32
      %add3A_262 = arith.constant 0 : i32
      %add3A_263 = arith.addi %mul3A_261, %add3A_262 : i32
      %add3A_264 = vector.broadcast %add3A_263 : i32 to vector<16xi32>
      %add3A_265 = arith.addi %broadcast_in_dim3A_2, %add3A_264 : vector<16xi32>
      %gather3A_266 = tpu.vector_load_idx %arg12[%add3A_254, %add3A_265] : memref<128x16xf32, #tpu.memory_space<vmem>>[vector<16xi32>, vector<16xi32>], vector<16xf32>,
      %add3A_267 = arith.constant 4 : i32
      %add3A_268 = vector.broadcast %add3A_267 : i32 to vector<16xi32>
      %add3A_269 = arith.addi %add3A_265, %add3A_268 : vector<16xi32>
      %gather3A_270 = tpu.vector_load_idx %arg13[%add3A_254, %add3A_269] : memref<128x16xf32, #tpu.memory_space<vmem>>[vector<16xi32>, vector<16xi32>], vector<16xf32>,
      %add3A_271 = arith.addf %gather3A_266, %gather3A_270 : vector<16xf32>
      %ge3A_272 = arith.constant 0.000000e+00 : f32
      %ge3A_273 = vector.broadcast %ge3A_272 : f32 to vector<16xf32>
      %ge3A_274 = arith.cmpf oge, %add3A_271, %ge3A_273 : vector<16xf32>
      %mul3A_275 = arith.constant 2.000000e-01 : f32
      %mul3A_276 = vector.broadcast %mul3A_275 : f32 to vector<16xf32>
      %mul3A_277 = arith.mulf %add3A_271, %mul3A_276 : vector<16xf32>
      %select_n3A_278 = arith.select %ge3A_274, %add3A_271, %mul3A_277 : vector<16xi1>, vector<16xf32>
      %exp3A_279 = math.exp %select_n3A_278 : vector<16xf32>
      %jit3A_280 = arith.constant 0.000000e+00 : f32
      %broadcast_in_dim3A_281 = vector.broadcast %jit3A_280 : f32 to vector<16xf32>
      %select_n3A_282 = arith.select %lt3A_259, %exp3A_279, %broadcast_in_dim3A_281 : vector<16xi1>, vector<16xf32>
      %add3A_283 = arith.constant 0 : i32
      %add3A_284 = vector.broadcast %add3A_283 : i32 to vector<16xi32>
      %add3A_285 = arith.addi %broadcast_in_dim3A_2, %add3A_284 : vector<16xi32>
      tpu.vector_store_idx %arg14[%add3A_254, %add3A_285], %select_n3A_282 : memref<128x16xf32, #tpu.memory_space<vmem>>[vector<16xi32>, vector<16xi32>], vector<16xf32>,
      %mul3A_286 = arith.constant 2 : i32
      %mul3A_287 = arith.muli %mul3A_286, %arg0 : i32
      %add3A_288 = arith.constant 1 : i32
      %add3A_289 = arith.addi %mul3A_287, %add3A_288 : i32
      %add3A_290 = vector.broadcast %add3A_289 : i32 to vector<16xi32>
      %add3A_291 = arith.addi %broadcast_in_dim3A_2, %add3A_290 : vector<16xi32>
      %gather3A_292 = tpu.vector_load_idx %arg12[%add3A_254, %add3A_291] : memref<128x16xf32, #tpu.memory_space<vmem>>[vector<16xi32>, vector<16xi32>], vector<16xf32>,
      %add3A_293 = arith.constant 4 : i32
      %add3A_294 = vector.broadcast %add3A_293 : i32 to vector<16xi32>
      %add3A_295 = arith.addi %add3A_291, %add3A_294 : vector<16xi32>
      %gather3A_296 = tpu.vector_load_idx %arg13[%add3A_254, %add3A_295] : memref<128x16xf32, #tpu.memory_space<vmem>>[vector<16xi32>, vector<16xi32>], vector<16xf32>,
      %add3A_297 = arith.addf %gather3A_292, %gather3A_296 : vector<16xf32>
      %ge3A_298 = arith.constant 0.000000e+00 : f32
      %ge3A_299 = vector.broadcast %ge3A_298 : f32 to vector<16xf32>
      %ge3A_300 = arith.cmpf oge, %add3A_297, %ge3A_299 : vector<16xf32>
      %mul3A_301 = arith.constant 2.000000e-01 : f32
      %mul3A_302 = vector.broadcast %mul3A_301 : f32 to vector<16xf32>
      %mul3A_303 = arith.mulf %add3A_297, %mul3A_302 : vector<16xf32>
      %select_n3A_304 = arith.select %ge3A_300, %add3A_297, %mul3A_303 : vector<16xi1>, vector<16xf32>
      %exp3A_305 = math.exp %select_n3A_304 : vector<16xf32>
      %jit3A_306 = arith.constant 0.000000e+00 : f32
      %broadcast_in_dim3A_307 = vector.broadcast %jit3A_306 : f32 to vector<16xf32>
      %select_n3A_308 = arith.select %lt3A_259, %exp3A_305, %broadcast_in_dim3A_307 : vector<16xi1>, vector<16xf32>
      %add3A_309 = arith.constant 1 : i32
      %add3A_310 = vector.broadcast %add3A_309 : i32 to vector<16xi32>
      %add3A_311 = arith.addi %broadcast_in_dim3A_2, %add3A_310 : vector<16xi32>
      tpu.vector_store_idx %arg14[%add3A_254, %add3A_311], %select_n3A_308 : memref<128x16xf32, #tpu.memory_space<vmem>>[vector<16xi32>, vector<16xi32>], vector<16xf32>,
      %add3A_312 = arith.constant 32 : i32
      %add3A_313 = vector.broadcast %add3A_312 : i32 to vector<16xi32>
      %add3A_314 = arith.addi %iota3A, %add3A_313 : vector<16xi32>
      %add3A_315 = vector.broadcast %multiple_of3A_129 : i32 to vector<16xi32>
      %add3A_316 = arith.addi %add3A_314, %add3A_315 : vector<16xi32>
      %lt3A_317 = arith.constant 320000 : i32
      %lt3A_318 = vector.broadcast %lt3A_317 : i32 to vector<16xi32>
      %lt3A_319 = arith.cmpi slt, %add3A_316, %lt3A_318 : vector<16xi32>
      %mul3A_320 = arith.constant 2 : i32
      %mul3A_321 = arith.muli %mul3A_320, %arg0 : i32
      %add3A_322 = arith.constant 0 : i32
      %add3A_323 = arith.addi %mul3A_321, %add3A_322 : i32
      %add3A_324 = vector.broadcast %add3A_323 : i32 to vector<16xi32>
      %add3A_325 = arith.addi %broadcast_in_dim3A_2, %add3A_324 : vector<16xi32>
      %gather3A_326 = tpu.vector_load_idx %arg12[%add3A_314, %add3A_325] : memref<128x16xf32, #tpu.memory_space<vmem>>[vector<16xi32>, vector<16xi32>], vector<16xf32>,
      %add3A_327 = arith.constant 4 : i32
      %add3A_328 = vector.broadcast %add3A_327 : i32 to vector<16xi32>
      %add3A_329 = arith.addi %add3A_325, %add3A_328 : vector<16xi32>
      %gather3A_330 = tpu.vector_load_idx %arg13[%add3A_314, %add3A_329] : memref<128x16xf32, #tpu.memory_space<vmem>>[vector<16xi32>, vector<16xi32>], vector<16xf32>,
      %add3A_331 = arith.addf %gather3A_326, %gather3A_330 : vector<16xf32>
      %ge3A_332 = arith.constant 0.000000e+00 : f32
      %ge3A_333 = vector.broadcast %ge3A_332 : f32 to vector<16xf32>
      %ge3A_334 = arith.cmpf oge, %add3A_331, %ge3A_333 : vector<16xf32>
      %mul3A_335 = arith.constant 2.000000e-01 : f32
      %mul3A_336 = vector.broadcast %mul3A_335 : f32 to vector<16xf32>
      %mul3A_337 = arith.mulf %add3A_331, %mul3A_336 : vector<16xf32>
      %select_n3A_338 = arith.select %ge3A_334, %add3A_331, %mul3A_337 : vector<16xi1>, vector<16xf32>
      %exp3A_339 = math.exp %select_n3A_338 : vector<16xf32>
      %jit3A_340 = arith.constant 0.000000e+00 : f32
      %broadcast_in_dim3A_341 = vector.broadcast %jit3A_340 : f32 to vector<16xf32>
      %select_n3A_342 = arith.select %lt3A_319, %exp3A_339, %broadcast_in_dim3A_341 : vector<16xi1>, vector<16xf32>
      %add3A_343 = arith.constant 0 : i32
      %add3A_344 = vector.broadcast %add3A_343 : i32 to vector<16xi32>
      %add3A_345 = arith.addi %broadcast_in_dim3A_2, %add3A_344 : vector<16xi32>
      tpu.vector_store_idx %arg14[%add3A_314, %add3A_345], %select_n3A_342 : memref<128x16xf32, #tpu.memory_space<vmem>>[vector<16xi32>, vector<16xi32>], vector<16xf32>,
      %mul3A_346 = arith.constant 2 : i32
      %mul3A_347 = arith.muli %mul3A_346, %arg0 : i32
      %add3A_348 = arith.constant 1 : i32
      %add3A_349 = arith.addi %mul3A_347, %add3A_348 : i32
      %add3A_350 = vector.broadcast %add3A_349 : i32 to vector<16xi32>
      %add3A_351 = arith.addi %broadcast_in_dim3A_2, %add3A_350 : vector<16xi32>
      %gather3A_352 = tpu.vector_load_idx %arg12[%add3A_314, %add3A_351] : memref<128x16xf32, #tpu.memory_space<vmem>>[vector<16xi32>, vector<16xi32>], vector<16xf32>,
      %add3A_353 = arith.constant 4 : i32
      %add3A_354 = vector.broadcast %add3A_353 : i32 to vector<16xi32>
      %add3A_355 = arith.addi %add3A_351, %add3A_354 : vector<16xi32>
      %gather3A_356 = tpu.vector_load_idx %arg13[%add3A_314, %add3A_355] : memref<128x16xf32, #tpu.memory_space<vmem>>[vector<16xi32>, vector<16xi32>], vector<16xf32>,
      %add3A_357 = arith.addf %gather3A_352, %gather3A_356 : vector<16xf32>
      %ge3A_358 = arith.constant 0.000000e+00 : f32
      %ge3A_359 = vector.broadcast %ge3A_358 : f32 to vector<16xf32>
      %ge3A_360 = arith.cmpf oge, %add3A_357, %ge3A_359 : vector<16xf32>
      %mul3A_361 = arith.constant 2.000000e-01 : f32
      %mul3A_362 = vector.broadcast %mul3A_361 : f32 to vector<16xf32>
      %mul3A_363 = arith.mulf %add3A_357, %mul3A_362 : vector<16xf32>
      %select_n3A_364 = arith.select %ge3A_360, %add3A_357, %mul3A_363 : vector<16xi1>, vector<16xf32>
      %exp3A_365 = math.exp %select_n3A_364 : vector<16xf32>
      %jit3A_366 = arith.constant 0.000000e+00 : f32
      %broadcast_in_dim3A_367 = vector.broadcast %jit3A_366 : f32 to vector<16xf32>
      %select_n3A_368 = arith.select %lt3A_319, %exp3A_365, %broadcast_in_dim3A_367 : vector<16xi1>, vector<16xf32>
      %add3A_369 = arith.constant 1 : i32
      %add3A_370 = vector.broadcast %add3A_369 : i32 to vector<16xi32>
      %add3A_371 = arith.addi %broadcast_in_dim3A_2, %add3A_370 : vector<16xi32>
      tpu.vector_store_idx %arg14[%add3A_314, %add3A_371], %select_n3A_368 : memref<128x16xf32, #tpu.memory_space<vmem>>[vector<16xi32>, vector<16xi32>], vector<16xf32>,
      %add3A_372 = arith.constant 48 : i32
      %add3A_373 = vector.broadcast %add3A_372 : i32 to vector<16xi32>
      %add3A_374 = arith.addi %iota3A, %add3A_373 : vector<16xi32>
      %add3A_375 = vector.broadcast %multiple_of3A_129 : i32 to vector<16xi32>
      %add3A_376 = arith.addi %add3A_374, %add3A_375 : vector<16xi32>
      %lt3A_377 = arith.constant 320000 : i32
      %lt3A_378 = vector.broadcast %lt3A_377 : i32 to vector<16xi32>
      %lt3A_379 = arith.cmpi slt, %add3A_376, %lt3A_378 : vector<16xi32>
      %mul3A_380 = arith.constant 2 : i32
      %mul3A_381 = arith.muli %mul3A_380, %arg0 : i32
      %add3A_382 = arith.constant 0 : i32
      %add3A_383 = arith.addi %mul3A_381, %add3A_382 : i32
      %add3A_384 = vector.broadcast %add3A_383 : i32 to vector<16xi32>
      %add3A_385 = arith.addi %broadcast_in_dim3A_2, %add3A_384 : vector<16xi32>
      %gather3A_386 = tpu.vector_load_idx %arg12[%add3A_374, %add3A_385] : memref<128x16xf32, #tpu.memory_space<vmem>>[vector<16xi32>, vector<16xi32>], vector<16xf32>,
      %add3A_387 = arith.constant 4 : i32
      %add3A_388 = vector.broadcast %add3A_387 : i32 to vector<16xi32>
      %add3A_389 = arith.addi %add3A_385, %add3A_388 : vector<16xi32>
      %gather3A_390 = tpu.vector_load_idx %arg13[%add3A_374, %add3A_389] : memref<128x16xf32, #tpu.memory_space<vmem>>[vector<16xi32>, vector<16xi32>], vector<16xf32>,
      %add3A_391 = arith.addf %gather3A_386, %gather3A_390 : vector<16xf32>
      %ge3A_392 = arith.constant 0.000000e+00 : f32
      %ge3A_393 = vector.broadcast %ge3A_392 : f32 to vector<16xf32>
      %ge3A_394 = arith.cmpf oge, %add3A_391, %ge3A_393 : vector<16xf32>
      %mul3A_395 = arith.constant 2.000000e-01 : f32
      %mul3A_396 = vector.broadcast %mul3A_395 : f32 to vector<16xf32>
      %mul3A_397 = arith.mulf %add3A_391, %mul3A_396 : vector<16xf32>
      %select_n3A_398 = arith.select %ge3A_394, %add3A_391, %mul3A_397 : vector<16xi1>, vector<16xf32>
      %exp3A_399 = math.exp %select_n3A_398 : vector<16xf32>
      %jit3A_400 = arith.constant 0.000000e+00 : f32
      %broadcast_in_dim3A_401 = vector.broadcast %jit3A_400 : f32 to vector<16xf32>
      %select_n3A_402 = arith.select %lt3A_379, %exp3A_399, %broadcast_in_dim3A_401 : vector<16xi1>, vector<16xf32>
      %add3A_403 = arith.constant 0 : i32
      %add3A_404 = vector.broadcast %add3A_403 : i32 to vector<16xi32>
      %add3A_405 = arith.addi %broadcast_in_dim3A_2, %add3A_404 : vector<16xi32>
      tpu.vector_store_idx %arg14[%add3A_374, %add3A_405], %select_n3A_402 : memref<128x16xf32, #tpu.memory_space<vmem>>[vector<16xi32>, vector<16xi32>], vector<16xf32>,
      %mul3A_406 = arith.constant 2 : i32
      %mul3A_407 = arith.muli %mul3A_406, %arg0 : i32
      %add3A_408 = arith.constant 1 : i32
      %add3A_409 = arith.addi %mul3A_407, %add3A_408 : i32
      %add3A_410 = vector.broadcast %add3A_409 : i32 to vector<16xi32>
      %add3A_411 = arith.addi %broadcast_in_dim3A_2, %add3A_410 : vector<16xi32>
      %gather3A_412 = tpu.vector_load_idx %arg12[%add3A_374, %add3A_411] : memref<128x16xf32, #tpu.memory_space<vmem>>[vector<16xi32>, vector<16xi32>], vector<16xf32>,
      %add3A_413 = arith.constant 4 : i32
      %add3A_414 = vector.broadcast %add3A_413 : i32 to vector<16xi32>
      %add3A_415 = arith.addi %add3A_411, %add3A_414 : vector<16xi32>
      %gather3A_416 = tpu.vector_load_idx %arg13[%add3A_374, %add3A_415] : memref<128x16xf32, #tpu.memory_space<vmem>>[vector<16xi32>, vector<16xi32>], vector<16xf32>,
      %add3A_417 = arith.addf %gather3A_412, %gather3A_416 : vector<16xf32>
      %ge3A_418 = arith.constant 0.000000e+00 : f32
      %ge3A_419 = vector.broadcast %ge3A_418 : f32 to vector<16xf32>
      %ge3A_420 = arith.cmpf oge, %add3A_417, %ge3A_419 : vector<16xf32>
      %mul3A_421 = arith.constant 2.000000e-01 : f32
      %mul3A_422 = vector.broadcast %mul3A_421 : f32 to vector<16xf32>
      %mul3A_423 = arith.mulf %add3A_417, %mul3A_422 : vector<16xf32>
      %select_n3A_424 = arith.select %ge3A_420, %add3A_417, %mul3A_423 : vector<16xi1>, vector<16xf32>
      %exp3A_425 = math.exp %select_n3A_424 : vector<16xf32>
      %jit3A_426 = arith.constant 0.000000e+00 : f32
      %broadcast_in_dim3A_427 = vector.broadcast %jit3A_426 : f32 to vector<16xf32>
      %select_n3A_428 = arith.select %lt3A_379, %exp3A_425, %broadcast_in_dim3A_427 : vector<16xi1>, vector<16xf32>
      %add3A_429 = arith.constant 1 : i32
      %add3A_430 = vector.broadcast %add3A_429 : i32 to vector<16xi32>
      %add3A_431 = arith.addi %broadcast_in_dim3A_2, %add3A_430 : vector<16xi32>
      tpu.vector_store_idx %arg14[%add3A_374, %add3A_431], %select_n3A_428 : memref<128x16xf32, #tpu.memory_space<vmem>>[vector<16xi32>, vector<16xi32>], vector<16xf32>,
      %add3A_432 = arith.constant 64 : i32
      %add3A_433 = vector.broadcast %add3A_432 : i32 to vector<16xi32>
      %add3A_434 = arith.addi %iota3A, %add3A_433 : vector<16xi32>
      %add3A_435 = vector.broadcast %multiple_of3A_129 : i32 to vector<16xi32>
      %add3A_436 = arith.addi %add3A_434, %add3A_435 : vector<16xi32>
      %lt3A_437 = arith.constant 320000 : i32
      %lt3A_438 = vector.broadcast %lt3A_437 : i32 to vector<16xi32>
      %lt3A_439 = arith.cmpi slt, %add3A_436, %lt3A_438 : vector<16xi32>
      %mul3A_440 = arith.constant 2 : i32
      %mul3A_441 = arith.muli %mul3A_440, %arg0 : i32
      %add3A_442 = arith.constant 0 : i32
      %add3A_443 = arith.addi %mul3A_441, %add3A_442 : i32
      %add3A_444 = vector.broadcast %add3A_443 : i32 to vector<16xi32>
      %add3A_445 = arith.addi %broadcast_in_dim3A_2, %add3A_444 : vector<16xi32>
      %gather3A_446 = tpu.vector_load_idx %arg12[%add3A_434, %add3A_445] : memref<128x16xf32, #tpu.memory_space<vmem>>[vector<16xi32>, vector<16xi32>], vector<16xf32>,
      %add3A_447 = arith.constant 4 : i32
      %add3A_448 = vector.broadcast %add3A_447 : i32 to vector<16xi32>
      %add3A_449 = arith.addi %add3A_445, %add3A_448 : vector<16xi32>
      %gather3A_450 = tpu.vector_load_idx %arg13[%add3A_434, %add3A_449] : memref<128x16xf32, #tpu.memory_space<vmem>>[vector<16xi32>, vector<16xi32>], vector<16xf32>,
      %add3A_451 = arith.addf %gather3A_446, %gather3A_450 : vector<16xf32>
      %ge3A_452 = arith.constant 0.000000e+00 : f32
      %ge3A_453 = vector.broadcast %ge3A_452 : f32 to vector<16xf32>
      %ge3A_454 = arith.cmpf oge, %add3A_451, %ge3A_453 : vector<16xf32>
      %mul3A_455 = arith.constant 2.000000e-01 : f32
      %mul3A_456 = vector.broadcast %mul3A_455 : f32 to vector<16xf32>
      %mul3A_457 = arith.mulf %add3A_451, %mul3A_456 : vector<16xf32>
      %select_n3A_458 = arith.select %ge3A_454, %add3A_451, %mul3A_457 : vector<16xi1>, vector<16xf32>
      %exp3A_459 = math.exp %select_n3A_458 : vector<16xf32>
      %jit3A_460 = arith.constant 0.000000e+00 : f32
      %broadcast_in_dim3A_461 = vector.broadcast %jit3A_460 : f32 to vector<16xf32>
      %select_n3A_462 = arith.select %lt3A_439, %exp3A_459, %broadcast_in_dim3A_461 : vector<16xi1>, vector<16xf32>
      %add3A_463 = arith.constant 0 : i32
      %add3A_464 = vector.broadcast %add3A_463 : i32 to vector<16xi32>
      %add3A_465 = arith.addi %broadcast_in_dim3A_2, %add3A_464 : vector<16xi32>
      tpu.vector_store_idx %arg14[%add3A_434, %add3A_465], %select_n3A_462 : memref<128x16xf32, #tpu.memory_space<vmem>>[vector<16xi32>, vector<16xi32>], vector<16xf32>,
      %mul3A_466 = arith.constant 2 : i32
      %mul3A_467 = arith.muli %mul3A_466, %arg0 : i32
      %add3A_468 = arith.constant 1 : i32
      %add3A_469 = arith.addi %mul3A_467, %add3A_468 : i32
      %add3A_470 = vector.broadcast %add3A_469 : i32 to vector<16xi32>
      %add3A_471 = arith.addi %broadcast_in_dim3A_2, %add3A_470 : vector<16xi32>
      %gather3A_472 = tpu.vector_load_idx %arg12[%add3A_434, %add3A_471] : memref<128x16xf32, #tpu.memory_space<vmem>>[vector<16xi32>, vector<16xi32>], vector<16xf32>,
      %add3A_473 = arith.constant 4 : i32
      %add3A_474 = vector.broadcast %add3A_473 : i32 to vector<16xi32>
      %add3A_475 = arith.addi %add3A_471, %add3A_474 : vector<16xi32>
      %gather3A_476 = tpu.vector_load_idx %arg13[%add3A_434, %add3A_475] : memref<128x16xf32, #tpu.memory_space<vmem>>[vector<16xi32>, vector<16xi32>], vector<16xf32>,
      %add3A_477 = arith.addf %gather3A_472, %gather3A_476 : vector<16xf32>
      %ge3A_478 = arith.constant 0.000000e+00 : f32
      %ge3A_479 = vector.broadcast %ge3A_478 : f32 to vector<16xf32>
      %ge3A_480 = arith.cmpf oge, %add3A_477, %ge3A_479 : vector<16xf32>
      %mul3A_481 = arith.constant 2.000000e-01 : f32
      %mul3A_482 = vector.broadcast %mul3A_481 : f32 to vector<16xf32>
      %mul3A_483 = arith.mulf %add3A_477, %mul3A_482 : vector<16xf32>
      %select_n3A_484 = arith.select %ge3A_480, %add3A_477, %mul3A_483 : vector<16xi1>, vector<16xf32>
      %exp3A_485 = math.exp %select_n3A_484 : vector<16xf32>
      %jit3A_486 = arith.constant 0.000000e+00 : f32
      %broadcast_in_dim3A_487 = vector.broadcast %jit3A_486 : f32 to vector<16xf32>
      %select_n3A_488 = arith.select %lt3A_439, %exp3A_485, %broadcast_in_dim3A_487 : vector<16xi1>, vector<16xf32>
      %add3A_489 = arith.constant 1 : i32
      %add3A_490 = vector.broadcast %add3A_489 : i32 to vector<16xi32>
      %add3A_491 = arith.addi %broadcast_in_dim3A_2, %add3A_490 : vector<16xi32>
      tpu.vector_store_idx %arg14[%add3A_434, %add3A_491], %select_n3A_488 : memref<128x16xf32, #tpu.memory_space<vmem>>[vector<16xi32>, vector<16xi32>], vector<16xf32>,
      %add3A_492 = arith.constant 80 : i32
      %add3A_493 = vector.broadcast %add3A_492 : i32 to vector<16xi32>
      %add3A_494 = arith.addi %iota3A, %add3A_493 : vector<16xi32>
      %add3A_495 = vector.broadcast %multiple_of3A_129 : i32 to vector<16xi32>
      %add3A_496 = arith.addi %add3A_494, %add3A_495 : vector<16xi32>
      %lt3A_497 = arith.constant 320000 : i32
      %lt3A_498 = vector.broadcast %lt3A_497 : i32 to vector<16xi32>
      %lt3A_499 = arith.cmpi slt, %add3A_496, %lt3A_498 : vector<16xi32>
      %mul3A_500 = arith.constant 2 : i32
      %mul3A_501 = arith.muli %mul3A_500, %arg0 : i32
      %add3A_502 = arith.constant 0 : i32
      %add3A_503 = arith.addi %mul3A_501, %add3A_502 : i32
      %add3A_504 = vector.broadcast %add3A_503 : i32 to vector<16xi32>
      %add3A_505 = arith.addi %broadcast_in_dim3A_2, %add3A_504 : vector<16xi32>
      %gather3A_506 = tpu.vector_load_idx %arg12[%add3A_494, %add3A_505] : memref<128x16xf32, #tpu.memory_space<vmem>>[vector<16xi32>, vector<16xi32>], vector<16xf32>,
      %add3A_507 = arith.constant 4 : i32
      %add3A_508 = vector.broadcast %add3A_507 : i32 to vector<16xi32>
      %add3A_509 = arith.addi %add3A_505, %add3A_508 : vector<16xi32>
      %gather3A_510 = tpu.vector_load_idx %arg13[%add3A_494, %add3A_509] : memref<128x16xf32, #tpu.memory_space<vmem>>[vector<16xi32>, vector<16xi32>], vector<16xf32>,
      %add3A_511 = arith.addf %gather3A_506, %gather3A_510 : vector<16xf32>
      %ge3A_512 = arith.constant 0.000000e+00 : f32
      %ge3A_513 = vector.broadcast %ge3A_512 : f32 to vector<16xf32>
      %ge3A_514 = arith.cmpf oge, %add3A_511, %ge3A_513 : vector<16xf32>
      %mul3A_515 = arith.constant 2.000000e-01 : f32
      %mul3A_516 = vector.broadcast %mul3A_515 : f32 to vector<16xf32>
      %mul3A_517 = arith.mulf %add3A_511, %mul3A_516 : vector<16xf32>
      %select_n3A_518 = arith.select %ge3A_514, %add3A_511, %mul3A_517 : vector<16xi1>, vector<16xf32>
      %exp3A_519 = math.exp %select_n3A_518 : vector<16xf32>
      %jit3A_520 = arith.constant 0.000000e+00 : f32
      %broadcast_in_dim3A_521 = vector.broadcast %jit3A_520 : f32 to vector<16xf32>
      %select_n3A_522 = arith.select %lt3A_499, %exp3A_519, %broadcast_in_dim3A_521 : vector<16xi1>, vector<16xf32>
      %add3A_523 = arith.constant 0 : i32
      %add3A_524 = vector.broadcast %add3A_523 : i32 to vector<16xi32>
      %add3A_525 = arith.addi %broadcast_in_dim3A_2, %add3A_524 : vector<16xi32>
      tpu.vector_store_idx %arg14[%add3A_494, %add3A_525], %select_n3A_522 : memref<128x16xf32, #tpu.memory_space<vmem>>[vector<16xi32>, vector<16xi32>], vector<16xf32>,
      %mul3A_526 = arith.constant 2 : i32
      %mul3A_527 = arith.muli %mul3A_526, %arg0 : i32
      %add3A_528 = arith.constant 1 : i32
      %add3A_529 = arith.addi %mul3A_527, %add3A_528 : i32
      %add3A_530 = vector.broadcast %add3A_529 : i32 to vector<16xi32>
      %add3A_531 = arith.addi %broadcast_in_dim3A_2, %add3A_530 : vector<16xi32>
      %gather3A_532 = tpu.vector_load_idx %arg12[%add3A_494, %add3A_531] : memref<128x16xf32, #tpu.memory_space<vmem>>[vector<16xi32>, vector<16xi32>], vector<16xf32>,
      %add3A_533 = arith.constant 4 : i32
      %add3A_534 = vector.broadcast %add3A_533 : i32 to vector<16xi32>
      %add3A_535 = arith.addi %add3A_531, %add3A_534 : vector<16xi32>
      %gather3A_536 = tpu.vector_load_idx %arg13[%add3A_494, %add3A_535] : memref<128x16xf32, #tpu.memory_space<vmem>>[vector<16xi32>, vector<16xi32>], vector<16xf32>,
      %add3A_537 = arith.addf %gather3A_532, %gather3A_536 : vector<16xf32>
      %ge3A_538 = arith.constant 0.000000e+00 : f32
      %ge3A_539 = vector.broadcast %ge3A_538 : f32 to vector<16xf32>
      %ge3A_540 = arith.cmpf oge, %add3A_537, %ge3A_539 : vector<16xf32>
      %mul3A_541 = arith.constant 2.000000e-01 : f32
      %mul3A_542 = vector.broadcast %mul3A_541 : f32 to vector<16xf32>
      %mul3A_543 = arith.mulf %add3A_537, %mul3A_542 : vector<16xf32>
      %select_n3A_544 = arith.select %ge3A_540, %add3A_537, %mul3A_543 : vector<16xi1>, vector<16xf32>
      %exp3A_545 = math.exp %select_n3A_544 : vector<16xf32>
      %jit3A_546 = arith.constant 0.000000e+00 : f32
      %broadcast_in_dim3A_547 = vector.broadcast %jit3A_546 : f32 to vector<16xf32>
      %select_n3A_548 = arith.select %lt3A_499, %exp3A_545, %broadcast_in_dim3A_547 : vector<16xi1>, vector<16xf32>
      %add3A_549 = arith.constant 1 : i32
      %add3A_550 = vector.broadcast %add3A_549 : i32 to vector<16xi32>
      %add3A_551 = arith.addi %broadcast_in_dim3A_2, %add3A_550 : vector<16xi32>
      tpu.vector_store_idx %arg14[%add3A_494, %add3A_551], %select_n3A_548 : memref<128x16xf32, #tpu.memory_space<vmem>>[vector<16xi32>, vector<16xi32>], vector<16xf32>,
      %add3A_552 = arith.constant 96 : i32
      %add3A_553 = vector.broadcast %add3A_552 : i32 to vector<16xi32>
      %add3A_554 = arith.addi %iota3A, %add3A_553 : vector<16xi32>
      %add3A_555 = vector.broadcast %multiple_of3A_129 : i32 to vector<16xi32>
      %add3A_556 = arith.addi %add3A_554, %add3A_555 : vector<16xi32>
      %lt3A_557 = arith.constant 320000 : i32
      %lt3A_558 = vector.broadcast %lt3A_557 : i32 to vector<16xi32>
      %lt3A_559 = arith.cmpi slt, %add3A_556, %lt3A_558 : vector<16xi32>
      %mul3A_560 = arith.constant 2 : i32
      %mul3A_561 = arith.muli %mul3A_560, %arg0 : i32
      %add3A_562 = arith.constant 0 : i32
      %add3A_563 = arith.addi %mul3A_561, %add3A_562 : i32
      %add3A_564 = vector.broadcast %add3A_563 : i32 to vector<16xi32>
      %add3A_565 = arith.addi %broadcast_in_dim3A_2, %add3A_564 : vector<16xi32>
      %gather3A_566 = tpu.vector_load_idx %arg12[%add3A_554, %add3A_565] : memref<128x16xf32, #tpu.memory_space<vmem>>[vector<16xi32>, vector<16xi32>], vector<16xf32>,
      %add3A_567 = arith.constant 4 : i32
      %add3A_568 = vector.broadcast %add3A_567 : i32 to vector<16xi32>
      %add3A_569 = arith.addi %add3A_565, %add3A_568 : vector<16xi32>
      %gather3A_570 = tpu.vector_load_idx %arg13[%add3A_554, %add3A_569] : memref<128x16xf32, #tpu.memory_space<vmem>>[vector<16xi32>, vector<16xi32>], vector<16xf32>,
      %add3A_571 = arith.addf %gather3A_566, %gather3A_570 : vector<16xf32>
      %ge3A_572 = arith.constant 0.000000e+00 : f32
      %ge3A_573 = vector.broadcast %ge3A_572 : f32 to vector<16xf32>
      %ge3A_574 = arith.cmpf oge, %add3A_571, %ge3A_573 : vector<16xf32>
      %mul3A_575 = arith.constant 2.000000e-01 : f32
      %mul3A_576 = vector.broadcast %mul3A_575 : f32 to vector<16xf32>
      %mul3A_577 = arith.mulf %add3A_571, %mul3A_576 : vector<16xf32>
      %select_n3A_578 = arith.select %ge3A_574, %add3A_571, %mul3A_577 : vector<16xi1>, vector<16xf32>
      %exp3A_579 = math.exp %select_n3A_578 : vector<16xf32>
      %jit3A_580 = arith.constant 0.000000e+00 : f32
      %broadcast_in_dim3A_581 = vector.broadcast %jit3A_580 : f32 to vector<16xf32>
      %select_n3A_582 = arith.select %lt3A_559, %exp3A_579, %broadcast_in_dim3A_581 : vector<16xi1>, vector<16xf32>
      %add3A_583 = arith.constant 0 : i32
      %add3A_584 = vector.broadcast %add3A_583 : i32 to vector<16xi32>
      %add3A_585 = arith.addi %broadcast_in_dim3A_2, %add3A_584 : vector<16xi32>
      tpu.vector_store_idx %arg14[%add3A_554, %add3A_585], %select_n3A_582 : memref<128x16xf32, #tpu.memory_space<vmem>>[vector<16xi32>, vector<16xi32>], vector<16xf32>,
      %mul3A_586 = arith.constant 2 : i32
      %mul3A_587 = arith.muli %mul3A_586, %arg0 : i32
      %add3A_588 = arith.constant 1 : i32
      %add3A_589 = arith.addi %mul3A_587, %add3A_588 : i32
      %add3A_590 = vector.broadcast %add3A_589 : i32 to vector<16xi32>
      %add3A_591 = arith.addi %broadcast_in_dim3A_2, %add3A_590 : vector<16xi32>
      %gather3A_592 = tpu.vector_load_idx %arg12[%add3A_554, %add3A_591] : memref<128x16xf32, #tpu.memory_space<vmem>>[vector<16xi32>, vector<16xi32>], vector<16xf32>,
      %add3A_593 = arith.constant 4 : i32
      %add3A_594 = vector.broadcast %add3A_593 : i32 to vector<16xi32>
      %add3A_595 = arith.addi %add3A_591, %add3A_594 : vector<16xi32>
      %gather3A_596 = tpu.vector_load_idx %arg13[%add3A_554, %add3A_595] : memref<128x16xf32, #tpu.memory_space<vmem>>[vector<16xi32>, vector<16xi32>], vector<16xf32>,
      %add3A_597 = arith.addf %gather3A_592, %gather3A_596 : vector<16xf32>
      %ge3A_598 = arith.constant 0.000000e+00 : f32
      %ge3A_599 = vector.broadcast %ge3A_598 : f32 to vector<16xf32>
      %ge3A_600 = arith.cmpf oge, %add3A_597, %ge3A_599 : vector<16xf32>
      %mul3A_601 = arith.constant 2.000000e-01 : f32
      %mul3A_602 = vector.broadcast %mul3A_601 : f32 to vector<16xf32>
      %mul3A_603 = arith.mulf %add3A_597, %mul3A_602 : vector<16xf32>
      %select_n3A_604 = arith.select %ge3A_600, %add3A_597, %mul3A_603 : vector<16xi1>, vector<16xf32>
      %exp3A_605 = math.exp %select_n3A_604 : vector<16xf32>
      %jit3A_606 = arith.constant 0.000000e+00 : f32
      %broadcast_in_dim3A_607 = vector.broadcast %jit3A_606 : f32 to vector<16xf32>
      %select_n3A_608 = arith.select %lt3A_559, %exp3A_605, %broadcast_in_dim3A_607 : vector<16xi1>, vector<16xf32>
      %add3A_609 = arith.constant 1 : i32
      %add3A_610 = vector.broadcast %add3A_609 : i32 to vector<16xi32>
      %add3A_611 = arith.addi %broadcast_in_dim3A_2, %add3A_610 : vector<16xi32>
      tpu.vector_store_idx %arg14[%add3A_554, %add3A_611], %select_n3A_608 : memref<128x16xf32, #tpu.memory_space<vmem>>[vector<16xi32>, vector<16xi32>], vector<16xf32>,
      %add3A_612 = arith.constant 112 : i32
      %add3A_613 = vector.broadcast %add3A_612 : i32 to vector<16xi32>
      %add3A_614 = arith.addi %iota3A, %add3A_613 : vector<16xi32>
      %add3A_615 = vector.broadcast %multiple_of3A_129 : i32 to vector<16xi32>
      %add3A_616 = arith.addi %add3A_614, %add3A_615 : vector<16xi32>
      %lt3A_617 = arith.constant 320000 : i32
      %lt3A_618 = vector.broadcast %lt3A_617 : i32 to vector<16xi32>
      %lt3A_619 = arith.cmpi slt, %add3A_616, %lt3A_618 : vector<16xi32>
      %mul3A_620 = arith.constant 2 : i32
      %mul3A_621 = arith.muli %mul3A_620, %arg0 : i32
      %add3A_622 = arith.constant 0 : i32
      %add3A_623 = arith.addi %mul3A_621, %add3A_622 : i32
      %add3A_624 = vector.broadcast %add3A_623 : i32 to vector<16xi32>
      %add3A_625 = arith.addi %broadcast_in_dim3A_2, %add3A_624 : vector<16xi32>
      %gather3A_626 = tpu.vector_load_idx %arg12[%add3A_614, %add3A_625] : memref<128x16xf32, #tpu.memory_space<vmem>>[vector<16xi32>, vector<16xi32>], vector<16xf32>,
      %add3A_627 = arith.constant 4 : i32
      %add3A_628 = vector.broadcast %add3A_627 : i32 to vector<16xi32>
      %add3A_629 = arith.addi %add3A_625, %add3A_628 : vector<16xi32>
      %gather3A_630 = tpu.vector_load_idx %arg13[%add3A_614, %add3A_629] : memref<128x16xf32, #tpu.memory_space<vmem>>[vector<16xi32>, vector<16xi32>], vector<16xf32>,
      %add3A_631 = arith.addf %gather3A_626, %gather3A_630 : vector<16xf32>
      %ge3A_632 = arith.constant 0.000000e+00 : f32
      %ge3A_633 = vector.broadcast %ge3A_632 : f32 to vector<16xf32>
      %ge3A_634 = arith.cmpf oge, %add3A_631, %ge3A_633 : vector<16xf32>
      %mul3A_635 = arith.constant 2.000000e-01 : f32
      %mul3A_636 = vector.broadcast %mul3A_635 : f32 to vector<16xf32>
      %mul3A_637 = arith.mulf %add3A_631, %mul3A_636 : vector<16xf32>
      %select_n3A_638 = arith.select %ge3A_634, %add3A_631, %mul3A_637 : vector<16xi1>, vector<16xf32>
      %exp3A_639 = math.exp %select_n3A_638 : vector<16xf32>
      %jit3A_640 = arith.constant 0.000000e+00 : f32
      %broadcast_in_dim3A_641 = vector.broadcast %jit3A_640 : f32 to vector<16xf32>
      %select_n3A_642 = arith.select %lt3A_619, %exp3A_639, %broadcast_in_dim3A_641 : vector<16xi1>, vector<16xf32>
      %add3A_643 = arith.constant 0 : i32
      %add3A_644 = vector.broadcast %add3A_643 : i32 to vector<16xi32>
      %add3A_645 = arith.addi %broadcast_in_dim3A_2, %add3A_644 : vector<16xi32>
      tpu.vector_store_idx %arg14[%add3A_614, %add3A_645], %select_n3A_642 : memref<128x16xf32, #tpu.memory_space<vmem>>[vector<16xi32>, vector<16xi32>], vector<16xf32>,
      %mul3A_646 = arith.constant 2 : i32
      %mul3A_647 = arith.muli %mul3A_646, %arg0 : i32
      %add3A_648 = arith.constant 1 : i32
      %add3A_649 = arith.addi %mul3A_647, %add3A_648 : i32
      %add3A_650 = vector.broadcast %add3A_649 : i32 to vector<16xi32>
      %add3A_651 = arith.addi %broadcast_in_dim3A_2, %add3A_650 : vector<16xi32>
      %gather3A_652 = tpu.vector_load_idx %arg12[%add3A_614, %add3A_651] : memref<128x16xf32, #tpu.memory_space<vmem>>[vector<16xi32>, vector<16xi32>], vector<16xf32>,
      %add3A_653 = arith.constant 4 : i32
      %add3A_654 = vector.broadcast %add3A_653 : i32 to vector<16xi32>
      %add3A_655 = arith.addi %add3A_651, %add3A_654 : vector<16xi32>
      %gather3A_656 = tpu.vector_load_idx %arg13[%add3A_614, %add3A_655] : memref<128x16xf32, #tpu.memory_space<vmem>>[vector<16xi32>, vector<16xi32>], vector<16xf32>,
      %add3A_657 = arith.addf %gather3A_652, %gather3A_656 : vector<16xf32>
      %ge3A_658 = arith.constant 0.000000e+00 : f32
      %ge3A_659 = vector.broadcast %ge3A_658 : f32 to vector<16xf32>
      %ge3A_660 = arith.cmpf oge, %add3A_657, %ge3A_659 : vector<16xf32>
      %mul3A_661 = arith.constant 2.000000e-01 : f32
      %mul3A_662 = vector.broadcast %mul3A_661 : f32 to vector<16xf32>
      %mul3A_663 = arith.mulf %add3A_657, %mul3A_662 : vector<16xf32>
      %select_n3A_664 = arith.select %ge3A_660, %add3A_657, %mul3A_663 : vector<16xi1>, vector<16xf32>
      %exp3A_665 = math.exp %select_n3A_664 : vector<16xf32>
      %jit3A_666 = arith.constant 0.000000e+00 : f32
      %broadcast_in_dim3A_667 = vector.broadcast %jit3A_666 : f32 to vector<16xf32>
      %select_n3A_668 = arith.select %lt3A_619, %exp3A_665, %broadcast_in_dim3A_667 : vector<16xi1>, vector<16xf32>
      %add3A_669 = arith.constant 1 : i32
      %add3A_670 = vector.broadcast %add3A_669 : i32 to vector<16xi32>
      %add3A_671 = arith.addi %broadcast_in_dim3A_2, %add3A_670 : vector<16xi32>
      tpu.vector_store_idx %arg14[%add3A_614, %add3A_671], %select_n3A_668 : memref<128x16xf32, #tpu.memory_space<vmem>>[vector<16xi32>, vector<16xi32>], vector<16xf32>,
      %dma_wait3A_672 = arith.constant 0 : i32
      %dma_wait3A_673 = arith.constant 0 : i32
      %dma_wait3A_674 = tpu.memref_slice %arg2[%dma_wait3A_672, %dma_wait3A_673] : memref<20000x128xf32, #tpu.memory_space<hbm>> -> memref<20000x128xf32, #tpu.memory_space<hbm>>
      tpu.wait_indirect_dma semaphore(%arg20 : memref<!tpu.dma_semaphore, #tpu.memory_space<semaphore_mem>>) src(%dma_wait3A_674 : memref<20000x128xf32, #tpu.memory_space<hbm>>) dst(%arg15 : memref<128x128xf32, #tpu.memory_space<vmem>>)
      %parallel_loop3A = arith.constant 0 : i32
      %parallel_loop3A_675 = arith.constant 128 : i32
      %parallel_loop3A_676 = arith.constant 1 : i32
      scf.for %parallel_loop3A_690 = %parallel_loop3A to %parallel_loop3A_675 step %parallel_loop3A_676  : i32 {
        %parallel_loop3A_691 = vector.broadcast %parallel_loop3A_690 : i32 to vector<16xi32>
        %parallel_loop3A_692 = arith.addi %broadcast_in_dim3A_2, %parallel_loop3A_691 : vector<16xi32>
        %parallel_loop3A_693 = tpu.vector_load_idx %arg14[%parallel_loop3A_692, %broadcast_in_dim3A_2] : memref<128x16xf32, #tpu.memory_space<vmem>>[vector<16xi32>, vector<16xi32>], vector<16xf32>,
        %parallel_loop3A_694 = arith.constant 1 : i32
        %parallel_loop3A_695 = vector.broadcast %parallel_loop3A_694 : i32 to vector<16xi32>
        %parallel_loop3A_696 = arith.addi %broadcast_in_dim3A_2, %parallel_loop3A_695 : vector<16xi32>
        %parallel_loop3A_697 = tpu.vector_load_idx %arg14[%parallel_loop3A_692, %parallel_loop3A_696] : memref<128x16xf32, #tpu.memory_space<vmem>>[vector<16xi32>, vector<16xi32>], vector<16xf32>,
        %parallel_loop3A_698 = arith.index_cast %parallel_loop3A_690 : i32 to index
        %parallel_loop3A_699 = arith.constant 0 : index
        %parallel_loop3A_700 = tpu.vector_load %arg15[%parallel_loop3A_698, %parallel_loop3A_699] {strides = array<i32>} : memref<128x128xf32, #tpu.memory_space<vmem>>, vector<16xf32>,
        %parallel_loop3A_701 = arith.mulf %parallel_loop3A_700, %parallel_loop3A_693 : vector<16xf32>
        %parallel_loop3A_702 = arith.index_cast %parallel_loop3A_690 : i32 to index
        %parallel_loop3A_703 = arith.constant 0 : index
        %parallel_loop3A_704 = tpu.vector_load %arg15[%parallel_loop3A_702, %parallel_loop3A_703] {strides = array<i32>} : memref<128x128xf32, #tpu.memory_space<vmem>>, vector<16xf32>,
        tpu.vector_store %arg15[%parallel_loop3A_702, %parallel_loop3A_703], %parallel_loop3A_701 {strides = array<i32>} : memref<128x128xf32, #tpu.memory_space<vmem>>, vector<16xf32>,
        %parallel_loop3A_705 = arith.index_cast %parallel_loop3A_690 : i32 to index
        %parallel_loop3A_706 = arith.constant 16 : index
        %parallel_loop3A_707 = tpu.vector_load %arg15[%parallel_loop3A_705, %parallel_loop3A_706] {strides = array<i32>} : memref<128x128xf32, #tpu.memory_space<vmem>>, vector<16xf32>,
        %parallel_loop3A_708 = arith.mulf %parallel_loop3A_707, %parallel_loop3A_693 : vector<16xf32>
        %parallel_loop3A_709 = arith.index_cast %parallel_loop3A_690 : i32 to index
        %parallel_loop3A_710 = arith.constant 16 : index
        %parallel_loop3A_711 = tpu.vector_load %arg15[%parallel_loop3A_709, %parallel_loop3A_710] {strides = array<i32>} : memref<128x128xf32, #tpu.memory_space<vmem>>, vector<16xf32>,
        tpu.vector_store %arg15[%parallel_loop3A_709, %parallel_loop3A_710], %parallel_loop3A_708 {strides = array<i32>} : memref<128x128xf32, #tpu.memory_space<vmem>>, vector<16xf32>,
        %parallel_loop3A_712 = arith.index_cast %parallel_loop3A_690 : i32 to index
        %parallel_loop3A_713 = arith.constant 32 : index
        %parallel_loop3A_714 = tpu.vector_load %arg15[%parallel_loop3A_712, %parallel_loop3A_713] {strides = array<i32>} : memref<128x128xf32, #tpu.memory_space<vmem>>, vector<16xf32>,
        %parallel_loop3A_715 = arith.mulf %parallel_loop3A_714, %parallel_loop3A_693 : vector<16xf32>
        %parallel_loop3A_716 = arith.index_cast %parallel_loop3A_690 : i32 to index
        %parallel_loop3A_717 = arith.constant 32 : index
        %parallel_loop3A_718 = tpu.vector_load %arg15[%parallel_loop3A_716, %parallel_loop3A_717] {strides = array<i32>} : memref<128x128xf32, #tpu.memory_space<vmem>>, vector<16xf32>,
        tpu.vector_store %arg15[%parallel_loop3A_716, %parallel_loop3A_717], %parallel_loop3A_715 {strides = array<i32>} : memref<128x128xf32, #tpu.memory_space<vmem>>, vector<16xf32>,
        %parallel_loop3A_719 = arith.index_cast %parallel_loop3A_690 : i32 to index
        %parallel_loop3A_720 = arith.constant 48 : index
        %parallel_loop3A_721 = tpu.vector_load %arg15[%parallel_loop3A_719, %parallel_loop3A_720] {strides = array<i32>} : memref<128x128xf32, #tpu.memory_space<vmem>>, vector<16xf32>,
        %parallel_loop3A_722 = arith.mulf %parallel_loop3A_721, %parallel_loop3A_693 : vector<16xf32>
        %parallel_loop3A_723 = arith.index_cast %parallel_loop3A_690 : i32 to index
        %parallel_loop3A_724 = arith.constant 48 : index
        %parallel_loop3A_725 = tpu.vector_load %arg15[%parallel_loop3A_723, %parallel_loop3A_724] {strides = array<i32>} : memref<128x128xf32, #tpu.memory_space<vmem>>, vector<16xf32>,
        tpu.vector_store %arg15[%parallel_loop3A_723, %parallel_loop3A_724], %parallel_loop3A_722 {strides = array<i32>} : memref<128x128xf32, #tpu.memory_space<vmem>>, vector<16xf32>,
        %parallel_loop3A_726 = arith.index_cast %parallel_loop3A_690 : i32 to index
        %parallel_loop3A_727 = arith.constant 64 : index
        %parallel_loop3A_728 = tpu.vector_load %arg15[%parallel_loop3A_726, %parallel_loop3A_727] {strides = array<i32>} : memref<128x128xf32, #tpu.memory_space<vmem>>, vector<16xf32>,
        %parallel_loop3A_729 = arith.mulf %parallel_loop3A_728, %parallel_loop3A_697 : vector<16xf32>
        %parallel_loop3A_730 = arith.index_cast %parallel_loop3A_690 : i32 to index
        %parallel_loop3A_731 = arith.constant 64 : index
        %parallel_loop3A_732 = tpu.vector_load %arg15[%parallel_loop3A_730, %parallel_loop3A_731] {strides = array<i32>} : memref<128x128xf32, #tpu.memory_space<vmem>>, vector<16xf32>,
        tpu.vector_store %arg15[%parallel_loop3A_730, %parallel_loop3A_731], %parallel_loop3A_729 {strides = array<i32>} : memref<128x128xf32, #tpu.memory_space<vmem>>, vector<16xf32>,
        %parallel_loop3A_733 = arith.index_cast %parallel_loop3A_690 : i32 to index
        %parallel_loop3A_734 = arith.constant 80 : index
        %parallel_loop3A_735 = tpu.vector_load %arg15[%parallel_loop3A_733, %parallel_loop3A_734] {strides = array<i32>} : memref<128x128xf32, #tpu.memory_space<vmem>>, vector<16xf32>,
        %parallel_loop3A_736 = arith.mulf %parallel_loop3A_735, %parallel_loop3A_697 : vector<16xf32>
        %parallel_loop3A_737 = arith.index_cast %parallel_loop3A_690 : i32 to index
        %parallel_loop3A_738 = arith.constant 80 : index
        %parallel_loop3A_739 = tpu.vector_load %arg15[%parallel_loop3A_737, %parallel_loop3A_738] {strides = array<i32>} : memref<128x128xf32, #tpu.memory_space<vmem>>, vector<16xf32>,
        tpu.vector_store %arg15[%parallel_loop3A_737, %parallel_loop3A_738], %parallel_loop3A_736 {strides = array<i32>} : memref<128x128xf32, #tpu.memory_space<vmem>>, vector<16xf32>,
        %parallel_loop3A_740 = arith.index_cast %parallel_loop3A_690 : i32 to index
        %parallel_loop3A_741 = arith.constant 96 : index
        %parallel_loop3A_742 = tpu.vector_load %arg15[%parallel_loop3A_740, %parallel_loop3A_741] {strides = array<i32>} : memref<128x128xf32, #tpu.memory_space<vmem>>, vector<16xf32>,
        %parallel_loop3A_743 = arith.mulf %parallel_loop3A_742, %parallel_loop3A_697 : vector<16xf32>
        %parallel_loop3A_744 = arith.index_cast %parallel_loop3A_690 : i32 to index
        %parallel_loop3A_745 = arith.constant 96 : index
        %parallel_loop3A_746 = tpu.vector_load %arg15[%parallel_loop3A_744, %parallel_loop3A_745] {strides = array<i32>} : memref<128x128xf32, #tpu.memory_space<vmem>>, vector<16xf32>,
        tpu.vector_store %arg15[%parallel_loop3A_744, %parallel_loop3A_745], %parallel_loop3A_743 {strides = array<i32>} : memref<128x128xf32, #tpu.memory_space<vmem>>, vector<16xf32>,
        %parallel_loop3A_747 = arith.index_cast %parallel_loop3A_690 : i32 to index
        %parallel_loop3A_748 = arith.constant 112 : index
        %parallel_loop3A_749 = tpu.vector_load %arg15[%parallel_loop3A_747, %parallel_loop3A_748] {strides = array<i32>} : memref<128x128xf32, #tpu.memory_space<vmem>>, vector<16xf32>,
        %parallel_loop3A_750 = arith.mulf %parallel_loop3A_749, %parallel_loop3A_697 : vector<16xf32>
        %parallel_loop3A_751 = arith.index_cast %parallel_loop3A_690 : i32 to index
        %parallel_loop3A_752 = arith.constant 112 : index
        %parallel_loop3A_753 = tpu.vector_load %arg15[%parallel_loop3A_751, %parallel_loop3A_752] {strides = array<i32>} : memref<128x128xf32, #tpu.memory_space<vmem>>, vector<16xf32>,
        tpu.vector_store %arg15[%parallel_loop3A_751, %parallel_loop3A_752], %parallel_loop3A_750 {strides = array<i32>} : memref<128x128xf32, #tpu.memory_space<vmem>>, vector<16xf32>,
      } {sc.loop_unroll_factor = 4 : i64, sc.parallel_access}
      %dma_start3A_677 = arith.constant 0 : i32
      %dma_start3A_678 = arith.constant 0 : i32
      %dma_start3A_679 = tpu.memref_slice %arg19[%dma_start3A_677, %dma_start3A_678] : memref<10000x16xf32, #tpu.memory_space<vmem_shared>> -> memref<10000x16xf32, #tpu.memory_space<vmem_shared>>
      tpu.enqueue_indirect_dma source(%arg14 : memref<128x16xf32, #tpu.memory_space<vmem>>) target(%dma_start3A_679 : memref<10000x16xf32, #tpu.memory_space<vmem_shared>>) offsets(%arg10 : memref<128xi32, #tpu.memory_space<vmem>>) semaphore(%arg20 : memref<!tpu.dma_semaphore, #tpu.memory_space<semaphore_mem>>) {add = true}
      %dma_start3A_680 = arith.constant 0 : i32
      %dma_start3A_681 = arith.constant 0 : i32
      %dma_start3A_682 = tpu.memref_slice %arg18[%dma_start3A_680, %dma_start3A_681] : memref<10000x128xf32, #tpu.memory_space<vmem_shared>> -> memref<10000x128xf32, #tpu.memory_space<vmem_shared>>
      tpu.enqueue_indirect_dma source(%arg15 : memref<128x128xf32, #tpu.memory_space<vmem>>) target(%dma_start3A_682 : memref<10000x128xf32, #tpu.memory_space<vmem_shared>>) offsets(%arg10 : memref<128xi32, #tpu.memory_space<vmem>>) semaphore(%arg20 : memref<!tpu.dma_semaphore, #tpu.memory_space<semaphore_mem>>) {add = true}
      %dma_wait3A_683 = arith.constant 0 : i32
      %dma_wait3A_684 = arith.constant 0 : i32
      %dma_wait3A_685 = tpu.memref_slice %arg19[%dma_wait3A_683, %dma_wait3A_684] : memref<10000x16xf32, #tpu.memory_space<vmem_shared>> -> memref<10000x16xf32, #tpu.memory_space<vmem_shared>>
      tpu.wait_indirect_dma semaphore(%arg20 : memref<!tpu.dma_semaphore, #tpu.memory_space<semaphore_mem>>) src(%arg14 : memref<128x16xf32, #tpu.memory_space<vmem>>) dst(%dma_wait3A_685 : memref<10000x16xf32, #tpu.memory_space<vmem_shared>>)
      %dma_wait3A_686 = arith.constant 0 : i32
      %dma_wait3A_687 = arith.constant 0 : i32
      %dma_wait3A_688 = tpu.memref_slice %arg18[%dma_wait3A_686, %dma_wait3A_687] : memref<10000x128xf32, #tpu.memory_space<vmem_shared>> -> memref<10000x128xf32, #tpu.memory_space<vmem_shared>>
      tpu.wait_indirect_dma semaphore(%arg20 : memref<!tpu.dma_semaphore, #tpu.memory_space<semaphore_mem>>) src(%arg15 : memref<128x128xf32, #tpu.memory_space<vmem>>) dst(%dma_wait3A_688 : memref<10000x128xf32, #tpu.memory_space<vmem_shared>>)
      %scan3A_689 = arith.constant 0 : i32
      scf.yield %scan3A_689 : i32
    }
    %scan3A_67 = arith.constant 157 : i32
    %barrier3A_68 = arith.constant 0 : index
    tpu.barrier barrier_id(%barrier3A_68)
    "tpu.region"() ({
      %run_scoped3A = tpu.sem_alloc : memref<!tpu.dma_semaphore, #tpu.memory_space<semaphore_mem>>
      tpu.enqueue_dma source(%arg7 : memref<2x128xf32, #tpu.memory_space<hbm>>) target(%arg17 : memref<2x128xf32, #tpu.memory_space<vmem>>) target_semaphore(%run_scoped3A : memref<!tpu.dma_semaphore, #tpu.memory_space<semaphore_mem>>)
      tpu.wait_dma2 semaphore(%run_scoped3A : memref<!tpu.dma_semaphore, #tpu.memory_space<semaphore_mem>>) src(%arg7 : memref<2x128xf32, #tpu.memory_space<hbm>>) dst(%arg17 : memref<2x128xf32, #tpu.memory_space<vmem>>)
      tpu.yield
    }) : () -> ()
    %add3A_69 = arith.constant 0 : i32
    %add3A_70 = arith.addi %arg1, %add3A_69 : i32
    %mul3A_71 = arith.constant 128 : i32
    %mul3A_72 = arith.muli %add3A_70, %mul3A_71 : i32
    %multiple_of3A_73 = tpu.assume_multiple %mul3A_72, 128 : i32
    %lt3A_74 = arith.constant 78 : i32
    %lt3A_75 = arith.cmpi slt, %add3A_70, %lt3A_74 : i32
    %convert_element_type3A_76 = arith.extui %lt3A_75 : i1 to i32
    %cond3A_77 = arith.constant 0 : i32
    %cond3A_78 = arith.cmpi ne, %convert_element_type3A_76, %cond3A_77 : i32
    scf.if %cond3A_78 {
      "tpu.region"() ({
        %run_scoped3A = tpu.sem_alloc : memref<!tpu.dma_semaphore, #tpu.memory_space<semaphore_mem>>
        %dma_start3A = arith.constant 0 : i32
        %dma_start3A_128 = tpu.memref_slice %arg18[%multiple_of3A_73, %dma_start3A] : memref<10000x128xf32, #tpu.memory_space<vmem_shared>> -> memref<128x128xf32, #tpu.memory_space<vmem_shared>>
        %dma_start3A_129 = arith.constant 0 : i32
        %dma_start3A_130 = tpu.memref_slice %arg18[%multiple_of3A_73, %dma_start3A_129] : memref<10000x128xf32, #tpu.memory_space<vmem_shared>> -> memref<128x128xf32, #tpu.memory_space<vmem_shared>>
        tpu.enqueue_dma source(%dma_start3A_130 : memref<128x128xf32, #tpu.memory_space<vmem_shared>>) target(%arg16 : memref<128x128xf32, #tpu.memory_space<vmem>>) target_semaphore(%run_scoped3A : memref<!tpu.dma_semaphore, #tpu.memory_space<semaphore_mem>>)
        %dma_wait3A = arith.constant 0 : i32
        %dma_wait3A_131 = tpu.memref_slice %arg18[%multiple_of3A_73, %dma_wait3A] : memref<10000x128xf32, #tpu.memory_space<vmem_shared>> -> memref<128x128xf32, #tpu.memory_space<vmem_shared>>
        %dma_wait3A_132 = arith.constant 0 : i32
        %dma_wait3A_133 = tpu.memref_slice %arg18[%multiple_of3A_73, %dma_wait3A_132] : memref<10000x128xf32, #tpu.memory_space<vmem_shared>> -> memref<128x128xf32, #tpu.memory_space<vmem_shared>>
        tpu.wait_dma2 semaphore(%run_scoped3A : memref<!tpu.dma_semaphore, #tpu.memory_space<semaphore_mem>>) src(%dma_wait3A_133 : memref<128x128xf32, #tpu.memory_space<vmem_shared>>) dst(%arg16 : memref<128x128xf32, #tpu.memory_space<vmem>>)
        tpu.yield
      }) : () -> ()
      "tpu.region"() ({
        %run_scoped3A = tpu.sem_alloc : memref<!tpu.dma_semaphore, #tpu.memory_space<semaphore_mem>>
        %dma_start3A = arith.constant 0 : i32
        %dma_start3A_128 = tpu.memref_slice %arg19[%multiple_of3A_73, %dma_start3A] : memref<10000x16xf32, #tpu.memory_space<vmem_shared>> -> memref<128x16xf32, #tpu.memory_space<vmem_shared>>
        %dma_start3A_129 = arith.constant 0 : i32
        %dma_start3A_130 = tpu.memref_slice %arg19[%multiple_of3A_73, %dma_start3A_129] : memref<10000x16xf32, #tpu.memory_space<vmem_shared>> -> memref<128x16xf32, #tpu.memory_space<vmem_shared>>
        tpu.enqueue_dma source(%dma_start3A_130 : memref<128x16xf32, #tpu.memory_space<vmem_shared>>) target(%arg14 : memref<128x16xf32, #tpu.memory_space<vmem>>) target_semaphore(%run_scoped3A : memref<!tpu.dma_semaphore, #tpu.memory_space<semaphore_mem>>)
        %dma_wait3A = arith.constant 0 : i32
        %dma_wait3A_131 = tpu.memref_slice %arg19[%multiple_of3A_73, %dma_wait3A] : memref<10000x16xf32, #tpu.memory_space<vmem_shared>> -> memref<128x16xf32, #tpu.memory_space<vmem_shared>>
        %dma_wait3A_132 = arith.constant 0 : i32
        %dma_wait3A_133 = tpu.memref_slice %arg19[%multiple_of3A_73, %dma_wait3A_132] : memref<10000x16xf32, #tpu.memory_space<vmem_shared>> -> memref<128x16xf32, #tpu.memory_space<vmem_shared>>
        tpu.wait_dma2 semaphore(%run_scoped3A : memref<!tpu.dma_semaphore, #tpu.memory_space<semaphore_mem>>) src(%dma_wait3A_133 : memref<128x16xf32, #tpu.memory_space<vmem_shared>>) dst(%arg14 : memref<128x16xf32, #tpu.memory_space<vmem>>)
        tpu.yield
      }) : () -> ()
      %add3A_124 = arith.addi %mul3A_60, %multiple_of3A_73 : i32
      "tpu.region"() ({
        %run_scoped3A = tpu.sem_alloc : memref<!tpu.dma_semaphore, #tpu.memory_space<semaphore_mem>>
        %dma_start3A = arith.constant 0 : i32
        %dma_start3A_128 = tpu.memref_slice %arg4[%add3A_124, %dma_start3A] : memref<20000x128xf32, #tpu.memory_space<hbm>> -> memref<128x128xf32, #tpu.memory_space<hbm>>
        %dma_start3A_129 = arith.constant 0 : i32
        %dma_start3A_130 = tpu.memref_slice %arg4[%add3A_124, %dma_start3A_129] : memref<20000x128xf32, #tpu.memory_space<hbm>> -> memref<128x128xf32, #tpu.memory_space<hbm>>
        tpu.enqueue_dma source(%dma_start3A_130 : memref<128x128xf32, #tpu.memory_space<hbm>>) target(%arg15 : memref<128x128xf32, #tpu.memory_space<vmem>>) target_semaphore(%run_scoped3A : memref<!tpu.dma_semaphore, #tpu.memory_space<semaphore_mem>>)
        %dma_wait3A = arith.constant 0 : i32
        %dma_wait3A_131 = tpu.memref_slice %arg4[%add3A_124, %dma_wait3A] : memref<20000x128xf32, #tpu.memory_space<hbm>> -> memref<128x128xf32, #tpu.memory_space<hbm>>
        %dma_wait3A_132 = arith.constant 0 : i32
        %dma_wait3A_133 = tpu.memref_slice %arg4[%add3A_124, %dma_wait3A_132] : memref<20000x128xf32, #tpu.memory_space<hbm>> -> memref<128x128xf32, #tpu.memory_space<hbm>>
        tpu.wait_dma2 semaphore(%run_scoped3A : memref<!tpu.dma_semaphore, #tpu.memory_space<semaphore_mem>>) src(%dma_wait3A_133 : memref<128x128xf32, #tpu.memory_space<hbm>>) dst(%arg15 : memref<128x128xf32, #tpu.memory_space<vmem>>)
        tpu.yield
      }) : () -> ()
      %parallel_loop3A = arith.constant 0 : i32
      %parallel_loop3A_125 = arith.constant 128 : i32
      %parallel_loop3A_126 = arith.constant 1 : i32
      scf.for %parallel_loop3A_128 = %parallel_loop3A to %parallel_loop3A_125 step %parallel_loop3A_126  : i32 {
        %parallel_loop3A_129 = vector.broadcast %parallel_loop3A_128 : i32 to vector<16xi32>
        %parallel_loop3A_130 = arith.addi %broadcast_in_dim3A_2, %parallel_loop3A_129 : vector<16xi32>
        %parallel_loop3A_131 = tpu.vector_load_idx %arg14[%parallel_loop3A_130, %broadcast_in_dim3A_2] : memref<128x16xf32, #tpu.memory_space<vmem>>[vector<16xi32>, vector<16xi32>], vector<16xf32>,
        %parallel_loop3A_132 = arith.constant 9.99999971E-10 : f32
        %parallel_loop3A_133 = vector.broadcast %parallel_loop3A_132 : f32 to vector<16xf32>
        %parallel_loop3A_134 = arith.maximumf %parallel_loop3A_131, %parallel_loop3A_133 : vector<16xf32>
        %parallel_loop3A_135 = arith.constant 1.000000e+00 : f32
        %parallel_loop3A_136 = vector.broadcast %parallel_loop3A_135 : f32 to vector<16xf32>
        %parallel_loop3A_137 = arith.divf %parallel_loop3A_136, %parallel_loop3A_134 : vector<16xf32>
        %parallel_loop3A_138 = arith.constant 1 : i32
        %parallel_loop3A_139 = vector.broadcast %parallel_loop3A_138 : i32 to vector<16xi32>
        %parallel_loop3A_140 = arith.addi %broadcast_in_dim3A_2, %parallel_loop3A_139 : vector<16xi32>
        %parallel_loop3A_141 = tpu.vector_load_idx %arg14[%parallel_loop3A_130, %parallel_loop3A_140] : memref<128x16xf32, #tpu.memory_space<vmem>>[vector<16xi32>, vector<16xi32>], vector<16xf32>,
        %parallel_loop3A_142 = arith.constant 9.99999971E-10 : f32
        %parallel_loop3A_143 = vector.broadcast %parallel_loop3A_142 : f32 to vector<16xf32>
        %parallel_loop3A_144 = arith.maximumf %parallel_loop3A_141, %parallel_loop3A_143 : vector<16xf32>
        %parallel_loop3A_145 = arith.constant 1.000000e+00 : f32
        %parallel_loop3A_146 = vector.broadcast %parallel_loop3A_145 : f32 to vector<16xf32>
        %parallel_loop3A_147 = arith.divf %parallel_loop3A_146, %parallel_loop3A_144 : vector<16xf32>
        %parallel_loop3A_148 = arith.index_cast %parallel_loop3A_128 : i32 to index
        %parallel_loop3A_149 = arith.constant 0 : index
        %parallel_loop3A_150 = tpu.vector_load %arg16[%parallel_loop3A_148, %parallel_loop3A_149] {strides = array<i32>} : memref<128x128xf32, #tpu.memory_space<vmem>>, vector<16xf32>,
        %parallel_loop3A_151 = arith.mulf %parallel_loop3A_150, %parallel_loop3A_137 : vector<16xf32>
        %parallel_loop3A_152 = arith.index_cast %parallel_loop3A_128 : i32 to index
        %parallel_loop3A_153 = arith.constant 0 : index
        %parallel_loop3A_154 = tpu.vector_load %arg15[%parallel_loop3A_152, %parallel_loop3A_153] {strides = array<i32>} : memref<128x128xf32, #tpu.memory_space<vmem>>, vector<16xf32>,
        %parallel_loop3A_155 = arith.addf %parallel_loop3A_151, %parallel_loop3A_154 : vector<16xf32>
        %parallel_loop3A_156 = arith.index_cast %arg0 : i32 to index
        %parallel_loop3A_157 = arith.constant 0 : index
        %parallel_loop3A_158 = tpu.vector_load %arg17[%parallel_loop3A_156, %parallel_loop3A_157] {strides = array<i32>} : memref<2x128xf32, #tpu.memory_space<vmem>>, vector<16xf32>,
        %parallel_loop3A_159 = arith.addf %parallel_loop3A_155, %parallel_loop3A_158 : vector<16xf32>
        %parallel_loop3A_160 = arith.index_cast %parallel_loop3A_128 : i32 to index
        %parallel_loop3A_161 = arith.constant 0 : index
        %parallel_loop3A_162 = tpu.vector_load %arg16[%parallel_loop3A_160, %parallel_loop3A_161] {strides = array<i32>} : memref<128x128xf32, #tpu.memory_space<vmem>>, vector<16xf32>,
        tpu.vector_store %arg16[%parallel_loop3A_160, %parallel_loop3A_161], %parallel_loop3A_159 {strides = array<i32>} : memref<128x128xf32, #tpu.memory_space<vmem>>, vector<16xf32>,
        %parallel_loop3A_163 = arith.index_cast %parallel_loop3A_128 : i32 to index
        %parallel_loop3A_164 = arith.constant 16 : index
        %parallel_loop3A_165 = tpu.vector_load %arg16[%parallel_loop3A_163, %parallel_loop3A_164] {strides = array<i32>} : memref<128x128xf32, #tpu.memory_space<vmem>>, vector<16xf32>,
        %parallel_loop3A_166 = arith.mulf %parallel_loop3A_165, %parallel_loop3A_137 : vector<16xf32>
        %parallel_loop3A_167 = arith.index_cast %parallel_loop3A_128 : i32 to index
        %parallel_loop3A_168 = arith.constant 16 : index
        %parallel_loop3A_169 = tpu.vector_load %arg15[%parallel_loop3A_167, %parallel_loop3A_168] {strides = array<i32>} : memref<128x128xf32, #tpu.memory_space<vmem>>, vector<16xf32>,
        %parallel_loop3A_170 = arith.addf %parallel_loop3A_166, %parallel_loop3A_169 : vector<16xf32>
        %parallel_loop3A_171 = arith.index_cast %arg0 : i32 to index
        %parallel_loop3A_172 = arith.constant 16 : index
        %parallel_loop3A_173 = tpu.vector_load %arg17[%parallel_loop3A_171, %parallel_loop3A_172] {strides = array<i32>} : memref<2x128xf32, #tpu.memory_space<vmem>>, vector<16xf32>,
        %parallel_loop3A_174 = arith.addf %parallel_loop3A_170, %parallel_loop3A_173 : vector<16xf32>
        %parallel_loop3A_175 = arith.index_cast %parallel_loop3A_128 : i32 to index
        %parallel_loop3A_176 = arith.constant 16 : index
        %parallel_loop3A_177 = tpu.vector_load %arg16[%parallel_loop3A_175, %parallel_loop3A_176] {strides = array<i32>} : memref<128x128xf32, #tpu.memory_space<vmem>>, vector<16xf32>,
        tpu.vector_store %arg16[%parallel_loop3A_175, %parallel_loop3A_176], %parallel_loop3A_174 {strides = array<i32>} : memref<128x128xf32, #tpu.memory_space<vmem>>, vector<16xf32>,
        %parallel_loop3A_178 = arith.index_cast %parallel_loop3A_128 : i32 to index
        %parallel_loop3A_179 = arith.constant 32 : index
        %parallel_loop3A_180 = tpu.vector_load %arg16[%parallel_loop3A_178, %parallel_loop3A_179] {strides = array<i32>} : memref<128x128xf32, #tpu.memory_space<vmem>>, vector<16xf32>,
        %parallel_loop3A_181 = arith.mulf %parallel_loop3A_180, %parallel_loop3A_137 : vector<16xf32>
        %parallel_loop3A_182 = arith.index_cast %parallel_loop3A_128 : i32 to index
        %parallel_loop3A_183 = arith.constant 32 : index
        %parallel_loop3A_184 = tpu.vector_load %arg15[%parallel_loop3A_182, %parallel_loop3A_183] {strides = array<i32>} : memref<128x128xf32, #tpu.memory_space<vmem>>, vector<16xf32>,
        %parallel_loop3A_185 = arith.addf %parallel_loop3A_181, %parallel_loop3A_184 : vector<16xf32>
        %parallel_loop3A_186 = arith.index_cast %arg0 : i32 to index
        %parallel_loop3A_187 = arith.constant 32 : index
        %parallel_loop3A_188 = tpu.vector_load %arg17[%parallel_loop3A_186, %parallel_loop3A_187] {strides = array<i32>} : memref<2x128xf32, #tpu.memory_space<vmem>>, vector<16xf32>,
        %parallel_loop3A_189 = arith.addf %parallel_loop3A_185, %parallel_loop3A_188 : vector<16xf32>
        %parallel_loop3A_190 = arith.index_cast %parallel_loop3A_128 : i32 to index
        %parallel_loop3A_191 = arith.constant 32 : index
        %parallel_loop3A_192 = tpu.vector_load %arg16[%parallel_loop3A_190, %parallel_loop3A_191] {strides = array<i32>} : memref<128x128xf32, #tpu.memory_space<vmem>>, vector<16xf32>,
        tpu.vector_store %arg16[%parallel_loop3A_190, %parallel_loop3A_191], %parallel_loop3A_189 {strides = array<i32>} : memref<128x128xf32, #tpu.memory_space<vmem>>, vector<16xf32>,
        %parallel_loop3A_193 = arith.index_cast %parallel_loop3A_128 : i32 to index
        %parallel_loop3A_194 = arith.constant 48 : index
        %parallel_loop3A_195 = tpu.vector_load %arg16[%parallel_loop3A_193, %parallel_loop3A_194] {strides = array<i32>} : memref<128x128xf32, #tpu.memory_space<vmem>>, vector<16xf32>,
        %parallel_loop3A_196 = arith.mulf %parallel_loop3A_195, %parallel_loop3A_137 : vector<16xf32>
        %parallel_loop3A_197 = arith.index_cast %parallel_loop3A_128 : i32 to index
        %parallel_loop3A_198 = arith.constant 48 : index
        %parallel_loop3A_199 = tpu.vector_load %arg15[%parallel_loop3A_197, %parallel_loop3A_198] {strides = array<i32>} : memref<128x128xf32, #tpu.memory_space<vmem>>, vector<16xf32>,
        %parallel_loop3A_200 = arith.addf %parallel_loop3A_196, %parallel_loop3A_199 : vector<16xf32>
        %parallel_loop3A_201 = arith.index_cast %arg0 : i32 to index
        %parallel_loop3A_202 = arith.constant 48 : index
        %parallel_loop3A_203 = tpu.vector_load %arg17[%parallel_loop3A_201, %parallel_loop3A_202] {strides = array<i32>} : memref<2x128xf32, #tpu.memory_space<vmem>>, vector<16xf32>,
        %parallel_loop3A_204 = arith.addf %parallel_loop3A_200, %parallel_loop3A_203 : vector<16xf32>
        %parallel_loop3A_205 = arith.index_cast %parallel_loop3A_128 : i32 to index
        %parallel_loop3A_206 = arith.constant 48 : index
        %parallel_loop3A_207 = tpu.vector_load %arg16[%parallel_loop3A_205, %parallel_loop3A_206] {strides = array<i32>} : memref<128x128xf32, #tpu.memory_space<vmem>>, vector<16xf32>,
        tpu.vector_store %arg16[%parallel_loop3A_205, %parallel_loop3A_206], %parallel_loop3A_204 {strides = array<i32>} : memref<128x128xf32, #tpu.memory_space<vmem>>, vector<16xf32>,
        %parallel_loop3A_208 = arith.index_cast %parallel_loop3A_128 : i32 to index
        %parallel_loop3A_209 = arith.constant 64 : index
        %parallel_loop3A_210 = tpu.vector_load %arg16[%parallel_loop3A_208, %parallel_loop3A_209] {strides = array<i32>} : memref<128x128xf32, #tpu.memory_space<vmem>>, vector<16xf32>,
        %parallel_loop3A_211 = arith.mulf %parallel_loop3A_210, %parallel_loop3A_147 : vector<16xf32>
        %parallel_loop3A_212 = arith.index_cast %parallel_loop3A_128 : i32 to index
        %parallel_loop3A_213 = arith.constant 64 : index
        %parallel_loop3A_214 = tpu.vector_load %arg15[%parallel_loop3A_212, %parallel_loop3A_213] {strides = array<i32>} : memref<128x128xf32, #tpu.memory_space<vmem>>, vector<16xf32>,
        %parallel_loop3A_215 = arith.addf %parallel_loop3A_211, %parallel_loop3A_214 : vector<16xf32>
        %parallel_loop3A_216 = arith.index_cast %arg0 : i32 to index
        %parallel_loop3A_217 = arith.constant 64 : index
        %parallel_loop3A_218 = tpu.vector_load %arg17[%parallel_loop3A_216, %parallel_loop3A_217] {strides = array<i32>} : memref<2x128xf32, #tpu.memory_space<vmem>>, vector<16xf32>,
        %parallel_loop3A_219 = arith.addf %parallel_loop3A_215, %parallel_loop3A_218 : vector<16xf32>
        %parallel_loop3A_220 = arith.index_cast %parallel_loop3A_128 : i32 to index
        %parallel_loop3A_221 = arith.constant 64 : index
        %parallel_loop3A_222 = tpu.vector_load %arg16[%parallel_loop3A_220, %parallel_loop3A_221] {strides = array<i32>} : memref<128x128xf32, #tpu.memory_space<vmem>>, vector<16xf32>,
        tpu.vector_store %arg16[%parallel_loop3A_220, %parallel_loop3A_221], %parallel_loop3A_219 {strides = array<i32>} : memref<128x128xf32, #tpu.memory_space<vmem>>, vector<16xf32>,
        %parallel_loop3A_223 = arith.index_cast %parallel_loop3A_128 : i32 to index
        %parallel_loop3A_224 = arith.constant 80 : index
        %parallel_loop3A_225 = tpu.vector_load %arg16[%parallel_loop3A_223, %parallel_loop3A_224] {strides = array<i32>} : memref<128x128xf32, #tpu.memory_space<vmem>>, vector<16xf32>,
        %parallel_loop3A_226 = arith.mulf %parallel_loop3A_225, %parallel_loop3A_147 : vector<16xf32>
        %parallel_loop3A_227 = arith.index_cast %parallel_loop3A_128 : i32 to index
        %parallel_loop3A_228 = arith.constant 80 : index
        %parallel_loop3A_229 = tpu.vector_load %arg15[%parallel_loop3A_227, %parallel_loop3A_228] {strides = array<i32>} : memref<128x128xf32, #tpu.memory_space<vmem>>, vector<16xf32>,
        %parallel_loop3A_230 = arith.addf %parallel_loop3A_226, %parallel_loop3A_229 : vector<16xf32>
        %parallel_loop3A_231 = arith.index_cast %arg0 : i32 to index
        %parallel_loop3A_232 = arith.constant 80 : index
        %parallel_loop3A_233 = tpu.vector_load %arg17[%parallel_loop3A_231, %parallel_loop3A_232] {strides = array<i32>} : memref<2x128xf32, #tpu.memory_space<vmem>>, vector<16xf32>,
        %parallel_loop3A_234 = arith.addf %parallel_loop3A_230, %parallel_loop3A_233 : vector<16xf32>
        %parallel_loop3A_235 = arith.index_cast %parallel_loop3A_128 : i32 to index
        %parallel_loop3A_236 = arith.constant 80 : index
        %parallel_loop3A_237 = tpu.vector_load %arg16[%parallel_loop3A_235, %parallel_loop3A_236] {strides = array<i32>} : memref<128x128xf32, #tpu.memory_space<vmem>>, vector<16xf32>,
        tpu.vector_store %arg16[%parallel_loop3A_235, %parallel_loop3A_236], %parallel_loop3A_234 {strides = array<i32>} : memref<128x128xf32, #tpu.memory_space<vmem>>, vector<16xf32>,
        %parallel_loop3A_238 = arith.index_cast %parallel_loop3A_128 : i32 to index
        %parallel_loop3A_239 = arith.constant 96 : index
        %parallel_loop3A_240 = tpu.vector_load %arg16[%parallel_loop3A_238, %parallel_loop3A_239] {strides = array<i32>} : memref<128x128xf32, #tpu.memory_space<vmem>>, vector<16xf32>,
        %parallel_loop3A_241 = arith.mulf %parallel_loop3A_240, %parallel_loop3A_147 : vector<16xf32>
        %parallel_loop3A_242 = arith.index_cast %parallel_loop3A_128 : i32 to index
        %parallel_loop3A_243 = arith.constant 96 : index
        %parallel_loop3A_244 = tpu.vector_load %arg15[%parallel_loop3A_242, %parallel_loop3A_243] {strides = array<i32>} : memref<128x128xf32, #tpu.memory_space<vmem>>, vector<16xf32>,
        %parallel_loop3A_245 = arith.addf %parallel_loop3A_241, %parallel_loop3A_244 : vector<16xf32>
        %parallel_loop3A_246 = arith.index_cast %arg0 : i32 to index
        %parallel_loop3A_247 = arith.constant 96 : index
        %parallel_loop3A_248 = tpu.vector_load %arg17[%parallel_loop3A_246, %parallel_loop3A_247] {strides = array<i32>} : memref<2x128xf32, #tpu.memory_space<vmem>>, vector<16xf32>,
        %parallel_loop3A_249 = arith.addf %parallel_loop3A_245, %parallel_loop3A_248 : vector<16xf32>
        %parallel_loop3A_250 = arith.index_cast %parallel_loop3A_128 : i32 to index
        %parallel_loop3A_251 = arith.constant 96 : index
        %parallel_loop3A_252 = tpu.vector_load %arg16[%parallel_loop3A_250, %parallel_loop3A_251] {strides = array<i32>} : memref<128x128xf32, #tpu.memory_space<vmem>>, vector<16xf32>,
        tpu.vector_store %arg16[%parallel_loop3A_250, %parallel_loop3A_251], %parallel_loop3A_249 {strides = array<i32>} : memref<128x128xf32, #tpu.memory_space<vmem>>, vector<16xf32>,
        %parallel_loop3A_253 = arith.index_cast %parallel_loop3A_128 : i32 to index
        %parallel_loop3A_254 = arith.constant 112 : index
        %parallel_loop3A_255 = tpu.vector_load %arg16[%parallel_loop3A_253, %parallel_loop3A_254] {strides = array<i32>} : memref<128x128xf32, #tpu.memory_space<vmem>>, vector<16xf32>,
        %parallel_loop3A_256 = arith.mulf %parallel_loop3A_255, %parallel_loop3A_147 : vector<16xf32>
        %parallel_loop3A_257 = arith.index_cast %parallel_loop3A_128 : i32 to index
        %parallel_loop3A_258 = arith.constant 112 : index
        %parallel_loop3A_259 = tpu.vector_load %arg15[%parallel_loop3A_257, %parallel_loop3A_258] {strides = array<i32>} : memref<128x128xf32, #tpu.memory_space<vmem>>, vector<16xf32>,
        %parallel_loop3A_260 = arith.addf %parallel_loop3A_256, %parallel_loop3A_259 : vector<16xf32>
        %parallel_loop3A_261 = arith.index_cast %arg0 : i32 to index
        %parallel_loop3A_262 = arith.constant 112 : index
        %parallel_loop3A_263 = tpu.vector_load %arg17[%parallel_loop3A_261, %parallel_loop3A_262] {strides = array<i32>} : memref<2x128xf32, #tpu.memory_space<vmem>>, vector<16xf32>,
        %parallel_loop3A_264 = arith.addf %parallel_loop3A_260, %parallel_loop3A_263 : vector<16xf32>
        %parallel_loop3A_265 = arith.index_cast %parallel_loop3A_128 : i32 to index
        %parallel_loop3A_266 = arith.constant 112 : index
        %parallel_loop3A_267 = tpu.vector_load %arg16[%parallel_loop3A_265, %parallel_loop3A_266] {strides = array<i32>} : memref<128x128xf32, #tpu.memory_space<vmem>>, vector<16xf32>,
        tpu.vector_store %arg16[%parallel_loop3A_265, %parallel_loop3A_266], %parallel_loop3A_264 {strides = array<i32>} : memref<128x128xf32, #tpu.memory_space<vmem>>, vector<16xf32>,
      } {sc.loop_unroll_factor = 4 : i64, sc.parallel_access}
      %add3A_127 = arith.addi %mul3A_60, %multiple_of3A_73 : i32
      "tpu.region"() ({
        %run_scoped3A = tpu.sem_alloc : memref<!tpu.dma_semaphore, #tpu.memory_space<semaphore_mem>>
        %dma_start3A = arith.constant 0 : i32
        %dma_start3A_128 = tpu.memref_slice %arg8[%add3A_127, %dma_start3A] : memref<20000x128xf32, #tpu.memory_space<hbm>> -> memref<128x128xf32, #tpu.memory_space<hbm>>
        %dma_start3A_129 = arith.constant 0 : i32
        %dma_start3A_130 = tpu.memref_slice %arg8[%add3A_127, %dma_start3A_129] : memref<20000x128xf32, #tpu.memory_space<hbm>> -> memref<128x128xf32, #tpu.memory_space<hbm>>
        tpu.enqueue_dma source(%arg16 : memref<128x128xf32, #tpu.memory_space<vmem>>) target(%dma_start3A_130 : memref<128x128xf32, #tpu.memory_space<hbm>>) target_semaphore(%run_scoped3A : memref<!tpu.dma_semaphore, #tpu.memory_space<semaphore_mem>>)
        %dma_wait3A = arith.constant 0 : i32
        %dma_wait3A_131 = tpu.memref_slice %arg8[%add3A_127, %dma_wait3A] : memref<20000x128xf32, #tpu.memory_space<hbm>> -> memref<128x128xf32, #tpu.memory_space<hbm>>
        %dma_wait3A_132 = arith.constant 0 : i32
        %dma_wait3A_133 = tpu.memref_slice %arg8[%add3A_127, %dma_wait3A_132] : memref<20000x128xf32, #tpu.memory_space<hbm>> -> memref<128x128xf32, #tpu.memory_space<hbm>>
        tpu.wait_dma2 semaphore(%run_scoped3A : memref<!tpu.dma_semaphore, #tpu.memory_space<semaphore_mem>>) src(%arg16 : memref<128x128xf32, #tpu.memory_space<vmem>>) dst(%dma_wait3A_133 : memref<128x128xf32, #tpu.memory_space<hbm>>)
        tpu.yield
      }) : () -> ()
    } else {
    }
    %add3A_79 = arith.constant 16 : i32
    %add3A_80 = arith.addi %arg1, %add3A_79 : i32
    %mul3A_81 = arith.constant 128 : i32
    %mul3A_82 = arith.muli %add3A_80, %mul3A_81 : i32
    %multiple_of3A_83 = tpu.assume_multiple %mul3A_82, 128 : i32
    %lt3A_84 = arith.constant 78 : i32
    %lt3A_85 = arith.cmpi slt, %add3A_80, %lt3A_84 : i32
    %convert_element_type3A_86 = arith.extui %lt3A_85 : i1 to i32
    %cond3A_87 = arith.constant 0 : i32
    %cond3A_88 = arith.cmpi ne, %convert_element_type3A_86, %cond3A_87 : i32
    scf.if %cond3A_88 {
      "tpu.region"() ({
        %run_scoped3A = tpu.sem_alloc : memref<!tpu.dma_semaphore, #tpu.memory_space<semaphore_mem>>
        %dma_start3A = arith.constant 0 : i32
        %dma_start3A_128 = tpu.memref_slice %arg18[%multiple_of3A_83, %dma_start3A] : memref<10000x128xf32, #tpu.memory_space<vmem_shared>> -> memref<128x128xf32, #tpu.memory_space<vmem_shared>>
        %dma_start3A_129 = arith.constant 0 : i32
        %dma_start3A_130 = tpu.memref_slice %arg18[%multiple_of3A_83, %dma_start3A_129] : memref<10000x128xf32, #tpu.memory_space<vmem_shared>> -> memref<128x128xf32, #tpu.memory_space<vmem_shared>>
        tpu.enqueue_dma source(%dma_start3A_130 : memref<128x128xf32, #tpu.memory_space<vmem_shared>>) target(%arg16 : memref<128x128xf32, #tpu.memory_space<vmem>>) target_semaphore(%run_scoped3A : memref<!tpu.dma_semaphore, #tpu.memory_space<semaphore_mem>>)
        %dma_wait3A = arith.constant 0 : i32
        %dma_wait3A_131 = tpu.memref_slice %arg18[%multiple_of3A_83, %dma_wait3A] : memref<10000x128xf32, #tpu.memory_space<vmem_shared>> -> memref<128x128xf32, #tpu.memory_space<vmem_shared>>
        %dma_wait3A_132 = arith.constant 0 : i32
        %dma_wait3A_133 = tpu.memref_slice %arg18[%multiple_of3A_83, %dma_wait3A_132] : memref<10000x128xf32, #tpu.memory_space<vmem_shared>> -> memref<128x128xf32, #tpu.memory_space<vmem_shared>>
        tpu.wait_dma2 semaphore(%run_scoped3A : memref<!tpu.dma_semaphore, #tpu.memory_space<semaphore_mem>>) src(%dma_wait3A_133 : memref<128x128xf32, #tpu.memory_space<vmem_shared>>) dst(%arg16 : memref<128x128xf32, #tpu.memory_space<vmem>>)
        tpu.yield
      }) : () -> ()
      "tpu.region"() ({
        %run_scoped3A = tpu.sem_alloc : memref<!tpu.dma_semaphore, #tpu.memory_space<semaphore_mem>>
        %dma_start3A = arith.constant 0 : i32
        %dma_start3A_128 = tpu.memref_slice %arg19[%multiple_of3A_83, %dma_start3A] : memref<10000x16xf32, #tpu.memory_space<vmem_shared>> -> memref<128x16xf32, #tpu.memory_space<vmem_shared>>
        %dma_start3A_129 = arith.constant 0 : i32
        %dma_start3A_130 = tpu.memref_slice %arg19[%multiple_of3A_83, %dma_start3A_129] : memref<10000x16xf32, #tpu.memory_space<vmem_shared>> -> memref<128x16xf32, #tpu.memory_space<vmem_shared>>
        tpu.enqueue_dma source(%dma_start3A_130 : memref<128x16xf32, #tpu.memory_space<vmem_shared>>) target(%arg14 : memref<128x16xf32, #tpu.memory_space<vmem>>) target_semaphore(%run_scoped3A : memref<!tpu.dma_semaphore, #tpu.memory_space<semaphore_mem>>)
        %dma_wait3A = arith.constant 0 : i32
        %dma_wait3A_131 = tpu.memref_slice %arg19[%multiple_of3A_83, %dma_wait3A] : memref<10000x16xf32, #tpu.memory_space<vmem_shared>> -> memref<128x16xf32, #tpu.memory_space<vmem_shared>>
        %dma_wait3A_132 = arith.constant 0 : i32
        %dma_wait3A_133 = tpu.memref_slice %arg19[%multiple_of3A_83, %dma_wait3A_132] : memref<10000x16xf32, #tpu.memory_space<vmem_shared>> -> memref<128x16xf32, #tpu.memory_space<vmem_shared>>
        tpu.wait_dma2 semaphore(%run_scoped3A : memref<!tpu.dma_semaphore, #tpu.memory_space<semaphore_mem>>) src(%dma_wait3A_133 : memref<128x16xf32, #tpu.memory_space<vmem_shared>>) dst(%arg14 : memref<128x16xf32, #tpu.memory_space<vmem>>)
        tpu.yield
      }) : () -> ()
      %add3A_124 = arith.addi %mul3A_60, %multiple_of3A_83 : i32
      "tpu.region"() ({
        %run_scoped3A = tpu.sem_alloc : memref<!tpu.dma_semaphore, #tpu.memory_space<semaphore_mem>>
        %dma_start3A = arith.constant 0 : i32
        %dma_start3A_128 = tpu.memref_slice %arg4[%add3A_124, %dma_start3A] : memref<20000x128xf32, #tpu.memory_space<hbm>> -> memref<128x128xf32, #tpu.memory_space<hbm>>
        %dma_start3A_129 = arith.constant 0 : i32
        %dma_start3A_130 = tpu.memref_slice %arg4[%add3A_124, %dma_start3A_129] : memref<20000x128xf32, #tpu.memory_space<hbm>> -> memref<128x128xf32, #tpu.memory_space<hbm>>
        tpu.enqueue_dma source(%dma_start3A_130 : memref<128x128xf32, #tpu.memory_space<hbm>>) target(%arg15 : memref<128x128xf32, #tpu.memory_space<vmem>>) target_semaphore(%run_scoped3A : memref<!tpu.dma_semaphore, #tpu.memory_space<semaphore_mem>>)
        %dma_wait3A = arith.constant 0 : i32
        %dma_wait3A_131 = tpu.memref_slice %arg4[%add3A_124, %dma_wait3A] : memref<20000x128xf32, #tpu.memory_space<hbm>> -> memref<128x128xf32, #tpu.memory_space<hbm>>
        %dma_wait3A_132 = arith.constant 0 : i32
        %dma_wait3A_133 = tpu.memref_slice %arg4[%add3A_124, %dma_wait3A_132] : memref<20000x128xf32, #tpu.memory_space<hbm>> -> memref<128x128xf32, #tpu.memory_space<hbm>>
        tpu.wait_dma2 semaphore(%run_scoped3A : memref<!tpu.dma_semaphore, #tpu.memory_space<semaphore_mem>>) src(%dma_wait3A_133 : memref<128x128xf32, #tpu.memory_space<hbm>>) dst(%arg15 : memref<128x128xf32, #tpu.memory_space<vmem>>)
        tpu.yield
      }) : () -> ()
      %parallel_loop3A = arith.constant 0 : i32
      %parallel_loop3A_125 = arith.constant 128 : i32
      %parallel_loop3A_126 = arith.constant 1 : i32
      scf.for %parallel_loop3A_128 = %parallel_loop3A to %parallel_loop3A_125 step %parallel_loop3A_126  : i32 {
        %parallel_loop3A_129 = vector.broadcast %parallel_loop3A_128 : i32 to vector<16xi32>
        %parallel_loop3A_130 = arith.addi %broadcast_in_dim3A_2, %parallel_loop3A_129 : vector<16xi32>
        %parallel_loop3A_131 = tpu.vector_load_idx %arg14[%parallel_loop3A_130, %broadcast_in_dim3A_2] : memref<128x16xf32, #tpu.memory_space<vmem>>[vector<16xi32>, vector<16xi32>], vector<16xf32>,
        %parallel_loop3A_132 = arith.constant 9.99999971E-10 : f32
        %parallel_loop3A_133 = vector.broadcast %parallel_loop3A_132 : f32 to vector<16xf32>
        %parallel_loop3A_134 = arith.maximumf %parallel_loop3A_131, %parallel_loop3A_133 : vector<16xf32>
        %parallel_loop3A_135 = arith.constant 1.000000e+00 : f32
        %parallel_loop3A_136 = vector.broadcast %parallel_loop3A_135 : f32 to vector<16xf32>
        %parallel_loop3A_137 = arith.divf %parallel_loop3A_136, %parallel_loop3A_134 : vector<16xf32>
        %parallel_loop3A_138 = arith.constant 1 : i32
        %parallel_loop3A_139 = vector.broadcast %parallel_loop3A_138 : i32 to vector<16xi32>
        %parallel_loop3A_140 = arith.addi %broadcast_in_dim3A_2, %parallel_loop3A_139 : vector<16xi32>
        %parallel_loop3A_141 = tpu.vector_load_idx %arg14[%parallel_loop3A_130, %parallel_loop3A_140] : memref<128x16xf32, #tpu.memory_space<vmem>>[vector<16xi32>, vector<16xi32>], vector<16xf32>,
        %parallel_loop3A_142 = arith.constant 9.99999971E-10 : f32
        %parallel_loop3A_143 = vector.broadcast %parallel_loop3A_142 : f32 to vector<16xf32>
        %parallel_loop3A_144 = arith.maximumf %parallel_loop3A_141, %parallel_loop3A_143 : vector<16xf32>
        %parallel_loop3A_145 = arith.constant 1.000000e+00 : f32
        %parallel_loop3A_146 = vector.broadcast %parallel_loop3A_145 : f32 to vector<16xf32>
        %parallel_loop3A_147 = arith.divf %parallel_loop3A_146, %parallel_loop3A_144 : vector<16xf32>
        %parallel_loop3A_148 = arith.index_cast %parallel_loop3A_128 : i32 to index
        %parallel_loop3A_149 = arith.constant 0 : index
        %parallel_loop3A_150 = tpu.vector_load %arg16[%parallel_loop3A_148, %parallel_loop3A_149] {strides = array<i32>} : memref<128x128xf32, #tpu.memory_space<vmem>>, vector<16xf32>,
        %parallel_loop3A_151 = arith.mulf %parallel_loop3A_150, %parallel_loop3A_137 : vector<16xf32>
        %parallel_loop3A_152 = arith.index_cast %parallel_loop3A_128 : i32 to index
        %parallel_loop3A_153 = arith.constant 0 : index
        %parallel_loop3A_154 = tpu.vector_load %arg15[%parallel_loop3A_152, %parallel_loop3A_153] {strides = array<i32>} : memref<128x128xf32, #tpu.memory_space<vmem>>, vector<16xf32>,
        %parallel_loop3A_155 = arith.addf %parallel_loop3A_151, %parallel_loop3A_154 : vector<16xf32>
        %parallel_loop3A_156 = arith.index_cast %arg0 : i32 to index
        %parallel_loop3A_157 = arith.constant 0 : index
        %parallel_loop3A_158 = tpu.vector_load %arg17[%parallel_loop3A_156, %parallel_loop3A_157] {strides = array<i32>} : memref<2x128xf32, #tpu.memory_space<vmem>>, vector<16xf32>,
        %parallel_loop3A_159 = arith.addf %parallel_loop3A_155, %parallel_loop3A_158 : vector<16xf32>
        %parallel_loop3A_160 = arith.index_cast %parallel_loop3A_128 : i32 to index
        %parallel_loop3A_161 = arith.constant 0 : index
        %parallel_loop3A_162 = tpu.vector_load %arg16[%parallel_loop3A_160, %parallel_loop3A_161] {strides = array<i32>} : memref<128x128xf32, #tpu.memory_space<vmem>>, vector<16xf32>,
        tpu.vector_store %arg16[%parallel_loop3A_160, %parallel_loop3A_161], %parallel_loop3A_159 {strides = array<i32>} : memref<128x128xf32, #tpu.memory_space<vmem>>, vector<16xf32>,
        %parallel_loop3A_163 = arith.index_cast %parallel_loop3A_128 : i32 to index
        %parallel_loop3A_164 = arith.constant 16 : index
        %parallel_loop3A_165 = tpu.vector_load %arg16[%parallel_loop3A_163, %parallel_loop3A_164] {strides = array<i32>} : memref<128x128xf32, #tpu.memory_space<vmem>>, vector<16xf32>,
        %parallel_loop3A_166 = arith.mulf %parallel_loop3A_165, %parallel_loop3A_137 : vector<16xf32>
        %parallel_loop3A_167 = arith.index_cast %parallel_loop3A_128 : i32 to index
        %parallel_loop3A_168 = arith.constant 16 : index
        %parallel_loop3A_169 = tpu.vector_load %arg15[%parallel_loop3A_167, %parallel_loop3A_168] {strides = array<i32>} : memref<128x128xf32, #tpu.memory_space<vmem>>, vector<16xf32>,
        %parallel_loop3A_170 = arith.addf %parallel_loop3A_166, %parallel_loop3A_169 : vector<16xf32>
        %parallel_loop3A_171 = arith.index_cast %arg0 : i32 to index
        %parallel_loop3A_172 = arith.constant 16 : index
        %parallel_loop3A_173 = tpu.vector_load %arg17[%parallel_loop3A_171, %parallel_loop3A_172] {strides = array<i32>} : memref<2x128xf32, #tpu.memory_space<vmem>>, vector<16xf32>,
        %parallel_loop3A_174 = arith.addf %parallel_loop3A_170, %parallel_loop3A_173 : vector<16xf32>
        %parallel_loop3A_175 = arith.index_cast %parallel_loop3A_128 : i32 to index
        %parallel_loop3A_176 = arith.constant 16 : index
        %parallel_loop3A_177 = tpu.vector_load %arg16[%parallel_loop3A_175, %parallel_loop3A_176] {strides = array<i32>} : memref<128x128xf32, #tpu.memory_space<vmem>>, vector<16xf32>,
        tpu.vector_store %arg16[%parallel_loop3A_175, %parallel_loop3A_176], %parallel_loop3A_174 {strides = array<i32>} : memref<128x128xf32, #tpu.memory_space<vmem>>, vector<16xf32>,
        %parallel_loop3A_178 = arith.index_cast %parallel_loop3A_128 : i32 to index
        %parallel_loop3A_179 = arith.constant 32 : index
        %parallel_loop3A_180 = tpu.vector_load %arg16[%parallel_loop3A_178, %parallel_loop3A_179] {strides = array<i32>} : memref<128x128xf32, #tpu.memory_space<vmem>>, vector<16xf32>,
        %parallel_loop3A_181 = arith.mulf %parallel_loop3A_180, %parallel_loop3A_137 : vector<16xf32>
        %parallel_loop3A_182 = arith.index_cast %parallel_loop3A_128 : i32 to index
        %parallel_loop3A_183 = arith.constant 32 : index
        %parallel_loop3A_184 = tpu.vector_load %arg15[%parallel_loop3A_182, %parallel_loop3A_183] {strides = array<i32>} : memref<128x128xf32, #tpu.memory_space<vmem>>, vector<16xf32>,
        %parallel_loop3A_185 = arith.addf %parallel_loop3A_181, %parallel_loop3A_184 : vector<16xf32>
        %parallel_loop3A_186 = arith.index_cast %arg0 : i32 to index
        %parallel_loop3A_187 = arith.constant 32 : index
        %parallel_loop3A_188 = tpu.vector_load %arg17[%parallel_loop3A_186, %parallel_loop3A_187] {strides = array<i32>} : memref<2x128xf32, #tpu.memory_space<vmem>>, vector<16xf32>,
        %parallel_loop3A_189 = arith.addf %parallel_loop3A_185, %parallel_loop3A_188 : vector<16xf32>
        %parallel_loop3A_190 = arith.index_cast %parallel_loop3A_128 : i32 to index
        %parallel_loop3A_191 = arith.constant 32 : index
        %parallel_loop3A_192 = tpu.vector_load %arg16[%parallel_loop3A_190, %parallel_loop3A_191] {strides = array<i32>} : memref<128x128xf32, #tpu.memory_space<vmem>>, vector<16xf32>,
        tpu.vector_store %arg16[%parallel_loop3A_190, %parallel_loop3A_191], %parallel_loop3A_189 {strides = array<i32>} : memref<128x128xf32, #tpu.memory_space<vmem>>, vector<16xf32>,
        %parallel_loop3A_193 = arith.index_cast %parallel_loop3A_128 : i32 to index
        %parallel_loop3A_194 = arith.constant 48 : index
        %parallel_loop3A_195 = tpu.vector_load %arg16[%parallel_loop3A_193, %parallel_loop3A_194] {strides = array<i32>} : memref<128x128xf32, #tpu.memory_space<vmem>>, vector<16xf32>,
        %parallel_loop3A_196 = arith.mulf %parallel_loop3A_195, %parallel_loop3A_137 : vector<16xf32>
        %parallel_loop3A_197 = arith.index_cast %parallel_loop3A_128 : i32 to index
        %parallel_loop3A_198 = arith.constant 48 : index
        %parallel_loop3A_199 = tpu.vector_load %arg15[%parallel_loop3A_197, %parallel_loop3A_198] {strides = array<i32>} : memref<128x128xf32, #tpu.memory_space<vmem>>, vector<16xf32>,
        %parallel_loop3A_200 = arith.addf %parallel_loop3A_196, %parallel_loop3A_199 : vector<16xf32>
        %parallel_loop3A_201 = arith.index_cast %arg0 : i32 to index
        %parallel_loop3A_202 = arith.constant 48 : index
        %parallel_loop3A_203 = tpu.vector_load %arg17[%parallel_loop3A_201, %parallel_loop3A_202] {strides = array<i32>} : memref<2x128xf32, #tpu.memory_space<vmem>>, vector<16xf32>,
        %parallel_loop3A_204 = arith.addf %parallel_loop3A_200, %parallel_loop3A_203 : vector<16xf32>
        %parallel_loop3A_205 = arith.index_cast %parallel_loop3A_128 : i32 to index
        %parallel_loop3A_206 = arith.constant 48 : index
        %parallel_loop3A_207 = tpu.vector_load %arg16[%parallel_loop3A_205, %parallel_loop3A_206] {strides = array<i32>} : memref<128x128xf32, #tpu.memory_space<vmem>>, vector<16xf32>,
        tpu.vector_store %arg16[%parallel_loop3A_205, %parallel_loop3A_206], %parallel_loop3A_204 {strides = array<i32>} : memref<128x128xf32, #tpu.memory_space<vmem>>, vector<16xf32>,
        %parallel_loop3A_208 = arith.index_cast %parallel_loop3A_128 : i32 to index
        %parallel_loop3A_209 = arith.constant 64 : index
        %parallel_loop3A_210 = tpu.vector_load %arg16[%parallel_loop3A_208, %parallel_loop3A_209] {strides = array<i32>} : memref<128x128xf32, #tpu.memory_space<vmem>>, vector<16xf32>,
        %parallel_loop3A_211 = arith.mulf %parallel_loop3A_210, %parallel_loop3A_147 : vector<16xf32>
        %parallel_loop3A_212 = arith.index_cast %parallel_loop3A_128 : i32 to index
        %parallel_loop3A_213 = arith.constant 64 : index
        %parallel_loop3A_214 = tpu.vector_load %arg15[%parallel_loop3A_212, %parallel_loop3A_213] {strides = array<i32>} : memref<128x128xf32, #tpu.memory_space<vmem>>, vector<16xf32>,
        %parallel_loop3A_215 = arith.addf %parallel_loop3A_211, %parallel_loop3A_214 : vector<16xf32>
        %parallel_loop3A_216 = arith.index_cast %arg0 : i32 to index
        %parallel_loop3A_217 = arith.constant 64 : index
        %parallel_loop3A_218 = tpu.vector_load %arg17[%parallel_loop3A_216, %parallel_loop3A_217] {strides = array<i32>} : memref<2x128xf32, #tpu.memory_space<vmem>>, vector<16xf32>,
        %parallel_loop3A_219 = arith.addf %parallel_loop3A_215, %parallel_loop3A_218 : vector<16xf32>
        %parallel_loop3A_220 = arith.index_cast %parallel_loop3A_128 : i32 to index
        %parallel_loop3A_221 = arith.constant 64 : index
        %parallel_loop3A_222 = tpu.vector_load %arg16[%parallel_loop3A_220, %parallel_loop3A_221] {strides = array<i32>} : memref<128x128xf32, #tpu.memory_space<vmem>>, vector<16xf32>,
        tpu.vector_store %arg16[%parallel_loop3A_220, %parallel_loop3A_221], %parallel_loop3A_219 {strides = array<i32>} : memref<128x128xf32, #tpu.memory_space<vmem>>, vector<16xf32>,
        %parallel_loop3A_223 = arith.index_cast %parallel_loop3A_128 : i32 to index
        %parallel_loop3A_224 = arith.constant 80 : index
        %parallel_loop3A_225 = tpu.vector_load %arg16[%parallel_loop3A_223, %parallel_loop3A_224] {strides = array<i32>} : memref<128x128xf32, #tpu.memory_space<vmem>>, vector<16xf32>,
        %parallel_loop3A_226 = arith.mulf %parallel_loop3A_225, %parallel_loop3A_147 : vector<16xf32>
        %parallel_loop3A_227 = arith.index_cast %parallel_loop3A_128 : i32 to index
        %parallel_loop3A_228 = arith.constant 80 : index
        %parallel_loop3A_229 = tpu.vector_load %arg15[%parallel_loop3A_227, %parallel_loop3A_228] {strides = array<i32>} : memref<128x128xf32, #tpu.memory_space<vmem>>, vector<16xf32>,
        %parallel_loop3A_230 = arith.addf %parallel_loop3A_226, %parallel_loop3A_229 : vector<16xf32>
        %parallel_loop3A_231 = arith.index_cast %arg0 : i32 to index
        %parallel_loop3A_232 = arith.constant 80 : index
        %parallel_loop3A_233 = tpu.vector_load %arg17[%parallel_loop3A_231, %parallel_loop3A_232] {strides = array<i32>} : memref<2x128xf32, #tpu.memory_space<vmem>>, vector<16xf32>,
        %parallel_loop3A_234 = arith.addf %parallel_loop3A_230, %parallel_loop3A_233 : vector<16xf32>
        %parallel_loop3A_235 = arith.index_cast %parallel_loop3A_128 : i32 to index
        %parallel_loop3A_236 = arith.constant 80 : index
        %parallel_loop3A_237 = tpu.vector_load %arg16[%parallel_loop3A_235, %parallel_loop3A_236] {strides = array<i32>} : memref<128x128xf32, #tpu.memory_space<vmem>>, vector<16xf32>,
        tpu.vector_store %arg16[%parallel_loop3A_235, %parallel_loop3A_236], %parallel_loop3A_234 {strides = array<i32>} : memref<128x128xf32, #tpu.memory_space<vmem>>, vector<16xf32>,
        %parallel_loop3A_238 = arith.index_cast %parallel_loop3A_128 : i32 to index
        %parallel_loop3A_239 = arith.constant 96 : index
        %parallel_loop3A_240 = tpu.vector_load %arg16[%parallel_loop3A_238, %parallel_loop3A_239] {strides = array<i32>} : memref<128x128xf32, #tpu.memory_space<vmem>>, vector<16xf32>,
        %parallel_loop3A_241 = arith.mulf %parallel_loop3A_240, %parallel_loop3A_147 : vector<16xf32>
        %parallel_loop3A_242 = arith.index_cast %parallel_loop3A_128 : i32 to index
        %parallel_loop3A_243 = arith.constant 96 : index
        %parallel_loop3A_244 = tpu.vector_load %arg15[%parallel_loop3A_242, %parallel_loop3A_243] {strides = array<i32>} : memref<128x128xf32, #tpu.memory_space<vmem>>, vector<16xf32>,
        %parallel_loop3A_245 = arith.addf %parallel_loop3A_241, %parallel_loop3A_244 : vector<16xf32>
        %parallel_loop3A_246 = arith.index_cast %arg0 : i32 to index
        %parallel_loop3A_247 = arith.constant 96 : index
        %parallel_loop3A_248 = tpu.vector_load %arg17[%parallel_loop3A_246, %parallel_loop3A_247] {strides = array<i32>} : memref<2x128xf32, #tpu.memory_space<vmem>>, vector<16xf32>,
        %parallel_loop3A_249 = arith.addf %parallel_loop3A_245, %parallel_loop3A_248 : vector<16xf32>
        %parallel_loop3A_250 = arith.index_cast %parallel_loop3A_128 : i32 to index
        %parallel_loop3A_251 = arith.constant 96 : index
        %parallel_loop3A_252 = tpu.vector_load %arg16[%parallel_loop3A_250, %parallel_loop3A_251] {strides = array<i32>} : memref<128x128xf32, #tpu.memory_space<vmem>>, vector<16xf32>,
        tpu.vector_store %arg16[%parallel_loop3A_250, %parallel_loop3A_251], %parallel_loop3A_249 {strides = array<i32>} : memref<128x128xf32, #tpu.memory_space<vmem>>, vector<16xf32>,
        %parallel_loop3A_253 = arith.index_cast %parallel_loop3A_128 : i32 to index
        %parallel_loop3A_254 = arith.constant 112 : index
        %parallel_loop3A_255 = tpu.vector_load %arg16[%parallel_loop3A_253, %parallel_loop3A_254] {strides = array<i32>} : memref<128x128xf32, #tpu.memory_space<vmem>>, vector<16xf32>,
        %parallel_loop3A_256 = arith.mulf %parallel_loop3A_255, %parallel_loop3A_147 : vector<16xf32>
        %parallel_loop3A_257 = arith.index_cast %parallel_loop3A_128 : i32 to index
        %parallel_loop3A_258 = arith.constant 112 : index
        %parallel_loop3A_259 = tpu.vector_load %arg15[%parallel_loop3A_257, %parallel_loop3A_258] {strides = array<i32>} : memref<128x128xf32, #tpu.memory_space<vmem>>, vector<16xf32>,
        %parallel_loop3A_260 = arith.addf %parallel_loop3A_256, %parallel_loop3A_259 : vector<16xf32>
        %parallel_loop3A_261 = arith.index_cast %arg0 : i32 to index
        %parallel_loop3A_262 = arith.constant 112 : index
        %parallel_loop3A_263 = tpu.vector_load %arg17[%parallel_loop3A_261, %parallel_loop3A_262] {strides = array<i32>} : memref<2x128xf32, #tpu.memory_space<vmem>>, vector<16xf32>,
        %parallel_loop3A_264 = arith.addf %parallel_loop3A_260, %parallel_loop3A_263 : vector<16xf32>
        %parallel_loop3A_265 = arith.index_cast %parallel_loop3A_128 : i32 to index
        %parallel_loop3A_266 = arith.constant 112 : index
        %parallel_loop3A_267 = tpu.vector_load %arg16[%parallel_loop3A_265, %parallel_loop3A_266] {strides = array<i32>} : memref<128x128xf32, #tpu.memory_space<vmem>>, vector<16xf32>,
        tpu.vector_store %arg16[%parallel_loop3A_265, %parallel_loop3A_266], %parallel_loop3A_264 {strides = array<i32>} : memref<128x128xf32, #tpu.memory_space<vmem>>, vector<16xf32>,
      } {sc.loop_unroll_factor = 4 : i64, sc.parallel_access}
      %add3A_127 = arith.addi %mul3A_60, %multiple_of3A_83 : i32
      "tpu.region"() ({
        %run_scoped3A = tpu.sem_alloc : memref<!tpu.dma_semaphore, #tpu.memory_space<semaphore_mem>>
        %dma_start3A = arith.constant 0 : i32
        %dma_start3A_128 = tpu.memref_slice %arg8[%add3A_127, %dma_start3A] : memref<20000x128xf32, #tpu.memory_space<hbm>> -> memref<128x128xf32, #tpu.memory_space<hbm>>
        %dma_start3A_129 = arith.constant 0 : i32
        %dma_start3A_130 = tpu.memref_slice %arg8[%add3A_127, %dma_start3A_129] : memref<20000x128xf32, #tpu.memory_space<hbm>> -> memref<128x128xf32, #tpu.memory_space<hbm>>
        tpu.enqueue_dma source(%arg16 : memref<128x128xf32, #tpu.memory_space<vmem>>) target(%dma_start3A_130 : memref<128x128xf32, #tpu.memory_space<hbm>>) target_semaphore(%run_scoped3A : memref<!tpu.dma_semaphore, #tpu.memory_space<semaphore_mem>>)
        %dma_wait3A = arith.constant 0 : i32
        %dma_wait3A_131 = tpu.memref_slice %arg8[%add3A_127, %dma_wait3A] : memref<20000x128xf32, #tpu.memory_space<hbm>> -> memref<128x128xf32, #tpu.memory_space<hbm>>
        %dma_wait3A_132 = arith.constant 0 : i32
        %dma_wait3A_133 = tpu.memref_slice %arg8[%add3A_127, %dma_wait3A_132] : memref<20000x128xf32, #tpu.memory_space<hbm>> -> memref<128x128xf32, #tpu.memory_space<hbm>>
        tpu.wait_dma2 semaphore(%run_scoped3A : memref<!tpu.dma_semaphore, #tpu.memory_space<semaphore_mem>>) src(%arg16 : memref<128x128xf32, #tpu.memory_space<vmem>>) dst(%dma_wait3A_133 : memref<128x128xf32, #tpu.memory_space<hbm>>)
        tpu.yield
      }) : () -> ()
    } else {
    }
    %add3A_89 = arith.constant 32 : i32
    %add3A_90 = arith.addi %arg1, %add3A_89 : i32
    %mul3A_91 = arith.constant 128 : i32
    %mul3A_92 = arith.muli %add3A_90, %mul3A_91 : i32
    %multiple_of3A_93 = tpu.assume_multiple %mul3A_92, 128 : i32
    %lt3A_94 = arith.constant 78 : i32
    %lt3A_95 = arith.cmpi slt, %add3A_90, %lt3A_94 : i32
    %convert_element_type3A_96 = arith.extui %lt3A_95 : i1 to i32
    %cond3A_97 = arith.constant 0 : i32
    %cond3A_98 = arith.cmpi ne, %convert_element_type3A_96, %cond3A_97 : i32
    scf.if %cond3A_98 {
      "tpu.region"() ({
        %run_scoped3A = tpu.sem_alloc : memref<!tpu.dma_semaphore, #tpu.memory_space<semaphore_mem>>
        %dma_start3A = arith.constant 0 : i32
        %dma_start3A_128 = tpu.memref_slice %arg18[%multiple_of3A_93, %dma_start3A] : memref<10000x128xf32, #tpu.memory_space<vmem_shared>> -> memref<128x128xf32, #tpu.memory_space<vmem_shared>>
        %dma_start3A_129 = arith.constant 0 : i32
        %dma_start3A_130 = tpu.memref_slice %arg18[%multiple_of3A_93, %dma_start3A_129] : memref<10000x128xf32, #tpu.memory_space<vmem_shared>> -> memref<128x128xf32, #tpu.memory_space<vmem_shared>>
        tpu.enqueue_dma source(%dma_start3A_130 : memref<128x128xf32, #tpu.memory_space<vmem_shared>>) target(%arg16 : memref<128x128xf32, #tpu.memory_space<vmem>>) target_semaphore(%run_scoped3A : memref<!tpu.dma_semaphore, #tpu.memory_space<semaphore_mem>>)
        %dma_wait3A = arith.constant 0 : i32
        %dma_wait3A_131 = tpu.memref_slice %arg18[%multiple_of3A_93, %dma_wait3A] : memref<10000x128xf32, #tpu.memory_space<vmem_shared>> -> memref<128x128xf32, #tpu.memory_space<vmem_shared>>
        %dma_wait3A_132 = arith.constant 0 : i32
        %dma_wait3A_133 = tpu.memref_slice %arg18[%multiple_of3A_93, %dma_wait3A_132] : memref<10000x128xf32, #tpu.memory_space<vmem_shared>> -> memref<128x128xf32, #tpu.memory_space<vmem_shared>>
        tpu.wait_dma2 semaphore(%run_scoped3A : memref<!tpu.dma_semaphore, #tpu.memory_space<semaphore_mem>>) src(%dma_wait3A_133 : memref<128x128xf32, #tpu.memory_space<vmem_shared>>) dst(%arg16 : memref<128x128xf32, #tpu.memory_space<vmem>>)
        tpu.yield
      }) : () -> ()
      "tpu.region"() ({
        %run_scoped3A = tpu.sem_alloc : memref<!tpu.dma_semaphore, #tpu.memory_space<semaphore_mem>>
        %dma_start3A = arith.constant 0 : i32
        %dma_start3A_128 = tpu.memref_slice %arg19[%multiple_of3A_93, %dma_start3A] : memref<10000x16xf32, #tpu.memory_space<vmem_shared>> -> memref<128x16xf32, #tpu.memory_space<vmem_shared>>
        %dma_start3A_129 = arith.constant 0 : i32
        %dma_start3A_130 = tpu.memref_slice %arg19[%multiple_of3A_93, %dma_start3A_129] : memref<10000x16xf32, #tpu.memory_space<vmem_shared>> -> memref<128x16xf32, #tpu.memory_space<vmem_shared>>
        tpu.enqueue_dma source(%dma_start3A_130 : memref<128x16xf32, #tpu.memory_space<vmem_shared>>) target(%arg14 : memref<128x16xf32, #tpu.memory_space<vmem>>) target_semaphore(%run_scoped3A : memref<!tpu.dma_semaphore, #tpu.memory_space<semaphore_mem>>)
        %dma_wait3A = arith.constant 0 : i32
        %dma_wait3A_131 = tpu.memref_slice %arg19[%multiple_of3A_93, %dma_wait3A] : memref<10000x16xf32, #tpu.memory_space<vmem_shared>> -> memref<128x16xf32, #tpu.memory_space<vmem_shared>>
        %dma_wait3A_132 = arith.constant 0 : i32
        %dma_wait3A_133 = tpu.memref_slice %arg19[%multiple_of3A_93, %dma_wait3A_132] : memref<10000x16xf32, #tpu.memory_space<vmem_shared>> -> memref<128x16xf32, #tpu.memory_space<vmem_shared>>
        tpu.wait_dma2 semaphore(%run_scoped3A : memref<!tpu.dma_semaphore, #tpu.memory_space<semaphore_mem>>) src(%dma_wait3A_133 : memref<128x16xf32, #tpu.memory_space<vmem_shared>>) dst(%arg14 : memref<128x16xf32, #tpu.memory_space<vmem>>)
        tpu.yield
      }) : () -> ()
      %add3A_124 = arith.addi %mul3A_60, %multiple_of3A_93 : i32
      "tpu.region"() ({
        %run_scoped3A = tpu.sem_alloc : memref<!tpu.dma_semaphore, #tpu.memory_space<semaphore_mem>>
        %dma_start3A = arith.constant 0 : i32
        %dma_start3A_128 = tpu.memref_slice %arg4[%add3A_124, %dma_start3A] : memref<20000x128xf32, #tpu.memory_space<hbm>> -> memref<128x128xf32, #tpu.memory_space<hbm>>
        %dma_start3A_129 = arith.constant 0 : i32
        %dma_start3A_130 = tpu.memref_slice %arg4[%add3A_124, %dma_start3A_129] : memref<20000x128xf32, #tpu.memory_space<hbm>> -> memref<128x128xf32, #tpu.memory_space<hbm>>
        tpu.enqueue_dma source(%dma_start3A_130 : memref<128x128xf32, #tpu.memory_space<hbm>>) target(%arg15 : memref<128x128xf32, #tpu.memory_space<vmem>>) target_semaphore(%run_scoped3A : memref<!tpu.dma_semaphore, #tpu.memory_space<semaphore_mem>>)
        %dma_wait3A = arith.constant 0 : i32
        %dma_wait3A_131 = tpu.memref_slice %arg4[%add3A_124, %dma_wait3A] : memref<20000x128xf32, #tpu.memory_space<hbm>> -> memref<128x128xf32, #tpu.memory_space<hbm>>
        %dma_wait3A_132 = arith.constant 0 : i32
        %dma_wait3A_133 = tpu.memref_slice %arg4[%add3A_124, %dma_wait3A_132] : memref<20000x128xf32, #tpu.memory_space<hbm>> -> memref<128x128xf32, #tpu.memory_space<hbm>>
        tpu.wait_dma2 semaphore(%run_scoped3A : memref<!tpu.dma_semaphore, #tpu.memory_space<semaphore_mem>>) src(%dma_wait3A_133 : memref<128x128xf32, #tpu.memory_space<hbm>>) dst(%arg15 : memref<128x128xf32, #tpu.memory_space<vmem>>)
        tpu.yield
      }) : () -> ()
      %parallel_loop3A = arith.constant 0 : i32
      %parallel_loop3A_125 = arith.constant 128 : i32
      %parallel_loop3A_126 = arith.constant 1 : i32
      scf.for %parallel_loop3A_128 = %parallel_loop3A to %parallel_loop3A_125 step %parallel_loop3A_126  : i32 {
        %parallel_loop3A_129 = vector.broadcast %parallel_loop3A_128 : i32 to vector<16xi32>
        %parallel_loop3A_130 = arith.addi %broadcast_in_dim3A_2, %parallel_loop3A_129 : vector<16xi32>
        %parallel_loop3A_131 = tpu.vector_load_idx %arg14[%parallel_loop3A_130, %broadcast_in_dim3A_2] : memref<128x16xf32, #tpu.memory_space<vmem>>[vector<16xi32>, vector<16xi32>], vector<16xf32>,
        %parallel_loop3A_132 = arith.constant 9.99999971E-10 : f32
        %parallel_loop3A_133 = vector.broadcast %parallel_loop3A_132 : f32 to vector<16xf32>
        %parallel_loop3A_134 = arith.maximumf %parallel_loop3A_131, %parallel_loop3A_133 : vector<16xf32>
        %parallel_loop3A_135 = arith.constant 1.000000e+00 : f32
        %parallel_loop3A_136 = vector.broadcast %parallel_loop3A_135 : f32 to vector<16xf32>
        %parallel_loop3A_137 = arith.divf %parallel_loop3A_136, %parallel_loop3A_134 : vector<16xf32>
        %parallel_loop3A_138 = arith.constant 1 : i32
        %parallel_loop3A_139 = vector.broadcast %parallel_loop3A_138 : i32 to vector<16xi32>
        %parallel_loop3A_140 = arith.addi %broadcast_in_dim3A_2, %parallel_loop3A_139 : vector<16xi32>
        %parallel_loop3A_141 = tpu.vector_load_idx %arg14[%parallel_loop3A_130, %parallel_loop3A_140] : memref<128x16xf32, #tpu.memory_space<vmem>>[vector<16xi32>, vector<16xi32>], vector<16xf32>,
        %parallel_loop3A_142 = arith.constant 9.99999971E-10 : f32
        %parallel_loop3A_143 = vector.broadcast %parallel_loop3A_142 : f32 to vector<16xf32>
        %parallel_loop3A_144 = arith.maximumf %parallel_loop3A_141, %parallel_loop3A_143 : vector<16xf32>
        %parallel_loop3A_145 = arith.constant 1.000000e+00 : f32
        %parallel_loop3A_146 = vector.broadcast %parallel_loop3A_145 : f32 to vector<16xf32>
        %parallel_loop3A_147 = arith.divf %parallel_loop3A_146, %parallel_loop3A_144 : vector<16xf32>
        %parallel_loop3A_148 = arith.index_cast %parallel_loop3A_128 : i32 to index
        %parallel_loop3A_149 = arith.constant 0 : index
        %parallel_loop3A_150 = tpu.vector_load %arg16[%parallel_loop3A_148, %parallel_loop3A_149] {strides = array<i32>} : memref<128x128xf32, #tpu.memory_space<vmem>>, vector<16xf32>,
        %parallel_loop3A_151 = arith.mulf %parallel_loop3A_150, %parallel_loop3A_137 : vector<16xf32>
        %parallel_loop3A_152 = arith.index_cast %parallel_loop3A_128 : i32 to index
        %parallel_loop3A_153 = arith.constant 0 : index
        %parallel_loop3A_154 = tpu.vector_load %arg15[%parallel_loop3A_152, %parallel_loop3A_153] {strides = array<i32>} : memref<128x128xf32, #tpu.memory_space<vmem>>, vector<16xf32>,
        %parallel_loop3A_155 = arith.addf %parallel_loop3A_151, %parallel_loop3A_154 : vector<16xf32>
        %parallel_loop3A_156 = arith.index_cast %arg0 : i32 to index
        %parallel_loop3A_157 = arith.constant 0 : index
        %parallel_loop3A_158 = tpu.vector_load %arg17[%parallel_loop3A_156, %parallel_loop3A_157] {strides = array<i32>} : memref<2x128xf32, #tpu.memory_space<vmem>>, vector<16xf32>,
        %parallel_loop3A_159 = arith.addf %parallel_loop3A_155, %parallel_loop3A_158 : vector<16xf32>
        %parallel_loop3A_160 = arith.index_cast %parallel_loop3A_128 : i32 to index
        %parallel_loop3A_161 = arith.constant 0 : index
        %parallel_loop3A_162 = tpu.vector_load %arg16[%parallel_loop3A_160, %parallel_loop3A_161] {strides = array<i32>} : memref<128x128xf32, #tpu.memory_space<vmem>>, vector<16xf32>,
        tpu.vector_store %arg16[%parallel_loop3A_160, %parallel_loop3A_161], %parallel_loop3A_159 {strides = array<i32>} : memref<128x128xf32, #tpu.memory_space<vmem>>, vector<16xf32>,
        %parallel_loop3A_163 = arith.index_cast %parallel_loop3A_128 : i32 to index
        %parallel_loop3A_164 = arith.constant 16 : index
        %parallel_loop3A_165 = tpu.vector_load %arg16[%parallel_loop3A_163, %parallel_loop3A_164] {strides = array<i32>} : memref<128x128xf32, #tpu.memory_space<vmem>>, vector<16xf32>,
        %parallel_loop3A_166 = arith.mulf %parallel_loop3A_165, %parallel_loop3A_137 : vector<16xf32>
        %parallel_loop3A_167 = arith.index_cast %parallel_loop3A_128 : i32 to index
        %parallel_loop3A_168 = arith.constant 16 : index
        %parallel_loop3A_169 = tpu.vector_load %arg15[%parallel_loop3A_167, %parallel_loop3A_168] {strides = array<i32>} : memref<128x128xf32, #tpu.memory_space<vmem>>, vector<16xf32>,
        %parallel_loop3A_170 = arith.addf %parallel_loop3A_166, %parallel_loop3A_169 : vector<16xf32>
        %parallel_loop3A_171 = arith.index_cast %arg0 : i32 to index
        %parallel_loop3A_172 = arith.constant 16 : index
        %parallel_loop3A_173 = tpu.vector_load %arg17[%parallel_loop3A_171, %parallel_loop3A_172] {strides = array<i32>} : memref<2x128xf32, #tpu.memory_space<vmem>>, vector<16xf32>,
        %parallel_loop3A_174 = arith.addf %parallel_loop3A_170, %parallel_loop3A_173 : vector<16xf32>
        %parallel_loop3A_175 = arith.index_cast %parallel_loop3A_128 : i32 to index
        %parallel_loop3A_176 = arith.constant 16 : index
        %parallel_loop3A_177 = tpu.vector_load %arg16[%parallel_loop3A_175, %parallel_loop3A_176] {strides = array<i32>} : memref<128x128xf32, #tpu.memory_space<vmem>>, vector<16xf32>,
        tpu.vector_store %arg16[%parallel_loop3A_175, %parallel_loop3A_176], %parallel_loop3A_174 {strides = array<i32>} : memref<128x128xf32, #tpu.memory_space<vmem>>, vector<16xf32>,
        %parallel_loop3A_178 = arith.index_cast %parallel_loop3A_128 : i32 to index
        %parallel_loop3A_179 = arith.constant 32 : index
        %parallel_loop3A_180 = tpu.vector_load %arg16[%parallel_loop3A_178, %parallel_loop3A_179] {strides = array<i32>} : memref<128x128xf32, #tpu.memory_space<vmem>>, vector<16xf32>,
        %parallel_loop3A_181 = arith.mulf %parallel_loop3A_180, %parallel_loop3A_137 : vector<16xf32>
        %parallel_loop3A_182 = arith.index_cast %parallel_loop3A_128 : i32 to index
        %parallel_loop3A_183 = arith.constant 32 : index
        %parallel_loop3A_184 = tpu.vector_load %arg15[%parallel_loop3A_182, %parallel_loop3A_183] {strides = array<i32>} : memref<128x128xf32, #tpu.memory_space<vmem>>, vector<16xf32>,
        %parallel_loop3A_185 = arith.addf %parallel_loop3A_181, %parallel_loop3A_184 : vector<16xf32>
        %parallel_loop3A_186 = arith.index_cast %arg0 : i32 to index
        %parallel_loop3A_187 = arith.constant 32 : index
        %parallel_loop3A_188 = tpu.vector_load %arg17[%parallel_loop3A_186, %parallel_loop3A_187] {strides = array<i32>} : memref<2x128xf32, #tpu.memory_space<vmem>>, vector<16xf32>,
        %parallel_loop3A_189 = arith.addf %parallel_loop3A_185, %parallel_loop3A_188 : vector<16xf32>
        %parallel_loop3A_190 = arith.index_cast %parallel_loop3A_128 : i32 to index
        %parallel_loop3A_191 = arith.constant 32 : index
        %parallel_loop3A_192 = tpu.vector_load %arg16[%parallel_loop3A_190, %parallel_loop3A_191] {strides = array<i32>} : memref<128x128xf32, #tpu.memory_space<vmem>>, vector<16xf32>,
        tpu.vector_store %arg16[%parallel_loop3A_190, %parallel_loop3A_191], %parallel_loop3A_189 {strides = array<i32>} : memref<128x128xf32, #tpu.memory_space<vmem>>, vector<16xf32>,
        %parallel_loop3A_193 = arith.index_cast %parallel_loop3A_128 : i32 to index
        %parallel_loop3A_194 = arith.constant 48 : index
        %parallel_loop3A_195 = tpu.vector_load %arg16[%parallel_loop3A_193, %parallel_loop3A_194] {strides = array<i32>} : memref<128x128xf32, #tpu.memory_space<vmem>>, vector<16xf32>,
        %parallel_loop3A_196 = arith.mulf %parallel_loop3A_195, %parallel_loop3A_137 : vector<16xf32>
        %parallel_loop3A_197 = arith.index_cast %parallel_loop3A_128 : i32 to index
        %parallel_loop3A_198 = arith.constant 48 : index
        %parallel_loop3A_199 = tpu.vector_load %arg15[%parallel_loop3A_197, %parallel_loop3A_198] {strides = array<i32>} : memref<128x128xf32, #tpu.memory_space<vmem>>, vector<16xf32>,
        %parallel_loop3A_200 = arith.addf %parallel_loop3A_196, %parallel_loop3A_199 : vector<16xf32>
        %parallel_loop3A_201 = arith.index_cast %arg0 : i32 to index
        %parallel_loop3A_202 = arith.constant 48 : index
        %parallel_loop3A_203 = tpu.vector_load %arg17[%parallel_loop3A_201, %parallel_loop3A_202] {strides = array<i32>} : memref<2x128xf32, #tpu.memory_space<vmem>>, vector<16xf32>,
        %parallel_loop3A_204 = arith.addf %parallel_loop3A_200, %parallel_loop3A_203 : vector<16xf32>
        %parallel_loop3A_205 = arith.index_cast %parallel_loop3A_128 : i32 to index
        %parallel_loop3A_206 = arith.constant 48 : index
        %parallel_loop3A_207 = tpu.vector_load %arg16[%parallel_loop3A_205, %parallel_loop3A_206] {strides = array<i32>} : memref<128x128xf32, #tpu.memory_space<vmem>>, vector<16xf32>,
        tpu.vector_store %arg16[%parallel_loop3A_205, %parallel_loop3A_206], %parallel_loop3A_204 {strides = array<i32>} : memref<128x128xf32, #tpu.memory_space<vmem>>, vector<16xf32>,
        %parallel_loop3A_208 = arith.index_cast %parallel_loop3A_128 : i32 to index
        %parallel_loop3A_209 = arith.constant 64 : index
        %parallel_loop3A_210 = tpu.vector_load %arg16[%parallel_loop3A_208, %parallel_loop3A_209] {strides = array<i32>} : memref<128x128xf32, #tpu.memory_space<vmem>>, vector<16xf32>,
        %parallel_loop3A_211 = arith.mulf %parallel_loop3A_210, %parallel_loop3A_147 : vector<16xf32>
        %parallel_loop3A_212 = arith.index_cast %parallel_loop3A_128 : i32 to index
        %parallel_loop3A_213 = arith.constant 64 : index
        %parallel_loop3A_214 = tpu.vector_load %arg15[%parallel_loop3A_212, %parallel_loop3A_213] {strides = array<i32>} : memref<128x128xf32, #tpu.memory_space<vmem>>, vector<16xf32>,
        %parallel_loop3A_215 = arith.addf %parallel_loop3A_211, %parallel_loop3A_214 : vector<16xf32>
        %parallel_loop3A_216 = arith.index_cast %arg0 : i32 to index
        %parallel_loop3A_217 = arith.constant 64 : index
        %parallel_loop3A_218 = tpu.vector_load %arg17[%parallel_loop3A_216, %parallel_loop3A_217] {strides = array<i32>} : memref<2x128xf32, #tpu.memory_space<vmem>>, vector<16xf32>,
        %parallel_loop3A_219 = arith.addf %parallel_loop3A_215, %parallel_loop3A_218 : vector<16xf32>
        %parallel_loop3A_220 = arith.index_cast %parallel_loop3A_128 : i32 to index
        %parallel_loop3A_221 = arith.constant 64 : index
        %parallel_loop3A_222 = tpu.vector_load %arg16[%parallel_loop3A_220, %parallel_loop3A_221] {strides = array<i32>} : memref<128x128xf32, #tpu.memory_space<vmem>>, vector<16xf32>,
        tpu.vector_store %arg16[%parallel_loop3A_220, %parallel_loop3A_221], %parallel_loop3A_219 {strides = array<i32>} : memref<128x128xf32, #tpu.memory_space<vmem>>, vector<16xf32>,
        %parallel_loop3A_223 = arith.index_cast %parallel_loop3A_128 : i32 to index
        %parallel_loop3A_224 = arith.constant 80 : index
        %parallel_loop3A_225 = tpu.vector_load %arg16[%parallel_loop3A_223, %parallel_loop3A_224] {strides = array<i32>} : memref<128x128xf32, #tpu.memory_space<vmem>>, vector<16xf32>,
        %parallel_loop3A_226 = arith.mulf %parallel_loop3A_225, %parallel_loop3A_147 : vector<16xf32>
        %parallel_loop3A_227 = arith.index_cast %parallel_loop3A_128 : i32 to index
        %parallel_loop3A_228 = arith.constant 80 : index
        %parallel_loop3A_229 = tpu.vector_load %arg15[%parallel_loop3A_227, %parallel_loop3A_228] {strides = array<i32>} : memref<128x128xf32, #tpu.memory_space<vmem>>, vector<16xf32>,
        %parallel_loop3A_230 = arith.addf %parallel_loop3A_226, %parallel_loop3A_229 : vector<16xf32>
        %parallel_loop3A_231 = arith.index_cast %arg0 : i32 to index
        %parallel_loop3A_232 = arith.constant 80 : index
        %parallel_loop3A_233 = tpu.vector_load %arg17[%parallel_loop3A_231, %parallel_loop3A_232] {strides = array<i32>} : memref<2x128xf32, #tpu.memory_space<vmem>>, vector<16xf32>,
        %parallel_loop3A_234 = arith.addf %parallel_loop3A_230, %parallel_loop3A_233 : vector<16xf32>
        %parallel_loop3A_235 = arith.index_cast %parallel_loop3A_128 : i32 to index
        %parallel_loop3A_236 = arith.constant 80 : index
        %parallel_loop3A_237 = tpu.vector_load %arg16[%parallel_loop3A_235, %parallel_loop3A_236] {strides = array<i32>} : memref<128x128xf32, #tpu.memory_space<vmem>>, vector<16xf32>,
        tpu.vector_store %arg16[%parallel_loop3A_235, %parallel_loop3A_236], %parallel_loop3A_234 {strides = array<i32>} : memref<128x128xf32, #tpu.memory_space<vmem>>, vector<16xf32>,
        %parallel_loop3A_238 = arith.index_cast %parallel_loop3A_128 : i32 to index
        %parallel_loop3A_239 = arith.constant 96 : index
        %parallel_loop3A_240 = tpu.vector_load %arg16[%parallel_loop3A_238, %parallel_loop3A_239] {strides = array<i32>} : memref<128x128xf32, #tpu.memory_space<vmem>>, vector<16xf32>,
        %parallel_loop3A_241 = arith.mulf %parallel_loop3A_240, %parallel_loop3A_147 : vector<16xf32>
        %parallel_loop3A_242 = arith.index_cast %parallel_loop3A_128 : i32 to index
        %parallel_loop3A_243 = arith.constant 96 : index
        %parallel_loop3A_244 = tpu.vector_load %arg15[%parallel_loop3A_242, %parallel_loop3A_243] {strides = array<i32>} : memref<128x128xf32, #tpu.memory_space<vmem>>, vector<16xf32>,
        %parallel_loop3A_245 = arith.addf %parallel_loop3A_241, %parallel_loop3A_244 : vector<16xf32>
        %parallel_loop3A_246 = arith.index_cast %arg0 : i32 to index
        %parallel_loop3A_247 = arith.constant 96 : index
        %parallel_loop3A_248 = tpu.vector_load %arg17[%parallel_loop3A_246, %parallel_loop3A_247] {strides = array<i32>} : memref<2x128xf32, #tpu.memory_space<vmem>>, vector<16xf32>,
        %parallel_loop3A_249 = arith.addf %parallel_loop3A_245, %parallel_loop3A_248 : vector<16xf32>
        %parallel_loop3A_250 = arith.index_cast %parallel_loop3A_128 : i32 to index
        %parallel_loop3A_251 = arith.constant 96 : index
        %parallel_loop3A_252 = tpu.vector_load %arg16[%parallel_loop3A_250, %parallel_loop3A_251] {strides = array<i32>} : memref<128x128xf32, #tpu.memory_space<vmem>>, vector<16xf32>,
        tpu.vector_store %arg16[%parallel_loop3A_250, %parallel_loop3A_251], %parallel_loop3A_249 {strides = array<i32>} : memref<128x128xf32, #tpu.memory_space<vmem>>, vector<16xf32>,
        %parallel_loop3A_253 = arith.index_cast %parallel_loop3A_128 : i32 to index
        %parallel_loop3A_254 = arith.constant 112 : index
        %parallel_loop3A_255 = tpu.vector_load %arg16[%parallel_loop3A_253, %parallel_loop3A_254] {strides = array<i32>} : memref<128x128xf32, #tpu.memory_space<vmem>>, vector<16xf32>,
        %parallel_loop3A_256 = arith.mulf %parallel_loop3A_255, %parallel_loop3A_147 : vector<16xf32>
        %parallel_loop3A_257 = arith.index_cast %parallel_loop3A_128 : i32 to index
        %parallel_loop3A_258 = arith.constant 112 : index
        %parallel_loop3A_259 = tpu.vector_load %arg15[%parallel_loop3A_257, %parallel_loop3A_258] {strides = array<i32>} : memref<128x128xf32, #tpu.memory_space<vmem>>, vector<16xf32>,
        %parallel_loop3A_260 = arith.addf %parallel_loop3A_256, %parallel_loop3A_259 : vector<16xf32>
        %parallel_loop3A_261 = arith.index_cast %arg0 : i32 to index
        %parallel_loop3A_262 = arith.constant 112 : index
        %parallel_loop3A_263 = tpu.vector_load %arg17[%parallel_loop3A_261, %parallel_loop3A_262] {strides = array<i32>} : memref<2x128xf32, #tpu.memory_space<vmem>>, vector<16xf32>,
        %parallel_loop3A_264 = arith.addf %parallel_loop3A_260, %parallel_loop3A_263 : vector<16xf32>
        %parallel_loop3A_265 = arith.index_cast %parallel_loop3A_128 : i32 to index
        %parallel_loop3A_266 = arith.constant 112 : index
        %parallel_loop3A_267 = tpu.vector_load %arg16[%parallel_loop3A_265, %parallel_loop3A_266] {strides = array<i32>} : memref<128x128xf32, #tpu.memory_space<vmem>>, vector<16xf32>,
        tpu.vector_store %arg16[%parallel_loop3A_265, %parallel_loop3A_266], %parallel_loop3A_264 {strides = array<i32>} : memref<128x128xf32, #tpu.memory_space<vmem>>, vector<16xf32>,
      } {sc.loop_unroll_factor = 4 : i64, sc.parallel_access}
      %add3A_127 = arith.addi %mul3A_60, %multiple_of3A_93 : i32
      "tpu.region"() ({
        %run_scoped3A = tpu.sem_alloc : memref<!tpu.dma_semaphore, #tpu.memory_space<semaphore_mem>>
        %dma_start3A = arith.constant 0 : i32
        %dma_start3A_128 = tpu.memref_slice %arg8[%add3A_127, %dma_start3A] : memref<20000x128xf32, #tpu.memory_space<hbm>> -> memref<128x128xf32, #tpu.memory_space<hbm>>
        %dma_start3A_129 = arith.constant 0 : i32
        %dma_start3A_130 = tpu.memref_slice %arg8[%add3A_127, %dma_start3A_129] : memref<20000x128xf32, #tpu.memory_space<hbm>> -> memref<128x128xf32, #tpu.memory_space<hbm>>
        tpu.enqueue_dma source(%arg16 : memref<128x128xf32, #tpu.memory_space<vmem>>) target(%dma_start3A_130 : memref<128x128xf32, #tpu.memory_space<hbm>>) target_semaphore(%run_scoped3A : memref<!tpu.dma_semaphore, #tpu.memory_space<semaphore_mem>>)
        %dma_wait3A = arith.constant 0 : i32
        %dma_wait3A_131 = tpu.memref_slice %arg8[%add3A_127, %dma_wait3A] : memref<20000x128xf32, #tpu.memory_space<hbm>> -> memref<128x128xf32, #tpu.memory_space<hbm>>
        %dma_wait3A_132 = arith.constant 0 : i32
        %dma_wait3A_133 = tpu.memref_slice %arg8[%add3A_127, %dma_wait3A_132] : memref<20000x128xf32, #tpu.memory_space<hbm>> -> memref<128x128xf32, #tpu.memory_space<hbm>>
        tpu.wait_dma2 semaphore(%run_scoped3A : memref<!tpu.dma_semaphore, #tpu.memory_space<semaphore_mem>>) src(%arg16 : memref<128x128xf32, #tpu.memory_space<vmem>>) dst(%dma_wait3A_133 : memref<128x128xf32, #tpu.memory_space<hbm>>)
        tpu.yield
      }) : () -> ()
    } else {
    }
    %add3A_99 = arith.constant 48 : i32
    %add3A_100 = arith.addi %arg1, %add3A_99 : i32
    %mul3A_101 = arith.constant 128 : i32
    %mul3A_102 = arith.muli %add3A_100, %mul3A_101 : i32
    %multiple_of3A_103 = tpu.assume_multiple %mul3A_102, 128 : i32
    %lt3A_104 = arith.constant 78 : i32
    %lt3A_105 = arith.cmpi slt, %add3A_100, %lt3A_104 : i32
    %convert_element_type3A_106 = arith.extui %lt3A_105 : i1 to i32
    %cond3A_107 = arith.constant 0 : i32
    %cond3A_108 = arith.cmpi ne, %convert_element_type3A_106, %cond3A_107 : i32
    scf.if %cond3A_108 {
      "tpu.region"() ({
        %run_scoped3A = tpu.sem_alloc : memref<!tpu.dma_semaphore, #tpu.memory_space<semaphore_mem>>
        %dma_start3A = arith.constant 0 : i32
        %dma_start3A_128 = tpu.memref_slice %arg18[%multiple_of3A_103, %dma_start3A] : memref<10000x128xf32, #tpu.memory_space<vmem_shared>> -> memref<128x128xf32, #tpu.memory_space<vmem_shared>>
        %dma_start3A_129 = arith.constant 0 : i32
        %dma_start3A_130 = tpu.memref_slice %arg18[%multiple_of3A_103, %dma_start3A_129] : memref<10000x128xf32, #tpu.memory_space<vmem_shared>> -> memref<128x128xf32, #tpu.memory_space<vmem_shared>>
        tpu.enqueue_dma source(%dma_start3A_130 : memref<128x128xf32, #tpu.memory_space<vmem_shared>>) target(%arg16 : memref<128x128xf32, #tpu.memory_space<vmem>>) target_semaphore(%run_scoped3A : memref<!tpu.dma_semaphore, #tpu.memory_space<semaphore_mem>>)
        %dma_wait3A = arith.constant 0 : i32
        %dma_wait3A_131 = tpu.memref_slice %arg18[%multiple_of3A_103, %dma_wait3A] : memref<10000x128xf32, #tpu.memory_space<vmem_shared>> -> memref<128x128xf32, #tpu.memory_space<vmem_shared>>
        %dma_wait3A_132 = arith.constant 0 : i32
        %dma_wait3A_133 = tpu.memref_slice %arg18[%multiple_of3A_103, %dma_wait3A_132] : memref<10000x128xf32, #tpu.memory_space<vmem_shared>> -> memref<128x128xf32, #tpu.memory_space<vmem_shared>>
        tpu.wait_dma2 semaphore(%run_scoped3A : memref<!tpu.dma_semaphore, #tpu.memory_space<semaphore_mem>>) src(%dma_wait3A_133 : memref<128x128xf32, #tpu.memory_space<vmem_shared>>) dst(%arg16 : memref<128x128xf32, #tpu.memory_space<vmem>>)
        tpu.yield
      }) : () -> ()
      "tpu.region"() ({
        %run_scoped3A = tpu.sem_alloc : memref<!tpu.dma_semaphore, #tpu.memory_space<semaphore_mem>>
        %dma_start3A = arith.constant 0 : i32
        %dma_start3A_128 = tpu.memref_slice %arg19[%multiple_of3A_103, %dma_start3A] : memref<10000x16xf32, #tpu.memory_space<vmem_shared>> -> memref<128x16xf32, #tpu.memory_space<vmem_shared>>
        %dma_start3A_129 = arith.constant 0 : i32
        %dma_start3A_130 = tpu.memref_slice %arg19[%multiple_of3A_103, %dma_start3A_129] : memref<10000x16xf32, #tpu.memory_space<vmem_shared>> -> memref<128x16xf32, #tpu.memory_space<vmem_shared>>
        tpu.enqueue_dma source(%dma_start3A_130 : memref<128x16xf32, #tpu.memory_space<vmem_shared>>) target(%arg14 : memref<128x16xf32, #tpu.memory_space<vmem>>) target_semaphore(%run_scoped3A : memref<!tpu.dma_semaphore, #tpu.memory_space<semaphore_mem>>)
        %dma_wait3A = arith.constant 0 : i32
        %dma_wait3A_131 = tpu.memref_slice %arg19[%multiple_of3A_103, %dma_wait3A] : memref<10000x16xf32, #tpu.memory_space<vmem_shared>> -> memref<128x16xf32, #tpu.memory_space<vmem_shared>>
        %dma_wait3A_132 = arith.constant 0 : i32
        %dma_wait3A_133 = tpu.memref_slice %arg19[%multiple_of3A_103, %dma_wait3A_132] : memref<10000x16xf32, #tpu.memory_space<vmem_shared>> -> memref<128x16xf32, #tpu.memory_space<vmem_shared>>
        tpu.wait_dma2 semaphore(%run_scoped3A : memref<!tpu.dma_semaphore, #tpu.memory_space<semaphore_mem>>) src(%dma_wait3A_133 : memref<128x16xf32, #tpu.memory_space<vmem_shared>>) dst(%arg14 : memref<128x16xf32, #tpu.memory_space<vmem>>)
        tpu.yield
      }) : () -> ()
      %add3A_124 = arith.addi %mul3A_60, %multiple_of3A_103 : i32
      "tpu.region"() ({
        %run_scoped3A = tpu.sem_alloc : memref<!tpu.dma_semaphore, #tpu.memory_space<semaphore_mem>>
        %dma_start3A = arith.constant 0 : i32
        %dma_start3A_128 = tpu.memref_slice %arg4[%add3A_124, %dma_start3A] : memref<20000x128xf32, #tpu.memory_space<hbm>> -> memref<128x128xf32, #tpu.memory_space<hbm>>
        %dma_start3A_129 = arith.constant 0 : i32
        %dma_start3A_130 = tpu.memref_slice %arg4[%add3A_124, %dma_start3A_129] : memref<20000x128xf32, #tpu.memory_space<hbm>> -> memref<128x128xf32, #tpu.memory_space<hbm>>
        tpu.enqueue_dma source(%dma_start3A_130 : memref<128x128xf32, #tpu.memory_space<hbm>>) target(%arg15 : memref<128x128xf32, #tpu.memory_space<vmem>>) target_semaphore(%run_scoped3A : memref<!tpu.dma_semaphore, #tpu.memory_space<semaphore_mem>>)
        %dma_wait3A = arith.constant 0 : i32
        %dma_wait3A_131 = tpu.memref_slice %arg4[%add3A_124, %dma_wait3A] : memref<20000x128xf32, #tpu.memory_space<hbm>> -> memref<128x128xf32, #tpu.memory_space<hbm>>
        %dma_wait3A_132 = arith.constant 0 : i32
        %dma_wait3A_133 = tpu.memref_slice %arg4[%add3A_124, %dma_wait3A_132] : memref<20000x128xf32, #tpu.memory_space<hbm>> -> memref<128x128xf32, #tpu.memory_space<hbm>>
        tpu.wait_dma2 semaphore(%run_scoped3A : memref<!tpu.dma_semaphore, #tpu.memory_space<semaphore_mem>>) src(%dma_wait3A_133 : memref<128x128xf32, #tpu.memory_space<hbm>>) dst(%arg15 : memref<128x128xf32, #tpu.memory_space<vmem>>)
        tpu.yield
      }) : () -> ()
      %parallel_loop3A = arith.constant 0 : i32
      %parallel_loop3A_125 = arith.constant 128 : i32
      %parallel_loop3A_126 = arith.constant 1 : i32
      scf.for %parallel_loop3A_128 = %parallel_loop3A to %parallel_loop3A_125 step %parallel_loop3A_126  : i32 {
        %parallel_loop3A_129 = vector.broadcast %parallel_loop3A_128 : i32 to vector<16xi32>
        %parallel_loop3A_130 = arith.addi %broadcast_in_dim3A_2, %parallel_loop3A_129 : vector<16xi32>
        %parallel_loop3A_131 = tpu.vector_load_idx %arg14[%parallel_loop3A_130, %broadcast_in_dim3A_2] : memref<128x16xf32, #tpu.memory_space<vmem>>[vector<16xi32>, vector<16xi32>], vector<16xf32>,
        %parallel_loop3A_132 = arith.constant 9.99999971E-10 : f32
        %parallel_loop3A_133 = vector.broadcast %parallel_loop3A_132 : f32 to vector<16xf32>
        %parallel_loop3A_134 = arith.maximumf %parallel_loop3A_131, %parallel_loop3A_133 : vector<16xf32>
        %parallel_loop3A_135 = arith.constant 1.000000e+00 : f32
        %parallel_loop3A_136 = vector.broadcast %parallel_loop3A_135 : f32 to vector<16xf32>
        %parallel_loop3A_137 = arith.divf %parallel_loop3A_136, %parallel_loop3A_134 : vector<16xf32>
        %parallel_loop3A_138 = arith.constant 1 : i32
        %parallel_loop3A_139 = vector.broadcast %parallel_loop3A_138 : i32 to vector<16xi32>
        %parallel_loop3A_140 = arith.addi %broadcast_in_dim3A_2, %parallel_loop3A_139 : vector<16xi32>
        %parallel_loop3A_141 = tpu.vector_load_idx %arg14[%parallel_loop3A_130, %parallel_loop3A_140] : memref<128x16xf32, #tpu.memory_space<vmem>>[vector<16xi32>, vector<16xi32>], vector<16xf32>,
        %parallel_loop3A_142 = arith.constant 9.99999971E-10 : f32
        %parallel_loop3A_143 = vector.broadcast %parallel_loop3A_142 : f32 to vector<16xf32>
        %parallel_loop3A_144 = arith.maximumf %parallel_loop3A_141, %parallel_loop3A_143 : vector<16xf32>
        %parallel_loop3A_145 = arith.constant 1.000000e+00 : f32
        %parallel_loop3A_146 = vector.broadcast %parallel_loop3A_145 : f32 to vector<16xf32>
        %parallel_loop3A_147 = arith.divf %parallel_loop3A_146, %parallel_loop3A_144 : vector<16xf32>
        %parallel_loop3A_148 = arith.index_cast %parallel_loop3A_128 : i32 to index
        %parallel_loop3A_149 = arith.constant 0 : index
        %parallel_loop3A_150 = tpu.vector_load %arg16[%parallel_loop3A_148, %parallel_loop3A_149] {strides = array<i32>} : memref<128x128xf32, #tpu.memory_space<vmem>>, vector<16xf32>,
        %parallel_loop3A_151 = arith.mulf %parallel_loop3A_150, %parallel_loop3A_137 : vector<16xf32>
        %parallel_loop3A_152 = arith.index_cast %parallel_loop3A_128 : i32 to index
        %parallel_loop3A_153 = arith.constant 0 : index
        %parallel_loop3A_154 = tpu.vector_load %arg15[%parallel_loop3A_152, %parallel_loop3A_153] {strides = array<i32>} : memref<128x128xf32, #tpu.memory_space<vmem>>, vector<16xf32>,
        %parallel_loop3A_155 = arith.addf %parallel_loop3A_151, %parallel_loop3A_154 : vector<16xf32>
        %parallel_loop3A_156 = arith.index_cast %arg0 : i32 to index
        %parallel_loop3A_157 = arith.constant 0 : index
        %parallel_loop3A_158 = tpu.vector_load %arg17[%parallel_loop3A_156, %parallel_loop3A_157] {strides = array<i32>} : memref<2x128xf32, #tpu.memory_space<vmem>>, vector<16xf32>,
        %parallel_loop3A_159 = arith.addf %parallel_loop3A_155, %parallel_loop3A_158 : vector<16xf32>
        %parallel_loop3A_160 = arith.index_cast %parallel_loop3A_128 : i32 to index
        %parallel_loop3A_161 = arith.constant 0 : index
        %parallel_loop3A_162 = tpu.vector_load %arg16[%parallel_loop3A_160, %parallel_loop3A_161] {strides = array<i32>} : memref<128x128xf32, #tpu.memory_space<vmem>>, vector<16xf32>,
        tpu.vector_store %arg16[%parallel_loop3A_160, %parallel_loop3A_161], %parallel_loop3A_159 {strides = array<i32>} : memref<128x128xf32, #tpu.memory_space<vmem>>, vector<16xf32>,
        %parallel_loop3A_163 = arith.index_cast %parallel_loop3A_128 : i32 to index
        %parallel_loop3A_164 = arith.constant 16 : index
        %parallel_loop3A_165 = tpu.vector_load %arg16[%parallel_loop3A_163, %parallel_loop3A_164] {strides = array<i32>} : memref<128x128xf32, #tpu.memory_space<vmem>>, vector<16xf32>,
        %parallel_loop3A_166 = arith.mulf %parallel_loop3A_165, %parallel_loop3A_137 : vector<16xf32>
        %parallel_loop3A_167 = arith.index_cast %parallel_loop3A_128 : i32 to index
        %parallel_loop3A_168 = arith.constant 16 : index
        %parallel_loop3A_169 = tpu.vector_load %arg15[%parallel_loop3A_167, %parallel_loop3A_168] {strides = array<i32>} : memref<128x128xf32, #tpu.memory_space<vmem>>, vector<16xf32>,
        %parallel_loop3A_170 = arith.addf %parallel_loop3A_166, %parallel_loop3A_169 : vector<16xf32>
        %parallel_loop3A_171 = arith.index_cast %arg0 : i32 to index
        %parallel_loop3A_172 = arith.constant 16 : index
        %parallel_loop3A_173 = tpu.vector_load %arg17[%parallel_loop3A_171, %parallel_loop3A_172] {strides = array<i32>} : memref<2x128xf32, #tpu.memory_space<vmem>>, vector<16xf32>,
        %parallel_loop3A_174 = arith.addf %parallel_loop3A_170, %parallel_loop3A_173 : vector<16xf32>
        %parallel_loop3A_175 = arith.index_cast %parallel_loop3A_128 : i32 to index
        %parallel_loop3A_176 = arith.constant 16 : index
        %parallel_loop3A_177 = tpu.vector_load %arg16[%parallel_loop3A_175, %parallel_loop3A_176] {strides = array<i32>} : memref<128x128xf32, #tpu.memory_space<vmem>>, vector<16xf32>,
        tpu.vector_store %arg16[%parallel_loop3A_175, %parallel_loop3A_176], %parallel_loop3A_174 {strides = array<i32>} : memref<128x128xf32, #tpu.memory_space<vmem>>, vector<16xf32>,
        %parallel_loop3A_178 = arith.index_cast %parallel_loop3A_128 : i32 to index
        %parallel_loop3A_179 = arith.constant 32 : index
        %parallel_loop3A_180 = tpu.vector_load %arg16[%parallel_loop3A_178, %parallel_loop3A_179] {strides = array<i32>} : memref<128x128xf32, #tpu.memory_space<vmem>>, vector<16xf32>,
        %parallel_loop3A_181 = arith.mulf %parallel_loop3A_180, %parallel_loop3A_137 : vector<16xf32>
        %parallel_loop3A_182 = arith.index_cast %parallel_loop3A_128 : i32 to index
        %parallel_loop3A_183 = arith.constant 32 : index
        %parallel_loop3A_184 = tpu.vector_load %arg15[%parallel_loop3A_182, %parallel_loop3A_183] {strides = array<i32>} : memref<128x128xf32, #tpu.memory_space<vmem>>, vector<16xf32>,
        %parallel_loop3A_185 = arith.addf %parallel_loop3A_181, %parallel_loop3A_184 : vector<16xf32>
        %parallel_loop3A_186 = arith.index_cast %arg0 : i32 to index
        %parallel_loop3A_187 = arith.constant 32 : index
        %parallel_loop3A_188 = tpu.vector_load %arg17[%parallel_loop3A_186, %parallel_loop3A_187] {strides = array<i32>} : memref<2x128xf32, #tpu.memory_space<vmem>>, vector<16xf32>,
        %parallel_loop3A_189 = arith.addf %parallel_loop3A_185, %parallel_loop3A_188 : vector<16xf32>
        %parallel_loop3A_190 = arith.index_cast %parallel_loop3A_128 : i32 to index
        %parallel_loop3A_191 = arith.constant 32 : index
        %parallel_loop3A_192 = tpu.vector_load %arg16[%parallel_loop3A_190, %parallel_loop3A_191] {strides = array<i32>} : memref<128x128xf32, #tpu.memory_space<vmem>>, vector<16xf32>,
        tpu.vector_store %arg16[%parallel_loop3A_190, %parallel_loop3A_191], %parallel_loop3A_189 {strides = array<i32>} : memref<128x128xf32, #tpu.memory_space<vmem>>, vector<16xf32>,
        %parallel_loop3A_193 = arith.index_cast %parallel_loop3A_128 : i32 to index
        %parallel_loop3A_194 = arith.constant 48 : index
        %parallel_loop3A_195 = tpu.vector_load %arg16[%parallel_loop3A_193, %parallel_loop3A_194] {strides = array<i32>} : memref<128x128xf32, #tpu.memory_space<vmem>>, vector<16xf32>,
        %parallel_loop3A_196 = arith.mulf %parallel_loop3A_195, %parallel_loop3A_137 : vector<16xf32>
        %parallel_loop3A_197 = arith.index_cast %parallel_loop3A_128 : i32 to index
        %parallel_loop3A_198 = arith.constant 48 : index
        %parallel_loop3A_199 = tpu.vector_load %arg15[%parallel_loop3A_197, %parallel_loop3A_198] {strides = array<i32>} : memref<128x128xf32, #tpu.memory_space<vmem>>, vector<16xf32>,
        %parallel_loop3A_200 = arith.addf %parallel_loop3A_196, %parallel_loop3A_199 : vector<16xf32>
        %parallel_loop3A_201 = arith.index_cast %arg0 : i32 to index
        %parallel_loop3A_202 = arith.constant 48 : index
        %parallel_loop3A_203 = tpu.vector_load %arg17[%parallel_loop3A_201, %parallel_loop3A_202] {strides = array<i32>} : memref<2x128xf32, #tpu.memory_space<vmem>>, vector<16xf32>,
        %parallel_loop3A_204 = arith.addf %parallel_loop3A_200, %parallel_loop3A_203 : vector<16xf32>
        %parallel_loop3A_205 = arith.index_cast %parallel_loop3A_128 : i32 to index
        %parallel_loop3A_206 = arith.constant 48 : index
        %parallel_loop3A_207 = tpu.vector_load %arg16[%parallel_loop3A_205, %parallel_loop3A_206] {strides = array<i32>} : memref<128x128xf32, #tpu.memory_space<vmem>>, vector<16xf32>,
        tpu.vector_store %arg16[%parallel_loop3A_205, %parallel_loop3A_206], %parallel_loop3A_204 {strides = array<i32>} : memref<128x128xf32, #tpu.memory_space<vmem>>, vector<16xf32>,
        %parallel_loop3A_208 = arith.index_cast %parallel_loop3A_128 : i32 to index
        %parallel_loop3A_209 = arith.constant 64 : index
        %parallel_loop3A_210 = tpu.vector_load %arg16[%parallel_loop3A_208, %parallel_loop3A_209] {strides = array<i32>} : memref<128x128xf32, #tpu.memory_space<vmem>>, vector<16xf32>,
        %parallel_loop3A_211 = arith.mulf %parallel_loop3A_210, %parallel_loop3A_147 : vector<16xf32>
        %parallel_loop3A_212 = arith.index_cast %parallel_loop3A_128 : i32 to index
        %parallel_loop3A_213 = arith.constant 64 : index
        %parallel_loop3A_214 = tpu.vector_load %arg15[%parallel_loop3A_212, %parallel_loop3A_213] {strides = array<i32>} : memref<128x128xf32, #tpu.memory_space<vmem>>, vector<16xf32>,
        %parallel_loop3A_215 = arith.addf %parallel_loop3A_211, %parallel_loop3A_214 : vector<16xf32>
        %parallel_loop3A_216 = arith.index_cast %arg0 : i32 to index
        %parallel_loop3A_217 = arith.constant 64 : index
        %parallel_loop3A_218 = tpu.vector_load %arg17[%parallel_loop3A_216, %parallel_loop3A_217] {strides = array<i32>} : memref<2x128xf32, #tpu.memory_space<vmem>>, vector<16xf32>,
        %parallel_loop3A_219 = arith.addf %parallel_loop3A_215, %parallel_loop3A_218 : vector<16xf32>
        %parallel_loop3A_220 = arith.index_cast %parallel_loop3A_128 : i32 to index
        %parallel_loop3A_221 = arith.constant 64 : index
        %parallel_loop3A_222 = tpu.vector_load %arg16[%parallel_loop3A_220, %parallel_loop3A_221] {strides = array<i32>} : memref<128x128xf32, #tpu.memory_space<vmem>>, vector<16xf32>,
        tpu.vector_store %arg16[%parallel_loop3A_220, %parallel_loop3A_221], %parallel_loop3A_219 {strides = array<i32>} : memref<128x128xf32, #tpu.memory_space<vmem>>, vector<16xf32>,
        %parallel_loop3A_223 = arith.index_cast %parallel_loop3A_128 : i32 to index
        %parallel_loop3A_224 = arith.constant 80 : index
        %parallel_loop3A_225 = tpu.vector_load %arg16[%parallel_loop3A_223, %parallel_loop3A_224] {strides = array<i32>} : memref<128x128xf32, #tpu.memory_space<vmem>>, vector<16xf32>,
        %parallel_loop3A_226 = arith.mulf %parallel_loop3A_225, %parallel_loop3A_147 : vector<16xf32>
        %parallel_loop3A_227 = arith.index_cast %parallel_loop3A_128 : i32 to index
        %parallel_loop3A_228 = arith.constant 80 : index
        %parallel_loop3A_229 = tpu.vector_load %arg15[%parallel_loop3A_227, %parallel_loop3A_228] {strides = array<i32>} : memref<128x128xf32, #tpu.memory_space<vmem>>, vector<16xf32>,
        %parallel_loop3A_230 = arith.addf %parallel_loop3A_226, %parallel_loop3A_229 : vector<16xf32>
        %parallel_loop3A_231 = arith.index_cast %arg0 : i32 to index
        %parallel_loop3A_232 = arith.constant 80 : index
        %parallel_loop3A_233 = tpu.vector_load %arg17[%parallel_loop3A_231, %parallel_loop3A_232] {strides = array<i32>} : memref<2x128xf32, #tpu.memory_space<vmem>>, vector<16xf32>,
        %parallel_loop3A_234 = arith.addf %parallel_loop3A_230, %parallel_loop3A_233 : vector<16xf32>
        %parallel_loop3A_235 = arith.index_cast %parallel_loop3A_128 : i32 to index
        %parallel_loop3A_236 = arith.constant 80 : index
        %parallel_loop3A_237 = tpu.vector_load %arg16[%parallel_loop3A_235, %parallel_loop3A_236] {strides = array<i32>} : memref<128x128xf32, #tpu.memory_space<vmem>>, vector<16xf32>,
        tpu.vector_store %arg16[%parallel_loop3A_235, %parallel_loop3A_236], %parallel_loop3A_234 {strides = array<i32>} : memref<128x128xf32, #tpu.memory_space<vmem>>, vector<16xf32>,
        %parallel_loop3A_238 = arith.index_cast %parallel_loop3A_128 : i32 to index
        %parallel_loop3A_239 = arith.constant 96 : index
        %parallel_loop3A_240 = tpu.vector_load %arg16[%parallel_loop3A_238, %parallel_loop3A_239] {strides = array<i32>} : memref<128x128xf32, #tpu.memory_space<vmem>>, vector<16xf32>,
        %parallel_loop3A_241 = arith.mulf %parallel_loop3A_240, %parallel_loop3A_147 : vector<16xf32>
        %parallel_loop3A_242 = arith.index_cast %parallel_loop3A_128 : i32 to index
        %parallel_loop3A_243 = arith.constant 96 : index
        %parallel_loop3A_244 = tpu.vector_load %arg15[%parallel_loop3A_242, %parallel_loop3A_243] {strides = array<i32>} : memref<128x128xf32, #tpu.memory_space<vmem>>, vector<16xf32>,
        %parallel_loop3A_245 = arith.addf %parallel_loop3A_241, %parallel_loop3A_244 : vector<16xf32>
        %parallel_loop3A_246 = arith.index_cast %arg0 : i32 to index
        %parallel_loop3A_247 = arith.constant 96 : index
        %parallel_loop3A_248 = tpu.vector_load %arg17[%parallel_loop3A_246, %parallel_loop3A_247] {strides = array<i32>} : memref<2x128xf32, #tpu.memory_space<vmem>>, vector<16xf32>,
        %parallel_loop3A_249 = arith.addf %parallel_loop3A_245, %parallel_loop3A_248 : vector<16xf32>
        %parallel_loop3A_250 = arith.index_cast %parallel_loop3A_128 : i32 to index
        %parallel_loop3A_251 = arith.constant 96 : index
        %parallel_loop3A_252 = tpu.vector_load %arg16[%parallel_loop3A_250, %parallel_loop3A_251] {strides = array<i32>} : memref<128x128xf32, #tpu.memory_space<vmem>>, vector<16xf32>,
        tpu.vector_store %arg16[%parallel_loop3A_250, %parallel_loop3A_251], %parallel_loop3A_249 {strides = array<i32>} : memref<128x128xf32, #tpu.memory_space<vmem>>, vector<16xf32>,
        %parallel_loop3A_253 = arith.index_cast %parallel_loop3A_128 : i32 to index
        %parallel_loop3A_254 = arith.constant 112 : index
        %parallel_loop3A_255 = tpu.vector_load %arg16[%parallel_loop3A_253, %parallel_loop3A_254] {strides = array<i32>} : memref<128x128xf32, #tpu.memory_space<vmem>>, vector<16xf32>,
        %parallel_loop3A_256 = arith.mulf %parallel_loop3A_255, %parallel_loop3A_147 : vector<16xf32>
        %parallel_loop3A_257 = arith.index_cast %parallel_loop3A_128 : i32 to index
        %parallel_loop3A_258 = arith.constant 112 : index
        %parallel_loop3A_259 = tpu.vector_load %arg15[%parallel_loop3A_257, %parallel_loop3A_258] {strides = array<i32>} : memref<128x128xf32, #tpu.memory_space<vmem>>, vector<16xf32>,
        %parallel_loop3A_260 = arith.addf %parallel_loop3A_256, %parallel_loop3A_259 : vector<16xf32>
        %parallel_loop3A_261 = arith.index_cast %arg0 : i32 to index
        %parallel_loop3A_262 = arith.constant 112 : index
        %parallel_loop3A_263 = tpu.vector_load %arg17[%parallel_loop3A_261, %parallel_loop3A_262] {strides = array<i32>} : memref<2x128xf32, #tpu.memory_space<vmem>>, vector<16xf32>,
        %parallel_loop3A_264 = arith.addf %parallel_loop3A_260, %parallel_loop3A_263 : vector<16xf32>
        %parallel_loop3A_265 = arith.index_cast %parallel_loop3A_128 : i32 to index
        %parallel_loop3A_266 = arith.constant 112 : index
        %parallel_loop3A_267 = tpu.vector_load %arg16[%parallel_loop3A_265, %parallel_loop3A_266] {strides = array<i32>} : memref<128x128xf32, #tpu.memory_space<vmem>>, vector<16xf32>,
        tpu.vector_store %arg16[%parallel_loop3A_265, %parallel_loop3A_266], %parallel_loop3A_264 {strides = array<i32>} : memref<128x128xf32, #tpu.memory_space<vmem>>, vector<16xf32>,
      } {sc.loop_unroll_factor = 4 : i64, sc.parallel_access}
      %add3A_127 = arith.addi %mul3A_60, %multiple_of3A_103 : i32
      "tpu.region"() ({
        %run_scoped3A = tpu.sem_alloc : memref<!tpu.dma_semaphore, #tpu.memory_space<semaphore_mem>>
        %dma_start3A = arith.constant 0 : i32
        %dma_start3A_128 = tpu.memref_slice %arg8[%add3A_127, %dma_start3A] : memref<20000x128xf32, #tpu.memory_space<hbm>> -> memref<128x128xf32, #tpu.memory_space<hbm>>
        %dma_start3A_129 = arith.constant 0 : i32
        %dma_start3A_130 = tpu.memref_slice %arg8[%add3A_127, %dma_start3A_129] : memref<20000x128xf32, #tpu.memory_space<hbm>> -> memref<128x128xf32, #tpu.memory_space<hbm>>
        tpu.enqueue_dma source(%arg16 : memref<128x128xf32, #tpu.memory_space<vmem>>) target(%dma_start3A_130 : memref<128x128xf32, #tpu.memory_space<hbm>>) target_semaphore(%run_scoped3A : memref<!tpu.dma_semaphore, #tpu.memory_space<semaphore_mem>>)
        %dma_wait3A = arith.constant 0 : i32
        %dma_wait3A_131 = tpu.memref_slice %arg8[%add3A_127, %dma_wait3A] : memref<20000x128xf32, #tpu.memory_space<hbm>> -> memref<128x128xf32, #tpu.memory_space<hbm>>
        %dma_wait3A_132 = arith.constant 0 : i32
        %dma_wait3A_133 = tpu.memref_slice %arg8[%add3A_127, %dma_wait3A_132] : memref<20000x128xf32, #tpu.memory_space<hbm>> -> memref<128x128xf32, #tpu.memory_space<hbm>>
        tpu.wait_dma2 semaphore(%run_scoped3A : memref<!tpu.dma_semaphore, #tpu.memory_space<semaphore_mem>>) src(%arg16 : memref<128x128xf32, #tpu.memory_space<vmem>>) dst(%dma_wait3A_133 : memref<128x128xf32, #tpu.memory_space<hbm>>)
        tpu.yield
      }) : () -> ()
    } else {
    }
    %add3A_109 = arith.constant 64 : i32
    %add3A_110 = arith.addi %arg1, %add3A_109 : i32
    %mul3A_111 = arith.constant 128 : i32
    %mul3A_112 = arith.muli %add3A_110, %mul3A_111 : i32
    %multiple_of3A_113 = tpu.assume_multiple %mul3A_112, 128 : i32
    %lt3A_114 = arith.constant 78 : i32
    %lt3A_115 = arith.cmpi slt, %add3A_110, %lt3A_114 : i32
    %convert_element_type3A_116 = arith.extui %lt3A_115 : i1 to i32
    %cond3A_117 = arith.constant 0 : i32
    %cond3A_118 = arith.cmpi ne, %convert_element_type3A_116, %cond3A_117 : i32
    scf.if %cond3A_118 {
      "tpu.region"() ({
        %run_scoped3A = tpu.sem_alloc : memref<!tpu.dma_semaphore, #tpu.memory_space<semaphore_mem>>
        %dma_start3A = arith.constant 0 : i32
        %dma_start3A_128 = tpu.memref_slice %arg18[%multiple_of3A_113, %dma_start3A] : memref<10000x128xf32, #tpu.memory_space<vmem_shared>> -> memref<128x128xf32, #tpu.memory_space<vmem_shared>>
        %dma_start3A_129 = arith.constant 0 : i32
        %dma_start3A_130 = tpu.memref_slice %arg18[%multiple_of3A_113, %dma_start3A_129] : memref<10000x128xf32, #tpu.memory_space<vmem_shared>> -> memref<128x128xf32, #tpu.memory_space<vmem_shared>>
        tpu.enqueue_dma source(%dma_start3A_130 : memref<128x128xf32, #tpu.memory_space<vmem_shared>>) target(%arg16 : memref<128x128xf32, #tpu.memory_space<vmem>>) target_semaphore(%run_scoped3A : memref<!tpu.dma_semaphore, #tpu.memory_space<semaphore_mem>>)
        %dma_wait3A = arith.constant 0 : i32
        %dma_wait3A_131 = tpu.memref_slice %arg18[%multiple_of3A_113, %dma_wait3A] : memref<10000x128xf32, #tpu.memory_space<vmem_shared>> -> memref<128x128xf32, #tpu.memory_space<vmem_shared>>
        %dma_wait3A_132 = arith.constant 0 : i32
        %dma_wait3A_133 = tpu.memref_slice %arg18[%multiple_of3A_113, %dma_wait3A_132] : memref<10000x128xf32, #tpu.memory_space<vmem_shared>> -> memref<128x128xf32, #tpu.memory_space<vmem_shared>>
        tpu.wait_dma2 semaphore(%run_scoped3A : memref<!tpu.dma_semaphore, #tpu.memory_space<semaphore_mem>>) src(%dma_wait3A_133 : memref<128x128xf32, #tpu.memory_space<vmem_shared>>) dst(%arg16 : memref<128x128xf32, #tpu.memory_space<vmem>>)
        tpu.yield
      }) : () -> ()
      "tpu.region"() ({
        %run_scoped3A = tpu.sem_alloc : memref<!tpu.dma_semaphore, #tpu.memory_space<semaphore_mem>>
        %dma_start3A = arith.constant 0 : i32
        %dma_start3A_128 = tpu.memref_slice %arg19[%multiple_of3A_113, %dma_start3A] : memref<10000x16xf32, #tpu.memory_space<vmem_shared>> -> memref<128x16xf32, #tpu.memory_space<vmem_shared>>
        %dma_start3A_129 = arith.constant 0 : i32
        %dma_start3A_130 = tpu.memref_slice %arg19[%multiple_of3A_113, %dma_start3A_129] : memref<10000x16xf32, #tpu.memory_space<vmem_shared>> -> memref<128x16xf32, #tpu.memory_space<vmem_shared>>
        tpu.enqueue_dma source(%dma_start3A_130 : memref<128x16xf32, #tpu.memory_space<vmem_shared>>) target(%arg14 : memref<128x16xf32, #tpu.memory_space<vmem>>) target_semaphore(%run_scoped3A : memref<!tpu.dma_semaphore, #tpu.memory_space<semaphore_mem>>)
        %dma_wait3A = arith.constant 0 : i32
        %dma_wait3A_131 = tpu.memref_slice %arg19[%multiple_of3A_113, %dma_wait3A] : memref<10000x16xf32, #tpu.memory_space<vmem_shared>> -> memref<128x16xf32, #tpu.memory_space<vmem_shared>>
        %dma_wait3A_132 = arith.constant 0 : i32
        %dma_wait3A_133 = tpu.memref_slice %arg19[%multiple_of3A_113, %dma_wait3A_132] : memref<10000x16xf32, #tpu.memory_space<vmem_shared>> -> memref<128x16xf32, #tpu.memory_space<vmem_shared>>
        tpu.wait_dma2 semaphore(%run_scoped3A : memref<!tpu.dma_semaphore, #tpu.memory_space<semaphore_mem>>) src(%dma_wait3A_133 : memref<128x16xf32, #tpu.memory_space<vmem_shared>>) dst(%arg14 : memref<128x16xf32, #tpu.memory_space<vmem>>)
        tpu.yield
      }) : () -> ()
      %add3A_124 = arith.addi %mul3A_60, %multiple_of3A_113 : i32
      "tpu.region"() ({
        %run_scoped3A = tpu.sem_alloc : memref<!tpu.dma_semaphore, #tpu.memory_space<semaphore_mem>>
        %dma_start3A = arith.constant 0 : i32
        %dma_start3A_128 = tpu.memref_slice %arg4[%add3A_124, %dma_start3A] : memref<20000x128xf32, #tpu.memory_space<hbm>> -> memref<128x128xf32, #tpu.memory_space<hbm>>
        %dma_start3A_129 = arith.constant 0 : i32
        %dma_start3A_130 = tpu.memref_slice %arg4[%add3A_124, %dma_start3A_129] : memref<20000x128xf32, #tpu.memory_space<hbm>> -> memref<128x128xf32, #tpu.memory_space<hbm>>
        tpu.enqueue_dma source(%dma_start3A_130 : memref<128x128xf32, #tpu.memory_space<hbm>>) target(%arg15 : memref<128x128xf32, #tpu.memory_space<vmem>>) target_semaphore(%run_scoped3A : memref<!tpu.dma_semaphore, #tpu.memory_space<semaphore_mem>>)
        %dma_wait3A = arith.constant 0 : i32
        %dma_wait3A_131 = tpu.memref_slice %arg4[%add3A_124, %dma_wait3A] : memref<20000x128xf32, #tpu.memory_space<hbm>> -> memref<128x128xf32, #tpu.memory_space<hbm>>
        %dma_wait3A_132 = arith.constant 0 : i32
        %dma_wait3A_133 = tpu.memref_slice %arg4[%add3A_124, %dma_wait3A_132] : memref<20000x128xf32, #tpu.memory_space<hbm>> -> memref<128x128xf32, #tpu.memory_space<hbm>>
        tpu.wait_dma2 semaphore(%run_scoped3A : memref<!tpu.dma_semaphore, #tpu.memory_space<semaphore_mem>>) src(%dma_wait3A_133 : memref<128x128xf32, #tpu.memory_space<hbm>>) dst(%arg15 : memref<128x128xf32, #tpu.memory_space<vmem>>)
        tpu.yield
      }) : () -> ()
      %parallel_loop3A = arith.constant 0 : i32
      %parallel_loop3A_125 = arith.constant 128 : i32
      %parallel_loop3A_126 = arith.constant 1 : i32
      scf.for %parallel_loop3A_128 = %parallel_loop3A to %parallel_loop3A_125 step %parallel_loop3A_126  : i32 {
        %parallel_loop3A_129 = vector.broadcast %parallel_loop3A_128 : i32 to vector<16xi32>
        %parallel_loop3A_130 = arith.addi %broadcast_in_dim3A_2, %parallel_loop3A_129 : vector<16xi32>
        %parallel_loop3A_131 = tpu.vector_load_idx %arg14[%parallel_loop3A_130, %broadcast_in_dim3A_2] : memref<128x16xf32, #tpu.memory_space<vmem>>[vector<16xi32>, vector<16xi32>], vector<16xf32>,
        %parallel_loop3A_132 = arith.constant 9.99999971E-10 : f32
        %parallel_loop3A_133 = vector.broadcast %parallel_loop3A_132 : f32 to vector<16xf32>
        %parallel_loop3A_134 = arith.maximumf %parallel_loop3A_131, %parallel_loop3A_133 : vector<16xf32>
        %parallel_loop3A_135 = arith.constant 1.000000e+00 : f32
        %parallel_loop3A_136 = vector.broadcast %parallel_loop3A_135 : f32 to vector<16xf32>
        %parallel_loop3A_137 = arith.divf %parallel_loop3A_136, %parallel_loop3A_134 : vector<16xf32>
        %parallel_loop3A_138 = arith.constant 1 : i32
        %parallel_loop3A_139 = vector.broadcast %parallel_loop3A_138 : i32 to vector<16xi32>
        %parallel_loop3A_140 = arith.addi %broadcast_in_dim3A_2, %parallel_loop3A_139 : vector<16xi32>
        %parallel_loop3A_141 = tpu.vector_load_idx %arg14[%parallel_loop3A_130, %parallel_loop3A_140] : memref<128x16xf32, #tpu.memory_space<vmem>>[vector<16xi32>, vector<16xi32>], vector<16xf32>,
        %parallel_loop3A_142 = arith.constant 9.99999971E-10 : f32
        %parallel_loop3A_143 = vector.broadcast %parallel_loop3A_142 : f32 to vector<16xf32>
        %parallel_loop3A_144 = arith.maximumf %parallel_loop3A_141, %parallel_loop3A_143 : vector<16xf32>
        %parallel_loop3A_145 = arith.constant 1.000000e+00 : f32
        %parallel_loop3A_146 = vector.broadcast %parallel_loop3A_145 : f32 to vector<16xf32>
        %parallel_loop3A_147 = arith.divf %parallel_loop3A_146, %parallel_loop3A_144 : vector<16xf32>
        %parallel_loop3A_148 = arith.index_cast %parallel_loop3A_128 : i32 to index
        %parallel_loop3A_149 = arith.constant 0 : index
        %parallel_loop3A_150 = tpu.vector_load %arg16[%parallel_loop3A_148, %parallel_loop3A_149] {strides = array<i32>} : memref<128x128xf32, #tpu.memory_space<vmem>>, vector<16xf32>,
        %parallel_loop3A_151 = arith.mulf %parallel_loop3A_150, %parallel_loop3A_137 : vector<16xf32>
        %parallel_loop3A_152 = arith.index_cast %parallel_loop3A_128 : i32 to index
        %parallel_loop3A_153 = arith.constant 0 : index
        %parallel_loop3A_154 = tpu.vector_load %arg15[%parallel_loop3A_152, %parallel_loop3A_153] {strides = array<i32>} : memref<128x128xf32, #tpu.memory_space<vmem>>, vector<16xf32>,
        %parallel_loop3A_155 = arith.addf %parallel_loop3A_151, %parallel_loop3A_154 : vector<16xf32>
        %parallel_loop3A_156 = arith.index_cast %arg0 : i32 to index
        %parallel_loop3A_157 = arith.constant 0 : index
        %parallel_loop3A_158 = tpu.vector_load %arg17[%parallel_loop3A_156, %parallel_loop3A_157] {strides = array<i32>} : memref<2x128xf32, #tpu.memory_space<vmem>>, vector<16xf32>,
        %parallel_loop3A_159 = arith.addf %parallel_loop3A_155, %parallel_loop3A_158 : vector<16xf32>
        %parallel_loop3A_160 = arith.index_cast %parallel_loop3A_128 : i32 to index
        %parallel_loop3A_161 = arith.constant 0 : index
        %parallel_loop3A_162 = tpu.vector_load %arg16[%parallel_loop3A_160, %parallel_loop3A_161] {strides = array<i32>} : memref<128x128xf32, #tpu.memory_space<vmem>>, vector<16xf32>,
        tpu.vector_store %arg16[%parallel_loop3A_160, %parallel_loop3A_161], %parallel_loop3A_159 {strides = array<i32>} : memref<128x128xf32, #tpu.memory_space<vmem>>, vector<16xf32>,
        %parallel_loop3A_163 = arith.index_cast %parallel_loop3A_128 : i32 to index
        %parallel_loop3A_164 = arith.constant 16 : index
        %parallel_loop3A_165 = tpu.vector_load %arg16[%parallel_loop3A_163, %parallel_loop3A_164] {strides = array<i32>} : memref<128x128xf32, #tpu.memory_space<vmem>>, vector<16xf32>,
        %parallel_loop3A_166 = arith.mulf %parallel_loop3A_165, %parallel_loop3A_137 : vector<16xf32>
        %parallel_loop3A_167 = arith.index_cast %parallel_loop3A_128 : i32 to index
        %parallel_loop3A_168 = arith.constant 16 : index
        %parallel_loop3A_169 = tpu.vector_load %arg15[%parallel_loop3A_167, %parallel_loop3A_168] {strides = array<i32>} : memref<128x128xf32, #tpu.memory_space<vmem>>, vector<16xf32>,
        %parallel_loop3A_170 = arith.addf %parallel_loop3A_166, %parallel_loop3A_169 : vector<16xf32>
        %parallel_loop3A_171 = arith.index_cast %arg0 : i32 to index
        %parallel_loop3A_172 = arith.constant 16 : index
        %parallel_loop3A_173 = tpu.vector_load %arg17[%parallel_loop3A_171, %parallel_loop3A_172] {strides = array<i32>} : memref<2x128xf32, #tpu.memory_space<vmem>>, vector<16xf32>,
        %parallel_loop3A_174 = arith.addf %parallel_loop3A_170, %parallel_loop3A_173 : vector<16xf32>
        %parallel_loop3A_175 = arith.index_cast %parallel_loop3A_128 : i32 to index
        %parallel_loop3A_176 = arith.constant 16 : index
        %parallel_loop3A_177 = tpu.vector_load %arg16[%parallel_loop3A_175, %parallel_loop3A_176] {strides = array<i32>} : memref<128x128xf32, #tpu.memory_space<vmem>>, vector<16xf32>,
        tpu.vector_store %arg16[%parallel_loop3A_175, %parallel_loop3A_176], %parallel_loop3A_174 {strides = array<i32>} : memref<128x128xf32, #tpu.memory_space<vmem>>, vector<16xf32>,
        %parallel_loop3A_178 = arith.index_cast %parallel_loop3A_128 : i32 to index
        %parallel_loop3A_179 = arith.constant 32 : index
        %parallel_loop3A_180 = tpu.vector_load %arg16[%parallel_loop3A_178, %parallel_loop3A_179] {strides = array<i32>} : memref<128x128xf32, #tpu.memory_space<vmem>>, vector<16xf32>,
        %parallel_loop3A_181 = arith.mulf %parallel_loop3A_180, %parallel_loop3A_137 : vector<16xf32>
        %parallel_loop3A_182 = arith.index_cast %parallel_loop3A_128 : i32 to index
        %parallel_loop3A_183 = arith.constant 32 : index
        %parallel_loop3A_184 = tpu.vector_load %arg15[%parallel_loop3A_182, %parallel_loop3A_183] {strides = array<i32>} : memref<128x128xf32, #tpu.memory_space<vmem>>, vector<16xf32>,
        %parallel_loop3A_185 = arith.addf %parallel_loop3A_181, %parallel_loop3A_184 : vector<16xf32>
        %parallel_loop3A_186 = arith.index_cast %arg0 : i32 to index
        %parallel_loop3A_187 = arith.constant 32 : index
        %parallel_loop3A_188 = tpu.vector_load %arg17[%parallel_loop3A_186, %parallel_loop3A_187] {strides = array<i32>} : memref<2x128xf32, #tpu.memory_space<vmem>>, vector<16xf32>,
        %parallel_loop3A_189 = arith.addf %parallel_loop3A_185, %parallel_loop3A_188 : vector<16xf32>
        %parallel_loop3A_190 = arith.index_cast %parallel_loop3A_128 : i32 to index
        %parallel_loop3A_191 = arith.constant 32 : index
        %parallel_loop3A_192 = tpu.vector_load %arg16[%parallel_loop3A_190, %parallel_loop3A_191] {strides = array<i32>} : memref<128x128xf32, #tpu.memory_space<vmem>>, vector<16xf32>,
        tpu.vector_store %arg16[%parallel_loop3A_190, %parallel_loop3A_191], %parallel_loop3A_189 {strides = array<i32>} : memref<128x128xf32, #tpu.memory_space<vmem>>, vector<16xf32>,
        %parallel_loop3A_193 = arith.index_cast %parallel_loop3A_128 : i32 to index
        %parallel_loop3A_194 = arith.constant 48 : index
        %parallel_loop3A_195 = tpu.vector_load %arg16[%parallel_loop3A_193, %parallel_loop3A_194] {strides = array<i32>} : memref<128x128xf32, #tpu.memory_space<vmem>>, vector<16xf32>,
        %parallel_loop3A_196 = arith.mulf %parallel_loop3A_195, %parallel_loop3A_137 : vector<16xf32>
        %parallel_loop3A_197 = arith.index_cast %parallel_loop3A_128 : i32 to index
        %parallel_loop3A_198 = arith.constant 48 : index
        %parallel_loop3A_199 = tpu.vector_load %arg15[%parallel_loop3A_197, %parallel_loop3A_198] {strides = array<i32>} : memref<128x128xf32, #tpu.memory_space<vmem>>, vector<16xf32>,
        %parallel_loop3A_200 = arith.addf %parallel_loop3A_196, %parallel_loop3A_199 : vector<16xf32>
        %parallel_loop3A_201 = arith.index_cast %arg0 : i32 to index
        %parallel_loop3A_202 = arith.constant 48 : index
        %parallel_loop3A_203 = tpu.vector_load %arg17[%parallel_loop3A_201, %parallel_loop3A_202] {strides = array<i32>} : memref<2x128xf32, #tpu.memory_space<vmem>>, vector<16xf32>,
        %parallel_loop3A_204 = arith.addf %parallel_loop3A_200, %parallel_loop3A_203 : vector<16xf32>
        %parallel_loop3A_205 = arith.index_cast %parallel_loop3A_128 : i32 to index
        %parallel_loop3A_206 = arith.constant 48 : index
        %parallel_loop3A_207 = tpu.vector_load %arg16[%parallel_loop3A_205, %parallel_loop3A_206] {strides = array<i32>} : memref<128x128xf32, #tpu.memory_space<vmem>>, vector<16xf32>,
        tpu.vector_store %arg16[%parallel_loop3A_205, %parallel_loop3A_206], %parallel_loop3A_204 {strides = array<i32>} : memref<128x128xf32, #tpu.memory_space<vmem>>, vector<16xf32>,
        %parallel_loop3A_208 = arith.index_cast %parallel_loop3A_128 : i32 to index
        %parallel_loop3A_209 = arith.constant 64 : index
        %parallel_loop3A_210 = tpu.vector_load %arg16[%parallel_loop3A_208, %parallel_loop3A_209] {strides = array<i32>} : memref<128x128xf32, #tpu.memory_space<vmem>>, vector<16xf32>,
        %parallel_loop3A_211 = arith.mulf %parallel_loop3A_210, %parallel_loop3A_147 : vector<16xf32>
        %parallel_loop3A_212 = arith.index_cast %parallel_loop3A_128 : i32 to index
        %parallel_loop3A_213 = arith.constant 64 : index
        %parallel_loop3A_214 = tpu.vector_load %arg15[%parallel_loop3A_212, %parallel_loop3A_213] {strides = array<i32>} : memref<128x128xf32, #tpu.memory_space<vmem>>, vector<16xf32>,
        %parallel_loop3A_215 = arith.addf %parallel_loop3A_211, %parallel_loop3A_214 : vector<16xf32>
        %parallel_loop3A_216 = arith.index_cast %arg0 : i32 to index
        %parallel_loop3A_217 = arith.constant 64 : index
        %parallel_loop3A_218 = tpu.vector_load %arg17[%parallel_loop3A_216, %parallel_loop3A_217] {strides = array<i32>} : memref<2x128xf32, #tpu.memory_space<vmem>>, vector<16xf32>,
        %parallel_loop3A_219 = arith.addf %parallel_loop3A_215, %parallel_loop3A_218 : vector<16xf32>
        %parallel_loop3A_220 = arith.index_cast %parallel_loop3A_128 : i32 to index
        %parallel_loop3A_221 = arith.constant 64 : index
        %parallel_loop3A_222 = tpu.vector_load %arg16[%parallel_loop3A_220, %parallel_loop3A_221] {strides = array<i32>} : memref<128x128xf32, #tpu.memory_space<vmem>>, vector<16xf32>,
        tpu.vector_store %arg16[%parallel_loop3A_220, %parallel_loop3A_221], %parallel_loop3A_219 {strides = array<i32>} : memref<128x128xf32, #tpu.memory_space<vmem>>, vector<16xf32>,
        %parallel_loop3A_223 = arith.index_cast %parallel_loop3A_128 : i32 to index
        %parallel_loop3A_224 = arith.constant 80 : index
        %parallel_loop3A_225 = tpu.vector_load %arg16[%parallel_loop3A_223, %parallel_loop3A_224] {strides = array<i32>} : memref<128x128xf32, #tpu.memory_space<vmem>>, vector<16xf32>,
        %parallel_loop3A_226 = arith.mulf %parallel_loop3A_225, %parallel_loop3A_147 : vector<16xf32>
        %parallel_loop3A_227 = arith.index_cast %parallel_loop3A_128 : i32 to index
        %parallel_loop3A_228 = arith.constant 80 : index
        %parallel_loop3A_229 = tpu.vector_load %arg15[%parallel_loop3A_227, %parallel_loop3A_228] {strides = array<i32>} : memref<128x128xf32, #tpu.memory_space<vmem>>, vector<16xf32>,
        %parallel_loop3A_230 = arith.addf %parallel_loop3A_226, %parallel_loop3A_229 : vector<16xf32>
        %parallel_loop3A_231 = arith.index_cast %arg0 : i32 to index
        %parallel_loop3A_232 = arith.constant 80 : index
        %parallel_loop3A_233 = tpu.vector_load %arg17[%parallel_loop3A_231, %parallel_loop3A_232] {strides = array<i32>} : memref<2x128xf32, #tpu.memory_space<vmem>>, vector<16xf32>,
        %parallel_loop3A_234 = arith.addf %parallel_loop3A_230, %parallel_loop3A_233 : vector<16xf32>
        %parallel_loop3A_235 = arith.index_cast %parallel_loop3A_128 : i32 to index
        %parallel_loop3A_236 = arith.constant 80 : index
        %parallel_loop3A_237 = tpu.vector_load %arg16[%parallel_loop3A_235, %parallel_loop3A_236] {strides = array<i32>} : memref<128x128xf32, #tpu.memory_space<vmem>>, vector<16xf32>,
        tpu.vector_store %arg16[%parallel_loop3A_235, %parallel_loop3A_236], %parallel_loop3A_234 {strides = array<i32>} : memref<128x128xf32, #tpu.memory_space<vmem>>, vector<16xf32>,
        %parallel_loop3A_238 = arith.index_cast %parallel_loop3A_128 : i32 to index
        %parallel_loop3A_239 = arith.constant 96 : index
        %parallel_loop3A_240 = tpu.vector_load %arg16[%parallel_loop3A_238, %parallel_loop3A_239] {strides = array<i32>} : memref<128x128xf32, #tpu.memory_space<vmem>>, vector<16xf32>,
        %parallel_loop3A_241 = arith.mulf %parallel_loop3A_240, %parallel_loop3A_147 : vector<16xf32>
        %parallel_loop3A_242 = arith.index_cast %parallel_loop3A_128 : i32 to index
        %parallel_loop3A_243 = arith.constant 96 : index
        %parallel_loop3A_244 = tpu.vector_load %arg15[%parallel_loop3A_242, %parallel_loop3A_243] {strides = array<i32>} : memref<128x128xf32, #tpu.memory_space<vmem>>, vector<16xf32>,
        %parallel_loop3A_245 = arith.addf %parallel_loop3A_241, %parallel_loop3A_244 : vector<16xf32>
        %parallel_loop3A_246 = arith.index_cast %arg0 : i32 to index
        %parallel_loop3A_247 = arith.constant 96 : index
        %parallel_loop3A_248 = tpu.vector_load %arg17[%parallel_loop3A_246, %parallel_loop3A_247] {strides = array<i32>} : memref<2x128xf32, #tpu.memory_space<vmem>>, vector<16xf32>,
        %parallel_loop3A_249 = arith.addf %parallel_loop3A_245, %parallel_loop3A_248 : vector<16xf32>
        %parallel_loop3A_250 = arith.index_cast %parallel_loop3A_128 : i32 to index
        %parallel_loop3A_251 = arith.constant 96 : index
        %parallel_loop3A_252 = tpu.vector_load %arg16[%parallel_loop3A_250, %parallel_loop3A_251] {strides = array<i32>} : memref<128x128xf32, #tpu.memory_space<vmem>>, vector<16xf32>,
        tpu.vector_store %arg16[%parallel_loop3A_250, %parallel_loop3A_251], %parallel_loop3A_249 {strides = array<i32>} : memref<128x128xf32, #tpu.memory_space<vmem>>, vector<16xf32>,
        %parallel_loop3A_253 = arith.index_cast %parallel_loop3A_128 : i32 to index
        %parallel_loop3A_254 = arith.constant 112 : index
        %parallel_loop3A_255 = tpu.vector_load %arg16[%parallel_loop3A_253, %parallel_loop3A_254] {strides = array<i32>} : memref<128x128xf32, #tpu.memory_space<vmem>>, vector<16xf32>,
        %parallel_loop3A_256 = arith.mulf %parallel_loop3A_255, %parallel_loop3A_147 : vector<16xf32>
        %parallel_loop3A_257 = arith.index_cast %parallel_loop3A_128 : i32 to index
        %parallel_loop3A_258 = arith.constant 112 : index
        %parallel_loop3A_259 = tpu.vector_load %arg15[%parallel_loop3A_257, %parallel_loop3A_258] {strides = array<i32>} : memref<128x128xf32, #tpu.memory_space<vmem>>, vector<16xf32>,
        %parallel_loop3A_260 = arith.addf %parallel_loop3A_256, %parallel_loop3A_259 : vector<16xf32>
        %parallel_loop3A_261 = arith.index_cast %arg0 : i32 to index
        %parallel_loop3A_262 = arith.constant 112 : index
        %parallel_loop3A_263 = tpu.vector_load %arg17[%parallel_loop3A_261, %parallel_loop3A_262] {strides = array<i32>} : memref<2x128xf32, #tpu.memory_space<vmem>>, vector<16xf32>,
        %parallel_loop3A_264 = arith.addf %parallel_loop3A_260, %parallel_loop3A_263 : vector<16xf32>
        %parallel_loop3A_265 = arith.index_cast %parallel_loop3A_128 : i32 to index
        %parallel_loop3A_266 = arith.constant 112 : index
        %parallel_loop3A_267 = tpu.vector_load %arg16[%parallel_loop3A_265, %parallel_loop3A_266] {strides = array<i32>} : memref<128x128xf32, #tpu.memory_space<vmem>>, vector<16xf32>,
        tpu.vector_store %arg16[%parallel_loop3A_265, %parallel_loop3A_266], %parallel_loop3A_264 {strides = array<i32>} : memref<128x128xf32, #tpu.memory_space<vmem>>, vector<16xf32>,
      } {sc.loop_unroll_factor = 4 : i64, sc.parallel_access}
      %add3A_127 = arith.addi %mul3A_60, %multiple_of3A_113 : i32
      "tpu.region"() ({
        %run_scoped3A = tpu.sem_alloc : memref<!tpu.dma_semaphore, #tpu.memory_space<semaphore_mem>>
        %dma_start3A = arith.constant 0 : i32
        %dma_start3A_128 = tpu.memref_slice %arg8[%add3A_127, %dma_start3A] : memref<20000x128xf32, #tpu.memory_space<hbm>> -> memref<128x128xf32, #tpu.memory_space<hbm>>
        %dma_start3A_129 = arith.constant 0 : i32
        %dma_start3A_130 = tpu.memref_slice %arg8[%add3A_127, %dma_start3A_129] : memref<20000x128xf32, #tpu.memory_space<hbm>> -> memref<128x128xf32, #tpu.memory_space<hbm>>
        tpu.enqueue_dma source(%arg16 : memref<128x128xf32, #tpu.memory_space<vmem>>) target(%dma_start3A_130 : memref<128x128xf32, #tpu.memory_space<hbm>>) target_semaphore(%run_scoped3A : memref<!tpu.dma_semaphore, #tpu.memory_space<semaphore_mem>>)
        %dma_wait3A = arith.constant 0 : i32
        %dma_wait3A_131 = tpu.memref_slice %arg8[%add3A_127, %dma_wait3A] : memref<20000x128xf32, #tpu.memory_space<hbm>> -> memref<128x128xf32, #tpu.memory_space<hbm>>
        %dma_wait3A_132 = arith.constant 0 : i32
        %dma_wait3A_133 = tpu.memref_slice %arg8[%add3A_127, %dma_wait3A_132] : memref<20000x128xf32, #tpu.memory_space<hbm>> -> memref<128x128xf32, #tpu.memory_space<hbm>>
        tpu.wait_dma2 semaphore(%run_scoped3A : memref<!tpu.dma_semaphore, #tpu.memory_space<semaphore_mem>>) src(%arg16 : memref<128x128xf32, #tpu.memory_space<vmem>>) dst(%dma_wait3A_133 : memref<128x128xf32, #tpu.memory_space<hbm>>)
        tpu.yield
      }) : () -> ()
    } else {
    }
    %eq3A_119 = arith.constant 15 : i32
    %eq3A_120 = arith.cmpi eq, %arg1, %eq3A_119 : i32
    %convert_element_type3A_121 = arith.extui %eq3A_120 : i1 to i32
    %cond3A_122 = arith.constant 0 : i32
    %cond3A_123 = arith.cmpi ne, %convert_element_type3A_121, %cond3A_122 : i32
    scf.if %cond3A_123 {
      "tpu.region"() ({
        %run_scoped3A = tpu.sem_alloc : memref<!tpu.dma_semaphore, #tpu.memory_space<semaphore_mem>>
        %dma_start3A = arith.constant 0 : i32
        %dma_start3A_130 = arith.constant 0 : i32
        %dma_start3A_131 = tpu.memref_slice %arg16[%dma_start3A, %dma_start3A_130] : memref<128x128xf32, #tpu.memory_space<vmem>> -> memref<16x128xf32, #tpu.memory_space<vmem>>
        %dma_start3A_132 = arith.constant 9984 : i32
        %dma_start3A_133 = arith.constant 0 : i32
        %dma_start3A_134 = tpu.memref_slice %arg18[%dma_start3A_132, %dma_start3A_133] : memref<10000x128xf32, #tpu.memory_space<vmem_shared>> -> memref<16x128xf32, #tpu.memory_space<vmem_shared>>
        %dma_start3A_135 = arith.constant 0 : i32
        %dma_start3A_136 = arith.constant 0 : i32
        %dma_start3A_137 = tpu.memref_slice %arg16[%dma_start3A_135, %dma_start3A_136] : memref<128x128xf32, #tpu.memory_space<vmem>> -> memref<16x128xf32, #tpu.memory_space<vmem>>
        %dma_start3A_138 = arith.constant 9984 : i32
        %dma_start3A_139 = arith.constant 0 : i32
        %dma_start3A_140 = tpu.memref_slice %arg18[%dma_start3A_138, %dma_start3A_139] : memref<10000x128xf32, #tpu.memory_space<vmem_shared>> -> memref<16x128xf32, #tpu.memory_space<vmem_shared>>
        tpu.enqueue_dma source(%dma_start3A_140 : memref<16x128xf32, #tpu.memory_space<vmem_shared>>) target(%dma_start3A_137 : memref<16x128xf32, #tpu.memory_space<vmem>>) target_semaphore(%run_scoped3A : memref<!tpu.dma_semaphore, #tpu.memory_space<semaphore_mem>>)
        %dma_wait3A = arith.constant 0 : i32
        %dma_wait3A_141 = arith.constant 0 : i32
        %dma_wait3A_142 = tpu.memref_slice %arg16[%dma_wait3A, %dma_wait3A_141] : memref<128x128xf32, #tpu.memory_space<vmem>> -> memref<16x128xf32, #tpu.memory_space<vmem>>
        %dma_wait3A_143 = arith.constant 9984 : i32
        %dma_wait3A_144 = arith.constant 0 : i32
        %dma_wait3A_145 = tpu.memref_slice %arg18[%dma_wait3A_143, %dma_wait3A_144] : memref<10000x128xf32, #tpu.memory_space<vmem_shared>> -> memref<16x128xf32, #tpu.memory_space<vmem_shared>>
        %dma_wait3A_146 = arith.constant 0 : i32
        %dma_wait3A_147 = arith.constant 0 : i32
        %dma_wait3A_148 = tpu.memref_slice %arg16[%dma_wait3A_146, %dma_wait3A_147] : memref<128x128xf32, #tpu.memory_space<vmem>> -> memref<16x128xf32, #tpu.memory_space<vmem>>
        %dma_wait3A_149 = arith.constant 9984 : i32
        %dma_wait3A_150 = arith.constant 0 : i32
        %dma_wait3A_151 = tpu.memref_slice %arg18[%dma_wait3A_149, %dma_wait3A_150] : memref<10000x128xf32, #tpu.memory_space<vmem_shared>> -> memref<16x128xf32, #tpu.memory_space<vmem_shared>>
        tpu.wait_dma2 semaphore(%run_scoped3A : memref<!tpu.dma_semaphore, #tpu.memory_space<semaphore_mem>>) src(%dma_wait3A_151 : memref<16x128xf32, #tpu.memory_space<vmem_shared>>) dst(%dma_wait3A_148 : memref<16x128xf32, #tpu.memory_space<vmem>>)
        tpu.yield
      }) : () -> ()
      "tpu.region"() ({
        %run_scoped3A = tpu.sem_alloc : memref<!tpu.dma_semaphore, #tpu.memory_space<semaphore_mem>>
        %dma_start3A = arith.constant 0 : i32
        %dma_start3A_130 = arith.constant 0 : i32
        %dma_start3A_131 = tpu.memref_slice %arg14[%dma_start3A, %dma_start3A_130] : memref<128x16xf32, #tpu.memory_space<vmem>> -> memref<16x16xf32, #tpu.memory_space<vmem>>
        %dma_start3A_132 = arith.constant 9984 : i32
        %dma_start3A_133 = arith.constant 0 : i32
        %dma_start3A_134 = tpu.memref_slice %arg19[%dma_start3A_132, %dma_start3A_133] : memref<10000x16xf32, #tpu.memory_space<vmem_shared>> -> memref<16x16xf32, #tpu.memory_space<vmem_shared>>
        %dma_start3A_135 = arith.constant 0 : i32
        %dma_start3A_136 = arith.constant 0 : i32
        %dma_start3A_137 = tpu.memref_slice %arg14[%dma_start3A_135, %dma_start3A_136] : memref<128x16xf32, #tpu.memory_space<vmem>> -> memref<16x16xf32, #tpu.memory_space<vmem>>
        %dma_start3A_138 = arith.constant 9984 : i32
        %dma_start3A_139 = arith.constant 0 : i32
        %dma_start3A_140 = tpu.memref_slice %arg19[%dma_start3A_138, %dma_start3A_139] : memref<10000x16xf32, #tpu.memory_space<vmem_shared>> -> memref<16x16xf32, #tpu.memory_space<vmem_shared>>
        tpu.enqueue_dma source(%dma_start3A_140 : memref<16x16xf32, #tpu.memory_space<vmem_shared>>) target(%dma_start3A_137 : memref<16x16xf32, #tpu.memory_space<vmem>>) target_semaphore(%run_scoped3A : memref<!tpu.dma_semaphore, #tpu.memory_space<semaphore_mem>>)
        %dma_wait3A = arith.constant 0 : i32
        %dma_wait3A_141 = arith.constant 0 : i32
        %dma_wait3A_142 = tpu.memref_slice %arg14[%dma_wait3A, %dma_wait3A_141] : memref<128x16xf32, #tpu.memory_space<vmem>> -> memref<16x16xf32, #tpu.memory_space<vmem>>
        %dma_wait3A_143 = arith.constant 9984 : i32
        %dma_wait3A_144 = arith.constant 0 : i32
        %dma_wait3A_145 = tpu.memref_slice %arg19[%dma_wait3A_143, %dma_wait3A_144] : memref<10000x16xf32, #tpu.memory_space<vmem_shared>> -> memref<16x16xf32, #tpu.memory_space<vmem_shared>>
        %dma_wait3A_146 = arith.constant 0 : i32
        %dma_wait3A_147 = arith.constant 0 : i32
        %dma_wait3A_148 = tpu.memref_slice %arg14[%dma_wait3A_146, %dma_wait3A_147] : memref<128x16xf32, #tpu.memory_space<vmem>> -> memref<16x16xf32, #tpu.memory_space<vmem>>
        %dma_wait3A_149 = arith.constant 9984 : i32
        %dma_wait3A_150 = arith.constant 0 : i32
        %dma_wait3A_151 = tpu.memref_slice %arg19[%dma_wait3A_149, %dma_wait3A_150] : memref<10000x16xf32, #tpu.memory_space<vmem_shared>> -> memref<16x16xf32, #tpu.memory_space<vmem_shared>>
        tpu.wait_dma2 semaphore(%run_scoped3A : memref<!tpu.dma_semaphore, #tpu.memory_space<semaphore_mem>>) src(%dma_wait3A_151 : memref<16x16xf32, #tpu.memory_space<vmem_shared>>) dst(%dma_wait3A_148 : memref<16x16xf32, #tpu.memory_space<vmem>>)
        tpu.yield
      }) : () -> ()
      %add3A_124 = arith.constant 9984 : i32
      %add3A_125 = arith.addi %mul3A_60, %add3A_124 : i32
      "tpu.region"() ({
        %run_scoped3A = tpu.sem_alloc : memref<!tpu.dma_semaphore, #tpu.memory_space<semaphore_mem>>
        %dma_start3A = arith.constant 0 : i32
        %dma_start3A_130 = arith.constant 0 : i32
        %dma_start3A_131 = tpu.memref_slice %arg15[%dma_start3A, %dma_start3A_130] : memref<128x128xf32, #tpu.memory_space<vmem>> -> memref<16x128xf32, #tpu.memory_space<vmem>>
        %dma_start3A_132 = arith.constant 0 : i32
        %dma_start3A_133 = tpu.memref_slice %arg4[%add3A_125, %dma_start3A_132] : memref<20000x128xf32, #tpu.memory_space<hbm>> -> memref<16x128xf32, #tpu.memory_space<hbm>>
        %dma_start3A_134 = arith.constant 0 : i32
        %dma_start3A_135 = arith.constant 0 : i32
        %dma_start3A_136 = tpu.memref_slice %arg15[%dma_start3A_134, %dma_start3A_135] : memref<128x128xf32, #tpu.memory_space<vmem>> -> memref<16x128xf32, #tpu.memory_space<vmem>>
        %dma_start3A_137 = arith.constant 0 : i32
        %dma_start3A_138 = tpu.memref_slice %arg4[%add3A_125, %dma_start3A_137] : memref<20000x128xf32, #tpu.memory_space<hbm>> -> memref<16x128xf32, #tpu.memory_space<hbm>>
        tpu.enqueue_dma source(%dma_start3A_138 : memref<16x128xf32, #tpu.memory_space<hbm>>) target(%dma_start3A_136 : memref<16x128xf32, #tpu.memory_space<vmem>>) target_semaphore(%run_scoped3A : memref<!tpu.dma_semaphore, #tpu.memory_space<semaphore_mem>>)
        %dma_wait3A = arith.constant 0 : i32
        %dma_wait3A_139 = arith.constant 0 : i32
        %dma_wait3A_140 = tpu.memref_slice %arg15[%dma_wait3A, %dma_wait3A_139] : memref<128x128xf32, #tpu.memory_space<vmem>> -> memref<16x128xf32, #tpu.memory_space<vmem>>
        %dma_wait3A_141 = arith.constant 0 : i32
        %dma_wait3A_142 = tpu.memref_slice %arg4[%add3A_125, %dma_wait3A_141] : memref<20000x128xf32, #tpu.memory_space<hbm>> -> memref<16x128xf32, #tpu.memory_space<hbm>>
        %dma_wait3A_143 = arith.constant 0 : i32
        %dma_wait3A_144 = arith.constant 0 : i32
        %dma_wait3A_145 = tpu.memref_slice %arg15[%dma_wait3A_143, %dma_wait3A_144] : memref<128x128xf32, #tpu.memory_space<vmem>> -> memref<16x128xf32, #tpu.memory_space<vmem>>
        %dma_wait3A_146 = arith.constant 0 : i32
        %dma_wait3A_147 = tpu.memref_slice %arg4[%add3A_125, %dma_wait3A_146] : memref<20000x128xf32, #tpu.memory_space<hbm>> -> memref<16x128xf32, #tpu.memory_space<hbm>>
        tpu.wait_dma2 semaphore(%run_scoped3A : memref<!tpu.dma_semaphore, #tpu.memory_space<semaphore_mem>>) src(%dma_wait3A_147 : memref<16x128xf32, #tpu.memory_space<hbm>>) dst(%dma_wait3A_145 : memref<16x128xf32, #tpu.memory_space<vmem>>)
        tpu.yield
      }) : () -> ()
      %parallel_loop3A = arith.constant 0 : i32
      %parallel_loop3A_126 = arith.constant 16 : i32
      %parallel_loop3A_127 = arith.constant 1 : i32
      scf.for %parallel_loop3A_130 = %parallel_loop3A to %parallel_loop3A_126 step %parallel_loop3A_127  : i32 {
        %parallel_loop3A_131 = vector.broadcast %parallel_loop3A_130 : i32 to vector<16xi32>
        %parallel_loop3A_132 = arith.addi %broadcast_in_dim3A_2, %parallel_loop3A_131 : vector<16xi32>
        %parallel_loop3A_133 = tpu.vector_load_idx %arg14[%parallel_loop3A_132, %broadcast_in_dim3A_2] : memref<128x16xf32, #tpu.memory_space<vmem>>[vector<16xi32>, vector<16xi32>], vector<16xf32>,
        %parallel_loop3A_134 = arith.constant 9.99999971E-10 : f32
        %parallel_loop3A_135 = vector.broadcast %parallel_loop3A_134 : f32 to vector<16xf32>
        %parallel_loop3A_136 = arith.maximumf %parallel_loop3A_133, %parallel_loop3A_135 : vector<16xf32>
        %parallel_loop3A_137 = arith.constant 1.000000e+00 : f32
        %parallel_loop3A_138 = vector.broadcast %parallel_loop3A_137 : f32 to vector<16xf32>
        %parallel_loop3A_139 = arith.divf %parallel_loop3A_138, %parallel_loop3A_136 : vector<16xf32>
        %parallel_loop3A_140 = arith.constant 1 : i32
        %parallel_loop3A_141 = vector.broadcast %parallel_loop3A_140 : i32 to vector<16xi32>
        %parallel_loop3A_142 = arith.addi %broadcast_in_dim3A_2, %parallel_loop3A_141 : vector<16xi32>
        %parallel_loop3A_143 = tpu.vector_load_idx %arg14[%parallel_loop3A_132, %parallel_loop3A_142] : memref<128x16xf32, #tpu.memory_space<vmem>>[vector<16xi32>, vector<16xi32>], vector<16xf32>,
        %parallel_loop3A_144 = arith.constant 9.99999971E-10 : f32
        %parallel_loop3A_145 = vector.broadcast %parallel_loop3A_144 : f32 to vector<16xf32>
        %parallel_loop3A_146 = arith.maximumf %parallel_loop3A_143, %parallel_loop3A_145 : vector<16xf32>
        %parallel_loop3A_147 = arith.constant 1.000000e+00 : f32
        %parallel_loop3A_148 = vector.broadcast %parallel_loop3A_147 : f32 to vector<16xf32>
        %parallel_loop3A_149 = arith.divf %parallel_loop3A_148, %parallel_loop3A_146 : vector<16xf32>
        %parallel_loop3A_150 = arith.index_cast %parallel_loop3A_130 : i32 to index
        %parallel_loop3A_151 = arith.constant 0 : index
        %parallel_loop3A_152 = tpu.vector_load %arg16[%parallel_loop3A_150, %parallel_loop3A_151] {strides = array<i32>} : memref<128x128xf32, #tpu.memory_space<vmem>>, vector<16xf32>,
        %parallel_loop3A_153 = arith.mulf %parallel_loop3A_152, %parallel_loop3A_139 : vector<16xf32>
        %parallel_loop3A_154 = arith.index_cast %parallel_loop3A_130 : i32 to index
        %parallel_loop3A_155 = arith.constant 0 : index
        %parallel_loop3A_156 = tpu.vector_load %arg15[%parallel_loop3A_154, %parallel_loop3A_155] {strides = array<i32>} : memref<128x128xf32, #tpu.memory_space<vmem>>, vector<16xf32>,
        %parallel_loop3A_157 = arith.addf %parallel_loop3A_153, %parallel_loop3A_156 : vector<16xf32>
        %parallel_loop3A_158 = arith.index_cast %arg0 : i32 to index
        %parallel_loop3A_159 = arith.constant 0 : index
        %parallel_loop3A_160 = tpu.vector_load %arg17[%parallel_loop3A_158, %parallel_loop3A_159] {strides = array<i32>} : memref<2x128xf32, #tpu.memory_space<vmem>>, vector<16xf32>,
        %parallel_loop3A_161 = arith.addf %parallel_loop3A_157, %parallel_loop3A_160 : vector<16xf32>
        %parallel_loop3A_162 = arith.index_cast %parallel_loop3A_130 : i32 to index
        %parallel_loop3A_163 = arith.constant 0 : index
        %parallel_loop3A_164 = tpu.vector_load %arg16[%parallel_loop3A_162, %parallel_loop3A_163] {strides = array<i32>} : memref<128x128xf32, #tpu.memory_space<vmem>>, vector<16xf32>,
        tpu.vector_store %arg16[%parallel_loop3A_162, %parallel_loop3A_163], %parallel_loop3A_161 {strides = array<i32>} : memref<128x128xf32, #tpu.memory_space<vmem>>, vector<16xf32>,
        %parallel_loop3A_165 = arith.index_cast %parallel_loop3A_130 : i32 to index
        %parallel_loop3A_166 = arith.constant 16 : index
        %parallel_loop3A_167 = tpu.vector_load %arg16[%parallel_loop3A_165, %parallel_loop3A_166] {strides = array<i32>} : memref<128x128xf32, #tpu.memory_space<vmem>>, vector<16xf32>,
        %parallel_loop3A_168 = arith.mulf %parallel_loop3A_167, %parallel_loop3A_139 : vector<16xf32>
        %parallel_loop3A_169 = arith.index_cast %parallel_loop3A_130 : i32 to index
        %parallel_loop3A_170 = arith.constant 16 : index
        %parallel_loop3A_171 = tpu.vector_load %arg15[%parallel_loop3A_169, %parallel_loop3A_170] {strides = array<i32>} : memref<128x128xf32, #tpu.memory_space<vmem>>, vector<16xf32>,
        %parallel_loop3A_172 = arith.addf %parallel_loop3A_168, %parallel_loop3A_171 : vector<16xf32>
        %parallel_loop3A_173 = arith.index_cast %arg0 : i32 to index
        %parallel_loop3A_174 = arith.constant 16 : index
        %parallel_loop3A_175 = tpu.vector_load %arg17[%parallel_loop3A_173, %parallel_loop3A_174] {strides = array<i32>} : memref<2x128xf32, #tpu.memory_space<vmem>>, vector<16xf32>,
        %parallel_loop3A_176 = arith.addf %parallel_loop3A_172, %parallel_loop3A_175 : vector<16xf32>
        %parallel_loop3A_177 = arith.index_cast %parallel_loop3A_130 : i32 to index
        %parallel_loop3A_178 = arith.constant 16 : index
        %parallel_loop3A_179 = tpu.vector_load %arg16[%parallel_loop3A_177, %parallel_loop3A_178] {strides = array<i32>} : memref<128x128xf32, #tpu.memory_space<vmem>>, vector<16xf32>,
        tpu.vector_store %arg16[%parallel_loop3A_177, %parallel_loop3A_178], %parallel_loop3A_176 {strides = array<i32>} : memref<128x128xf32, #tpu.memory_space<vmem>>, vector<16xf32>,
        %parallel_loop3A_180 = arith.index_cast %parallel_loop3A_130 : i32 to index
        %parallel_loop3A_181 = arith.constant 32 : index
        %parallel_loop3A_182 = tpu.vector_load %arg16[%parallel_loop3A_180, %parallel_loop3A_181] {strides = array<i32>} : memref<128x128xf32, #tpu.memory_space<vmem>>, vector<16xf32>,
        %parallel_loop3A_183 = arith.mulf %parallel_loop3A_182, %parallel_loop3A_139 : vector<16xf32>
        %parallel_loop3A_184 = arith.index_cast %parallel_loop3A_130 : i32 to index
        %parallel_loop3A_185 = arith.constant 32 : index
        %parallel_loop3A_186 = tpu.vector_load %arg15[%parallel_loop3A_184, %parallel_loop3A_185] {strides = array<i32>} : memref<128x128xf32, #tpu.memory_space<vmem>>, vector<16xf32>,
        %parallel_loop3A_187 = arith.addf %parallel_loop3A_183, %parallel_loop3A_186 : vector<16xf32>
        %parallel_loop3A_188 = arith.index_cast %arg0 : i32 to index
        %parallel_loop3A_189 = arith.constant 32 : index
        %parallel_loop3A_190 = tpu.vector_load %arg17[%parallel_loop3A_188, %parallel_loop3A_189] {strides = array<i32>} : memref<2x128xf32, #tpu.memory_space<vmem>>, vector<16xf32>,
        %parallel_loop3A_191 = arith.addf %parallel_loop3A_187, %parallel_loop3A_190 : vector<16xf32>
        %parallel_loop3A_192 = arith.index_cast %parallel_loop3A_130 : i32 to index
        %parallel_loop3A_193 = arith.constant 32 : index
        %parallel_loop3A_194 = tpu.vector_load %arg16[%parallel_loop3A_192, %parallel_loop3A_193] {strides = array<i32>} : memref<128x128xf32, #tpu.memory_space<vmem>>, vector<16xf32>,
        tpu.vector_store %arg16[%parallel_loop3A_192, %parallel_loop3A_193], %parallel_loop3A_191 {strides = array<i32>} : memref<128x128xf32, #tpu.memory_space<vmem>>, vector<16xf32>,
        %parallel_loop3A_195 = arith.index_cast %parallel_loop3A_130 : i32 to index
        %parallel_loop3A_196 = arith.constant 48 : index
        %parallel_loop3A_197 = tpu.vector_load %arg16[%parallel_loop3A_195, %parallel_loop3A_196] {strides = array<i32>} : memref<128x128xf32, #tpu.memory_space<vmem>>, vector<16xf32>,
        %parallel_loop3A_198 = arith.mulf %parallel_loop3A_197, %parallel_loop3A_139 : vector<16xf32>
        %parallel_loop3A_199 = arith.index_cast %parallel_loop3A_130 : i32 to index
        %parallel_loop3A_200 = arith.constant 48 : index
        %parallel_loop3A_201 = tpu.vector_load %arg15[%parallel_loop3A_199, %parallel_loop3A_200] {strides = array<i32>} : memref<128x128xf32, #tpu.memory_space<vmem>>, vector<16xf32>,
        %parallel_loop3A_202 = arith.addf %parallel_loop3A_198, %parallel_loop3A_201 : vector<16xf32>
        %parallel_loop3A_203 = arith.index_cast %arg0 : i32 to index
        %parallel_loop3A_204 = arith.constant 48 : index
        %parallel_loop3A_205 = tpu.vector_load %arg17[%parallel_loop3A_203, %parallel_loop3A_204] {strides = array<i32>} : memref<2x128xf32, #tpu.memory_space<vmem>>, vector<16xf32>,
        %parallel_loop3A_206 = arith.addf %parallel_loop3A_202, %parallel_loop3A_205 : vector<16xf32>
        %parallel_loop3A_207 = arith.index_cast %parallel_loop3A_130 : i32 to index
        %parallel_loop3A_208 = arith.constant 48 : index
        %parallel_loop3A_209 = tpu.vector_load %arg16[%parallel_loop3A_207, %parallel_loop3A_208] {strides = array<i32>} : memref<128x128xf32, #tpu.memory_space<vmem>>, vector<16xf32>,
        tpu.vector_store %arg16[%parallel_loop3A_207, %parallel_loop3A_208], %parallel_loop3A_206 {strides = array<i32>} : memref<128x128xf32, #tpu.memory_space<vmem>>, vector<16xf32>,
        %parallel_loop3A_210 = arith.index_cast %parallel_loop3A_130 : i32 to index
        %parallel_loop3A_211 = arith.constant 64 : index
        %parallel_loop3A_212 = tpu.vector_load %arg16[%parallel_loop3A_210, %parallel_loop3A_211] {strides = array<i32>} : memref<128x128xf32, #tpu.memory_space<vmem>>, vector<16xf32>,
        %parallel_loop3A_213 = arith.mulf %parallel_loop3A_212, %parallel_loop3A_149 : vector<16xf32>
        %parallel_loop3A_214 = arith.index_cast %parallel_loop3A_130 : i32 to index
        %parallel_loop3A_215 = arith.constant 64 : index
        %parallel_loop3A_216 = tpu.vector_load %arg15[%parallel_loop3A_214, %parallel_loop3A_215] {strides = array<i32>} : memref<128x128xf32, #tpu.memory_space<vmem>>, vector<16xf32>,
        %parallel_loop3A_217 = arith.addf %parallel_loop3A_213, %parallel_loop3A_216 : vector<16xf32>
        %parallel_loop3A_218 = arith.index_cast %arg0 : i32 to index
        %parallel_loop3A_219 = arith.constant 64 : index
        %parallel_loop3A_220 = tpu.vector_load %arg17[%parallel_loop3A_218, %parallel_loop3A_219] {strides = array<i32>} : memref<2x128xf32, #tpu.memory_space<vmem>>, vector<16xf32>,
        %parallel_loop3A_221 = arith.addf %parallel_loop3A_217, %parallel_loop3A_220 : vector<16xf32>
        %parallel_loop3A_222 = arith.index_cast %parallel_loop3A_130 : i32 to index
        %parallel_loop3A_223 = arith.constant 64 : index
        %parallel_loop3A_224 = tpu.vector_load %arg16[%parallel_loop3A_222, %parallel_loop3A_223] {strides = array<i32>} : memref<128x128xf32, #tpu.memory_space<vmem>>, vector<16xf32>,
        tpu.vector_store %arg16[%parallel_loop3A_222, %parallel_loop3A_223], %parallel_loop3A_221 {strides = array<i32>} : memref<128x128xf32, #tpu.memory_space<vmem>>, vector<16xf32>,
        %parallel_loop3A_225 = arith.index_cast %parallel_loop3A_130 : i32 to index
        %parallel_loop3A_226 = arith.constant 80 : index
        %parallel_loop3A_227 = tpu.vector_load %arg16[%parallel_loop3A_225, %parallel_loop3A_226] {strides = array<i32>} : memref<128x128xf32, #tpu.memory_space<vmem>>, vector<16xf32>,
        %parallel_loop3A_228 = arith.mulf %parallel_loop3A_227, %parallel_loop3A_149 : vector<16xf32>
        %parallel_loop3A_229 = arith.index_cast %parallel_loop3A_130 : i32 to index
        %parallel_loop3A_230 = arith.constant 80 : index
        %parallel_loop3A_231 = tpu.vector_load %arg15[%parallel_loop3A_229, %parallel_loop3A_230] {strides = array<i32>} : memref<128x128xf32, #tpu.memory_space<vmem>>, vector<16xf32>,
        %parallel_loop3A_232 = arith.addf %parallel_loop3A_228, %parallel_loop3A_231 : vector<16xf32>
        %parallel_loop3A_233 = arith.index_cast %arg0 : i32 to index
        %parallel_loop3A_234 = arith.constant 80 : index
        %parallel_loop3A_235 = tpu.vector_load %arg17[%parallel_loop3A_233, %parallel_loop3A_234] {strides = array<i32>} : memref<2x128xf32, #tpu.memory_space<vmem>>, vector<16xf32>,
        %parallel_loop3A_236 = arith.addf %parallel_loop3A_232, %parallel_loop3A_235 : vector<16xf32>
        %parallel_loop3A_237 = arith.index_cast %parallel_loop3A_130 : i32 to index
        %parallel_loop3A_238 = arith.constant 80 : index
        %parallel_loop3A_239 = tpu.vector_load %arg16[%parallel_loop3A_237, %parallel_loop3A_238] {strides = array<i32>} : memref<128x128xf32, #tpu.memory_space<vmem>>, vector<16xf32>,
        tpu.vector_store %arg16[%parallel_loop3A_237, %parallel_loop3A_238], %parallel_loop3A_236 {strides = array<i32>} : memref<128x128xf32, #tpu.memory_space<vmem>>, vector<16xf32>,
        %parallel_loop3A_240 = arith.index_cast %parallel_loop3A_130 : i32 to index
        %parallel_loop3A_241 = arith.constant 96 : index
        %parallel_loop3A_242 = tpu.vector_load %arg16[%parallel_loop3A_240, %parallel_loop3A_241] {strides = array<i32>} : memref<128x128xf32, #tpu.memory_space<vmem>>, vector<16xf32>,
        %parallel_loop3A_243 = arith.mulf %parallel_loop3A_242, %parallel_loop3A_149 : vector<16xf32>
        %parallel_loop3A_244 = arith.index_cast %parallel_loop3A_130 : i32 to index
        %parallel_loop3A_245 = arith.constant 96 : index
        %parallel_loop3A_246 = tpu.vector_load %arg15[%parallel_loop3A_244, %parallel_loop3A_245] {strides = array<i32>} : memref<128x128xf32, #tpu.memory_space<vmem>>, vector<16xf32>,
        %parallel_loop3A_247 = arith.addf %parallel_loop3A_243, %parallel_loop3A_246 : vector<16xf32>
        %parallel_loop3A_248 = arith.index_cast %arg0 : i32 to index
        %parallel_loop3A_249 = arith.constant 96 : index
        %parallel_loop3A_250 = tpu.vector_load %arg17[%parallel_loop3A_248, %parallel_loop3A_249] {strides = array<i32>} : memref<2x128xf32, #tpu.memory_space<vmem>>, vector<16xf32>,
        %parallel_loop3A_251 = arith.addf %parallel_loop3A_247, %parallel_loop3A_250 : vector<16xf32>
        %parallel_loop3A_252 = arith.index_cast %parallel_loop3A_130 : i32 to index
        %parallel_loop3A_253 = arith.constant 96 : index
        %parallel_loop3A_254 = tpu.vector_load %arg16[%parallel_loop3A_252, %parallel_loop3A_253] {strides = array<i32>} : memref<128x128xf32, #tpu.memory_space<vmem>>, vector<16xf32>,
        tpu.vector_store %arg16[%parallel_loop3A_252, %parallel_loop3A_253], %parallel_loop3A_251 {strides = array<i32>} : memref<128x128xf32, #tpu.memory_space<vmem>>, vector<16xf32>,
        %parallel_loop3A_255 = arith.index_cast %parallel_loop3A_130 : i32 to index
        %parallel_loop3A_256 = arith.constant 112 : index
        %parallel_loop3A_257 = tpu.vector_load %arg16[%parallel_loop3A_255, %parallel_loop3A_256] {strides = array<i32>} : memref<128x128xf32, #tpu.memory_space<vmem>>, vector<16xf32>,
        %parallel_loop3A_258 = arith.mulf %parallel_loop3A_257, %parallel_loop3A_149 : vector<16xf32>
        %parallel_loop3A_259 = arith.index_cast %parallel_loop3A_130 : i32 to index
        %parallel_loop3A_260 = arith.constant 112 : index
        %parallel_loop3A_261 = tpu.vector_load %arg15[%parallel_loop3A_259, %parallel_loop3A_260] {strides = array<i32>} : memref<128x128xf32, #tpu.memory_space<vmem>>, vector<16xf32>,
        %parallel_loop3A_262 = arith.addf %parallel_loop3A_258, %parallel_loop3A_261 : vector<16xf32>
        %parallel_loop3A_263 = arith.index_cast %arg0 : i32 to index
        %parallel_loop3A_264 = arith.constant 112 : index
        %parallel_loop3A_265 = tpu.vector_load %arg17[%parallel_loop3A_263, %parallel_loop3A_264] {strides = array<i32>} : memref<2x128xf32, #tpu.memory_space<vmem>>, vector<16xf32>,
        %parallel_loop3A_266 = arith.addf %parallel_loop3A_262, %parallel_loop3A_265 : vector<16xf32>
        %parallel_loop3A_267 = arith.index_cast %parallel_loop3A_130 : i32 to index
        %parallel_loop3A_268 = arith.constant 112 : index
        %parallel_loop3A_269 = tpu.vector_load %arg16[%parallel_loop3A_267, %parallel_loop3A_268] {strides = array<i32>} : memref<128x128xf32, #tpu.memory_space<vmem>>, vector<16xf32>,
        tpu.vector_store %arg16[%parallel_loop3A_267, %parallel_loop3A_268], %parallel_loop3A_266 {strides = array<i32>} : memref<128x128xf32, #tpu.memory_space<vmem>>, vector<16xf32>,
      } {sc.loop_unroll_factor = 4 : i64, sc.parallel_access}
      %add3A_128 = arith.constant 9984 : i32
      %add3A_129 = arith.addi %mul3A_60, %add3A_128 : i32
      "tpu.region"() ({
        %run_scoped3A = tpu.sem_alloc : memref<!tpu.dma_semaphore, #tpu.memory_space<semaphore_mem>>
        %dma_start3A = arith.constant 0 : i32
        %dma_start3A_130 = arith.constant 0 : i32
        %dma_start3A_131 = tpu.memref_slice %arg16[%dma_start3A, %dma_start3A_130] : memref<128x128xf32, #tpu.memory_space<vmem>> -> memref<16x128xf32, #tpu.memory_space<vmem>>
        %dma_start3A_132 = arith.constant 0 : i32
        %dma_start3A_133 = tpu.memref_slice %arg8[%add3A_129, %dma_start3A_132] : memref<20000x128xf32, #tpu.memory_space<hbm>> -> memref<16x128xf32, #tpu.memory_space<hbm>>
        %dma_start3A_134 = arith.constant 0 : i32
        %dma_start3A_135 = tpu.memref_slice %arg8[%add3A_129, %dma_start3A_134] : memref<20000x128xf32, #tpu.memory_space<hbm>> -> memref<16x128xf32, #tpu.memory_space<hbm>>
        %dma_start3A_136 = arith.constant 0 : i32
        %dma_start3A_137 = arith.constant 0 : i32
        %dma_start3A_138 = tpu.memref_slice %arg16[%dma_start3A_136, %dma_start3A_137] : memref<128x128xf32, #tpu.memory_space<vmem>> -> memref<16x128xf32, #tpu.memory_space<vmem>>
        tpu.enqueue_dma source(%dma_start3A_138 : memref<16x128xf32, #tpu.memory_space<vmem>>) target(%dma_start3A_135 : memref<16x128xf32, #tpu.memory_space<hbm>>) target_semaphore(%run_scoped3A : memref<!tpu.dma_semaphore, #tpu.memory_space<semaphore_mem>>)
        %dma_wait3A = arith.constant 0 : i32
        %dma_wait3A_139 = arith.constant 0 : i32
        %dma_wait3A_140 = tpu.memref_slice %arg16[%dma_wait3A, %dma_wait3A_139] : memref<128x128xf32, #tpu.memory_space<vmem>> -> memref<16x128xf32, #tpu.memory_space<vmem>>
        %dma_wait3A_141 = arith.constant 0 : i32
        %dma_wait3A_142 = tpu.memref_slice %arg8[%add3A_129, %dma_wait3A_141] : memref<20000x128xf32, #tpu.memory_space<hbm>> -> memref<16x128xf32, #tpu.memory_space<hbm>>
        %dma_wait3A_143 = arith.constant 0 : i32
        %dma_wait3A_144 = tpu.memref_slice %arg8[%add3A_129, %dma_wait3A_143] : memref<20000x128xf32, #tpu.memory_space<hbm>> -> memref<16x128xf32, #tpu.memory_space<hbm>>
        %dma_wait3A_145 = arith.constant 0 : i32
        %dma_wait3A_146 = arith.constant 0 : i32
        %dma_wait3A_147 = tpu.memref_slice %arg16[%dma_wait3A_145, %dma_wait3A_146] : memref<128x128xf32, #tpu.memory_space<vmem>> -> memref<16x128xf32, #tpu.memory_space<vmem>>
        tpu.wait_dma2 semaphore(%run_scoped3A : memref<!tpu.dma_semaphore, #tpu.memory_space<semaphore_mem>>) src(%dma_wait3A_147 : memref<16x128xf32, #tpu.memory_space<vmem>>) dst(%dma_wait3A_144 : memref<16x128xf32, #tpu.memory_space<hbm>>)
        tpu.yield
      }) : () -> ()
    } else {
    }
    return
  }
}

module attributes {stable_mosaic.version = 14 : i64} {
  func.func @_tc_body(%arg0: i32, %arg1: memref<2000x128xf32, #tpu.memory_space<vmem>>, %arg2: memref<128x512xf32, #tpu.memory_space<vmem>>, %arg3: memref<256x8xf32, #tpu.memory_space<vmem>>, %arg4: memref<2x2000x128xf32, #tpu.memory_space<vmem>>, %arg5: memref<2x2000x128xf32, #tpu.memory_space<vmem>>, %arg6: memref<2000x16xf32, #tpu.memory_space<vmem>>) attributes {dimension_semantics = [#tpu.dimension_semantics<arbitrary>], iteration_bounds = array<i64: 5>, scalar_prefetch = 0 : i64, scratch_operands = 0 : i64, tpu.core_type = #tpu.core_type<tc>, window_params = [{transform_indices = @transform_0, window_bounds = array<i64: 2000, 128>}, {pipeline_mode = #tpu.pipeline_mode<synchronous>, transform_indices = @transform_1, window_bounds = array<i64: 128, 512>}, {pipeline_mode = #tpu.pipeline_mode<synchronous>, transform_indices = @transform_2, window_bounds = array<i64: 256, 8>}, {transform_indices = @transform_3, window_bounds = array<i64: 2, 2000, 128>}, {transform_indices = @transform_4, window_bounds = array<i64: 2, 2000, 128>}, {transform_indices = @transform_5, window_bounds = array<i64: 2000, 16>}]} {
    %get3A = arith.constant 0 : index
    %get3A_0 = arith.constant 0 : index
    %get3A_1 = vector.load %arg1[%get3A, %get3A_0] : memref<2000x128xf32, #tpu.memory_space<vmem>>, vector<2000x128xf32>
    %get3A_2 = arith.constant 0 : index
    %get3A_3 = arith.constant 0 : index
    %get3A_4 = vector.load %arg2[%get3A_2, %get3A_3] : memref<128x512xf32, #tpu.memory_space<vmem>>, vector<128x512xf32>
    %dot_general3A = arith.constant dense<0.000000e+00> : vector<2000x512xf32>
    %dot_general3A_5 = tpu.matmul %get3A_1, %get3A_4, %dot_general3A {dimension_numbers = #tpu.dot_dimension_numbers<[1], [0], [0], [1], [0, 0, 1, 1], [], []>, transpose_lhs_hint = false} : vector<2000x128xf32>, vector<128x512xf32>, vector<2000x512xf32> -> vector<2000x512xf32>
    %slice3A = vector.extract_strided_slice %dot_general3A_5 {offsets = [0, 0], sizes = [2000, 128], strides = [1, 1]} : vector<2000x512xf32> to vector<2000x128xf32>
    %swap3A = arith.constant 0 : index
    %swap3A_6 = arith.constant 0 : index
    %swap3A_7 = arith.constant 0 : index
    %swap3A_8 = vector.load %arg4[%swap3A, %swap3A_6, %swap3A_7] : memref<2x2000x128xf32, #tpu.memory_space<vmem>>, vector<1x2000x128xf32>
    %swap3A_9 = vector.shape_cast %swap3A_8 : vector<1x2000x128xf32> to vector<2000x128xf32>
    %swap3A_10 = vector.shape_cast %slice3A : vector<2000x128xf32> to vector<1x2000x128xf32>
    tpu.vector_store %arg4[%swap3A, %swap3A_6, %swap3A_7], %swap3A_10 {strides = array<i32>} : memref<2x2000x128xf32, #tpu.memory_space<vmem>>, vector<1x2000x128xf32>,
    %slice3A_11 = vector.extract_strided_slice %dot_general3A_5 {offsets = [0, 128], sizes = [2000, 128], strides = [1, 1]} : vector<2000x512xf32> to vector<2000x128xf32>
    %swap3A_12 = arith.constant 1 : index
    %swap3A_13 = arith.constant 0 : index
    %swap3A_14 = arith.constant 0 : index
    %swap3A_15 = vector.load %arg4[%swap3A_12, %swap3A_13, %swap3A_14] : memref<2x2000x128xf32, #tpu.memory_space<vmem>>, vector<1x2000x128xf32>
    %swap3A_16 = vector.shape_cast %swap3A_15 : vector<1x2000x128xf32> to vector<2000x128xf32>
    %swap3A_17 = vector.shape_cast %slice3A_11 : vector<2000x128xf32> to vector<1x2000x128xf32>
    tpu.vector_store %arg4[%swap3A_12, %swap3A_13, %swap3A_14], %swap3A_17 {strides = array<i32>} : memref<2x2000x128xf32, #tpu.memory_space<vmem>>, vector<1x2000x128xf32>,
    %slice3A_18 = vector.extract_strided_slice %dot_general3A_5 {offsets = [0, 256], sizes = [2000, 128], strides = [1, 1]} : vector<2000x512xf32> to vector<2000x128xf32>
    %swap3A_19 = arith.constant 0 : index
    %swap3A_20 = arith.constant 0 : index
    %swap3A_21 = arith.constant 0 : index
    %swap3A_22 = vector.load %arg5[%swap3A_19, %swap3A_20, %swap3A_21] : memref<2x2000x128xf32, #tpu.memory_space<vmem>>, vector<1x2000x128xf32>
    %swap3A_23 = vector.shape_cast %swap3A_22 : vector<1x2000x128xf32> to vector<2000x128xf32>
    %swap3A_24 = vector.shape_cast %slice3A_18 : vector<2000x128xf32> to vector<1x2000x128xf32>
    tpu.vector_store %arg5[%swap3A_19, %swap3A_20, %swap3A_21], %swap3A_24 {strides = array<i32>} : memref<2x2000x128xf32, #tpu.memory_space<vmem>>, vector<1x2000x128xf32>,
    %slice3A_25 = vector.extract_strided_slice %dot_general3A_5 {offsets = [0, 384], sizes = [2000, 128], strides = [1, 1]} : vector<2000x512xf32> to vector<2000x128xf32>
    %swap3A_26 = arith.constant 1 : index
    %swap3A_27 = arith.constant 0 : index
    %swap3A_28 = arith.constant 0 : index
    %swap3A_29 = vector.load %arg5[%swap3A_26, %swap3A_27, %swap3A_28] : memref<2x2000x128xf32, #tpu.memory_space<vmem>>, vector<1x2000x128xf32>
    %swap3A_30 = vector.shape_cast %swap3A_29 : vector<1x2000x128xf32> to vector<2000x128xf32>
    %swap3A_31 = vector.shape_cast %slice3A_25 : vector<2000x128xf32> to vector<1x2000x128xf32>
    tpu.vector_store %arg5[%swap3A_26, %swap3A_27, %swap3A_28], %swap3A_31 {strides = array<i32>} : memref<2x2000x128xf32, #tpu.memory_space<vmem>>, vector<1x2000x128xf32>,
    %slice3A_32 = vector.extract_strided_slice %dot_general3A_5 {offsets = [0, 0], sizes = [2000, 256], strides = [1, 1]} : vector<2000x512xf32> to vector<2000x256xf32>
    %get3A_33 = arith.constant 0 : index
    %get3A_34 = arith.constant 0 : index
    %get3A_35 = vector.load %arg3[%get3A_33, %get3A_34] : memref<256x8xf32, #tpu.memory_space<vmem>>, vector<256x8xf32>
    %dot_general3A_36 = arith.constant dense<0.000000e+00> : vector<2000x8xf32>
    %dot_general3A_37 = tpu.matmul %slice3A_32, %get3A_35, %dot_general3A_36 {dimension_numbers = #tpu.dot_dimension_numbers<[1], [0], [0], [1], [0, 0, 1, 1], [], []>, transpose_lhs_hint = false} : vector<2000x256xf32>, vector<256x8xf32>, vector<2000x8xf32> -> vector<2000x8xf32>
    %broadcast_in_dim3A = arith.constant 0.000000e+00 : f32
    %broadcast_in_dim3A_38 = vector.broadcast %broadcast_in_dim3A : f32 to vector<2000x8xf32>
    %concatenate3A = tpu.concatenate %dot_general3A_37, %broadcast_in_dim3A_38 in 1 : vector<2000x8xf32>, vector<2000x8xf32> -> vector<2000x16xf32>
    %swap3A_39 = arith.constant 0 : index
    %swap3A_40 = arith.constant 0 : index
    %swap3A_41 = vector.load %arg6[%swap3A_39, %swap3A_40] : memref<2000x16xf32, #tpu.memory_space<vmem>>, vector<2000x16xf32>
    tpu.vector_store %arg6[%swap3A_39, %swap3A_40], %concatenate3A {strides = array<i32>} : memref<2000x16xf32, #tpu.memory_space<vmem>>, vector<2000x16xf32>,
    return
  }
  func.func @transform_0(%arg0: i32) -> (i32, i32) {
    %c0_i32 = arith.constant 0 : i32
    %c0_i32_0 = arith.constant 0 : i32
    return %arg0, %c0_i32 : i32, i32
  }
  func.func @transform_1(%arg0: i32) -> (i32, i32) {
    %c0_i32 = arith.constant 0 : i32
    %c0_i32_0 = arith.constant 0 : i32
    %c0_i32_1 = arith.constant 0 : i32
    return %c0_i32, %c0_i32_0 : i32, i32
  }
  func.func @transform_2(%arg0: i32) -> (i32, i32) {
    %c0_i32 = arith.constant 0 : i32
    %c0_i32_0 = arith.constant 0 : i32
    %c0_i32_1 = arith.constant 0 : i32
    return %c0_i32, %c0_i32_0 : i32, i32
  }
  func.func @transform_3(%arg0: i32) -> (i32, i32, i32) {
    %c0_i32 = arith.constant 0 : i32
    %c0_i32_0 = arith.constant 0 : i32
    %c0_i32_1 = arith.constant 0 : i32
    return %c0_i32, %arg0, %c0_i32_0 : i32, i32, i32
  }
  func.func @transform_4(%arg0: i32) -> (i32, i32, i32) {
    %c0_i32 = arith.constant 0 : i32
    %c0_i32_0 = arith.constant 0 : i32
    %c0_i32_1 = arith.constant 0 : i32
    return %c0_i32, %arg0, %c0_i32_0 : i32, i32, i32
  }
  func.func @transform_5(%arg0: i32) -> (i32, i32) {
    %c0_i32 = arith.constant 0 : i32
    %c0_i32_0 = arith.constant 0 : i32
    return %arg0, %c0_i32 : i32, i32
  }
}

</mosaic_0001>

<sc_bundles>
// kernel: kernel.4.cloned.1.call-start
scs
__scs_entry_jumppad:
0x0: {  	(pc) =	sbr.rel $0x88, $3  }
0x1: {  	(tag) =	ssettag $0x0;
	lr =	simm.s32 $0x1  }
0x2: {  	[smem:$0x3F9A] =	sst lr;
	_ =	strace $0xD0000000  }
0x3: {  	_ = 	snop  }
0x4: {  	_ = 	snop  }
0x5: {  	_ = 	snop  }
0x6: {  	_ = 	snop  }
0x7: {  	_ = 	snop  }
__scs_overlays_trampoline_lowered:
0x8: {  	[smem:$0x3FA9] =	sst s0  }
0x9: {  	[smem:$0x3FAA] =	sst s1  }
0xa: {  	[smem:$0x3FAB] =	sst s2  }
0xb: {  	[smem:$0x3FAC] =	sst s3  }
0xc: {  	[smem:$0x3FAD] =	sst s4  }
0xd: {  	[smem:$0x3FAE] =	sst s5  }
0xe: {  	[smem:$0x3FAF] =	sst s6  }
0xf: {  	[smem:$0x3FB0] =	sst s7  }
0x10: {  	[smem:$0x3FB1] =	sst s8  }
0x11: {  	[smem:$0x3FB2] =	sst s9;
	s0 =	simm.s32 @!p0 $0x0  }
0x12: {  	s1 =	sld [smem:$0x3F98];
	s0 =	simm.s32 @p0 $0x1  }
0x13: {  	[smem:$0x3FB3] =	sst s0;
	s0 =	simm.s32 @!p1 $0x0  }
0x14: {  	s2 =	sld [smem:$0x3F97];
	s0 =	simm.s32 @p1 $0x1  }
0x15: {  	[smem:$0x3FB4] =	sst s0;
	s0 =	simm.s32 @!p2 $0x0  }
0x16: {  	s3 =	sld [smem:$0x3FDB];
	s0 =	simm.s32 @p2 $0x1  }
0x17: {  	s4 =	simm.s32 $0x1BF5;
	[smem:$0x3FB6] =	sst s0  }
0x18: {  	s0 =	sld [smem:$0x3F99];
	_ =	swait.ge [sflag:s4], $0x0  }
0x19: {  	s7 =	sld [smem:$0x3F9A]  }
0x1a: {  	s8 =	sadd.s32 $0xFFFFE003, lr  }
0x1b: {  	s9 =	sadd.s32 $0xFFFFFEF7, lr;
	s5 =	simm.s32 $0xFFFFFFFF;
	p2 =	slt.u32 s8, $0xFFFFF086  }
0x1c: {  	p1 =	slt.u32 s9, $0xF7A;
	s5 =	simm.s32 @!p2 $0x0  }
0x1d: {  	s5 =	simm.s32 @p1 $0x1;
	p0 =	seq.s32 s7, s2  }
0x1e: {  	s7 =	smul.u32 @!p0 $0xF7A, s2;
	p2 =	seq.s32 @!p0 s5, $0x0  }
0x1f: {  	s9 =	smul.u32 $0xF7A, s1;
	s8 =	simm.s32 @!p0 $0x1BF5;
	p2 =	por !p2, p0  }
0x20: {  	[sflag:s8] =	ssyncset.s32 @!p0 $0xFFFFF086;
	s6 =	sadd.s32 @!p0 s3, s7;
	s7 =	simm.s32 @!p0 $0x108  }
0x21: {  	s3 =	sadd.s32 s3, s9;
	s6 =	sadd.s32 @!p0 $0x88, s6;
	s7 =	simm.s32 @p2 $0x1082  }
0x22: {  	[simem:s7], [sflag:s8] =	dma.local @!p0 [hbm:s6], $0xF7A  }
0x23: {  	s9 =	sor.u32 $0xD0000000, s2;
	s6 =	simm.s32 $0x108;
	_ =	swait.ge @!p0 [sflag:s8], $0x0  }
0x24: {  	s3 =	sadd.s32 $0x88, s3;
	s6 =	simm.s32 @!p1 $0x1082;
	[sflag:s4] =	ssyncset.s32 $0xFFFFF086  }
0x25: {  	[simem:s6], [sflag:s4] =	dma.local [hbm:s3], $0xF7A  }
0x26: {  	[smem:$0x3F9A] =	sst s1;
	(tag) =	ssettag s2;
	_ =	strace s9  }
0x27: {  	s1 =	sld [smem:$0x3FAA]  }
0x28: {  	s2 =	sld [smem:$0x3FAB]  }
0x29: {  	s4 =	sld [smem:$0x3FAD]  }
0x2a: {  	p0 =	seq.s32 s5, $0x0;
	s5 =	sld [smem:$0x3FAE]  }
0x2b: {  	s6 =	sld [smem:$0x3FAF]  }
0x2c: {  	s7 =	sld [smem:$0x3FB0]  }
0x2d: {  	s3 =	simm.s32 $0x108;
	s8 =	sld [smem:$0x3FB1]  }
0x2e: {  	s3 =	simm.s32 @!p0 $0x1082;
	s9 =	sld [smem:$0x3FB2]  }
0x2f: {  	lr =	sadd.s32 s0, s3;
	s0 =	sld [smem:$0x3FA9]  }
0x30: {  	s3 =	sld [smem:$0x3FAC]  }
0x31: {  	[smem:$0x3FB5] =	sst s10  }
0x32: {  	s10 =	sld [smem:$0x3FB3];
	_ =	sdelay $0x3  }
0x33: {  	p0 =	seq.s32 s10, $0x1;
	s10 =	sld [smem:$0x3FB5];
	_ =	sdelay $0x3  }
0x34: {  	[smem:$0x3FB5] =	sst s10  }
0x35: {  	s10 =	sld [smem:$0x3FB4];
	_ =	sdelay $0x3  }
0x36: {  	p1 =	seq.s32 s10, $0x1;
	s10 =	sld [smem:$0x3FB5];
	_ =	sdelay $0x3  }
0x37: {  	[smem:$0x3FB5] =	sst s10  }
0x38: {  	s10 =	sld [smem:$0x3FB6]  }
0x39: {  	_ = 	snop;
	(pc) =	sbr.ind lr, $3  }
0x3a: {  	_ = 	snop  }
0x3b: {  	_ = 	snop  }
0x3c: {  	p2 =	seq.s32 s10, $0x1;
	s10 =	sld [smem:$0x3FB5]  }
0x3d: {  	_ =	shalt  }
0x3e: {  	_ =	shalt  }
0x3f: {  	_ =	shalt  }
0x40: {  	_ =	shalt  }
0x41: {  	_ =	shalt  }
0x42: {  	_ =	shalt  }
0x43: {  	_ =	shalt  }
0x44: {  	_ =	shalt  }
0x45: {  	_ =	shalt  }
0x46: {  	_ =	shalt  }
0x47: {  	_ =	shalt  }
0x48: {  	_ =	shalt  }
0x49: {  	_ =	shalt  }
0x4a: {  	_ =	shalt  }
0x4b: {  	_ =	shalt  }
0x4c: {  	_ =	shalt  }
0x4d: {  	_ =	shalt  }
0x4e: {  	_ =	shalt  }
0x4f: {  	_ =	shalt  }
0x50: {  	_ =	shalt  }
0x51: {  	_ =	shalt  }
0x52: {  	_ =	shalt  }
0x53: {  	_ =	shalt  }
0x54: {  	_ =	shalt  }
0x55: {  	_ =	shalt  }
0x56: {  	_ =	shalt  }
0x57: {  	_ =	shalt  }
0x58: {  	_ =	shalt  }
0x59: {  	_ =	shalt  }
0x5a: {  	_ =	shalt  }
0x5b: {  	_ =	shalt  }
0x5c: {  	_ =	shalt  }
0x5d: {  	_ =	shalt  }
0x5e: {  	_ =	shalt  }
0x5f: {  	_ =	shalt  }
0x60: {  	_ =	shalt  }
0x61: {  	_ =	shalt  }
0x62: {  	_ =	shalt  }
0x63: {  	_ =	shalt  }
0x64: {  	_ =	shalt  }
0x65: {  	_ =	shalt  }
0x66: {  	_ =	shalt  }
0x67: {  	_ =	shalt  }
0x68: {  	_ =	shalt  }
0x69: {  	_ =	shalt  }
0x6a: {  	_ =	shalt  }
0x6b: {  	_ =	shalt  }
0x6c: {  	_ =	shalt  }
0x6d: {  	_ =	shalt  }
0x6e: {  	_ =	shalt  }
0x6f: {  	_ =	shalt  }
0x70: {  	_ =	shalt  }
0x71: {  	_ =	shalt  }
0x72: {  	_ =	shalt  }
0x73: {  	_ =	shalt  }
0x74: {  	_ =	shalt  }
0x75: {  	_ =	shalt  }
0x76: {  	_ =	shalt  }
0x77: {  	_ =	shalt  }
0x78: {  	_ =	shalt  }
0x79: {  	_ =	shalt  }
0x7a: {  	_ =	shalt  }
0x7b: {  	_ =	shalt  }
0x7c: {  	_ =	shalt  }
0x7d: {  	_ =	shalt  }
0x7e: {  	_ =	shalt  }
0x7f: {  	_ =	shalt  }
0x80: {  	_ =	shalt  }
0x81: {  	_ =	shalt  }
0x82: {  	_ =	shalt  }
0x83: {  	_ =	shalt  }
0x84: {  	_ =	shalt  }
0x85: {  	_ =	shalt  }
0x86: {  	_ =	shalt  }
0x87: {  	_ =	shalt  }
.Lfunc_end0:
.L_simem_size_0:
called_computation_lowered:
.L_overlay_start_0:
0x88: {  	s2 =	sld [smem:$0x3FD9]  }
0x89: {  	s3 =	sld [smem:$0x3FFE];
	_ =	sdelay $0x1  }
0x8a: {  	s1 =	srdreg.scid  }
0x8b: {  	s0 =	sand.u32 $0x1, s1  }
0x8c: {  	s17 =	sshll.u32 s0, $0xA;
	s2 =	sadd.s32 s3, s2  }
0x8d: {  	s2 =	sadd.s32 s2, s17  }
0x8e: {  	[smem:$0x3FC1] =	sst s2  }
0x8f: {  	_ = 	snop  }
0x90: {  	s2 =	sld [smem:$0x3FD0];
	(tm) =	ssettm $0x1  }
0x91: {  	s18 =	sld [smem:$0x3FFB];
	_ =	sdelay $0x3  }
0x92: {  	_ =	strace s18  }
0x93: {  	s3 =	sld [smem:$0x3FFC];
	_ =	sdelay $0x3  }
0x94: {  	_ =	strace s3  }
0x95: {  	s3 =	sld [smem:$0x3FFD];
	_ =	sdelay $0x3  }
0x96: {  	_ =	strace s3  }
0x97: {  	_ =	strace $0x8FFFFFFF  }
0x98: {  	s19 =	sld [smem:$0x3FDB];
	_ =	sdelay $0x1  }
0x99: {  	s4 =	simm.s32 $_scs_section_size  }
0x9a: {  	s5 =	simm.s32 $_size__tile_overlayer_lowered;
	s6 =	simm.s32 $_tile_overlayer_lowered  }
0x9b: {  	s22 =	simm.s32 $0x1BFF;
	s21 =	sshll.u32 s6, $0x1;
	s3 =	sadd.s32 s4, s19  }
0x9c: {  	s7 =	simm.s32 $0x0;
	s20 =	sshll.u32 s5, $0x1;
	s5 =	sadd.s32 s21, s3  }
0x9d: {  	[timem:s7], [sflag:s22] =	dma.local [hbm:s5], s20  }
0x9e: {  	_ =	swait.ge [sflag:s22], s20  }
0x9f: {  	s4 =	ssub.s32 $0x0, s20;
	[sflag:s22] =	ssyncset.done $0x0  }
0xa0: {  	[sflag:s22] =	ssyncadd.s32 s4;
	_ =	sdelay $0x1  }
0xa1: {  	s23 =	simm.s32 $0x1B8B  }
0xa2: {  	_ =	swait.ge [sflag:s23], $0x1  }
0xa3: {  	[sflag:s23] =	ssyncset.done $0x0  }
0xa4: {  	s25 =	simm.s32 $0x1B8E;
	s24 =	sld [smem:$0x3FFE];
	[sflag:s23] =	ssyncadd.s32 $0xFFFFFFFF  }
0xa5: {  	s26 =	simm.s32 $execute0_lowered;
	[smem:$0x3FD2] =	sst s25  }
0xa6: {  	s5 =	sshll.u32 s26, $0x1;
	_ =	strace $0x80000046;
	[dreg:$0x1] =	wrdreg $0xFFFFFFFF  }
0xa7: {  	s28 =	simm.s32 $_size_execute0_lowered;
	s3 =	sadd.s32 s3, s5;
	[dreg:$0x0] =	wrdreg $0x0  }
0xa8: {  	s5 =	sshll.u32 s28, $0x1;
	[dreg:$0x2] =	wrdreg s3  }
0xa9: {  	[dreg:$0x3] =	wrdreg s5  }
0xaa: {  	[dreg:$0x4] =	wrdreg $0xC0  }
0xab: {  	_ =	task [dreg:s7], $0x5FFFF  }
0xac: {  	[dreg:$0x1] =	wrdreg $0xFFFFFFFF  }
0xad: {  	[dreg:$0x0] =	wrdreg $0x60  }
0xae: {  	[dreg:$0x2] =	wrdreg s24  }
0xaf: {  	[dreg:$0x3] =	wrdreg s2  }
0xb0: {  	[dreg:$0x4] =	wrdreg $0x9A800  }
0xb1: {  	[dreg:$0x5] =	wrdreg $0x1D3000  }
0xb2: {  	[dreg:$0x6] =	wrdreg $0x9  }
0xb3: {  	_ =	task.clear_ibuf [dreg:s7], $0x7FFFF;
	_ =	strace $0x90000046  }
0xb4: {  	s29 =	simm.s32 $0x9;
	_ =	strace $0x80000048  }
0xb5: {  	_ =	swait.ge [sflag:s29], $0x1  }
0xb6: {  	[sflag:s29] =	ssyncadd.s32 $0xFFFFFFFF  }
0xb7: {  	_ =	strace $0x90000048  }
0xb8: {  	_ =	sfence  }
0xb9: {  	s30 =	sld [smem:$0x0];
	_ =	sdelay $0x2  }
0xba: {  	s31 =	sshll.u32 s1, $0xD;
	s1 =	sshrl.u32 s1, $0x2  }
0xbb: {  	s3 =	sand.u32 $0x4000, s31;
	s1 =	sadd.s32 s1, s30  }
0xbc: {  	s0 =	sor.u32 s3, s0;
	s1 =	sshll.u32 s1, $0x11  }
0xbd: {  	s0 =	sor.u32 s1, s0  }
0xbe: {  	s0 =	sadd.s32 $0x8F2B, s0  }
0xbf: {  	[sflag:s0] =	ssyncadd.remote.s32 $0x1  }
0xc0: {  	_ =	sfence.sel $0xFFFF  }
0xc1: {  	[dreg:$0x0] =	wrdreg $0xFFFFFFFF;
	(pc) =	sbr.abs _section_cstart, $3  }
0xc2: {  	[dreg:$0x1] =	wrdreg $0xFFFFFFFF  }
0xc3: {  	_ =	task.clear_ibuf [dreg:s7], $0x2FFFF;
	_ =	strace $0x9FFFFFFF  }
0xc4: {  	(tm) =	ssettm $0x7FFFFFFF  }
0xc5: {  	_ =	shalt  }
tec
execute0_lowered:
.L_overlay_start_1:
0x0: {  	(tag) =	ssettag $0x1  }
0x1: {  	s7 =	rddreg [dreg:$0x0]  }
0x2: {  	s0 =	srdreg.scid;
	s15 =	rddreg [dreg:$0x1];
	s1 =	simm.s32 $0x0  }
0x3: {  	s21 =	stileid.u32;
	s0 =	sand.u32 $0x1, s0;
	[smem:$0x7FF] =	sst s1  }
0x4: {  	s16 =	sadd.s32 $0x67800, s7;
	s12 =	sor.u32 $0x10, s21;
	s13 =	sshll.u32 s21, $0xE  }
0x5: {  	s6 =	sor.u32 $0x20, s21;
	s3 =	sor.u32 $0x30, s21;
	s4 =	sor.u32 $0x40, s21  }
0x6: {  	p0 =	sgt.u32 s21, $0xD;
	s22 =	ssub.s32 $0x2, s0;
	s11 =	sshll.u32 s12, $0xE  }
0x7: {  	s10 =	smul.u32 $0x138800, s0;
	s9 =	sshll.u32 s6, $0xE;
	s5 =	sshll.u32 s3, $0xE  }
0x8: {  	s14 =	smul.u32 $0x2710, s0;
	s8 =	sshll.u32 s0, $0x1;
	s6 =	sshll.u32 s6, $0xB  }
0x9: {  	s3 =	sshll.u32 s3, $0xB;
	s2 =	sshrl.u32 s22, $0x1;
	s17 =	sadd.s32 s10, s13  }
0xa: {  	p2 =	sne.s32 @p0 s21, $0xF;
	s1 =	ssub.s32 s22, s2;
	s17 =	sshrl.u32 s17, $0x3  }
0xb: {  	s18 =	sadd.s32 s10, s11;
	s23 =	sadd.s32 s10, s9;
	s19 =	sadd.s32 s15, s17  }
0xc: {  	s18 =	sshrl.u32 s18, $0x3;
	s17 =	sadd.s32 s16, s17;
	[dreg:$0x5] =	wrdreg s19  }
0xd: {  	s31 =	sadd.s32 s10, s5;
	s24 =	sadd.s32 s15, s18;
	[dreg:$0x6] =	wrdreg s17  }
0xe: {  	s25 =	sshrl.u32 s23, $0x3;
	s18 =	sadd.s32 s16, s18;
	[dreg:$0x7] =	wrdreg s24  }
0xf: {  	s20 =	sshrl.u32 s31, $0x3;
	s26 =	sadd.s32 s15, s25;
	[dreg:$0x8] =	wrdreg s18  }
0x10: {  	s2 =	sshll.u32 s4, $0xE;
	v1 =	vmov s14;
	s14 =	sadd.s32 s16, s20;
	[dreg:$0x9] =	wrdreg s26  }
0x11: {  	v0 =	vlaneseq.u32;
	p1 =	por p2, !p0;
	s22 =	sadd.s32 s10, s2;
	[dreg:$0xc] =	wrdreg s14  }
0x12: {  	v0 =	vmul.u32 $0x10, v0;
	s19 =	sadd.s32 s16, s25;
	s24 =	sshrl.u32 s10, $0x3;
	s10 =	rddreg [dreg:$0x2]  }
0x13: {  	s23 =	sshrl.u32 s22, $0x3;
	s18 =	sadd.s32 s15, s20;
	[dreg:$0xa] =	wrdreg s19  }
0x14: {  	v41 =	vimm.f32 $0.0e+00;
	v9 =	vor.u32 s8, v0;
	p2 =	por !p2, !p0;
	s25 =	sadd.s32 s15, s23;
	[dreg:$0xb] =	wrdreg s18  }
0x15: {  	v26 =	vor.u32 $0x4, v0;
	v13 =	vor.u32 $0x100, v0;
	v30 =	vor.u32 $0x204, v0;
	s14 =	sadd.s32 s16, s23;
	[dreg:$0xd] =	wrdreg s25;
	s17 =	sadd.s32 $0x27000, s24  }
0x16: {  	v28 =	vor.u32 $0x104, v0;
	v2 =	vor.u32 $0x300, v0;
	v3 =	vor.u32 s8, v30;
	s1 =	smax.u32 s1, $0x1;
	[dreg:$0xe] =	wrdreg s14;
	s15 =	sadd.s32 s15, s17  }
0x17: {  	v17 =	vor.u32 $0x200, v0;
	v32 =	vor.u32 $0x304, v0;
	[tilespmem:$0x1FF00] =	vst v3;
	v3 =	vor.u32 s8, v2;
	s22 =	sshll.u32 s4, $0xB;
	s26 =	sadd.s32 s16, s17;
	[dreg:$0xf] =	wrdreg s15  }
0x18: {  	v34 =	vor.u32 $0x404, v0;
	v60 =	vor.u32 $0x500, v0;
	[tilespmem:$0x1FF10] =	vst v3;
	v3 =	vor.u32 s8, v32;
	s4 =	simm.s32 $0x80;
	s20 =	sadd.s32 $0xA00, s7;
	[dreg:$0x10] =	wrdreg s26  }
0x19: {  	v36 =	vor.u32 $0x504, v0;
	v18 =	vor.u32 $0x600, v0;
	v59 =	vor.u32 s8, v34;
	s14 =	rddreg [dreg:$0x3];
	s18 =	sadd.s32 $0x62800, s7;
	_ =	strace $0x80000047;
	[tilespmem:$0x1FF20] =	vst v3  }
0x1a: {  	v38 =	vor.u32 $0x604, v0;
	v22 =	vor.u32 $0x700, v0;
	v5 =	vor.u32 s8, v60;
	s19 =	sadd.s32 $0xA800, s7;
	s31 =	sadd.s32 s13, s10;
	s13 =	sshll.u32 s12, $0xB;
	[tilespmem:$0x1FF40] =	vst v59  }
0x1b: {  	v40 =	vor.u32 $0x704, v0;
	v42 =	vor.u32 $0x1, v0;
	v61 =	vor.u32 s8, v36;
	s11 =	sadd.s32 s11, s10;
	s29 =	sadd.s32 s5, s10;
	s2 =	sadd.s32 s2, s10;
	[tilespmem:$0x1FF50] =	vst v5  }
0x1c: {  	v43 =	vor.u32 $0x101, v0;
	v44 =	vor.u32 $0x201, v0;
	v62 =	vor.u32 s8, v18;
	s24 =	sadd.s32 $0x138000, s10;
	s17 =	sadd.s32 $0x14600, s7;
	s7 =	sadd.s32 $0x800, s7;
	[tilespmem:$0x1FF60] =	vst v61  }
0x1d: {  	v45 =	vor.u32 $0x301, v0;
	v46 =	vor.u32 $0x401, v0;
	v63 =	vor.u32 s8, v38;
	s5 =	simm.s32 $0x1;
	s25 =	sadd.s32 s13, s14;
	[dreg:$0x11] =	wrdreg s7;
	[tilespmem:$0x1FF70] =	vst v62  }
0x1e: {  	v47 =	vor.u32 $0x501, v0;
	v48 =	vor.u32 $0x601, v0;
	v49 =	vor.u32 $0x701, v0;
	s16 =	sshllo.u32 s0, $0x1;
	s28 =	sadd.s32 s6, s14;
	[dreg:$0x12] =	wrdreg s31;
	[tilespmem:$0x1FF80] =	vst v63  }
0x1f: {  	v12 =	vor.u32 s8, v26;
	v14 =	vor.u32 s8, v13;
	v15 =	vor.u32 s8, v28;
	s30 =	sadd.s32 s3, s14;
	s23 =	sadd.s32 s22, s14;
	[dreg:$0x14] =	wrdreg s11;
	[tilespmem:$0x1FF90] =	vst v9  }
0x20: {  	v19 =	vor.u32 s8, v17;
	v23 =	vor.u32 s8, v22;
	v24 =	vor.u32 s8, v40;
	s0 =	sshll.u32 s0, $0x7;
	s3 =	simm.s32 $0x1180;
	[dreg:$0x15] =	wrdreg s2;
	[tilespmem:$0x1FFA0] =	vst v12  }
0x21: {  	s6 =	simm.s32 $0x100;
	s15 =	sshll.u32 s21, $0xB;
	v25 =	vor.u32 s16, v0;
	v26 =	vor.u32 s16, v26;
	v27 =	vor.u32 s16, v13;
	[dreg:$0x16] =	wrdreg s23;
	[tilespmem:$0x1FFB0] =	vst v13  }
.Ltmp0:
0x22: {  	s26 =	sadd.s32 s9, s10;
	v28 =	vor.u32 s16, v28;
	v29 =	vor.u32 s16, v17;
	v30 =	vor.u32 s16, v30;
	[dreg:$0x17] =	wrdreg s1;
	[tilespmem:$0x1FFC0] =	vst v14;
	(pc) =	sbr.rel .LBB2_1-.Ltmp0, $4  }
0x23: {  	v31 =	vor.u32 s16, v2;
	v32 =	vor.u32 s16, v32;
	v34 =	vor.u32 s16, v34;
	s9 =	simm.s32 $0x980;
	s12 =	sadd.s32 s15, s14;
	[dreg:$0x18] =	wrdreg s24;
	[tilespmem:$0x1FFD0] =	vst v15  }
0x24: {  	v35 =	vor.u32 s16, v60;
	v36 =	vor.u32 s16, v36;
	v3 =	vor.u32 $0x400, v0;
	s31 =	sadd.s32 $0x27000, s14;
	s1 =	simm.s32 $0x5980;
	[tilespmem:$0x1FFE0] =	vst v17;
	[dreg:$0x13] =	wrdreg s12  }
0x25: {  	v20 =	vmovc v2;
	v37 =	vor.u32 s16, v18;
	v38 =	vor.u32 s16, v38;
	s2 =	simm.s32 $0x2;
	s7 =	simm.s32 $0x1980;
	[tilespmem:$0x1FFF0] =	vst v19;
	v4 =	vor.u32 s8, v3;
	[dreg:$0x19] =	wrdreg s31  }
0x26: {  	v21 =	vmovc v60;
	v39 =	vor.u32 s16, v22;
	v40 =	vor.u32 s16, v40;
	v16 =	vmovc v3;
	v33 =	vor.u32 s16, v3;
	s16 =	smul.u32 $0x4E80, s21;
	s8 =	simm.s32 $0x180;
	s21 =	simm.s32 $0x0;
	[tilespmem:$0x1FF30] =	vst v4  }
.LBB2_23:
0x27: {  	s21 =	sadd.s32 $0x1, s21;
	s11 =	rddreg [dreg:$0x17];
	v9 =	vld [tilespmem:$0x1FF90]  }
0x28: {  	v12 =	vld [tilespmem:$0x1FFA0];
	p3 =	sne.s32 s21, s11  }
.Ltmp1:
0x29: {  	v13 =	vld [tilespmem:$0x1FFB0];
	(pc) =	sbr.rel @!p3 .LBB2_24-.Ltmp1, $4  }
0x2a: {  	v14 =	vld [tilespmem:$0x1FFC0]  }
0x2b: {  	v15 =	vld [tilespmem:$0x1FFD0]  }
0x2c: {  	v17 =	vld [tilespmem:$0x1FFE0]  }
0x2d: {  	v19 =	vld [tilespmem:$0x1FFF0]  }
.LBB2_1:
0x2e: {  	s11 =	simm.s32 $0x59C0  }
0x2f: {  	[tilespmem:s11+$0xFFFFFFD0] =	vst v41  }
0x30: {  	[tilespmem:s11+$0xFFFFFFE0] =	vst v41  }
0x31: {  	[tilespmem:s11+$0xFFFFFFF0] =	vst v41  }
0x32: {  	[tilespmem:s11+$0x0] =	vst v41  }
0x33: {  	[tilespmem:s11+$0x10] =	vst v41  }
0x34: {  	[tilespmem:s11+$0x20] =	vst v41  }
0x35: {  	[tilespmem:s11+$0x30] =	vst v41  }
0x36: {  	s13 =	simm.s32 $0x0;
	s12 =	simm.s32 $0x40;
	[tilespmem:s11+$0xFFFFFFC0] =	vst v41  }
.LBB2_2:
0x37: {  	p3 =	sne.s32 s12, $0x1FC0;
	[tilespmem:s13+$0x1180] =	vst v41;
	s11 =	sadd.s32 $0x80, s11  }
0x38: {  	[tilespmem:s11+$0xFFFFFFD0] =	vst v41  }
0x39: {  	[tilespmem:s11+$0xFFFFFFE0] =	vst v41  }
0x3a: {  	[tilespmem:s11+$0xFFFFFFF0] =	vst v41  }
.Ltmp2:
0x3b: {  	[tilespmem:s11+$0x0] =	vst v41;
	(pc) =	sbr.rel @p3 .LBB2_2-.Ltmp2, $4  }
0x3c: {  	[tilespmem:s11+$0x10] =	vst v41  }
0x3d: {  	[tilespmem:s11+$0x20] =	vst v41  }
0x3e: {  	[tilespmem:s11+$0x30] =	vst v41  }
0x3f: {  	s13 =	sshra.s32 s12, $0x2;
	s12 =	sadd.s32 $0x40, s12;
	[tilespmem:s11+$0xFFFFFFC0] =	vst v41  }
0x40: {  	[tilespmem:s13+$0x1180] =	vst v41;
	s11 =	rddreg [dreg:$0x12]  }
0x41: {  	[spmem:s11] =	stream.linear.scatter [tilespmem:s1], [sflag:$0x2], $0x4000, $0x38;
	[tilespmem:$0x1FA10] =	vst v63  }
0x42: {  	_ =	swait.ge [sflag:s2], $0x4000  }
0x43: {  	[sflag:s2] =	ssyncset.done $0x0  }
0x44: {  	s23 =	rddreg [dreg:$0x13];
	[sflag:s2] =	ssyncadd.s32 $0xFFFFC000  }
0x45: {  	[spmem:s23] =	stream.linear.scatter [tilespmem:s3], [sflag:$0x2], $0x800, $0x38;
	[tilespmem:$0x1FA10] =	vst v63  }
0x46: {  	_ =	swait.ge [sflag:s2], $0x800  }
0x47: {  	[sflag:s2] =	ssyncset.done $0x0  }
0x48: {  	s24 =	rddreg [dreg:$0x14];
	[sflag:s2] =	ssyncadd.s32 $0xFFFFF800  }
0x49: {  	[spmem:s24] =	stream.linear.scatter [tilespmem:s1], [sflag:$0x2], $0x4000, $0x38;
	[tilespmem:$0x1FA10] =	vst v63  }
0x4a: {  	_ =	swait.ge [sflag:s2], $0x4000  }
0x4b: {  	[sflag:s2] =	ssyncset.done $0x0  }
0x4c: {  	[sflag:s2] =	ssyncadd.s32 $0xFFFFC000  }
0x4d: {  	[spmem:s25] =	stream.linear.scatter [tilespmem:s3], [sflag:$0x2], $0x800, $0x38;
	[tilespmem:$0x1FA10] =	vst v63  }
0x4e: {  	_ =	swait.ge [sflag:s2], $0x800  }
0x4f: {  	[sflag:s2] =	ssyncset.done $0x0  }
0x50: {  	[sflag:s2] =	ssyncadd.s32 $0xFFFFF800  }
0x51: {  	[spmem:s26] =	stream.linear.scatter [tilespmem:s1], [sflag:$0x2], $0x4000, $0x38;
	[tilespmem:$0x1FA10] =	vst v63  }
0x52: {  	_ =	swait.ge [sflag:s2], $0x4000  }
0x53: {  	[sflag:s2] =	ssyncset.done $0x0  }
0x54: {  	[sflag:s2] =	ssyncadd.s32 $0xFFFFC000  }
0x55: {  	[spmem:s28] =	stream.linear.scatter [tilespmem:s3], [sflag:$0x2], $0x800, $0x38;
	[tilespmem:$0x1FA10] =	vst v63  }
0x56: {  	_ =	swait.ge [sflag:s2], $0x800  }
0x57: {  	[sflag:s2] =	ssyncset.done $0x0  }
0x58: {  	[sflag:s2] =	ssyncadd.s32 $0xFFFFF800  }
0x59: {  	[spmem:s29] =	stream.linear.scatter [tilespmem:s1], [sflag:$0x2], $0x4000, $0x38;
	[tilespmem:$0x1FA10] =	vst v63  }
0x5a: {  	_ =	swait.ge [sflag:s2], $0x4000  }
0x5b: {  	[sflag:s2] =	ssyncset.done $0x0  }
0x5c: {  	[sflag:s2] =	ssyncadd.s32 $0xFFFFC000  }
0x5d: {  	[spmem:s30] =	stream.linear.scatter [tilespmem:s3], [sflag:$0x2], $0x800, $0x38;
	[tilespmem:$0x1FA10] =	vst v63  }
0x5e: {  	_ =	swait.ge [sflag:s2], $0x800  }
0x5f: {  	[sflag:s2] =	ssyncset.done $0x0  }
0x60: {  	s11 =	simm.s32 @!p1 $0x5980;
	s12 =	rddreg [dreg:$0x18];
	[sflag:s2] =	ssyncadd.s32 $0xFFFFF800  }
0x61: {  	[spmem:s12] =	stream.linear.scatter @!p1 [tilespmem:s11], [sflag:$0x2], $0x800, $0x38;
	[tilespmem:$0x1FA10] =	vst v63  }
0x62: {  	s11 =	simm.s32 @!p1 $0x2  }
0x63: {  	_ =	swait.ge @!p1 [sflag:s11], $0x800  }
0x64: {  	[sflag:s11] =	ssyncset.done @!p1 $0x0  }
0x65: {  	s12 =	simm.s32 @!p1 $0x1180;
	s13 =	rddreg [dreg:$0x19];
	[sflag:s11] =	ssyncadd.s32 @!p1 $0xFFFFF800  }
0x66: {  	[spmem:s13] =	stream.linear.scatter @!p1 [tilespmem:s12], [sflag:$0x2], $0x100, $0x38;
	[tilespmem:$0x1FA10] =	vst v63  }
0x67: {  	_ =	swait.ge @!p1 [sflag:s11], $0x100  }
0x68: {  	[sflag:s11] =	ssyncset.done @!p1 $0x0  }
0x69: {  	s12 =	rddreg [dreg:$0x15];
	[sflag:s11] =	ssyncadd.s32 @!p1 $0xFFFFFF00;
	s11 =	simm.s32 @!p0 $0x5980  }
0x6a: {  	[spmem:s12] =	stream.linear.scatter @!p0 [tilespmem:s11], [sflag:$0x2], $0x4000, $0x38;
	[tilespmem:$0x1FA10] =	vst v63  }
0x6b: {  	s11 =	simm.s32 @!p0 $0x2  }
0x6c: {  	_ =	swait.ge @!p0 [sflag:s11], $0x4000  }
0x6d: {  	[sflag:s11] =	ssyncset.done @!p0 $0x0  }
0x6e: {  	s12 =	simm.s32 @!p0 $0x1180;
	s13 =	rddreg [dreg:$0x16];
	[sflag:s11] =	ssyncadd.s32 @!p0 $0xFFFFC000  }
0x6f: {  	[spmem:s13] =	stream.linear.scatter @!p0 [tilespmem:s12], [sflag:$0x2], $0x800, $0x38;
	[tilespmem:$0x1FA10] =	vst v63  }
0x70: {  	p4 =	por @p0 $0x0, $0x0;
	_ =	swait.ge @!p0 [sflag:s11], $0x800  }
0x71: {  	p3 =	por @!p1 $0x1, $0x1;
	s31 =	simm.s32 $0x0;
	[sflag:s11] =	ssyncset.done @!p0 $0x0  }
0x72: {  	p3 =	por @!p2 p4, p4;
	p4 =	por @!p0 $0x0, $0x0;
	[sflag:s11] =	ssyncadd.s32 @!p0 $0xFFFFF800  }
0x73: {  	p3 =	por @!p0 p4, p4;
	s11 =	simm.s32 $0x0;
	[bflag:$0x0] =	sbarrier.arrive $0xFFFF  }
.LBB2_4:
0x74: {  	s12 =	sshll.u32 s31, $0x7  }
0x75: {  	s12 =	sadd.s32 s16, s12  }
0x76: {  	s13 =	sshrl.u32 s12, $0x3  }
0x77: {  	s15 =	sadd.s32 s19, s13  }
0x78: {  	[tilespmem:s11], [sflag:$0x1] =	stream.linear.gather [hbm4b:s15+s11], $0x80, $0x38;
	[tilespmem:$0x1FA10] =	vst v63  }
0x79: {  	s13 =	sadd.s32 s20, s13  }
0x7a: {  	[tilespmem:s4], [sflag:$0x1] =	stream.linear.gather [hbm4b:s13+s11], $0x80, $0x38;
	[tilespmem:$0x1FA10] =	vst v63  }
0x7b: {  	_ =	swait.ge [sflag:s5], $0x80  }
0x7c: {  	[sflag:s5] =	ssyncset.done $0x0  }
0x7d: {  	[sflag:s5] =	ssyncadd.s32 $0xFFFFFF80  }
0x7e: {  	_ =	swait.ge [sflag:s5], $0x80  }
0x7f: {  	[sflag:s5] =	ssyncset.done $0x0  }
0x80: {  	[sflag:s5] =	ssyncadd.s32 $0xFFFFFF80  }
0x81: {  	v50 =	vld [tilespmem:$0x0]  }
0x82: {  	v51 =	vld [tilespmem:$0x10]  }
0x83: {  	v52 =	vld [tilespmem:$0x20]  }
0x84: {  	v53 =	vld [tilespmem:$0x30]  }
0x85: {  	v54 =	vld [tilespmem:$0x40]  }
0x86: {  	v55 =	vld [tilespmem:$0x50];
	v50 =	vadd.s32 v1, v50  }
0x87: {  	v5 =	vld [tilespmem:$0x60];
	v4 =	vadd.s32 v1, v51;
	[tilespmem:$0x100] =	vst v50  }
0x88: {  	v7 =	vld [tilespmem:$0x70];
	v6 =	vadd.s32 v1, v52;
	[tilespmem:$0x110] =	vst v4  }
0x89: {  	v56 =	vadd.s32 v1, v53;
	[tilespmem:$0x120] =	vst v6  }
0x8a: {  	v57 =	vadd.s32 v1, v54;
	[tilespmem:$0x130] =	vst v56  }
0x8b: {  	v58 =	vadd.s32 v1, v55;
	[tilespmem:$0x140] =	vst v57  }
0x8c: {  	v59 =	vadd.s32 v1, v5;
	[tilespmem:$0x150] =	vst v58  }
0x8d: {  	v60 =	vadd.s32 v1, v7;
	[tilespmem:$0x160] =	vst v59  }
0x8e: {  	[tilespmem:$0x170] =	vst v60  }
0x8f: {  	[tilespmem:s7], [sflag:$0x1] =	stream.indirect.gather [hbm4b:s17+s4], $0x80, s6, s4, $0xb8;
	[tilespmem:$0x1FA10] =	vst v63  }
0x90: {  	_ = 	snop  }
0x91: {  	[tilespmem:s8], [sflag:$0x1] =	stream.indirect.gather [hbm4b:s18+s4], $0x10, s11, s4, $0xb8;
	[tilespmem:$0x1FA10] =	vst v63  }
0x92: {  	_ = 	snop  }
0x93: {  	[tilespmem:s9], [sflag:$0x1] =	stream.indirect.gather [hbm4b:s18+s4], $0x10, s4, s4, $0xb8;
	[tilespmem:$0x1FA10] =	vst v63  }
0x94: {  	_ =	swait.ge [sflag:s5], $0x800  }
0x95: {  	[sflag:s5] =	ssyncset.done $0x0  }
0x96: {  	[sflag:s5] =	ssyncadd.s32 $0xFFFFF800  }
0x97: {  	_ =	swait.ge [sflag:s5], $0x800  }
0x98: {  	[sflag:s5] =	ssyncset.done $0x0  }
0x99: {  	[sflag:s5] =	ssyncadd.s32 $0xFFFFF800  }
0x9a: {  	v61 =	vld.idx.msk [tilespmem:v9+s8+$0x0], $0xffff  }
0x9b: {  	v62 =	vld.idx.msk [tilespmem:v12+s9+$0x0], $0xffff;
	_ =	sdelay $0x4  }
0x9c: {  	v50 =	vadd.f32 v62, v61;
	_ =	sdelay $0x1  }
0x9d: {  	v51 =	vmul.f32 $2.000000030e-01, v50  }
0x9e: {  	vm0 =	vge.f32 v50, $0.0e+00  }
0x9f: {  	v50 =	vsel vm0, v50, v51  }
0xa0: {  	v50 =	vmul.f32 $1.442695020e+00, v50;
	_ =	sdelay $0x1  }
0xa1: {  	(erf) = vpow2.f32 v50;
	_ =	sdelay $0x8  }
0xa2: {  	p4 =	slt.u32 s12, $0x4E200;
	v50 =	vpop (erf)  }
0xa3: {  	v50 =	vpsel !p4, $0x0, v50  }
0xa4: {  	[tilespmem:v0+s3+$0x0] =	vst.idx.msk $0xffff, v50  }
0xa5: {  	v50 =	vld.idx.msk [tilespmem:v25+s8+$0x0], $0xffff  }
0xa6: {  	v63 =	vld.idx.msk [tilespmem:v26+s9+$0x0], $0xffff;
	_ =	sdelay $0x4  }
0xa7: {  	v50 =	vadd.f32 v63, v50;
	_ =	sdelay $0x1  }
0xa8: {  	v51 =	vmul.f32 $2.000000030e-01, v50  }
0xa9: {  	vm13 =	vge.f32 v50, $0.0e+00  }
0xaa: {  	v50 =	vsel vm13, v50, v51  }
0xab: {  	v50 =	vmul.f32 $1.442695020e+00, v50;
	_ =	sdelay $0x1  }
0xac: {  	(erf) = vpow2.f32 v50;
	_ =	sdelay $0x8  }
0xad: {  	v50 =	vpop (erf)  }
0xae: {  	v50 =	vpsel !p4, $0x0, v50  }
0xaf: {  	[tilespmem:v42+s3+$0x0] =	vst.idx.msk $0xffff, v50  }
0xb0: {  	v50 =	vld.idx.msk [tilespmem:v14+s8+$0x0], $0xffff  }
0xb1: {  	v4 =	vld.idx.msk [tilespmem:v15+s9+$0x0], $0xffff;
	_ =	sdelay $0x4  }
0xb2: {  	v50 =	vadd.f32 v4, v50;
	_ =	sdelay $0x1  }
0xb3: {  	v51 =	vmul.f32 $2.000000030e-01, v50  }
0xb4: {  	vm14 =	vge.f32 v50, $0.0e+00  }
0xb5: {  	v50 =	vsel vm14, v50, v51  }
0xb6: {  	v50 =	vmul.f32 $1.442695020e+00, v50;
	_ =	sdelay $0x1  }
0xb7: {  	(erf) = vpow2.f32 v50;
	_ =	sdelay $0x8  }
0xb8: {  	v50 =	vpop (erf)  }
0xb9: {  	v50 =	vpsel !p4, $0x0, v50  }
0xba: {  	[tilespmem:v13+s3+$0x0] =	vst.idx.msk $0xffff, v50  }
0xbb: {  	v50 =	vld.idx.msk [tilespmem:v27+s8+$0x0], $0xffff  }
0xbc: {  	v5 =	vld.idx.msk [tilespmem:v28+s9+$0x0], $0xffff;
	_ =	sdelay $0x4  }
0xbd: {  	v50 =	vadd.f32 v5, v50;
	_ =	sdelay $0x1  }
0xbe: {  	v51 =	vmul.f32 $2.000000030e-01, v50  }
0xbf: {  	vm15 =	vge.f32 v50, $0.0e+00  }
0xc0: {  	v50 =	vsel vm15, v50, v51  }
0xc1: {  	v50 =	vmul.f32 $1.442695020e+00, v50;
	_ =	sdelay $0x1  }
0xc2: {  	(erf) = vpow2.f32 v50;
	_ =	sdelay $0x4  }
0xc3: {  	v2 =	vld [tilespmem:$0x1FF00];
	_ =	sdelay $0x3  }
0xc4: {  	v50 =	vpop (erf)  }
0xc5: {  	v50 =	vpsel !p4, $0x0, v50  }
0xc6: {  	[tilespmem:v43+s3+$0x0] =	vst.idx.msk $0xffff, v50  }
0xc7: {  	v50 =	vld.idx.msk [tilespmem:v19+s8+$0x0], $0xffff  }
0xc8: {  	v6 =	vld.idx.msk [tilespmem:v2+s9+$0x0], $0xffff;
	_ =	sdelay $0x4  }
0xc9: {  	v50 =	vadd.f32 v6, v50;
	_ =	sdelay $0x1  }
0xca: {  	v51 =	vmul.f32 $2.000000030e-01, v50  }
0xcb: {  	vm4 =	vge.f32 v50, $0.0e+00  }
0xcc: {  	v50 =	vsel vm4, v50, v51  }
0xcd: {  	v50 =	vmul.f32 $1.442695020e+00, v50;
	_ =	sdelay $0x1  }
0xce: {  	(erf) = vpow2.f32 v50;
	_ =	sdelay $0x8  }
0xcf: {  	v50 =	vpop (erf)  }
0xd0: {  	v50 =	vpsel !p4, $0x0, v50  }
0xd1: {  	[tilespmem:v17+s3+$0x0] =	vst.idx.msk $0xffff, v50  }
0xd2: {  	v50 =	vld.idx.msk [tilespmem:v29+s8+$0x0], $0xffff  }
0xd3: {  	v7 =	vld.idx.msk [tilespmem:v30+s9+$0x0], $0xffff;
	_ =	sdelay $0x4  }
0xd4: {  	v50 =	vadd.f32 v7, v50;
	_ =	sdelay $0x1  }
0xd5: {  	v51 =	vmul.f32 $2.000000030e-01, v50  }
0xd6: {  	vm5 =	vge.f32 v50, $0.0e+00  }
0xd7: {  	v50 =	vsel vm5, v50, v51  }
0xd8: {  	v50 =	vmul.f32 $1.442695020e+00, v50;
	_ =	sdelay $0x1  }
0xd9: {  	(erf) = vpow2.f32 v50;
	_ =	sdelay $0x3  }
0xda: {  	v2 =	vld [tilespmem:$0x1FF10];
	_ =	sdelay $0x4  }
0xdb: {  	v50 =	vpop (erf)  }
0xdc: {  	v50 =	vpsel !p4, $0x0, v50  }
0xdd: {  	[tilespmem:v44+s3+$0x0] =	vst.idx.msk $0xffff, v50  }
0xde: {  	v50 =	vld.idx.msk [tilespmem:v2+s8+$0x0], $0xffff  }
0xdf: {  	v2 =	vld [tilespmem:$0x1FF20];
	_ =	sdelay $0x7  }
0xe0: {  	v54 =	vld.idx.msk [tilespmem:v2+s9+$0x0], $0xffff;
	_ =	sdelay $0x4  }
0xe1: {  	v50 =	vadd.f32 v54, v50;
	_ =	sdelay $0x1  }
0xe2: {  	v51 =	vmul.f32 $2.000000030e-01, v50  }
0xe3: {  	vm6 =	vge.f32 v50, $0.0e+00  }
0xe4: {  	v50 =	vsel vm6, v50, v51  }
0xe5: {  	v50 =	vmul.f32 $1.442695020e+00, v50;
	_ =	sdelay $0x1  }
0xe6: {  	(erf) = vpow2.f32 v50;
	_ =	sdelay $0x8  }
0xe7: {  	v50 =	vpop (erf)  }
0xe8: {  	v50 =	vpsel !p4, $0x0, v50  }
0xe9: {  	[tilespmem:v20+s3+$0x0] =	vst.idx.msk $0xffff, v50  }
0xea: {  	v50 =	vld.idx.msk [tilespmem:v31+s8+$0x0], $0xffff  }
0xeb: {  	v55 =	vld.idx.msk [tilespmem:v32+s9+$0x0], $0xffff;
	_ =	sdelay $0x4  }
0xec: {  	v50 =	vadd.f32 v55, v50;
	_ =	sdelay $0x1  }
0xed: {  	v51 =	vmul.f32 $2.000000030e-01, v50  }
0xee: {  	vm7 =	vge.f32 v50, $0.0e+00  }
0xef: {  	v50 =	vsel vm7, v50, v51  }
0xf0: {  	v50 =	vmul.f32 $1.442695020e+00, v50;
	_ =	sdelay $0x1  }
0xf1: {  	(erf) = vpow2.f32 v50;
	_ =	sdelay $0x3  }
0xf2: {  	v2 =	vld [tilespmem:$0x1FF30];
	_ =	sdelay $0x4  }
0xf3: {  	v50 =	vpop (erf)  }
0xf4: {  	v50 =	vpsel !p4, $0x0, v50  }
0xf5: {  	[tilespmem:v45+s3+$0x0] =	vst.idx.msk $0xffff, v50  }
0xf6: {  	v50 =	vld.idx.msk [tilespmem:v2+s8+$0x0], $0xffff  }
0xf7: {  	v2 =	vld [tilespmem:$0x1FF40];
	_ =	sdelay $0x7  }
0xf8: {  	v56 =	vld.idx.msk [tilespmem:v2+s9+$0x0], $0xffff;
	_ =	sdelay $0x4  }
0xf9: {  	v50 =	vadd.f32 v56, v50;
	_ =	sdelay $0x1  }
0xfa: {  	v51 =	vmul.f32 $2.000000030e-01, v50  }
0xfb: {  	vm8 =	vge.f32 v50, $0.0e+00  }
0xfc: {  	v50 =	vsel vm8, v50, v51  }
0xfd: {  	v50 =	vmul.f32 $1.442695020e+00, v50;
	_ =	sdelay $0x1  }
0xfe: {  	(erf) = vpow2.f32 v50;
	_ =	sdelay $0x8  }
0xff: {  	v50 =	vpop (erf)  }
0x100: {  	v50 =	vpsel !p4, $0x0, v50  }
0x101: {  	[tilespmem:v16+s3+$0x0] =	vst.idx.msk $0xffff, v50  }
0x102: {  	v50 =	vld.idx.msk [tilespmem:v33+s8+$0x0], $0xffff  }
0x103: {  	v57 =	vld.idx.msk [tilespmem:v34+s9+$0x0], $0xffff;
	_ =	sdelay $0x4  }
0x104: {  	v50 =	vadd.f32 v57, v50;
	_ =	sdelay $0x1  }
0x105: {  	v51 =	vmul.f32 $2.000000030e-01, v50  }
0x106: {  	vm9 =	vge.f32 v50, $0.0e+00  }
0x107: {  	v50 =	vsel vm9, v50, v51  }
0x108: {  	v50 =	vmul.f32 $1.442695020e+00, v50;
	_ =	sdelay $0x1  }
0x109: {  	(erf) = vpow2.f32 v50;
	_ =	sdelay $0x3  }
0x10a: {  	v2 =	vld [tilespmem:$0x1FF50];
	_ =	sdelay $0x4  }
0x10b: {  	v50 =	vpop (erf)  }
0x10c: {  	v50 =	vpsel !p4, $0x0, v50  }
0x10d: {  	[tilespmem:v46+s3+$0x0] =	vst.idx.msk $0xffff, v50  }
0x10e: {  	v50 =	vld.idx.msk [tilespmem:v2+s8+$0x0], $0xffff  }
0x10f: {  	v2 =	vld [tilespmem:$0x1FF60];
	_ =	sdelay $0x7  }
0x110: {  	v58 =	vld.idx.msk [tilespmem:v2+s9+$0x0], $0xffff;
	_ =	sdelay $0x4  }
0x111: {  	v50 =	vadd.f32 v58, v50;
	_ =	sdelay $0x1  }
0x112: {  	v51 =	vmul.f32 $2.000000030e-01, v50  }
0x113: {  	vm10 =	vge.f32 v50, $0.0e+00  }
0x114: {  	v50 =	vsel vm10, v50, v51  }
0x115: {  	v50 =	vmul.f32 $1.442695020e+00, v50;
	_ =	sdelay $0x1  }
0x116: {  	(erf) = vpow2.f32 v50;
	_ =	sdelay $0x8  }
0x117: {  	v50 =	vpop (erf)  }
0x118: {  	v50 =	vpsel !p4, $0x0, v50  }
0x119: {  	[tilespmem:v21+s3+$0x0] =	vst.idx.msk $0xffff, v50  }
0x11a: {  	v50 =	vld.idx.msk [tilespmem:v35+s8+$0x0], $0xffff  }
0x11b: {  	v59 =	vld.idx.msk [tilespmem:v36+s9+$0x0], $0xffff;
	_ =	sdelay $0x4  }
0x11c: {  	v50 =	vadd.f32 v59, v50;
	_ =	sdelay $0x1  }
0x11d: {  	v51 =	vmul.f32 $2.000000030e-01, v50  }
0x11e: {  	vm11 =	vge.f32 v50, $0.0e+00  }
0x11f: {  	v50 =	vsel vm11, v50, v51  }
0x120: {  	v50 =	vmul.f32 $1.442695020e+00, v50;
	_ =	sdelay $0x1  }
0x121: {  	(erf) = vpow2.f32 v50;
	_ =	sdelay $0x3  }
0x122: {  	v2 =	vld [tilespmem:$0x1FF70];
	_ =	sdelay $0x4  }
0x123: {  	v50 =	vpop (erf)  }
0x124: {  	v50 =	vpsel !p4, $0x0, v50  }
0x125: {  	[tilespmem:v47+s3+$0x0] =	vst.idx.msk $0xffff, v50  }
0x126: {  	v50 =	vld.idx.msk [tilespmem:v2+s8+$0x0], $0xffff  }
0x127: {  	v2 =	vld [tilespmem:$0x1FF80];
	_ =	sdelay $0x7  }
0x128: {  	v60 =	vld.idx.msk [tilespmem:v2+s9+$0x0], $0xffff;
	_ =	sdelay $0x4  }
0x129: {  	v50 =	vadd.f32 v60, v50;
	_ =	sdelay $0x1  }
0x12a: {  	v51 =	vmul.f32 $2.000000030e-01, v50  }
0x12b: {  	vm12 =	vge.f32 v50, $0.0e+00  }
0x12c: {  	v50 =	vsel vm12, v50, v51  }
0x12d: {  	v50 =	vmul.f32 $1.442695020e+00, v50;
	_ =	sdelay $0x1  }
0x12e: {  	(erf) = vpow2.f32 v50;
	_ =	sdelay $0x8  }
0x12f: {  	v50 =	vpop (erf)  }
0x130: {  	v50 =	vpsel !p4, $0x0, v50  }
0x131: {  	[tilespmem:v18+s3+$0x0] =	vst.idx.msk $0xffff, v50  }
0x132: {  	v50 =	vld.idx.msk [tilespmem:v37+s8+$0x0], $0xffff  }
0x133: {  	v61 =	vld.idx.msk [tilespmem:v38+s9+$0x0], $0xffff;
	_ =	sdelay $0x4  }
0x134: {  	v50 =	vadd.f32 v61, v50;
	_ =	sdelay $0x1  }
0x135: {  	v51 =	vmul.f32 $2.000000030e-01, v50  }
0x136: {  	vm13 =	vge.f32 v50, $0.0e+00  }
0x137: {  	v50 =	vsel vm13, v50, v51  }
0x138: {  	v50 =	vmul.f32 $1.442695020e+00, v50;
	_ =	sdelay $0x1  }
0x139: {  	(erf) = vpow2.f32 v50;
	_ =	sdelay $0x8  }
0x13a: {  	v50 =	vpop (erf)  }
0x13b: {  	v50 =	vpsel !p4, $0x0, v50  }
0x13c: {  	[tilespmem:v48+s3+$0x0] =	vst.idx.msk $0xffff, v50  }
0x13d: {  	v50 =	vld.idx.msk [tilespmem:v23+s8+$0x0], $0xffff  }
0x13e: {  	v62 =	vld.idx.msk [tilespmem:v24+s9+$0x0], $0xffff;
	_ =	sdelay $0x4  }
0x13f: {  	v50 =	vadd.f32 v62, v50;
	_ =	sdelay $0x1  }
0x140: {  	v51 =	vmul.f32 $2.000000030e-01, v50  }
0x141: {  	vm14 =	vge.f32 v50, $0.0e+00  }
0x142: {  	v50 =	vsel vm14, v50, v51  }
0x143: {  	v50 =	vmul.f32 $1.442695020e+00, v50;
	_ =	sdelay $0x1  }
0x144: {  	(erf) = vpow2.f32 v50;
	_ =	sdelay $0x8  }
0x145: {  	v50 =	vpop (erf)  }
0x146: {  	v50 =	vpsel !p4, $0x0, v50  }
0x147: {  	[tilespmem:v22+s3+$0x0] =	vst.idx.msk $0xffff, v50  }
0x148: {  	v50 =	vld.idx.msk [tilespmem:v39+s8+$0x0], $0xffff  }
0x149: {  	v63 =	vld.idx.msk [tilespmem:v40+s9+$0x0], $0xffff;
	_ =	sdelay $0x4  }
0x14a: {  	v50 =	vadd.f32 v63, v50;
	_ =	sdelay $0x1  }
0x14b: {  	v51 =	vmul.f32 $2.000000030e-01, v50  }
0x14c: {  	vm15 =	vge.f32 v50, $0.0e+00  }
0x14d: {  	v50 =	vsel vm15, v50, v51  }
0x14e: {  	v50 =	vmul.f32 $1.442695020e+00, v50;
	_ =	sdelay $0x1  }
0x14f: {  	(erf) = vpow2.f32 v50;
	_ =	sdelay $0x8  }
0x150: {  	s15 =	simm.s32 $0x0;
	v50 =	vpop (erf)  }
0x151: {  	s22 =	simm.s32 $0x30;
	v4 =	vmov s15;
	v50 =	vpsel !p4, $0x0, v50  }
0x152: {  	v53 =	vmov s22;
	v5 =	vor.u32 $0x1, v4;
	[tilespmem:v49+s3+$0x0] =	vst.idx.msk $0xffff, v50  }
0x153: {  	s23 =	simm.s32 $0x10;
	v6 =	vor.u32 $0x1, v53;
	_ =	swait.ge [sflag:s5], $0x4000  }
0x154: {  	v7 =	vmov s23;
	[sflag:s5] =	ssyncset.done $0x0  }
0x155: {  	v63 =	vor.u32 $0x1, v7;
	[sflag:s5] =	ssyncadd.s32 $0xFFFFC000  }
0x156: {  	v57 =	vld.idx.msk [tilespmem:v4+s3+$0x0], $0xffff  }
0x157: {  	v58 =	vld.idx.msk [tilespmem:v5+s3+$0x0], $0xffff  }
0x158: {  	s12 =	simm.s32 $0x1A80;
	v50 =	vld.idx.msk [tilespmem:v6+s3+$0x0], $0xffff  }
0x159: {  	v59 =	vld [tilespmem:s12+$0xF0]  }
0x15a: {  	v55 =	vld.idx.msk [tilespmem:v63+s3+$0x0], $0xffff  }
0x15b: {  	v60 =	vld [tilespmem:s12+$0xFFFFFF00]  }
0x15c: {  	s24 =	simm.s32 $0x20;
	v5 =	vld [tilespmem:s12+$0xFFFFFF10]  }
0x15d: {  	v56 =	vmov s24;
	v61 =	vld [tilespmem:s12+$0xFFFFFF20]  }
0x15e: {  	v4 =	vor.u32 $0x1, v56;
	v62 =	vld [tilespmem:s12+$0xFFFFFF30]  }
0x15f: {  	v63 =	vld [tilespmem:s12+$0xFFFFFF40]  }
0x160: {  	v2 =	vld [tilespmem:s12+$0xFFFFFF50]  }
0x161: {  	v54 =	vld.idx.msk [tilespmem:v7+s3+$0x0], $0xffff  }
0x162: {  	v51 =	vld.idx.msk [tilespmem:v53+s3+$0x0], $0xffff  }
0x163: {  	v52 =	vld.idx.msk [tilespmem:v4+s3+$0x0], $0xffff;
	v60 =	vmul.f32 v60, v57  }
0x164: {  	v3 =	vmul.f32 v5, v57;
	v53 =	vmul.f32 v59, v50;
	v59 =	vld [tilespmem:s12+$0xFFFFFF80]  }
0x165: {  	v5 =	vld [tilespmem:s12+$0xFFFFFF90];
	[tilespmem:s12+$0xFFFFFF00] =	vst v60  }
0x166: {  	v61 =	vmul.f32 v61, v57;
	v6 =	vmul.f32 v62, v57;
	v62 =	vld [tilespmem:s12+$0xFFFFFFB0];
	[tilespmem:s12+$0xFFFFFF10] =	vst v3  }
0x167: {  	v60 =	vld [tilespmem:s12+$0xFFFFFF60];
	[tilespmem:s12+$0xF0] =	vst v53  }
0x168: {  	v7 =	vmul.f32 v63, v58;
	v3 =	vld [tilespmem:s12+$0xFFFFFF70];
	[tilespmem:s12+$0xFFFFFF20] =	vst v61  }
0x169: {  	v57 =	vld [tilespmem:s12+$0xFFFFFFA0];
	v2 =	vmul.f32 v2, v58;
	[tilespmem:s12+$0xFFFFFF30] =	vst v6  }
0x16a: {  	v53 =	vld [tilespmem:s12+$0xFFFFFFC0];
	[tilespmem:s12+$0xFFFFFF40] =	vst v7;
	v59 =	vmul.f32 v59, v54  }
0x16b: {  	[tilespmem:s12+$0xFFFFFF50] =	vst v2;
	v2 =	vld [tilespmem:s12+$0xFFFFFFE0];
	v5 =	vmul.f32 v5, v54  }
0x16c: {  	v61 =	vld [tilespmem:s12+$0xFFFFFFD0];
	v63 =	vmul.f32 v62, v54;
	[tilespmem:s12+$0xFFFFFF80] =	vst v59  }
0x16d: {  	v60 =	vmul.f32 v60, v58;
	v3 =	vmul.f32 v3, v58;
	v58 =	vld.idx.msk [tilespmem:v56+s3+$0x0], $0xffff;
	[tilespmem:s12+$0xFFFFFF90] =	vst v5  }
0x16e: {  	v56 =	vld [tilespmem:s12+$0x0];
	[tilespmem:s12+$0xFFFFFFB0] =	vst v63  }
0x16f: {  	v59 =	vld [tilespmem:s12+$0xFFFFFFF0];
	[tilespmem:s12+$0xFFFFFF70] =	vst v3;
	v3 =	vmul.f32 v57, v54  }
0x170: {  	v2 =	vmul.f32 v2, v55;
	[tilespmem:s12+$0xFFFFFF60] =	vst v60;
	v54 =	vld [tilespmem:s12+$0x10]  }
0x171: {  	v57 =	vld [tilespmem:s12+$0x20];
	[tilespmem:s12+$0xFFFFFFA0] =	vst v3;
	v3 =	vmul.f32 v53, v55  }
0x172: {  	v60 =	vld [tilespmem:s12+$0x30];
	[tilespmem:s12+$0xFFFFFFE0] =	vst v2;
	v53 =	vmul.f32 v61, v55  }
0x173: {  	v62 =	vmul.f32 v56, v58;
	[tilespmem:s12+$0xFFFFFFC0] =	vst v3;
	v3 =	vld [tilespmem:s12+$0x40]  }
0x174: {  	v56 =	vld [tilespmem:s12+$0x50];
	v55 =	vmul.f32 v59, v55;
	[tilespmem:s12+$0xFFFFFFD0] =	vst v53  }
0x175: {  	v53 =	vld [tilespmem:s12+$0x60];
	v2 =	vmul.f32 v54, v58;
	[tilespmem:s12+$0x0] =	vst v62  }
0x176: {  	[tilespmem:s12+$0xFFFFFFF0] =	vst v55;
	v63 =	vmul.f32 v57, v58;
	v54 =	vld [tilespmem:s12+$0x70]  }
0x177: {  	v55 =	vld [tilespmem:s12+$0x80];
	v59 =	vmul.f32 v60, v58;
	[tilespmem:s12+$0x10] =	vst v2  }
0x178: {  	s13 =	simm.s32 $0x1A80;
	s22 =	simm.s32 $0x40;
	s15 =	simm.s32 $0x8;
	v57 =	vld [tilespmem:s12+$0x90];
	[tilespmem:s12+$0x20] =	vst v63;
	v58 =	vmul.f32 v3, v52  }
.LBB2_5:
0x179: {  	p4 =	slt.u32 s15, $0x7C;
	v2 =	vmov s22;
	s23 =	sadd.s32 $0x10, s22;
	s24 =	sadd.s32 $0x30, s22;
	[tilespmem:s12+$0x30] =	vst v59;
	v3 =	vmul.f32 v56, v52;
	v5 =	vld [tilespmem:s12+$0xA0]  }
0x17a: {  	s22 =	sadd.s32 $0x20, s22;
	v56 =	vor.u32 $0x1, v2;
	v59 =	vmov s23;
	v60 =	vmov s24;
	[tilespmem:s12+$0x40] =	vst v58;
	v58 =	vld [tilespmem:s12+$0xB0]  }
0x17b: {  	v62 =	vmov s22;
	v61 =	vor.u32 $0x1, v59;
	v63 =	vor.u32 $0x1, v60;
	[tilespmem:s12+$0x50] =	vst v3;
	v3 =	vld [tilespmem:s12+$0xC0]  }
0x17c: {  	v53 =	vmul.f32 v53, v52;
	v6 =	vor.u32 $0x1, v62;
	v52 =	vmul.f32 v54, v52;
	v54 =	vld [tilespmem:s12+$0xD0]  }
0x17d: {  	v55 =	vmul.f32 v55, v51;
	v57 =	vmul.f32 v57, v51;
	v8 =	vld [tilespmem:s12+$0xE0]  }
0x17e: {  	v2 =	vld.idx.msk [tilespmem:v2+s3+$0x0], $0xffff;
	[tilespmem:s12+$0x60] =	vst v53;
	v5 =	vmul.f32 v5, v51  }
0x17f: {  	v53 =	vld.idx.msk [tilespmem:v56+s3+$0x0], $0xffff;
	[tilespmem:s12+$0x70] =	vst v52;
	v51 =	vmul.f32 v58, v51  }
0x180: {  	s12 =	sadd.s32 $0x200, s12;
	v56 =	vld.idx.msk [tilespmem:v63+s3+$0x0], $0xffff;
	[tilespmem:s13+$0x80] =	vst v55;
	v3 =	vmul.f32 v3, v50  }
0x181: {  	v55 =	vld [tilespmem:s12+$0xF0];
	[tilespmem:s13+$0x90] =	vst v57;
	v54 =	vmul.f32 v54, v50  }
0x182: {  	v57 =	vld.idx.msk [tilespmem:v61+s3+$0x0], $0xffff;
	[tilespmem:s13+$0xC0] =	vst v3;
	v3 =	vmul.f32 v8, v50  }
0x183: {  	v52 =	vld.idx.msk [tilespmem:v6+s3+$0x0], $0xffff;
	[tilespmem:s13+$0xD0] =	vst v54  }
0x184: {  	v6 =	vld.idx.msk [tilespmem:v59+s3+$0x0], $0xffff;
	[tilespmem:s13+$0xE0] =	vst v3  }
0x185: {  	v3 =	vld.idx.msk [tilespmem:v62+s3+$0x0], $0xffff;
	[tilespmem:s13+$0xA0] =	vst v5  }
0x186: {  	v50 =	vmov v56;
	v5 =	vld [tilespmem:s12+$0xFFFFFF00];
	v8 =	vmul.f32 v55, v56;
	[tilespmem:s13+$0xB0] =	vst v51;
	s13 =	smov.u32 s12  }
0x187: {  	v54 =	vld [tilespmem:s12+$0xFFFFFF10]  }
0x188: {  	v51 =	vld.idx.msk [tilespmem:v60+s3+$0x0], $0xffff;
	[tilespmem:s12+$0xF0] =	vst v8  }
0x189: {  	v8 =	vld [tilespmem:s12+$0xFFFFFF20]  }
0x18a: {  	v55 =	vld [tilespmem:s12+$0xFFFFFF30]  }
0x18b: {  	v5 =	vmul.f32 v5, v2;
	v56 =	vld [tilespmem:s12+$0xFFFFFF40]  }
0x18c: {  	v54 =	vmul.f32 v54, v2;
	v58 =	vld [tilespmem:s12+$0xFFFFFF50]  }
0x18d: {  	[tilespmem:s12+$0xFFFFFF00] =	vst v5;
	v5 =	vld [tilespmem:s12+$0xFFFFFF60]  }
0x18e: {  	[tilespmem:s12+$0xFFFFFF10] =	vst v54;
	v8 =	vmul.f32 v8, v2;
	v54 =	vld [tilespmem:s12+$0xFFFFFF70]  }
0x18f: {  	v2 =	vmul.f32 v55, v2;
	v55 =	vld [tilespmem:s12+$0xFFFFFF80]  }
0x190: {  	[tilespmem:s12+$0xFFFFFF20] =	vst v8;
	v8 =	vmul.f32 v56, v53;
	v56 =	vld [tilespmem:s12+$0xFFFFFF90]  }
0x191: {  	[tilespmem:s12+$0xFFFFFF30] =	vst v2;
	v2 =	vmul.f32 v58, v53;
	v58 =	vld [tilespmem:s12+$0xFFFFFFA0]  }
0x192: {  	[tilespmem:s12+$0xFFFFFF40] =	vst v8;
	v5 =	vmul.f32 v5, v53;
	v8 =	vld [tilespmem:s12+$0xFFFFFFB0]  }
0x193: {  	[tilespmem:s12+$0xFFFFFF50] =	vst v2;
	v2 =	vmul.f32 v54, v53;
	v53 =	vld [tilespmem:s12+$0xFFFFFFC0]  }
0x194: {  	[tilespmem:s12+$0xFFFFFF60] =	vst v5;
	v5 =	vmul.f32 v55, v6;
	v54 =	vld [tilespmem:s12+$0xFFFFFFD0]  }
0x195: {  	[tilespmem:s12+$0xFFFFFF70] =	vst v2;
	v2 =	vmul.f32 v56, v6;
	v55 =	vld [tilespmem:s12+$0xFFFFFFE0]  }
0x196: {  	[tilespmem:s12+$0xFFFFFF80] =	vst v5;
	v5 =	vmul.f32 v58, v6;
	v56 =	vld [tilespmem:s12+$0xFFFFFFF0]  }
0x197: {  	[tilespmem:s12+$0xFFFFFF90] =	vst v2;
	v2 =	vmul.f32 v8, v6;
	v6 =	vld [tilespmem:s12+$0x0]  }
0x198: {  	[tilespmem:s12+$0xFFFFFFA0] =	vst v5;
	v5 =	vmul.f32 v53, v57;
	v8 =	vld [tilespmem:s12+$0x10]  }
0x199: {  	[tilespmem:s12+$0xFFFFFFB0] =	vst v2;
	v2 =	vmul.f32 v54, v57;
	v54 =	vld [tilespmem:s12+$0x20]  }
0x19a: {  	[tilespmem:s12+$0xFFFFFFC0] =	vst v5;
	v5 =	vmul.f32 v55, v57;
	v55 =	vld [tilespmem:s12+$0x30]  }
0x19b: {  	[tilespmem:s12+$0xFFFFFFD0] =	vst v2;
	v2 =	vmul.f32 v56, v57;
	v57 =	vld [tilespmem:s12+$0x40]  }
.Ltmp3:
0x19c: {  	[tilespmem:s12+$0xFFFFFFE0] =	vst v5;
	v5 =	vmul.f32 v6, v3;
	v56 =	vld [tilespmem:s12+$0x50];
	(pc) =	sbr.rel @p4 .LBB2_5-.Ltmp3, $4  }
0x19d: {  	[tilespmem:s12+$0xFFFFFFF0] =	vst v2;
	v2 =	vmul.f32 v8, v3;
	v53 =	vld [tilespmem:s12+$0x60]  }
0x19e: {  	[tilespmem:s12+$0x0] =	vst v5;
	v5 =	vmul.f32 v54, v3;
	v54 =	vld [tilespmem:s12+$0x70]  }
0x19f: {  	[tilespmem:s12+$0x10] =	vst v2;
	v59 =	vmul.f32 v55, v3;
	v55 =	vld [tilespmem:s12+$0x80]  }
0x1a0: {  	s22 =	sshll.u32 s15, $0x4;
	s15 =	sadd.s32 $0x4, s15;
	[tilespmem:s12+$0x20] =	vst v5;
	v58 =	vmul.f32 v57, v52;
	v57 =	vld [tilespmem:s12+$0x90]  }
0x1a1: {  	v3 =	vld [tilespmem:s12+$0xA0]  }
0x1a2: {  	v8 =	vld [tilespmem:s12+$0xB0]  }
0x1a3: {  	v61 =	vld [tilespmem:s12+$0xC0]  }
0x1a4: {  	v2 =	vmov s22;
	s24 =	sadd.s32 $0x10, s22;
	v63 =	vld [tilespmem:s12+$0xD0]  }
0x1a5: {  	v7 =	vld [tilespmem:s12+$0xE0];
	v56 =	vmul.f32 v56, v52;
	v62 =	vmov s24;
	s24 =	sadd.s32 $0x200, s12  }
0x1a6: {  	[tilespmem:s12+$0x30] =	vst v59;
	v59 =	vld [tilespmem:s24+$0xF0]  }
0x1a7: {  	s15 =	sadd.s32 $0x30, s22;
	v5 =	vor.u32 $0x1, v2;
	v53 =	vmul.f32 v53, v52;
	[tilespmem:s12+$0x50] =	vst v56;
	v56 =	vld [tilespmem:s24+$0xFFFFFFA0]  }
0x1a8: {  	v6 =	vmov s15;
	[tilespmem:s12+$0x40] =	vst v58;
	v52 =	vmul.f32 v54, v52;
	v58 =	vmul.f32 v57, v51;
	v57 =	vld [tilespmem:s24+$0xFFFFFF20]  }
0x1a9: {  	s23 =	sadd.s32 $0x20, s22;
	v60 =	vor.u32 $0x1, v6;
	[tilespmem:s12+$0x60] =	vst v53;
	v53 =	vmul.f32 v55, v51;
	v2 =	vld.idx.msk [tilespmem:v2+s3+$0x0], $0xffff  }
0x1aa: {  	v10 =	vmov s23;
	[tilespmem:s12+$0x70] =	vst v52;
	v52 =	vmul.f32 v61, v50;
	v61 =	vld [tilespmem:s24+$0xFFFFFF00]  }
0x1ab: {  	[tilespmem:s13+$0x80] =	vst v53;
	v53 =	vld [tilespmem:s24+$0x20]  }
0x1ac: {  	v5 =	vld.idx.msk [tilespmem:v5+s3+$0x0], $0xffff  }
0x1ad: {  	v54 =	vld.idx.msk [tilespmem:v62+s3+$0x0], $0xffff  }
0x1ae: {  	v60 =	vld.idx.msk [tilespmem:v60+s3+$0x0], $0xffff  }
0x1af: {  	v11 =	vor.u32 $0x1, v10;
	v7 =	vmul.f32 v7, v50;
	v10 =	vld.idx.msk [tilespmem:v10+s3+$0x0], $0xffff;
	[tilespmem:s13+$0x90] =	vst v58  }
0x1b0: {  	v4 =	vor.u32 $0x1, v62;
	v3 =	vmul.f32 v3, v51;
	v62 =	vmul.f32 v63, v50;
	v63 =	vld [tilespmem:s24+$0xFFFFFF10];
	[tilespmem:s13+$0xC0] =	vst v52  }
0x1b1: {  	v6 =	vld.idx.msk [tilespmem:v6+s3+$0x0], $0xffff;
	[tilespmem:s13+$0xE0] =	vst v7  }
0x1b2: {  	v8 =	vmul.f32 v8, v51;
	v58 =	vld [tilespmem:s24+$0xFFFFFF30];
	[tilespmem:s13+$0xA0] =	vst v3  }
0x1b3: {  	[tilespmem:s13+$0xD0] =	vst v62;
	v62 =	vld [tilespmem:s24+$0xFFFFFF60];
	v3 =	vmul.f32 v59, v60  }
0x1b4: {  	[tilespmem:s13+$0xB0] =	vst v8;
	v8 =	vmul.f32 v61, v2;
	v61 =	vld [tilespmem:s24+$0xFFFFFF50]  }
0x1b5: {  	v59 =	vld [tilespmem:s24+$0xFFFFFF40];
	[tilespmem:s24+$0xF0] =	vst v3;
	v3 =	vmul.f32 v63, v2  }
0x1b6: {  	[tilespmem:s24+$0xFFFFFF00] =	vst v8;
	v8 =	vmul.f32 v57, v2;
	v63 =	vld [tilespmem:s24+$0xFFFFFF70]  }
0x1b7: {  	v2 =	vmul.f32 v58, v2;
	[tilespmem:s24+$0xFFFFFF10] =	vst v3;
	v3 =	vld [tilespmem:s24+$0xFFFFFF80]  }
0x1b8: {  	v57 =	vmul.f32 v62, v5;
	[tilespmem:s24+$0xFFFFFF20] =	vst v8;
	v8 =	vld [tilespmem:s24+$0xFFFFFF90]  }
0x1b9: {  	v4 =	vld.idx.msk [tilespmem:v4+s3+$0x0], $0xffff;
	[tilespmem:s24+$0xFFFFFF30] =	vst v2;
	v2 =	vmul.f32 v61, v5  }
0x1ba: {  	v58 =	vld [tilespmem:s24+$0xFFFFFFB0];
	[tilespmem:s24+$0xFFFFFF60] =	vst v57;
	v55 =	vmul.f32 v59, v5  }
0x1bb: {  	v59 =	vld [tilespmem:s24+$0xFFFFFFC0];
	[tilespmem:s24+$0xFFFFFF50] =	vst v2;
	v2 =	vmul.f32 v63, v5  }
0x1bc: {  	v61 =	vld [tilespmem:s24+$0xFFFFFFD0];
	[tilespmem:s24+$0xFFFFFF40] =	vst v55;
	v3 =	vmul.f32 v3, v54  }
0x1bd: {  	[tilespmem:s24+$0xFFFFFF70] =	vst v2;
	v2 =	vmul.f32 v8, v54;
	v8 =	vld [tilespmem:s24+$0xFFFFFFE0]  }
0x1be: {  	v62 =	vld [tilespmem:s24+$0xFFFFFFF0];
	[tilespmem:s24+$0xFFFFFF80] =	vst v3;
	v3 =	vmul.f32 v56, v54  }
0x1bf: {  	[tilespmem:s24+$0xFFFFFF90] =	vst v2;
	v2 =	vmul.f32 v58, v54;
	v58 =	vld [tilespmem:s24+$0x90]  }
0x1c0: {  	v63 =	vld [tilespmem:s24+$0x0];
	[tilespmem:s24+$0xFFFFFFA0] =	vst v3;
	v3 =	vmul.f32 v59, v4  }
0x1c1: {  	v52 =	vld [tilespmem:s24+$0x10];
	[tilespmem:s24+$0xFFFFFFB0] =	vst v2;
	v2 =	vmul.f32 v61, v4  }
0x1c2: {  	v11 =	vld.idx.msk [tilespmem:v11+s3+$0x0], $0xffff;
	[tilespmem:s24+$0xFFFFFFC0] =	vst v3;
	v3 =	vmul.f32 v8, v4  }
0x1c3: {  	v8 =	vld [tilespmem:s24+$0x30];
	[tilespmem:s24+$0xFFFFFFD0] =	vst v2;
	v2 =	vmul.f32 v62, v4  }
0x1c4: {  	v54 =	vld [tilespmem:s24+$0x40];
	v4 =	vmul.f32 v58, v6;
	[tilespmem:s24+$0xFFFFFFE0] =	vst v3  }
0x1c5: {  	v55 =	vld [tilespmem:s24+$0x50];
	v3 =	vmul.f32 v63, v10;
	[tilespmem:s24+$0xFFFFFFF0] =	vst v2  }
0x1c6: {  	v56 =	vld [tilespmem:s24+$0x60];
	v2 =	vmul.f32 v52, v10;
	[tilespmem:s24+$0x90] =	vst v4  }
0x1c7: {  	v57 =	vld [tilespmem:s24+$0x70];
	[tilespmem:s24+$0x0] =	vst v3;
	v3 =	vmul.f32 v53, v10  }
0x1c8: {  	v59 =	vld [tilespmem:s24+$0xD0];
	[tilespmem:s24+$0x10] =	vst v2;
	v2 =	vmul.f32 v8, v10  }
0x1c9: {  	v10 =	vld [tilespmem:s24+$0xC0];
	[tilespmem:s24+$0x20] =	vst v3;
	v3 =	vmul.f32 v54, v11  }
0x1ca: {  	v8 =	vld [tilespmem:s24+$0x80];
	[tilespmem:s24+$0x30] =	vst v2;
	v2 =	vmul.f32 v55, v11  }
0x1cb: {  	v61 =	vld [tilespmem:s24+$0xE0];
	[tilespmem:s24+$0x40] =	vst v3;
	v3 =	vmul.f32 v56, v11  }
0x1cc: {  	[tilespmem:s24+$0x50] =	vst v2;
	v2 =	vmul.f32 v57, v11;
	v11 =	vld [tilespmem:s24+$0xA0]  }
0x1cd: {  	v62 =	vmul.f32 v59, v60;
	[tilespmem:s24+$0x60] =	vst v3;
	v3 =	vld [tilespmem:s24+$0xB0]  }
0x1ce: {  	[tilespmem:s24+$0x70] =	vst v2;
	v2 =	vmul.f32 v10, v60  }
0x1cf: {  	[tilespmem:s24+$0xD0] =	vst v62;
	v8 =	vmul.f32 v8, v6  }
0x1d0: {  	[tilespmem:s24+$0xC0] =	vst v2;
	v2 =	vmul.f32 v61, v60  }
0x1d1: {  	[tilespmem:s24+$0x80] =	vst v8;
	v63 =	vmul.f32 v11, v6  }
0x1d2: {  	v3 =	vmul.f32 v3, v6;
	[tilespmem:s24+$0xE0] =	vst v2  }
0x1d3: {  	[tilespmem:s24+$0xA0] =	vst v63  }
0x1d4: {  	[tilespmem:s24+$0xB0] =	vst v3  }
0x1d5: {  	[spmem:s14] =	stream.indirect.scatter.add.f32 [tilespmem:s3], [sflag:$0x1], $0x10, s4, s4, $0xb8;
	[tilespmem:$0x1FA10] =	vst v63  }
0x1d6: {  	s31 =	sadd.s32 $0x1, s31  }
0x1d7: {  	[spmem:s10] =	stream.indirect.scatter.add.f32 [tilespmem:s7], [sflag:$0x1], $0x80, s4, s4, $0xb8;
	[tilespmem:$0x1FA10] =	vst v63  }
0x1d8: {  	p4 =	sne.s32 s31, $0x9D;
	_ =	swait.ge [sflag:s5], $0x800  }
.Ltmp4:
0x1d9: {  	[sflag:s5] =	ssyncset.done $0x0;
	(pc) =	sbr.rel @p4 .LBB2_4-.Ltmp4, $4  }
0x1da: {  	[sflag:s5] =	ssyncadd.s32 $0xFFFFF800  }
0x1db: {  	_ =	swait.ge [sflag:s5], $0x4000  }
0x1dc: {  	[sflag:s5] =	ssyncset.done $0x0  }
0x1dd: {  	[sflag:s5] =	ssyncadd.s32 $0xFFFFC000  }
0x1de: {  	[bflag:$0x0] =	sbarrier.arrive $0xFFFF  }
0x1df: {  	s11 =	simm.s32 $0x0;
	s13 =	simm.s32 $0x9980;
	s12 =	rddreg [dreg:$0x11]  }
0x1e0: {  	[tilespmem:s13], [sflag:$0x2] =	stream.linear.gather [hbm4b:s12+s11], $0x100, $0x38;
	[tilespmem:$0x1FA10] =	vst v63  }
0x1e1: {  	_ =	swait.ge [sflag:s2], $0x100  }
0x1e2: {  	[sflag:s2] =	ssyncset.done $0x0  }
0x1e3: {  	s23 =	rddreg [dreg:$0x12];
	[sflag:s2] =	ssyncadd.s32 $0xFFFFFF00  }
0x1e4: {  	[tilespmem:s1], [sflag:$0x2] =	stream.linear.gather [spmem:s23], $0x4000, $0x38;
	[tilespmem:$0x1FA10] =	vst v63  }
0x1e5: {  	_ =	swait.ge [sflag:s2], $0x4000  }
0x1e6: {  	[sflag:s2] =	ssyncset.done $0x0  }
0x1e7: {  	s24 =	rddreg [dreg:$0x13];
	[sflag:s2] =	ssyncadd.s32 $0xFFFFC000  }
0x1e8: {  	[tilespmem:s3], [sflag:$0x2] =	stream.linear.gather [spmem:s24], $0x800, $0x38;
	[tilespmem:$0x1FA10] =	vst v63  }
0x1e9: {  	_ =	swait.ge [sflag:s2], $0x800  }
0x1ea: {  	s13 =	simm.s32 $0x0;
	[sflag:s2] =	ssyncset.done $0x0  }
0x1eb: {  	s15 =	simm.s32 $0x30;
	v2 =	vmov s13;
	s22 =	rddreg [dreg:$0x5];
	[sflag:s2] =	ssyncadd.s32 $0xFFFFF800  }
0x1ec: {  	v3 =	vmov s15;
	[tilespmem:s7], [sflag:$0x2] =	stream.linear.gather [hbm4b:s22+s11], $0x4000, $0x38;
	[tilespmem:$0x1FA10] =	vst v63  }
0x1ed: {  	_ =	swait.ge [sflag:s2], $0x4000  }
0x1ee: {  	[sflag:s2] =	ssyncset.done $0x0  }
0x1ef: {  	[sflag:s2] =	ssyncadd.s32 $0xFFFFC000  }
0x1f0: {  	s23 =	simm.s32 $0x10;
	v5 =	vld.idx.msk [tilespmem:v2+s3+$0x0], $0xffff  }
0x1f1: {  	v4 =	vmov s23;
	s24 =	simm.s32 $0x20;
	v6 =	vld.idx.msk [tilespmem:v3+s3+$0x0], $0xffff  }
0x1f2: {  	v7 =	vmov s24  }
0x1f3: {  	v10 =	vor.u32 $0x1, v7;
	_ =	sdelay $0x1  }
0x1f4: {  	v5 =	vmax.f32 v5, $9.999999710e-10  }
0x1f5: {  	v8 =	vor.u32 $0x1, v4;
	v4 =	vld.idx.msk [tilespmem:v4+s3+$0x0], $0xffff;
	v6 =	vmax.f32 v6, $9.999999710e-10;
	(erf) = vrcp.f32 v5  }
0x1f6: {  	v59 =	vld.idx.msk [tilespmem:v7+s3+$0x0], $0xffff;
	(erf) = vrcp.f32 v6  }
0x1f7: {  	s13 =	simm.s32 $0x5A80;
	v7 =	vld.idx.msk [tilespmem:v10+s3+$0x0], $0xffff  }
0x1f8: {  	v60 =	vld [tilespmem:s13+$0x80]  }
0x1f9: {  	s31 =	simm.s32 $0x1A80;
	v61 =	vld [tilespmem:s13+$0xFFFFFF00]  }
0x1fa: {  	v62 =	vld [tilespmem:s31+$0x80];
	v4 =	vmax.f32 v4, $9.999999710e-10  }
0x1fb: {  	v63 =	vld [tilespmem:s13+$0xFFFFFF80];
	v5 =	vmax.f32 v59, $9.999999710e-10;
	(erf) = vrcp.f32 v4  }
0x1fc: {  	v50 =	vld [tilespmem:s0+$0x9980];
	(erf) = vrcp.f32 v5  }
0x1fd: {  	v52 =	vld [tilespmem:s13+$0x0]  }
0x1fe: {  	v2 =	vor.u32 $0x1, v2;
	v53 =	vld [tilespmem:s31+$0xFFFFFF80];
	v11 =	vpop (erf)  }
0x1ff: {  	v54 =	vld [tilespmem:s31+$0xFFFFFF00];
	v51 =	vpop (erf)  }
0x200: {  	v55 =	vld [tilespmem:s31+$0x0];
	v4 =	vmul.f32 v51, v60  }
0x201: {  	v3 =	vor.u32 $0x1, v3;
	v56 =	vld [tilespmem:s13+$0x90]  }
0x202: {  	v58 =	vld [tilespmem:s13+$0xFFFFFF10];
	v4 =	vadd.f32 v62, v4  }
0x203: {  	v2 =	vld.idx.msk [tilespmem:v2+s3+$0x0], $0xffff  }
0x204: {  	v6 =	vld.idx.msk [tilespmem:v8+s3+$0x0], $0xffff;
	v8 =	vmul.f32 v11, v61;
	v5 =	vpop (erf);
	v4 =	vadd.f32 v4, v50  }
0x205: {  	v60 =	vld [tilespmem:s13+$0xFFFFFF90];
	v10 =	vmul.f32 v5, v63;
	v57 =	vpop (erf)  }
0x206: {  	v3 =	vld.idx.msk [tilespmem:v3+s3+$0x0], $0xffff;
	v8 =	vadd.f32 v54, v8;
	v13 =	vmul.f32 v57, v52;
	[tilespmem:s13+$0x80] =	vst v4  }
0x207: {  	v12 =	vadd.f32 v53, v10;
	v14 =	vld [tilespmem:s31+$0x90]  }
0x208: {  	v8 =	vadd.f32 v50, v8;
	v10 =	vadd.f32 v55, v13;
	v55 =	vld [tilespmem:s13+$0x10]  }
0x209: {  	v4 =	vadd.f32 v12, v50;
	v61 =	vld [tilespmem:s0+$0x9990]  }
0x20a: {  	v56 =	vmul.f32 v56, v51;
	[tilespmem:s13+$0xFFFFFF00] =	vst v8;
	v13 =	vmul.f32 v60, v5;
	v60 =	vld [tilespmem:s13+$0xA0]  }
0x20b: {  	v62 =	vadd.f32 v10, v50;
	v10 =	vld [tilespmem:s31+$0xFFFFFF10];
	[tilespmem:s13+$0xFFFFFF80] =	vst v4  }
0x20c: {  	v63 =	vld [tilespmem:s31+$0xFFFFFF90];
	v12 =	vadd.f32 v14, v56  }
0x20d: {  	[tilespmem:s13+$0x0] =	vst v62;
	v4 =	vld [tilespmem:s0+$0x9990]  }
0x20e: {  	v14 =	vld [tilespmem:s31+$0x10];
	v50 =	vadd.f32 v61, v12  }
0x20f: {  	v62 =	vmul.f32 v55, v57;
	v55 =	vld [tilespmem:s13+$0xFFFFFF30]  }
0x210: {  	v61 =	vld [tilespmem:s0+$0x9990];
	[tilespmem:s13+$0x90] =	vst v50  }
0x211: {  	v8 =	vadd.f32 v63, v13;
	v63 =	vld [tilespmem:s31+$0xA0]  }
0x212: {  	v12 =	vld [tilespmem:s0+$0x9990]  }
0x213: {  	v13 =	vmul.f32 v58, v11;
	v50 =	vadd.f32 v14, v62;
	v14 =	vld [tilespmem:s0+$0x99A0]  }
0x214: {  	v54 =	vmul.f32 v60, v51;
	v60 =	vld [tilespmem:s13+$0xFFFFFFA0]  }
0x215: {  	v58 =	vld [tilespmem:s13+$0xFFFFFF20];
	v4 =	vadd.f32 v4, v8;
	v59 =	vadd.f32 v10, v13  }
0x216: {  	v62 =	vld [tilespmem:s13+$0x20];
	v61 =	vadd.f32 v61, v50;
	v52 =	vadd.f32 v63, v54  }
0x217: {  	[tilespmem:s13+$0xFFFFFF90] =	vst v4;
	v4 =	vadd.f32 v12, v59;
	v12 =	vld [tilespmem:s13+$0xB0]  }
0x218: {  	[tilespmem:s13+$0x10] =	vst v61;
	v63 =	vld [tilespmem:s31+$0xFFFFFFA0];
	v52 =	vadd.f32 v14, v52  }
0x219: {  	v2 =	vmax.f32 v2, $9.999999710e-10;
	v10 =	vld [tilespmem:s31+$0x20]  }
0x21a: {  	v6 =	vmax.f32 v6, $9.999999710e-10;
	(erf) = vrcp.f32 v2;
	v14 =	vld [tilespmem:s0+$0x99A0];
	[tilespmem:s13+$0xA0] =	vst v52  }
0x21b: {  	v7 =	vmax.f32 v7, $9.999999710e-10;
	(erf) = vrcp.f32 v6;
	v2 =	vld [tilespmem:s31+$0xB0]  }
0x21c: {  	v3 =	vmax.f32 v3, $9.999999710e-10;
	(erf) = vrcp.f32 v7;
	v56 =	vmul.f32 v60, v5;
	v60 =	vld [tilespmem:s0+$0x99A0]  }
0x21d: {  	(erf) = vrcp.f32 v3;
	[tilespmem:s13+$0xFFFFFF10] =	vst v4;
	v3 =	vmul.f32 v62, v57;
	v59 =	vld [tilespmem:s0+$0x99B0]  }
0x21e: {  	v13 =	vld [tilespmem:s31+$0xFFFFFF20];
	v4 =	vmul.f32 v12, v51;
	v7 =	vadd.f32 v63, v56  }
0x21f: {  	v61 =	vld [tilespmem:s0+$0x99A0];
	v3 =	vadd.f32 v10, v3  }
0x220: {  	v12 =	vld [tilespmem:s13+$0xC0];
	v6 =	vadd.f32 v14, v7;
	v2 =	vadd.f32 v2, v4  }
0x221: {  	v62 =	vmul.f32 v58, v11;
	v63 =	vld [tilespmem:s13+$0xFFFFFFB0];
	v3 =	vadd.f32 v60, v3  }
0x222: {  	v10 =	vld [tilespmem:s13+$0x30];
	[tilespmem:s13+$0xFFFFFFA0] =	vst v6;
	v2 =	vadd.f32 v59, v2  }
0x223: {  	v50 =	vpop (erf);
	[tilespmem:s13+$0x20] =	vst v3;
	v4 =	vadd.f32 v13, v62;
	v13 =	vld [tilespmem:s31+$0xFFFFFFB0]  }
0x224: {  	v51 =	vpop (erf);
	v14 =	vld [tilespmem:s31+$0x30];
	[tilespmem:s13+$0xB0] =	vst v2  }
0x225: {  	v52 =	vpop (erf);
	v2 =	vadd.f32 v61, v4;
	v3 =	vld [tilespmem:s31+$0xC0]  }
0x226: {  	v53 =	vpop (erf);
	v62 =	vld [tilespmem:s0+$0x99B0]  }
0x227: {  	v6 =	vmul.f32 v12, v53;
	v12 =	vmul.f32 v10, v57;
	[tilespmem:s13+$0xFFFFFF20] =	vst v2;
	v2 =	vld [tilespmem:s0+$0x99C0]  }
0x228: {  	v10 =	vld [tilespmem:s13+$0xFFFFFF40]  }
0x229: {  	v57 =	vld [tilespmem:s13+$0x40];
	v4 =	vadd.f32 v14, v12  }
0x22a: {  	v61 =	vld [tilespmem:s0+$0x99B0];
	v3 =	vadd.f32 v3, v6  }
0x22b: {  	v5 =	vmul.f32 v63, v5;
	v60 =	vld [tilespmem:s31+$0xFFFFFF30];
	v4 =	vadd.f32 v62, v4  }
0x22c: {  	v63 =	vld [tilespmem:s0+$0x99B0];
	v2 =	vadd.f32 v2, v3  }
0x22d: {  	[tilespmem:s13+$0x30] =	vst v4;
	v3 =	vadd.f32 v13, v5;
	v13 =	vld [tilespmem:s13+$0xD0]  }
0x22e: {  	v59 =	vld [tilespmem:s31+$0x40];
	[tilespmem:s13+$0xC0] =	vst v2  }
0x22f: {  	v3 =	vadd.f32 v61, v3;
	v56 =	vld [tilespmem:s31+$0xD0]  }
0x230: {  	v61 =	vld [tilespmem:s0+$0x99C0]  }
0x231: {  	v2 =	vmul.f32 v55, v11;
	[tilespmem:s13+$0xFFFFFFB0] =	vst v3;
	v3 =	vld [tilespmem:s0+$0x99D0]  }
0x232: {  	v14 =	vld [tilespmem:s13+$0xFFFFFFC0];
	v11 =	vmul.f32 v57, v52;
	v5 =	vmul.f32 v13, v53  }
0x233: {  	v2 =	vadd.f32 v60, v2;
	v58 =	vld [tilespmem:s31+$0xFFFFFFC0]  }
0x234: {  	v6 =	vadd.f32 v59, v11;
	v60 =	vld [tilespmem:s0+$0x99C0];
	v5 =	vadd.f32 v56, v5  }
0x235: {  	v2 =	vadd.f32 v63, v2;
	v63 =	vld [tilespmem:s13+$0xE0]  }
0x236: {  	v6 =	vadd.f32 v61, v6;
	v61 =	vld [tilespmem:s13+$0xF0];
	v3 =	vadd.f32 v3, v5  }
0x237: {  	[tilespmem:s13+$0xFFFFFF30] =	vst v2;
	v2 =	vmul.f32 v14, v51;
	v14 =	vld [tilespmem:s13+$0xFFFFFF50]  }
0x238: {  	v62 =	vld [tilespmem:s31+$0xFFFFFF40];
	[tilespmem:s13+$0xD0] =	vst v3  }
0x239: {  	v2 =	vadd.f32 v58, v2;
	v13 =	vld [tilespmem:s31+$0xE0]  }
0x23a: {  	v12 =	vld [tilespmem:s0+$0x99C0]  }
0x23b: {  	v3 =	vmul.f32 v10, v50;
	v2 =	vadd.f32 v60, v2;
	v57 =	vld [tilespmem:s0+$0x99E0]  }
0x23c: {  	[tilespmem:s13+$0x40] =	vst v6;
	v58 =	vld [tilespmem:s13+$0x50];
	v4 =	vmul.f32 v63, v53  }
0x23d: {  	v3 =	vadd.f32 v62, v3;
	[tilespmem:s13+$0xFFFFFFC0] =	vst v2;
	v2 =	vld [tilespmem:s13+$0xFFFFFFD0]  }
0x23e: {  	v63 =	vld [tilespmem:s0+$0x99D0];
	v4 =	vadd.f32 v13, v4  }
0x23f: {  	v59 =	vld [tilespmem:s31+$0xFFFFFFD0];
	v3 =	vadd.f32 v12, v3  }
0x240: {  	v62 =	vld [tilespmem:s0+$0x99D0];
	v4 =	vadd.f32 v57, v4  }
0x241: {  	[tilespmem:s13+$0xFFFFFF40] =	vst v3;
	v3 =	vld [tilespmem:s31+$0x50]  }
0x242: {  	v60 =	vld [tilespmem:s31+$0xFFFFFF50];
	v2 =	vmul.f32 v2, v51;
	[tilespmem:s13+$0xE0] =	vst v4  }
0x243: {  	v4 =	vld [tilespmem:s31+$0xF0]  }
0x244: {  	v5 =	vmul.f32 v58, v52;
	v12 =	vld [tilespmem:s0+$0x99D0];
	v2 =	vadd.f32 v59, v2  }
0x245: {  	v8 =	vmul.f32 v14, v50;
	v6 =	vld [tilespmem:s0+$0x99F0]  }
0x246: {  	v7 =	vmul.f32 v61, v53;
	v14 =	vld [tilespmem:s13+$0xFFFFFFE0];
	v3 =	vadd.f32 v3, v5;
	v2 =	vadd.f32 v62, v2  }
0x247: {  	v13 =	vld [tilespmem:s13+$0xFFFFFF60];
	v53 =	vadd.f32 v60, v8  }
0x248: {  	v61 =	vld [tilespmem:s13+$0x60];
	[tilespmem:s13+$0xFFFFFFD0] =	vst v2;
	v2 =	vadd.f32 v63, v3;
	v4 =	vadd.f32 v4, v7  }
0x249: {  	v58 =	vld [tilespmem:s31+$0xFFFFFFE0];
	v63 =	vadd.f32 v12, v53  }
0x24a: {  	v56 =	vld [tilespmem:s0+$0x99E0];
	[tilespmem:s13+$0x50] =	vst v2;
	v3 =	vadd.f32 v6, v4  }
0x24b: {  	v59 =	vld [tilespmem:s31+$0x60];
	[tilespmem:s13+$0xFFFFFF50] =	vst v63  }
0x24c: {  	s15 =	simm.s32 $0x40;
	s12 =	simm.s32 $0x8;
	s11 =	simm.s32 $0x5A80;
	v57 =	vmul.f32 v13, v50;
	v62 =	vmul.f32 v14, v51;
	v60 =	vld [tilespmem:s0+$0x99E0];
	[tilespmem:s13+$0xF0] =	vst v3  }
.LBB2_8:
0x24d: {  	p4 =	slt.u32 s12, $0x7C;
	v2 =	vmov s15;
	s22 =	sadd.s32 $0x10, s15;
	s23 =	sadd.s32 $0x30, s15;
	v3 =	vld [tilespmem:s31+$0xFFFFFF60];
	v4 =	vmul.f32 v61, v52  }
0x24e: {  	s15 =	sadd.s32 $0x20, s15;
	v5 =	vor.u32 $0x1, v2;
	v6 =	vmov s22;
	v7 =	vmov s23;
	v8 =	vld [tilespmem:s0+$0x99E0]  }
0x24f: {  	v11 =	vmov s15;
	v54 =	vadd.f32 v58, v62;
	v10 =	vor.u32 $0x1, v6;
	v53 =	vld [tilespmem:s13+$0xFFFFFF70]  }
0x250: {  	v55 =	vor.u32 $0x1, v11;
	v58 =	vld [tilespmem:s13+$0xFFFFFFF0];
	v4 =	vadd.f32 v59, v4  }
0x251: {  	v54 =	vadd.f32 v56, v54;
	v56 =	vld [tilespmem:s13+$0x70]  }
0x252: {  	v2 =	vld.idx.msk [tilespmem:v2+s3+$0x0], $0xffff;
	v3 =	vadd.f32 v3, v57;
	v4 =	vadd.f32 v60, v4  }
0x253: {  	v57 =	vld.idx.msk [tilespmem:v7+s3+$0x0], $0xffff;
	[tilespmem:s13+$0xFFFFFFE0] =	vst v54  }
0x254: {  	v6 =	vld.idx.msk [tilespmem:v6+s3+$0x0], $0xffff;
	v3 =	vadd.f32 v8, v3;
	v8 =	vmul.f32 v53, v50;
	[tilespmem:s13+$0x60] =	vst v4  }
0x255: {  	v4 =	vld.idx.msk [tilespmem:v11+s3+$0x0], $0xffff;
	v11 =	vmul.f32 v58, v51  }
0x256: {  	v5 =	vld.idx.msk [tilespmem:v5+s3+$0x0], $0xffff;
	[tilespmem:s13+$0xFFFFFF60] =	vst v3;
	v3 =	vmul.f32 v56, v52  }
0x257: {  	v10 =	vld.idx.msk [tilespmem:v10+s3+$0x0], $0xffff  }
0x258: {  	v2 =	vmax.f32 v2, $9.999999710e-10;
	v50 =	vld.idx.msk [tilespmem:v55+s3+$0x0], $0xffff  }
0x259: {  	v51 =	vmax.f32 v57, $9.999999710e-10;
	(erf) = vrcp.f32 v2;
	v2 =	vld [tilespmem:s31+$0xFFFFFFF0]  }
0x25a: {  	v6 =	vmax.f32 v6, $9.999999710e-10;
	(erf) = vrcp.f32 v51;
	v51 =	vld [tilespmem:s31+$0x70]  }
0x25b: {  	v4 =	vmax.f32 v4, $9.999999710e-10;
	(erf) = vrcp.f32 v6;
	v6 =	vld [tilespmem:s31+$0xFFFFFF70]  }
0x25c: {  	v5 =	vmax.f32 v5, $9.999999710e-10;
	(erf) = vrcp.f32 v4;
	v4 =	vld [tilespmem:s0+$0x99F0]  }
0x25d: {  	v10 =	vmax.f32 v10, $9.999999710e-10;
	(erf) = vrcp.f32 v5;
	v5 =	vld [tilespmem:s0+$0x99F0]  }
0x25e: {  	s13 =	sadd.s32 $0x200, s13;
	v50 =	vmax.f32 v50, $9.999999710e-10;
	(erf) = vrcp.f32 v10;
	v10 =	vld [tilespmem:s0+$0x99F0];
	v2 =	vadd.f32 v2, v11  }
0x25f: {  	v11 =	vld [tilespmem:s13+$0x80];
	(erf) = vrcp.f32 v50;
	v3 =	vadd.f32 v51, v3  }
0x260: {  	s31 =	sadd.s32 $0x200, s31;
	v50 =	vld [tilespmem:s13+$0xFFFFFF00];
	v6 =	vadd.f32 v6, v8  }
0x261: {  	v8 =	vld [tilespmem:s31+$0x80];
	v2 =	vadd.f32 v4, v2  }
0x262: {  	v4 =	vld [tilespmem:s13+$0xFFFFFF80];
	v53 =	vpop (erf);
	v3 =	vadd.f32 v5, v3  }
0x263: {  	v5 =	vld [tilespmem:s0+$0x9980];
	v56 =	vpop (erf);
	v6 =	vadd.f32 v10, v6;
	[tilespmem:s11+$0xFFFFFFF0] =	vst v2  }
0x264: {  	v2 =	vld [tilespmem:s13+$0x0];
	v10 =	vmul.f32 v56, v11;
	v54 =	vpop (erf);
	[tilespmem:s11+$0x70] =	vst v3  }
0x265: {  	v7 =	vor.u32 $0x1, v7;
	v3 =	vmul.f32 v53, v50;
	v11 =	vld [tilespmem:s31+$0xFFFFFF00];
	v55 =	vpop (erf);
	[tilespmem:s11+$0xFFFFFF70] =	vst v6;
	s11 =	smov.u32 s13  }
0x266: {  	v6 =	vld [tilespmem:s31+$0xFFFFFF80];
	v8 =	vadd.f32 v8, v10;
	v50 =	vpop (erf)  }
0x267: {  	v4 =	vmul.f32 v54, v4;
	v10 =	vld [tilespmem:s31+$0x0];
	v51 =	vpop (erf)  }
0x268: {  	v57 =	vld [tilespmem:s13+$0xFFFFFF10];
	v8 =	vadd.f32 v8, v5;
	v52 =	vpop (erf)  }
0x269: {  	v2 =	vmul.f32 v55, v2;
	v58 =	vld [tilespmem:s13+$0x90]  }
0x26a: {  	v3 =	vadd.f32 v11, v3;
	v7 =	vld.idx.msk [tilespmem:v7+s3+$0x0], $0xffff;
	[tilespmem:s13+$0x80] =	vst v8  }
0x26b: {  	v4 =	vadd.f32 v6, v4;
	v6 =	vld [tilespmem:s31+$0x90]  }
0x26c: {  	v3 =	vadd.f32 v5, v3;
	v8 =	vld [tilespmem:s13+$0xFFFFFF90];
	v2 =	vadd.f32 v10, v2  }
0x26d: {  	v10 =	vmul.f32 v57, v53;
	v4 =	vadd.f32 v4, v5;
	v11 =	vld [tilespmem:s0+$0x9990]  }
0x26e: {  	[tilespmem:s13+$0xFFFFFF00] =	vst v3;
	v2 =	vadd.f32 v2, v5;
	v3 =	vld [tilespmem:s13+$0x10];
	v5 =	vmul.f32 v58, v56  }
0x26f: {  	v57 =	vld [tilespmem:s31+$0xFFFFFF10];
	[tilespmem:s13+$0xFFFFFF80] =	vst v4  }
0x270: {  	v4 =	vld [tilespmem:s31+$0xFFFFFF90];
	[tilespmem:s13+$0x0] =	vst v2;
	v2 =	vadd.f32 v6, v5  }
0x271: {  	v5 =	vmul.f32 v8, v54;
	v6 =	vld [tilespmem:s31+$0x10]  }
0x272: {  	v8 =	vld [tilespmem:s0+$0x9990];
	v2 =	vadd.f32 v11, v2  }
0x273: {  	v3 =	vmul.f32 v3, v55;
	v11 =	vld [tilespmem:s13+$0xA0]  }
0x274: {  	v10 =	vadd.f32 v57, v10;
	v57 =	vld [tilespmem:s0+$0x9990];
	[tilespmem:s13+$0x90] =	vst v2  }
0x275: {  	v2 =	vadd.f32 v4, v5;
	v4 =	vld [tilespmem:s31+$0xA0]  }
0x276: {  	v5 =	vld [tilespmem:s0+$0x9990];
	v3 =	vadd.f32 v6, v3  }
0x277: {  	v2 =	vadd.f32 v8, v2;
	v6 =	vld [tilespmem:s0+$0x99A0]  }
0x278: {  	v8 =	vld [tilespmem:s13+$0xFFFFFF20];
	v11 =	vmul.f32 v11, v56  }
0x279: {  	[tilespmem:s13+$0xFFFFFF90] =	vst v2;
	v2 =	vld [tilespmem:s13+$0xFFFFFFA0];
	v3 =	vadd.f32 v57, v3  }
0x27a: {  	v57 =	vld [tilespmem:s13+$0x20];
	v4 =	vadd.f32 v4, v11  }
0x27b: {  	v5 =	vadd.f32 v5, v10;
	v10 =	vld [tilespmem:s31+$0xFFFFFFA0];
	[tilespmem:s13+$0x10] =	vst v3  }
0x27c: {  	v3 =	vld [tilespmem:s31+$0x20];
	v4 =	vadd.f32 v6, v4  }
0x27d: {  	[tilespmem:s13+$0xFFFFFF10] =	vst v5;
	v5 =	vmul.f32 v8, v53;
	v6 =	vld [tilespmem:s13+$0xB0]  }
0x27e: {  	v8 =	vld [tilespmem:s31+$0xFFFFFF20];
	v2 =	vmul.f32 v2, v54;
	[tilespmem:s13+$0xA0] =	vst v4  }
0x27f: {  	v4 =	vmul.f32 v57, v55;
	v11 =	vld [tilespmem:s31+$0xB0]  }
0x280: {  	v2 =	vadd.f32 v10, v2;
	v10 =	vld [tilespmem:s0+$0x99A0]  }
0x281: {  	v3 =	vadd.f32 v3, v4;
	v4 =	vmax.f32 v7, $9.999999710e-10;
	v7 =	vld [tilespmem:s0+$0x99B0]  }
0x282: {  	v57 =	vld [tilespmem:s0+$0x99A0];
	v6 =	vmul.f32 v6, v56;
	(erf) = vrcp.f32 v4  }
0x283: {  	v4 =	vadd.f32 v8, v5;
	v5 =	vld [tilespmem:s0+$0x99A0]  }
0x284: {  	v8 =	vld [tilespmem:s13+$0xFFFFFF30];
	v6 =	vadd.f32 v11, v6  }
0x285: {  	v2 =	vadd.f32 v10, v2;
	v10 =	vld [tilespmem:s13+$0xFFFFFFB0]  }
0x286: {  	v11 =	vld [tilespmem:s13+$0x30];
	v6 =	vadd.f32 v7, v6  }
0x287: {  	[tilespmem:s13+$0xFFFFFFA0] =	vst v2;
	v2 =	vadd.f32 v57, v3;
	v3 =	vld [tilespmem:s13+$0xC0]  }
0x288: {  	v4 =	vadd.f32 v5, v4;
	v5 =	vld [tilespmem:s31+$0xFFFFFFB0];
	[tilespmem:s13+$0xB0] =	vst v6  }
0x289: {  	v6 =	vmul.f32 v8, v53;
	[tilespmem:s13+$0x20] =	vst v2;
	v2 =	vld [tilespmem:s31+$0xC0]  }
0x28a: {  	[tilespmem:s13+$0xFFFFFF20] =	vst v4;
	v4 =	vmul.f32 v10, v54;
	v7 =	vld [tilespmem:s31+$0x30]  }
0x28b: {  	v8 =	vmul.f32 v11, v55;
	v10 =	vld [tilespmem:s0+$0x99C0];
	v11 =	vpop (erf)  }
0x28c: {  	v53 =	vld [tilespmem:s31+$0xFFFFFF30];
	v3 =	vmul.f32 v3, v11  }
0x28d: {  	v4 =	vadd.f32 v5, v4;
	v5 =	vld [tilespmem:s0+$0x99B0]  }
0x28e: {  	v54 =	vld [tilespmem:s0+$0x99B0];
	v2 =	vadd.f32 v2, v3  }
0x28f: {  	v3 =	vld [tilespmem:s0+$0x99B0];
	v7 =	vadd.f32 v7, v8  }
0x290: {  	v8 =	vld [tilespmem:s13+$0xFFFFFF40];
	v2 =	vadd.f32 v10, v2  }
0x291: {  	v6 =	vadd.f32 v53, v6;
	v10 =	vld [tilespmem:s13+$0xD0]  }
0x292: {  	v4 =	vadd.f32 v5, v4;
	v5 =	vld [tilespmem:s13+$0xFFFFFFC0];
	[tilespmem:s13+$0xC0] =	vst v2  }
0x293: {  	v2 =	vadd.f32 v54, v7;
	v7 =	vld [tilespmem:s31+$0xD0]  }
0x294: {  	v3 =	vadd.f32 v3, v6;
	[tilespmem:s13+$0xFFFFFFB0] =	vst v4;
	v4 =	vld [tilespmem:s13+$0x40]  }
0x295: {  	v6 =	vmul.f32 v8, v50;
	[tilespmem:s13+$0x30] =	vst v2;
	v2 =	vld [tilespmem:s0+$0x99D0]  }
0x296: {  	[tilespmem:s13+$0xFFFFFF30] =	vst v3;
	v3 =	vld [tilespmem:s31+$0xFFFFFFC0];
	v8 =	vmul.f32 v10, v11  }
0x297: {  	v5 =	vmul.f32 v5, v51;
	v10 =	vld [tilespmem:s31+$0x40]  }
0x298: {  	v53 =	vld [tilespmem:s31+$0xFFFFFF40];
	v7 =	vadd.f32 v7, v8  }
0x299: {  	v8 =	vld [tilespmem:s0+$0x99C0];
	v4 =	vmul.f32 v4, v52  }
0x29a: {  	v54 =	vld [tilespmem:s0+$0x99C0];
	v2 =	vadd.f32 v2, v7  }
0x29b: {  	v3 =	vadd.f32 v3, v5;
	v5 =	vld [tilespmem:s13+$0xE0]  }
0x29c: {  	v7 =	vld [tilespmem:s0+$0x99C0];
	v4 =	vadd.f32 v10, v4;
	[tilespmem:s13+$0xD0] =	vst v2  }
0x29d: {  	v2 =	vadd.f32 v53, v6;
	v6 =	vld [tilespmem:s31+$0xE0]  }
0x29e: {  	v10 =	vld [tilespmem:s13+$0xFFFFFF50];
	v3 =	vadd.f32 v8, v3  }
0x29f: {  	v4 =	vadd.f32 v54, v4;
	v8 =	vld [tilespmem:s0+$0x99E0]  }
0x2a0: {  	[tilespmem:s13+$0xFFFFFFC0] =	vst v3;
	v3 =	vld [tilespmem:s13+$0xFFFFFFD0];
	v5 =	vmul.f32 v5, v11  }
0x2a1: {  	v2 =	vadd.f32 v7, v2;
	[tilespmem:s13+$0x40] =	vst v4;
	v4 =	vld [tilespmem:s13+$0x50]  }
0x2a2: {  	v7 =	vld [tilespmem:s31+$0xFFFFFFD0];
	v5 =	vadd.f32 v6, v5  }
0x2a3: {  	[tilespmem:s13+$0xFFFFFF40] =	vst v2;
	v2 =	vmul.f32 v10, v50;
	v6 =	vld [tilespmem:s31+$0x50]  }
0x2a4: {  	v10 =	vld [tilespmem:s31+$0xFFFFFF50];
	v5 =	vadd.f32 v8, v5  }
0x2a5: {  	v3 =	vmul.f32 v3, v51;
	v8 =	vld [tilespmem:s13+$0xF0]  }
0x2a6: {  	v53 =	vld [tilespmem:s0+$0x99D0];
	v4 =	vmul.f32 v4, v52;
	[tilespmem:s13+$0xE0] =	vst v5  }
0x2a7: {  	v3 =	vadd.f32 v7, v3;
	v5 =	vld [tilespmem:s31+$0xF0]  }
0x2a8: {  	v4 =	vadd.f32 v6, v4;
	v6 =	vld [tilespmem:s0+$0x99D0]  }
0x2a9: {  	v2 =	vadd.f32 v10, v2;
	v7 =	vld [tilespmem:s0+$0x99F0]  }
0x2aa: {  	v10 =	vld [tilespmem:s0+$0x99D0];
	v8 =	vmul.f32 v8, v11  }
0x2ab: {  	v11 =	vld [tilespmem:s13+$0xFFFFFF60];
	v3 =	vadd.f32 v53, v3  }
0x2ac: {  	v53 =	vld [tilespmem:s13+$0xFFFFFFE0];
	v5 =	vadd.f32 v5, v8  }
.Ltmp5:
0x2ad: {  	[tilespmem:s13+$0xFFFFFFD0] =	vst v3;
	v3 =	vadd.f32 v6, v4;
	v61 =	vld [tilespmem:s13+$0x60];
	(pc) =	sbr.rel @p4 .LBB2_8-.Ltmp5, $4  }
0x2ae: {  	v58 =	vld [tilespmem:s31+$0xFFFFFFE0];
	v4 =	vadd.f32 v7, v5  }
0x2af: {  	v2 =	vadd.f32 v10, v2;
	v56 =	vld [tilespmem:s0+$0x99E0];
	[tilespmem:s13+$0x50] =	vst v3  }
0x2b0: {  	v57 =	vmul.f32 v11, v50;
	v59 =	vld [tilespmem:s31+$0x60];
	[tilespmem:s13+$0xF0] =	vst v4  }
0x2b1: {  	s15 =	sshll.u32 s12, $0x4;
	s12 =	sadd.s32 $0x4, s12;
	[tilespmem:s13+$0xFFFFFF50] =	vst v2;
	v62 =	vmul.f32 v53, v51;
	v60 =	vld [tilespmem:s0+$0x99E0]  }
0x2b2: {  	v2 =	vmov s15;
	s12 =	sadd.s32 $0x30, s15  }
0x2b3: {  	v3 =	vld [tilespmem:s31+$0xFFFFFF60];
	v4 =	vmov s12  }
0x2b4: {  	v5 =	vld [tilespmem:s0+$0x99E0]  }
0x2b5: {  	v53 =	vld [tilespmem:s13+$0xFFFFFF70]  }
0x2b6: {  	v55 =	vld [tilespmem:s13+$0xFFFFFFF0]  }
0x2b7: {  	s22 =	sadd.s32 $0x10, s15;
	v8 =	vor.u32 $0x1, v2;
	v2 =	vld.idx.msk [tilespmem:v2+s3+$0x0], $0xffff  }
0x2b8: {  	s24 =	sadd.s32 $0x20, s15;
	v6 =	vmov s22;
	v63 =	vld.idx.msk [tilespmem:v4+s3+$0x0], $0xffff  }
0x2b9: {  	v54 =	vld [tilespmem:s13+$0x70];
	v7 =	vmov s24  }
0x2ba: {  	s15 =	sadd.s32 $0x200, s13;
	v58 =	vadd.f32 v58, v62;
	v62 =	vld [tilespmem:s0+$0x9980]  }
0x2bb: {  	v11 =	vmul.f32 v61, v52;
	v12 =	vld [tilespmem:s15+$0x0]  }
0x2bc: {  	v17 =	vld [tilespmem:s15+$0x90];
	v10 =	vor.u32 $0x1, v6;
	v2 =	vmax.f32 v2, $9.999999710e-10  }
0x2bd: {  	v11 =	vadd.f32 v59, v11;
	v6 =	vld.idx.msk [tilespmem:v6+s3+$0x0], $0xffff;
	v59 =	vmax.f32 v63, $9.999999710e-10;
	(erf) = vrcp.f32 v2  }
0x2be: {  	v14 =	vor.u32 $0x1, v7;
	v7 =	vld.idx.msk [tilespmem:v7+s3+$0x0], $0xffff;
	(erf) = vrcp.f32 v59  }
0x2bf: {  	s22 =	sadd.s32 $0x200, s31;
	v19 =	vld [tilespmem:s15+$0xFFFFFF10];
	v56 =	vadd.f32 v56, v58;
	v3 =	vadd.f32 v3, v57  }
0x2c0: {  	v9 =	vld [tilespmem:s22+$0xFFFFFF00]  }
0x2c1: {  	[tilespmem:s13+$0xFFFFFFE0] =	vst v56;
	v8 =	vld.idx.msk [tilespmem:v8+s3+$0x0], $0xffff;
	v3 =	vadd.f32 v5, v3  }
0x2c2: {  	v11 =	vadd.f32 v60, v11;
	v60 =	vld [tilespmem:s31+$0xFFFFFFF0];
	v2 =	vmax.f32 v6, $9.999999710e-10  }
0x2c3: {  	[tilespmem:s13+$0xFFFFFF60] =	vst v3;
	v3 =	vmax.f32 v7, $9.999999710e-10;
	(erf) = vrcp.f32 v2;
	v2 =	vld [tilespmem:s15+$0x80]  }
0x2c4: {  	v10 =	vld.idx.msk [tilespmem:v10+s3+$0x0], $0xffff;
	(erf) = vrcp.f32 v3  }
0x2c5: {  	v6 =	vld [tilespmem:s22+$0x80]  }
0x2c6: {  	v5 =	vld.idx.msk [tilespmem:v14+s3+$0x0], $0xffff;
	[tilespmem:s13+$0x60] =	vst v11;
	v11 =	vpop (erf)  }
0x2c7: {  	v3 =	vld [tilespmem:s15+$0xFFFFFF00];
	v63 =	vpop (erf)  }
0x2c8: {  	v7 =	vld [tilespmem:s15+$0xFFFFFF80];
	v2 =	vmul.f32 v63, v2  }
0x2c9: {  	v4 =	vor.u32 $0x1, v4;
	v14 =	vld [tilespmem:s22+$0xFFFFFF80]  }
0x2ca: {  	v61 =	vld [tilespmem:s31+$0x70];
	v2 =	vadd.f32 v6, v2  }
0x2cb: {  	v6 =	vld [tilespmem:s22+$0x0]  }
0x2cc: {  	v57 =	vld [tilespmem:s0+$0x99F0];
	v3 =	vmul.f32 v11, v3;
	v15 =	vpop (erf);
	v2 =	vadd.f32 v2, v62  }
0x2cd: {  	v58 =	vld [tilespmem:s31+$0xFFFFFF70];
	v13 =	vpop (erf);
	v7 =	vmul.f32 v15, v7  }
0x2ce: {  	v4 =	vld.idx.msk [tilespmem:v4+s3+$0x0], $0xffff;
	v3 =	vadd.f32 v9, v3;
	v12 =	vmul.f32 v13, v12;
	[tilespmem:s15+$0x80] =	vst v2  }
0x2cf: {  	v2 =	vadd.f32 v14, v7;
	v7 =	vld [tilespmem:s22+$0x90]  }
0x2d0: {  	v56 =	vld [tilespmem:s0+$0x99F0];
	v3 =	vadd.f32 v62, v3;
	v6 =	vadd.f32 v6, v12  }
0x2d1: {  	v12 =	vld [tilespmem:s0+$0x9990];
	v2 =	vadd.f32 v2, v62  }
0x2d2: {  	v9 =	vld [tilespmem:s15+$0xFFFFFF90];
	[tilespmem:s15+$0xFFFFFF00] =	vst v3;
	v3 =	vadd.f32 v6, v62;
	v62 =	vmul.f32 v17, v63  }
0x2d3: {  	v6 =	vld [tilespmem:s15+$0x10];
	[tilespmem:s15+$0xFFFFFF80] =	vst v2  }
0x2d4: {  	v17 =	vld [tilespmem:s22+$0xFFFFFF10];
	[tilespmem:s15+$0x0] =	vst v3;
	v3 =	vadd.f32 v7, v62  }
0x2d5: {  	v2 =	vld [tilespmem:s22+$0xFFFFFF90]  }
0x2d6: {  	v7 =	vld [tilespmem:s22+$0x10];
	v3 =	vadd.f32 v12, v3  }
0x2d7: {  	v12 =	vld [tilespmem:s15+$0xA0]  }
0x2d8: {  	v14 =	vld [tilespmem:s0+$0x9990];
	[tilespmem:s15+$0x90] =	vst v3  }
0x2d9: {  	v9 =	vmul.f32 v9, v15;
	v3 =	vmul.f32 v6, v13;
	v6 =	vld [tilespmem:s22+$0xA0]  }
0x2da: {  	v19 =	vmul.f32 v19, v11;
	v62 =	vld [tilespmem:s0+$0x9990]  }
0x2db: {  	v2 =	vadd.f32 v2, v9;
	v3 =	vadd.f32 v7, v3;
	v7 =	vld [tilespmem:s0+$0x99A0]  }
0x2dc: {  	v17 =	vadd.f32 v17, v19;
	v19 =	vld [tilespmem:s15+$0xFFFFFFA0];
	v12 =	vmul.f32 v12, v63  }
0x2dd: {  	v9 =	vld [tilespmem:s0+$0x9990];
	v2 =	vadd.f32 v14, v2  }
0x2de: {  	v14 =	vld [tilespmem:s15+$0xFFFFFF20];
	v6 =	vadd.f32 v6, v12  }
0x2df: {  	v3 =	vadd.f32 v62, v3;
	[tilespmem:s15+$0xFFFFFF90] =	vst v2;
	v2 =	vld [tilespmem:s15+$0x20]  }
0x2e0: {  	v12 =	vld [tilespmem:s22+$0xFFFFFFA0];
	v6 =	vadd.f32 v7, v6  }
0x2e1: {  	[tilespmem:s15+$0x10] =	vst v3;
	v7 =	vld [tilespmem:s15+$0xB0]  }
0x2e2: {  	v8 =	vmax.f32 v8, $9.999999710e-10;
	v3 =	vld [tilespmem:s22+$0x20];
	[tilespmem:s15+$0xA0] =	vst v6  }
0x2e3: {  	(erf) = vrcp.f32 v8;
	v9 =	vadd.f32 v9, v17;
	v8 =	vld [tilespmem:s22+$0xB0]  }
0x2e4: {  	v62 =	vmax.f32 v10, $9.999999710e-10;
	v6 =	vld [tilespmem:s0+$0x99A0]  }
0x2e5: {  	v5 =	vmax.f32 v5, $9.999999710e-10;
	(erf) = vrcp.f32 v62;
	v62 =	vmul.f32 v19, v15;
	[tilespmem:s15+$0xFFFFFF10] =	vst v9;
	v10 =	vld [tilespmem:s0+$0x99B0]  }
0x2e6: {  	v4 =	vmax.f32 v4, $9.999999710e-10;
	(erf) = vrcp.f32 v5;
	v9 =	vld [tilespmem:s22+$0xFFFFFF20];
	v7 =	vmul.f32 v7, v63  }
0x2e7: {  	v17 =	vld [tilespmem:s0+$0x99A0];
	(erf) = vrcp.f32 v4;
	v2 =	vmul.f32 v2, v13  }
0x2e8: {  	v4 =	vld [tilespmem:s15+$0xFFFFFFB0];
	v63 =	vadd.f32 v12, v62;
	v7 =	vadd.f32 v8, v7  }
0x2e9: {  	v5 =	vld [tilespmem:s0+$0x99A0];
	v2 =	vadd.f32 v3, v2;
	v62 =	vmul.f32 v14, v11  }
0x2ea: {  	v12 =	vld [tilespmem:s15+$0xFFFFFF30];
	v3 =	vadd.f32 v6, v63;
	v7 =	vadd.f32 v10, v7  }
0x2eb: {  	v6 =	vld [tilespmem:s15+$0x30];
	v8 =	vadd.f32 v9, v62  }
0x2ec: {  	v2 =	vadd.f32 v17, v2;
	[tilespmem:s15+$0xFFFFFFA0] =	vst v3;
	v3 =	vld [tilespmem:s15+$0xC0]  }
0x2ed: {  	v62 =	vpop (erf);
	v9 =	vld [tilespmem:s22+$0xFFFFFFB0];
	[tilespmem:s15+$0xB0] =	vst v7  }
0x2ee: {  	[tilespmem:s15+$0x20] =	vst v2;
	v2 =	vld [tilespmem:s22+$0xC0];
	v7 =	vpop (erf)  }
0x2ef: {  	v5 =	vadd.f32 v5, v8;
	v10 =	vld [tilespmem:s22+$0x30];
	v8 =	vpop (erf)  }
0x2f0: {  	v63 =	vld [tilespmem:s0+$0x99C0];
	v14 =	vpop (erf)  }
0x2f1: {  	v19 =	vld [tilespmem:s0+$0x99B0];
	v3 =	vmul.f32 v3, v14  }
0x2f2: {  	[tilespmem:s15+$0xFFFFFF20] =	vst v5;
	v5 =	vld [tilespmem:s15+$0xFFFFFF40]  }
0x2f3: {  	v17 =	vld [tilespmem:s22+$0xFFFFFF30];
	v2 =	vadd.f32 v2, v3  }
0x2f4: {  	v4 =	vmul.f32 v4, v15;
	v3 =	vld [tilespmem:s0+$0x99B0]  }
0x2f5: {  	v6 =	vmul.f32 v6, v13;
	v15 =	vld [tilespmem:s0+$0x99B0];
	v2 =	vadd.f32 v63, v2  }
0x2f6: {  	v11 =	vmul.f32 v12, v11;
	v13 =	vld [tilespmem:s15+$0xD0];
	v4 =	vadd.f32 v9, v4  }
0x2f7: {  	v6 =	vadd.f32 v10, v6;
	v10 =	vld [tilespmem:s15+$0xFFFFFFC0];
	[tilespmem:s15+$0xC0] =	vst v2  }
0x2f8: {  	v4 =	vadd.f32 v19, v4;
	v2 =	vadd.f32 v17, v11;
	v11 =	vld [tilespmem:s22+$0xD0]  }
0x2f9: {  	v3 =	vadd.f32 v3, v6;
	v6 =	vld [tilespmem:s15+$0x40]  }
0x2fa: {  	[tilespmem:s15+$0xFFFFFFB0] =	vst v4;
	v63 =	vld [tilespmem:s0+$0x99D0];
	v2 =	vadd.f32 v15, v2  }
0x2fb: {  	[tilespmem:s15+$0x30] =	vst v3;
	v3 =	vld [tilespmem:s22+$0xFFFFFFC0]  }
0x2fc: {  	v9 =	vmul.f32 v13, v14;
	[tilespmem:s15+$0xFFFFFF30] =	vst v2;
	v2 =	vld [tilespmem:s22+$0x40]  }
0x2fd: {  	v13 =	vld [tilespmem:s0+$0x99C0]  }
0x2fe: {  	v12 =	vld [tilespmem:s22+$0xFFFFFF40];
	v9 =	vadd.f32 v11, v9  }
0x2ff: {  	v11 =	vld [tilespmem:s0+$0x99C0];
	v6 =	vmul.f32 v6, v8  }
0x300: {  	v59 =	vld [tilespmem:s0+$0x99F0];
	v4 =	vadd.f32 v63, v9;
	v63 =	vmul.f32 v10, v7  }
0x301: {  	v15 =	vld [tilespmem:s0+$0x99C0];
	v2 =	vadd.f32 v2, v6  }
0x302: {  	v5 =	vmul.f32 v5, v62;
	v17 =	vld [tilespmem:s15+$0xF0];
	v3 =	vadd.f32 v3, v63  }
0x303: {  	v10 =	vld [tilespmem:s15+$0xE0];
	v2 =	vadd.f32 v13, v2  }
0x304: {  	v6 =	vld [tilespmem:s15+$0xFFFFFF50];
	v5 =	vadd.f32 v12, v5;
	v3 =	vadd.f32 v11, v3  }
0x305: {  	v11 =	vld [tilespmem:s15+$0xFFFFFFD0];
	[tilespmem:s15+$0x40] =	vst v2  }
0x306: {  	v5 =	vadd.f32 v15, v5;
	[tilespmem:s15+$0xFFFFFFC0] =	vst v3;
	v3 =	vld [tilespmem:s15+$0x50]  }
0x307: {  	v12 =	vld [tilespmem:s22+$0x50]  }
0x308: {  	[tilespmem:s15+$0xFFFFFF40] =	vst v5;
	v2 =	vld [tilespmem:s22+$0xFFFFFFD0]  }
0x309: {  	v63 =	vld [tilespmem:s22+$0xFFFFFF50]  }
0x30a: {  	[tilespmem:s15+$0xD0] =	vst v4;
	v5 =	vld [tilespmem:s0+$0x99D0]  }
0x30b: {  	v4 =	vld [tilespmem:s22+$0xE0];
	v11 =	vmul.f32 v11, v7  }
0x30c: {  	v15 =	vld [tilespmem:s0+$0x99D0];
	v6 =	vmul.f32 v6, v62  }
0x30d: {  	v3 =	vmul.f32 v3, v8;
	v2 =	vadd.f32 v2, v11;
	v11 =	vld [tilespmem:s0+$0x99D0]  }
0x30e: {  	v9 =	vld [tilespmem:s0+$0x99E0];
	v6 =	vadd.f32 v63, v6  }
0x30f: {  	v63 =	vld [tilespmem:s15+$0xFFFFFFE0];
	v3 =	vadd.f32 v12, v3;
	v2 =	vadd.f32 v5, v2  }
0x310: {  	v5 =	vld [tilespmem:s15+$0xFFFFFF60]  }
0x311: {  	v3 =	vadd.f32 v15, v3;
	[tilespmem:s15+$0xFFFFFFD0] =	vst v2;
	v2 =	vmul.f32 v10, v14;
	v10 =	vld [tilespmem:s15+$0x60]  }
0x312: {  	v6 =	vadd.f32 v11, v6;
	v11 =	vld [tilespmem:s22+$0xFFFFFFE0]  }
0x313: {  	[tilespmem:s15+$0x50] =	vst v3;
	v2 =	vadd.f32 v4, v2;
	v4 =	vld [tilespmem:s0+$0x99E0]  }
0x314: {  	v3 =	vld [tilespmem:s22+$0x60];
	[tilespmem:s15+$0xFFFFFF50] =	vst v6  }
0x315: {  	v2 =	vadd.f32 v9, v2;
	v6 =	vld [tilespmem:s22+$0xFFFFFF60]  }
0x316: {  	v9 =	vmul.f32 v63, v7;
	v63 =	vld [tilespmem:s0+$0x99E0]  }
0x317: {  	v13 =	vld [tilespmem:s0+$0x99E0];
	[tilespmem:s15+$0xE0] =	vst v2;
	v2 =	vmul.f32 v10, v8  }
0x318: {  	v9 =	vadd.f32 v11, v9;
	v11 =	vld [tilespmem:s22+$0xF0]  }
0x319: {  	v5 =	vmul.f32 v5, v62;
	v2 =	vadd.f32 v3, v2;
	v3 =	vld [tilespmem:s0+$0x99F0]  }
0x31a: {  	v4 =	vadd.f32 v4, v9;
	v9 =	vld [tilespmem:s15+$0xFFFFFFF0]  }
0x31b: {  	v5 =	vadd.f32 v6, v5;
	v6 =	vld [tilespmem:s15+$0xFFFFFF70]  }
0x31c: {  	v2 =	vadd.f32 v63, v2;
	[tilespmem:s15+$0xFFFFFFE0] =	vst v4;
	v63 =	vld [tilespmem:s15+$0x70]  }
0x31d: {  	v52 =	vmul.f32 v54, v52;
	v14 =	vmul.f32 v17, v14;
	v4 =	vadd.f32 v13, v5;
	v17 =	vld [tilespmem:s0+$0x99F0]  }
0x31e: {  	v51 =	vmul.f32 v55, v51;
	[tilespmem:s15+$0x60] =	vst v2;
	v2 =	vld [tilespmem:s22+$0xFFFFFFF0]  }
0x31f: {  	v55 =	vmul.f32 v53, v50;
	v12 =	vadd.f32 v61, v52;
	[tilespmem:s15+$0xFFFFFF60] =	vst v4;
	v54 =	vld [tilespmem:s22+$0x70]  }
0x320: {  	v10 =	vadd.f32 v60, v51;
	v15 =	vld [tilespmem:s22+$0xFFFFFF70]  }
0x321: {  	v12 =	vadd.f32 v57, v12;
	v13 =	vadd.f32 v58, v55;
	v7 =	vmul.f32 v9, v7;
	v61 =	vld [tilespmem:s0+$0x99F0]  }
0x322: {  	v10 =	vadd.f32 v59, v10;
	v11 =	vadd.f32 v11, v14;
	v5 =	vmul.f32 v63, v8;
	v63 =	vld [tilespmem:s0+$0x99F0]  }
0x323: {  	[tilespmem:s11+$0x70] =	vst v12;
	v13 =	vadd.f32 v56, v13;
	v6 =	vmul.f32 v6, v62;
	v2 =	vadd.f32 v2, v7  }
0x324: {  	[tilespmem:s11+$0xFFFFFFF0] =	vst v10;
	v3 =	vadd.f32 v3, v11;
	v4 =	vadd.f32 v54, v5  }
0x325: {  	[tilespmem:s11+$0xFFFFFF70] =	vst v13;
	v12 =	vadd.f32 v15, v6;
	v2 =	vadd.f32 v17, v2  }
0x326: {  	[tilespmem:s15+$0xF0] =	vst v3;
	v3 =	vadd.f32 v61, v4  }
0x327: {  	v13 =	vadd.f32 v63, v12;
	[tilespmem:s15+$0xFFFFFFF0] =	vst v2  }
0x328: {  	[tilespmem:s15+$0x70] =	vst v3  }
0x329: {  	[tilespmem:s15+$0xFFFFFF70] =	vst v13  }
0x32a: {  	s23 =	simm.s32 $0x0;
	s12 =	rddreg [dreg:$0x6]  }
0x32b: {  	[hbm4b:s12+s23] =	stream.linear.scatter [tilespmem:s1], [sflag:$0x2], $0x4000, $0x38;
	[tilespmem:$0x1FA10] =	vst v63  }
0x32c: {  	_ =	swait.ge [sflag:s2], $0x4000  }
0x32d: {  	[sflag:s2] =	ssyncset.done $0x0  }
0x32e: {  	s24 =	rddreg [dreg:$0x14];
	[sflag:s2] =	ssyncadd.s32 $0xFFFFC000  }
0x32f: {  	[tilespmem:s1], [sflag:$0x2] =	stream.linear.gather [spmem:s24], $0x4000, $0x38;
	[tilespmem:$0x1FA10] =	vst v63  }
0x330: {  	_ =	swait.ge [sflag:s2], $0x4000  }
0x331: {  	[sflag:s2] =	ssyncset.done $0x0  }
0x332: {  	[sflag:s2] =	ssyncadd.s32 $0xFFFFC000  }
0x333: {  	[tilespmem:s3], [sflag:$0x2] =	stream.linear.gather [spmem:s25], $0x800, $0x38;
	[tilespmem:$0x1FA10] =	vst v63  }
0x334: {  	_ =	swait.ge [sflag:s2], $0x800  }
0x335: {  	s13 =	simm.s32 $0x0;
	[sflag:s2] =	ssyncset.done $0x0  }
0x336: {  	v2 =	vmov s13;
	s15 =	simm.s32 $0x30;
	s22 =	rddreg [dreg:$0x7];
	[sflag:s2] =	ssyncadd.s32 $0xFFFFF800  }
0x337: {  	v3 =	vmov s15;
	[tilespmem:s7], [sflag:$0x2] =	stream.linear.gather [hbm4b:s22+s23], $0x4000, $0x38;
	[tilespmem:$0x1FA10] =	vst v63  }
0x338: {  	_ =	swait.ge [sflag:s2], $0x4000  }
0x339: {  	[sflag:s2] =	ssyncset.done $0x0  }
0x33a: {  	s23 =	simm.s32 $0x10;
	[sflag:s2] =	ssyncadd.s32 $0xFFFFC000  }
0x33b: {  	s24 =	simm.s32 $0x20;
	v14 =	vmov s23;
	v50 =	vld.idx.msk [tilespmem:v2+s3+$0x0], $0xffff  }
0x33c: {  	v52 =	vmov s24;
	v51 =	vld.idx.msk [tilespmem:v3+s3+$0x0], $0xffff;
	_ =	sdelay $0x1  }
0x33d: {  	v54 =	vor.u32 $0x1, v52;
	_ =	sdelay $0x1  }
0x33e: {  	v4 =	vld.idx.msk [tilespmem:v14+s3+$0x0], $0xffff;
	v5 =	vmax.f32 v50, $9.999999710e-10  }
0x33f: {  	v55 =	vld.idx.msk [tilespmem:v52+s3+$0x0], $0xffff;
	v6 =	vmax.f32 v51, $9.999999710e-10;
	(erf) = vrcp.f32 v5  }
0x340: {  	(erf) = vrcp.f32 v6  }
0x341: {  	s13 =	simm.s32 $0x5A80;
	v7 =	vld.idx.msk [tilespmem:v54+s3+$0x0], $0xffff  }
0x342: {  	v56 =	vld [tilespmem:s13+$0x80]  }
0x343: {  	s31 =	simm.s32 $0x1A80;
	v57 =	vld [tilespmem:s13+$0xFFFFFF00];
	v4 =	vmax.f32 v4, $9.999999710e-10  }
0x344: {  	v58 =	vld [tilespmem:s31+$0x80];
	v5 =	vmax.f32 v55, $9.999999710e-10;
	(erf) = vrcp.f32 v4  }
0x345: {  	v59 =	vld [tilespmem:s13+$0xFFFFFF80];
	(erf) = vrcp.f32 v5  }
0x346: {  	v60 =	vld [tilespmem:s0+$0x9980]  }
0x347: {  	v61 =	vld [tilespmem:s13+$0x0]  }
0x348: {  	v2 =	vor.u32 $0x1, v2;
	v62 =	vld [tilespmem:s31+$0xFFFFFF80];
	v10 =	vpop (erf)  }
0x349: {  	v53 =	vor.u32 $0x1, v14;
	v15 =	vld [tilespmem:s31+$0xFFFFFF00];
	v12 =	vpop (erf)  }
0x34a: {  	v3 =	vor.u32 $0x1, v3;
	v17 =	vld [tilespmem:s31+$0x0];
	v4 =	vmul.f32 v12, v56  }
0x34b: {  	v19 =	vld [tilespmem:s13+$0x90]  }
0x34c: {  	v54 =	vld [tilespmem:s13+$0xFFFFFF90];
	v4 =	vadd.f32 v58, v4  }
0x34d: {  	v2 =	vld.idx.msk [tilespmem:v2+s3+$0x0], $0xffff;
	v8 =	vmul.f32 v10, v57;
	v5 =	vpop (erf)  }
0x34e: {  	v6 =	vld.idx.msk [tilespmem:v53+s3+$0x0], $0xffff;
	v9 =	vmul.f32 v5, v59;
	v53 =	vpop (erf);
	v4 =	vadd.f32 v4, v60  }
0x34f: {  	v3 =	vld.idx.msk [tilespmem:v3+s3+$0x0], $0xffff;
	v8 =	vadd.f32 v15, v8;
	v51 =	vmul.f32 v53, v61  }
0x350: {  	v50 =	vld [tilespmem:s13+$0xFFFFFF10];
	v63 =	vadd.f32 v62, v9;
	[tilespmem:s13+$0x80] =	vst v4  }
0x351: {  	v8 =	vadd.f32 v60, v8;
	v9 =	vadd.f32 v17, v51;
	v52 =	vld [tilespmem:s31+$0x90]  }
0x352: {  	v17 =	vld [tilespmem:s13+$0x10];
	v4 =	vadd.f32 v63, v60  }
0x353: {  	[tilespmem:s13+$0xFFFFFF00] =	vst v8;
	v55 =	vadd.f32 v9, v60;
	v15 =	vld [tilespmem:s0+$0x9990]  }
0x354: {  	v19 =	vmul.f32 v19, v12;
	v57 =	vld [tilespmem:s31+$0xFFFFFF10];
	[tilespmem:s13+$0xFFFFFF80] =	vst v4  }
0x355: {  	[tilespmem:s13+$0x0] =	vst v55;
	v55 =	vld [tilespmem:s13+$0xFFFFFF20]  }
0x356: {  	v56 =	vld [tilespmem:s31+$0xFFFFFF90];
	v58 =	vadd.f32 v52, v19  }
0x357: {  	v59 =	vld [tilespmem:s0+$0x9990]  }
0x358: {  	v61 =	vld [tilespmem:s31+$0x10];
	v11 =	vadd.f32 v15, v58  }
0x359: {  	v15 =	vld [tilespmem:s13+$0xA0]  }
0x35a: {  	v19 =	vld [tilespmem:s0+$0x9990];
	[tilespmem:s13+$0x90] =	vst v11  }
0x35b: {  	v60 =	vmul.f32 v54, v5;
	v63 =	vld [tilespmem:s31+$0xA0]  }
0x35c: {  	v62 =	vmul.f32 v17, v53;
	v17 =	vld [tilespmem:s0+$0x9990];
	v52 =	vmul.f32 v50, v10  }
0x35d: {  	v8 =	vadd.f32 v56, v60;
	v54 =	vld [tilespmem:s0+$0x99A0]  }
0x35e: {  	v56 =	vadd.f32 v57, v52;
	v57 =	vld [tilespmem:s13+$0xFFFFFFA0];
	v11 =	vadd.f32 v61, v62;
	v15 =	vmul.f32 v15, v12  }
0x35f: {  	v60 =	vld [tilespmem:s13+$0xB0];
	v4 =	vadd.f32 v59, v8  }
0x360: {  	v59 =	vld [tilespmem:s13+$0x20];
	v58 =	vadd.f32 v19, v11;
	v13 =	vadd.f32 v63, v15  }
0x361: {  	[tilespmem:s13+$0xFFFFFF90] =	vst v4;
	v4 =	vadd.f32 v17, v56;
	v56 =	vld [tilespmem:s13+$0xFFFFFFB0]  }
0x362: {  	v62 =	vld [tilespmem:s0+$0x99A0];
	[tilespmem:s13+$0x10] =	vst v58;
	v13 =	vadd.f32 v54, v13  }
0x363: {  	[tilespmem:s13+$0xFFFFFF10] =	vst v4;
	v9 =	vld [tilespmem:s31+$0x20]  }
0x364: {  	v2 =	vmax.f32 v2, $9.999999710e-10;
	v61 =	vld [tilespmem:s31+$0xFFFFFF20];
	[tilespmem:s13+$0xA0] =	vst v13  }
0x365: {  	v6 =	vmax.f32 v6, $9.999999710e-10;
	(erf) = vrcp.f32 v2;
	v2 =	vld [tilespmem:s31+$0xB0]  }
0x366: {  	v7 =	vmax.f32 v7, $9.999999710e-10;
	(erf) = vrcp.f32 v6;
	v15 =	vld [tilespmem:s31+$0xFFFFFFA0]  }
0x367: {  	v3 =	vmax.f32 v3, $9.999999710e-10;
	(erf) = vrcp.f32 v7;
	v51 =	vld [tilespmem:s0+$0x99B0]  }
0x368: {  	(erf) = vrcp.f32 v3;
	v4 =	vmul.f32 v60, v12;
	v52 =	vld [tilespmem:s0+$0x99A0]  }
0x369: {  	v12 =	vld [tilespmem:s13+$0xFFFFFF30];
	v3 =	vmul.f32 v59, v53  }
0x36a: {  	v63 =	vmul.f32 v57, v5;
	v54 =	vld [tilespmem:s0+$0x99A0];
	v2 =	vadd.f32 v2, v4  }
0x36b: {  	v55 =	vmul.f32 v55, v10;
	v58 =	vld [tilespmem:s13+$0xC0];
	v3 =	vadd.f32 v9, v3  }
0x36c: {  	v57 =	vld [tilespmem:s13+$0x30];
	v7 =	vadd.f32 v15, v63;
	v2 =	vadd.f32 v51, v2  }
0x36d: {  	v5 =	vmul.f32 v56, v5;
	v56 =	vld [tilespmem:s13+$0xFFFFFFC0];
	v3 =	vadd.f32 v52, v3;
	v4 =	vadd.f32 v61, v55  }
0x36e: {  	v50 =	vpop (erf);
	v9 =	vld [tilespmem:s13+$0xFFFFFF40];
	v6 =	vadd.f32 v62, v7;
	[tilespmem:s13+$0xB0] =	vst v2  }
0x36f: {  	[tilespmem:s13+$0x20] =	vst v3;
	v51 =	vpop (erf);
	v2 =	vadd.f32 v54, v4;
	v3 =	vld [tilespmem:s31+$0xC0]  }
0x370: {  	[tilespmem:s13+$0xFFFFFFA0] =	vst v6;
	v60 =	vld [tilespmem:s31+$0x30];
	v52 =	vpop (erf)  }
0x371: {  	v11 =	vpop (erf);
	[tilespmem:s13+$0xFFFFFF20] =	vst v2;
	v2 =	vld [tilespmem:s0+$0x99C0]  }
0x372: {  	v59 =	vld [tilespmem:s31+$0xFFFFFFB0];
	v6 =	vmul.f32 v58, v11  }
0x373: {  	v15 =	vld [tilespmem:s0+$0x99B0]  }
0x374: {  	v62 =	vld [tilespmem:s0+$0x99B0];
	v54 =	vmul.f32 v57, v53;
	v3 =	vadd.f32 v3, v6  }
0x375: {  	v55 =	vld [tilespmem:s13+$0xD0]  }
0x376: {  	v53 =	vld [tilespmem:s13+$0xE0];
	v4 =	vadd.f32 v60, v54;
	v2 =	vadd.f32 v2, v3  }
0x377: {  	v58 =	vld [tilespmem:s13+$0x40];
	v3 =	vadd.f32 v59, v5  }
0x378: {  	v61 =	vld [tilespmem:s31+$0xFFFFFF30];
	v4 =	vadd.f32 v15, v4;
	[tilespmem:s13+$0xC0] =	vst v2  }
0x379: {  	v3 =	vadd.f32 v62, v3;
	v57 =	vld [tilespmem:s31+$0xD0]  }
0x37a: {  	v63 =	vld [tilespmem:s0+$0x99B0];
	[tilespmem:s13+$0x30] =	vst v4  }
0x37b: {  	v2 =	vmul.f32 v12, v10;
	[tilespmem:s13+$0xFFFFFFB0] =	vst v3;
	v3 =	vld [tilespmem:s0+$0x99D0]  }
0x37c: {  	v60 =	vld [tilespmem:s31+$0x40];
	v5 =	vmul.f32 v55, v11  }
0x37d: {  	v62 =	vld [tilespmem:s0+$0x99C0];
	v2 =	vadd.f32 v61, v2  }
0x37e: {  	v59 =	vld [tilespmem:s31+$0xFFFFFFC0];
	v5 =	vadd.f32 v57, v5  }
0x37f: {  	v10 =	vmul.f32 v58, v52;
	v58 =	vld [tilespmem:s13+$0x50];
	v2 =	vadd.f32 v63, v2  }
0x380: {  	v61 =	vld [tilespmem:s0+$0x99C0];
	v3 =	vadd.f32 v3, v5  }
0x381: {  	[tilespmem:s13+$0xFFFFFF30] =	vst v2;
	v2 =	vmul.f32 v56, v51;
	v56 =	vld [tilespmem:s13+$0xFFFFFF50]  }
0x382: {  	v6 =	vadd.f32 v60, v10;
	v63 =	vld [tilespmem:s31+$0xFFFFFF40];
	[tilespmem:s13+$0xD0] =	vst v3  }
0x383: {  	v2 =	vadd.f32 v59, v2;
	v55 =	vld [tilespmem:s31+$0xE0]  }
0x384: {  	v6 =	vadd.f32 v62, v6;
	v54 =	vld [tilespmem:s0+$0x99C0]  }
0x385: {  	v3 =	vmul.f32 v9, v50;
	v2 =	vadd.f32 v61, v2;
	v57 =	vld [tilespmem:s0+$0x99E0]  }
0x386: {  	v4 =	vmul.f32 v53, v11;
	[tilespmem:s13+$0x40] =	vst v6;
	v61 =	vld [tilespmem:s13+$0xF0]  }
0x387: {  	v3 =	vadd.f32 v63, v3;
	[tilespmem:s13+$0xFFFFFFC0] =	vst v2;
	v2 =	vld [tilespmem:s13+$0xFFFFFFD0]  }
0x388: {  	v63 =	vld [tilespmem:s0+$0x99D0];
	v4 =	vadd.f32 v55, v4  }
0x389: {  	v59 =	vld [tilespmem:s31+$0xFFFFFFD0];
	v3 =	vadd.f32 v54, v3  }
0x38a: {  	v62 =	vld [tilespmem:s0+$0x99D0];
	v4 =	vadd.f32 v57, v4  }
0x38b: {  	[tilespmem:s13+$0xFFFFFF40] =	vst v3;
	v3 =	vld [tilespmem:s31+$0x50]  }
0x38c: {  	v60 =	vld [tilespmem:s31+$0xFFFFFF50];
	v2 =	vmul.f32 v2, v51;
	[tilespmem:s13+$0xE0] =	vst v4  }
0x38d: {  	v4 =	vld [tilespmem:s31+$0xF0]  }
0x38e: {  	v5 =	vmul.f32 v58, v52;
	v54 =	vld [tilespmem:s0+$0x99D0];
	v2 =	vadd.f32 v59, v2  }
0x38f: {  	v8 =	vmul.f32 v56, v50;
	v6 =	vld [tilespmem:s0+$0x99F0]  }
0x390: {  	v14 =	vld [tilespmem:s13+$0xFFFFFF60];
	v7 =	vmul.f32 v61, v11;
	v3 =	vadd.f32 v3, v5;
	v2 =	vadd.f32 v62, v2  }
0x391: {  	v53 =	vld [tilespmem:s13+$0xFFFFFFE0];
	v55 =	vadd.f32 v60, v8  }
0x392: {  	v61 =	vld [tilespmem:s13+$0x60];
	[tilespmem:s13+$0xFFFFFFD0] =	vst v2;
	v2 =	vadd.f32 v63, v3;
	v4 =	vadd.f32 v4, v7  }
0x393: {  	v58 =	vld [tilespmem:s31+$0xFFFFFFE0];
	v63 =	vadd.f32 v54, v55  }
0x394: {  	v56 =	vld [tilespmem:s0+$0x99E0];
	[tilespmem:s13+$0x50] =	vst v2;
	v3 =	vadd.f32 v6, v4  }
0x395: {  	s11 =	simm.s32 $0x5A80;
	v59 =	vld [tilespmem:s31+$0x60];
	[tilespmem:s13+$0xFFFFFF50] =	vst v63  }
0x396: {  	s15 =	simm.s32 $0x40;
	s12 =	simm.s32 $0x8;
	s24 =	simm.s32 $0x0;
	v57 =	vmul.f32 v14, v50;
	v62 =	vmul.f32 v53, v51;
	v60 =	vld [tilespmem:s0+$0x99E0];
	[tilespmem:s13+$0xF0] =	vst v3  }
.LBB2_10:
0x397: {  	p4 =	slt.u32 s12, $0x7C;
	v2 =	vmov s15;
	s22 =	sadd.s32 $0x10, s15;
	s23 =	sadd.s32 $0x30, s15;
	v3 =	vld [tilespmem:s31+$0xFFFFFF60];
	v4 =	vmul.f32 v61, v52  }
0x398: {  	s15 =	sadd.s32 $0x20, s15;
	v5 =	vor.u32 $0x1, v2;
	v6 =	vmov s22;
	v7 =	vmov s23;
	v8 =	vld [tilespmem:s0+$0x99E0]  }
0x399: {  	v10 =	vmov s15;
	v12 =	vadd.f32 v58, v62;
	v9 =	vor.u32 $0x1, v6;
	v11 =	vld [tilespmem:s13+$0xFFFFFF70]  }
0x39a: {  	v13 =	vor.u32 $0x1, v10;
	v14 =	vld [tilespmem:s13+$0xFFFFFFF0];
	v4 =	vadd.f32 v59, v4  }
0x39b: {  	v12 =	vadd.f32 v56, v12;
	v15 =	vld [tilespmem:s13+$0x70]  }
0x39c: {  	v2 =	vld.idx.msk [tilespmem:v2+s3+$0x0], $0xffff;
	v3 =	vadd.f32 v3, v57;
	v4 =	vadd.f32 v60, v4  }
0x39d: {  	v17 =	vld.idx.msk [tilespmem:v7+s3+$0x0], $0xffff;
	[tilespmem:s13+$0xFFFFFFE0] =	vst v12  }
0x39e: {  	v6 =	vld.idx.msk [tilespmem:v6+s3+$0x0], $0xffff;
	v3 =	vadd.f32 v8, v3;
	v8 =	vmul.f32 v11, v50;
	[tilespmem:s13+$0x60] =	vst v4  }
0x39f: {  	v4 =	vld.idx.msk [tilespmem:v10+s3+$0x0], $0xffff;
	v10 =	vmul.f32 v14, v51  }
0x3a0: {  	v5 =	vld.idx.msk [tilespmem:v5+s3+$0x0], $0xffff;
	[tilespmem:s13+$0xFFFFFF60] =	vst v3;
	v3 =	vmul.f32 v15, v52  }
0x3a1: {  	v9 =	vld.idx.msk [tilespmem:v9+s3+$0x0], $0xffff  }
0x3a2: {  	v2 =	vmax.f32 v2, $9.999999710e-10;
	v11 =	vld.idx.msk [tilespmem:v13+s3+$0x0], $0xffff  }
0x3a3: {  	v12 =	vmax.f32 v17, $9.999999710e-10;
	(erf) = vrcp.f32 v2;
	v2 =	vld [tilespmem:s31+$0xFFFFFFF0]  }
0x3a4: {  	v6 =	vmax.f32 v6, $9.999999710e-10;
	(erf) = vrcp.f32 v12;
	v12 =	vld [tilespmem:s31+$0x70]  }
0x3a5: {  	v4 =	vmax.f32 v4, $9.999999710e-10;
	(erf) = vrcp.f32 v6;
	v6 =	vld [tilespmem:s31+$0xFFFFFF70]  }
0x3a6: {  	v5 =	vmax.f32 v5, $9.999999710e-10;
	(erf) = vrcp.f32 v4;
	v4 =	vld [tilespmem:s0+$0x99F0]  }
0x3a7: {  	v9 =	vmax.f32 v9, $9.999999710e-10;
	(erf) = vrcp.f32 v5;
	v5 =	vld [tilespmem:s0+$0x99F0]  }
0x3a8: {  	s13 =	sadd.s32 $0x200, s13;
	v11 =	vmax.f32 v11, $9.999999710e-10;
	(erf) = vrcp.f32 v9;
	v9 =	vld [tilespmem:s0+$0x99F0];
	v2 =	vadd.f32 v2, v10  }
0x3a9: {  	v10 =	vld [tilespmem:s13+$0x80];
	(erf) = vrcp.f32 v11;
	v3 =	vadd.f32 v12, v3  }
0x3aa: {  	s31 =	sadd.s32 $0x200, s31;
	v11 =	vld [tilespmem:s13+$0xFFFFFF00];
	v6 =	vadd.f32 v6, v8  }
0x3ab: {  	v8 =	vld [tilespmem:s31+$0x80];
	v2 =	vadd.f32 v4, v2  }
0x3ac: {  	v4 =	vld [tilespmem:s13+$0xFFFFFF80];
	v53 =	vpop (erf);
	v3 =	vadd.f32 v5, v3  }
0x3ad: {  	v5 =	vld [tilespmem:s0+$0x9980];
	v12 =	vpop (erf);
	v6 =	vadd.f32 v9, v6;
	[tilespmem:s11+$0xFFFFFFF0] =	vst v2  }
0x3ae: {  	v2 =	vld [tilespmem:s13+$0x0];
	v9 =	vmul.f32 v12, v10;
	v54 =	vpop (erf);
	[tilespmem:s11+$0x70] =	vst v3  }
0x3af: {  	v7 =	vor.u32 $0x1, v7;
	v3 =	vmul.f32 v53, v11;
	v10 =	vld [tilespmem:s31+$0xFFFFFF00];
	v55 =	vpop (erf);
	[tilespmem:s11+$0xFFFFFF70] =	vst v6;
	s11 =	smov.u32 s13  }
0x3b0: {  	v6 =	vld [tilespmem:s31+$0xFFFFFF80];
	v8 =	vadd.f32 v8, v9;
	v50 =	vpop (erf)  }
0x3b1: {  	v4 =	vmul.f32 v54, v4;
	v9 =	vld [tilespmem:s31+$0x0];
	v51 =	vpop (erf)  }
0x3b2: {  	v11 =	vld [tilespmem:s13+$0xFFFFFF10];
	v8 =	vadd.f32 v8, v5;
	v52 =	vpop (erf)  }
0x3b3: {  	v2 =	vmul.f32 v55, v2;
	v13 =	vld [tilespmem:s13+$0x90]  }
0x3b4: {  	v3 =	vadd.f32 v10, v3;
	v7 =	vld.idx.msk [tilespmem:v7+s3+$0x0], $0xffff;
	[tilespmem:s13+$0x80] =	vst v8  }
0x3b5: {  	v4 =	vadd.f32 v6, v4;
	v6 =	vld [tilespmem:s31+$0x90]  }
0x3b6: {  	v3 =	vadd.f32 v5, v3;
	v8 =	vld [tilespmem:s13+$0xFFFFFF90];
	v2 =	vadd.f32 v9, v2  }
0x3b7: {  	v9 =	vmul.f32 v11, v53;
	v4 =	vadd.f32 v4, v5;
	v10 =	vld [tilespmem:s0+$0x9990]  }
0x3b8: {  	[tilespmem:s13+$0xFFFFFF00] =	vst v3;
	v2 =	vadd.f32 v2, v5;
	v3 =	vld [tilespmem:s13+$0x10];
	v5 =	vmul.f32 v13, v12  }
0x3b9: {  	v11 =	vld [tilespmem:s31+$0xFFFFFF10];
	[tilespmem:s13+$0xFFFFFF80] =	vst v4  }
0x3ba: {  	v4 =	vld [tilespmem:s31+$0xFFFFFF90];
	[tilespmem:s13+$0x0] =	vst v2;
	v2 =	vadd.f32 v6, v5  }
0x3bb: {  	v5 =	vmul.f32 v8, v54;
	v6 =	vld [tilespmem:s31+$0x10]  }
0x3bc: {  	v8 =	vld [tilespmem:s0+$0x9990];
	v2 =	vadd.f32 v10, v2  }
0x3bd: {  	v3 =	vmul.f32 v3, v55;
	v10 =	vld [tilespmem:s13+$0xA0]  }
0x3be: {  	v9 =	vadd.f32 v11, v9;
	v11 =	vld [tilespmem:s0+$0x9990];
	[tilespmem:s13+$0x90] =	vst v2  }
0x3bf: {  	v2 =	vadd.f32 v4, v5;
	v4 =	vld [tilespmem:s31+$0xA0]  }
0x3c0: {  	v5 =	vld [tilespmem:s0+$0x9990];
	v3 =	vadd.f32 v6, v3  }
0x3c1: {  	v2 =	vadd.f32 v8, v2;
	v6 =	vld [tilespmem:s0+$0x99A0]  }
0x3c2: {  	v8 =	vld [tilespmem:s13+$0xFFFFFF20];
	v10 =	vmul.f32 v10, v12  }
0x3c3: {  	[tilespmem:s13+$0xFFFFFF90] =	vst v2;
	v2 =	vld [tilespmem:s13+$0xFFFFFFA0];
	v3 =	vadd.f32 v11, v3  }
0x3c4: {  	v11 =	vld [tilespmem:s13+$0x20];
	v4 =	vadd.f32 v4, v10  }
0x3c5: {  	v5 =	vadd.f32 v5, v9;
	v9 =	vld [tilespmem:s31+$0xFFFFFFA0];
	[tilespmem:s13+$0x10] =	vst v3  }
0x3c6: {  	v3 =	vld [tilespmem:s31+$0x20];
	v4 =	vadd.f32 v6, v4  }
0x3c7: {  	[tilespmem:s13+$0xFFFFFF10] =	vst v5;
	v5 =	vmul.f32 v8, v53;
	v6 =	vld [tilespmem:s13+$0xB0]  }
0x3c8: {  	v8 =	vld [tilespmem:s31+$0xFFFFFF20];
	v2 =	vmul.f32 v2, v54;
	[tilespmem:s13+$0xA0] =	vst v4  }
0x3c9: {  	v4 =	vmul.f32 v11, v55;
	v10 =	vld [tilespmem:s31+$0xB0]  }
0x3ca: {  	v2 =	vadd.f32 v9, v2;
	v9 =	vld [tilespmem:s0+$0x99A0]  }
0x3cb: {  	v3 =	vadd.f32 v3, v4;
	v4 =	vmax.f32 v7, $9.999999710e-10;
	v7 =	vld [tilespmem:s0+$0x99B0]  }
0x3cc: {  	v11 =	vld [tilespmem:s0+$0x99A0];
	v6 =	vmul.f32 v6, v12;
	(erf) = vrcp.f32 v4  }
0x3cd: {  	v4 =	vadd.f32 v8, v5;
	v5 =	vld [tilespmem:s0+$0x99A0]  }
0x3ce: {  	v8 =	vld [tilespmem:s13+$0xFFFFFF30];
	v6 =	vadd.f32 v10, v6  }
0x3cf: {  	v2 =	vadd.f32 v9, v2;
	v9 =	vld [tilespmem:s13+$0xFFFFFFB0]  }
0x3d0: {  	v10 =	vld [tilespmem:s13+$0x30];
	v6 =	vadd.f32 v7, v6  }
0x3d1: {  	[tilespmem:s13+$0xFFFFFFA0] =	vst v2;
	v2 =	vadd.f32 v11, v3;
	v3 =	vld [tilespmem:s13+$0xC0]  }
0x3d2: {  	v4 =	vadd.f32 v5, v4;
	v5 =	vld [tilespmem:s31+$0xFFFFFFB0];
	[tilespmem:s13+$0xB0] =	vst v6  }
0x3d3: {  	v6 =	vmul.f32 v8, v53;
	[tilespmem:s13+$0x20] =	vst v2;
	v2 =	vld [tilespmem:s31+$0xC0]  }
0x3d4: {  	[tilespmem:s13+$0xFFFFFF20] =	vst v4;
	v4 =	vmul.f32 v9, v54;
	v7 =	vld [tilespmem:s31+$0x30]  }
0x3d5: {  	v8 =	vmul.f32 v10, v55;
	v9 =	vld [tilespmem:s0+$0x99C0];
	v10 =	vpop (erf)  }
0x3d6: {  	v11 =	vld [tilespmem:s31+$0xFFFFFF30];
	v3 =	vmul.f32 v3, v10  }
0x3d7: {  	v4 =	vadd.f32 v5, v4;
	v5 =	vld [tilespmem:s0+$0x99B0]  }
0x3d8: {  	v12 =	vld [tilespmem:s0+$0x99B0];
	v2 =	vadd.f32 v2, v3  }
0x3d9: {  	v3 =	vld [tilespmem:s0+$0x99B0];
	v7 =	vadd.f32 v7, v8  }
0x3da: {  	v8 =	vld [tilespmem:s13+$0xFFFFFF40];
	v2 =	vadd.f32 v9, v2  }
0x3db: {  	v6 =	vadd.f32 v11, v6;
	v9 =	vld [tilespmem:s13+$0xD0]  }
0x3dc: {  	v4 =	vadd.f32 v5, v4;
	v5 =	vld [tilespmem:s13+$0xFFFFFFC0];
	[tilespmem:s13+$0xC0] =	vst v2  }
0x3dd: {  	v2 =	vadd.f32 v12, v7;
	v7 =	vld [tilespmem:s31+$0xD0]  }
0x3de: {  	v3 =	vadd.f32 v3, v6;
	[tilespmem:s13+$0xFFFFFFB0] =	vst v4;
	v4 =	vld [tilespmem:s13+$0x40]  }
0x3df: {  	v6 =	vmul.f32 v8, v50;
	[tilespmem:s13+$0x30] =	vst v2;
	v2 =	vld [tilespmem:s0+$0x99D0]  }
0x3e0: {  	[tilespmem:s13+$0xFFFFFF30] =	vst v3;
	v3 =	vld [tilespmem:s31+$0xFFFFFFC0];
	v8 =	vmul.f32 v9, v10  }
0x3e1: {  	v5 =	vmul.f32 v5, v51;
	v9 =	vld [tilespmem:s31+$0x40]  }
0x3e2: {  	v11 =	vld [tilespmem:s31+$0xFFFFFF40];
	v7 =	vadd.f32 v7, v8  }
0x3e3: {  	v8 =	vld [tilespmem:s0+$0x99C0];
	v4 =	vmul.f32 v4, v52  }
0x3e4: {  	v12 =	vld [tilespmem:s0+$0x99C0];
	v2 =	vadd.f32 v2, v7  }
0x3e5: {  	v3 =	vadd.f32 v3, v5;
	v5 =	vld [tilespmem:s13+$0xE0]  }
0x3e6: {  	v7 =	vld [tilespmem:s0+$0x99C0];
	v4 =	vadd.f32 v9, v4;
	[tilespmem:s13+$0xD0] =	vst v2  }
0x3e7: {  	v2 =	vadd.f32 v11, v6;
	v6 =	vld [tilespmem:s31+$0xE0]  }
0x3e8: {  	v9 =	vld [tilespmem:s13+$0xFFFFFF50];
	v3 =	vadd.f32 v8, v3  }
0x3e9: {  	v4 =	vadd.f32 v12, v4;
	v8 =	vld [tilespmem:s0+$0x99E0]  }
0x3ea: {  	[tilespmem:s13+$0xFFFFFFC0] =	vst v3;
	v3 =	vld [tilespmem:s13+$0xFFFFFFD0];
	v5 =	vmul.f32 v5, v10  }
0x3eb: {  	v2 =	vadd.f32 v7, v2;
	[tilespmem:s13+$0x40] =	vst v4;
	v4 =	vld [tilespmem:s13+$0x50]  }
0x3ec: {  	v7 =	vld [tilespmem:s31+$0xFFFFFFD0];
	v5 =	vadd.f32 v6, v5  }
0x3ed: {  	[tilespmem:s13+$0xFFFFFF40] =	vst v2;
	v2 =	vmul.f32 v9, v50;
	v6 =	vld [tilespmem:s31+$0x50]  }
0x3ee: {  	v9 =	vld [tilespmem:s31+$0xFFFFFF50];
	v5 =	vadd.f32 v8, v5  }
0x3ef: {  	v3 =	vmul.f32 v3, v51;
	v8 =	vld [tilespmem:s13+$0xF0]  }
0x3f0: {  	v11 =	vld [tilespmem:s0+$0x99D0];
	v4 =	vmul.f32 v4, v52;
	[tilespmem:s13+$0xE0] =	vst v5  }
0x3f1: {  	v3 =	vadd.f32 v7, v3;
	v5 =	vld [tilespmem:s31+$0xF0]  }
0x3f2: {  	v4 =	vadd.f32 v6, v4;
	v6 =	vld [tilespmem:s0+$0x99D0]  }
0x3f3: {  	v2 =	vadd.f32 v9, v2;
	v7 =	vld [tilespmem:s0+$0x99F0]  }
0x3f4: {  	v9 =	vld [tilespmem:s0+$0x99D0];
	v8 =	vmul.f32 v8, v10  }
0x3f5: {  	v10 =	vld [tilespmem:s13+$0xFFFFFF60];
	v3 =	vadd.f32 v11, v3  }
0x3f6: {  	v11 =	vld [tilespmem:s13+$0xFFFFFFE0];
	v5 =	vadd.f32 v5, v8  }
.Ltmp6:
0x3f7: {  	[tilespmem:s13+$0xFFFFFFD0] =	vst v3;
	v3 =	vadd.f32 v6, v4;
	v61 =	vld [tilespmem:s13+$0x60];
	(pc) =	sbr.rel @p4 .LBB2_10-.Ltmp6, $4  }
0x3f8: {  	v58 =	vld [tilespmem:s31+$0xFFFFFFE0];
	v4 =	vadd.f32 v7, v5  }
0x3f9: {  	v2 =	vadd.f32 v9, v2;
	v56 =	vld [tilespmem:s0+$0x99E0];
	[tilespmem:s13+$0x50] =	vst v3  }
0x3fa: {  	v57 =	vmul.f32 v10, v50;
	v59 =	vld [tilespmem:s31+$0x60];
	[tilespmem:s13+$0xF0] =	vst v4  }
0x3fb: {  	s15 =	sshll.u32 s12, $0x4;
	s12 =	sadd.s32 $0x4, s12;
	[tilespmem:s13+$0xFFFFFF50] =	vst v2;
	v62 =	vmul.f32 v11, v51;
	v60 =	vld [tilespmem:s0+$0x99E0]  }
0x3fc: {  	v2 =	vmov s15;
	s12 =	sadd.s32 $0x30, s15  }
0x3fd: {  	v3 =	vld [tilespmem:s31+$0xFFFFFF60];
	v4 =	vmov s12  }
0x3fe: {  	v5 =	vld [tilespmem:s0+$0x99E0]  }
0x3ff: {  	v53 =	vld [tilespmem:s13+$0xFFFFFF70]  }
0x400: {  	v55 =	vld [tilespmem:s13+$0xFFFFFFF0]  }
0x401: {  	s22 =	sadd.s32 $0x10, s15;
	v8 =	vor.u32 $0x1, v2;
	v2 =	vld.idx.msk [tilespmem:v2+s3+$0x0], $0xffff  }
0x402: {  	s15 =	sadd.s32 $0x20, s15;
	v6 =	vmov s22;
	v12 =	vld.idx.msk [tilespmem:v4+s3+$0x0], $0xffff  }
0x403: {  	v54 =	vld [tilespmem:s13+$0x70];
	s23 =	sadd.s32 $0x200, s31;
	v7 =	vmov s15  }
0x404: {  	v63 =	vld [tilespmem:s23+$0x80]  }
0x405: {  	v10 =	vmul.f32 v61, v52;
	v14 =	vld [tilespmem:s23+$0xFFFFFF00]  }
0x406: {  	v13 =	vadd.f32 v58, v62;
	v15 =	vld [tilespmem:s23+$0xFFFFFF80];
	v9 =	vor.u32 $0x1, v6;
	v2 =	vmax.f32 v2, $9.999999710e-10  }
0x407: {  	v10 =	vadd.f32 v59, v10;
	v6 =	vld.idx.msk [tilespmem:v6+s3+$0x0], $0xffff;
	v59 =	vmax.f32 v12, $9.999999710e-10;
	(erf) = vrcp.f32 v2  }
0x408: {  	s22 =	sadd.s32 $0x200, s13;
	v11 =	vor.u32 $0x1, v7;
	v7 =	vld.idx.msk [tilespmem:v7+s3+$0x0], $0xffff;
	(erf) = vrcp.f32 v59  }
0x409: {  	v19 =	vld [tilespmem:s22+$0x90];
	v13 =	vadd.f32 v56, v13;
	v3 =	vadd.f32 v3, v57  }
0x40a: {  	v62 =	vld [tilespmem:s22+$0xFFFFFF10]  }
0x40b: {  	[tilespmem:s13+$0xFFFFFFE0] =	vst v13;
	v13 =	vld [tilespmem:s22+$0x0];
	v3 =	vadd.f32 v5, v3  }
0x40c: {  	v10 =	vadd.f32 v60, v10;
	v8 =	vld.idx.msk [tilespmem:v8+s3+$0x0], $0xffff;
	v2 =	vmax.f32 v6, $9.999999710e-10  }
0x40d: {  	[tilespmem:s13+$0xFFFFFF60] =	vst v3;
	v3 =	vmax.f32 v7, $9.999999710e-10;
	(erf) = vrcp.f32 v2;
	v2 =	vld [tilespmem:s22+$0x80]  }
0x40e: {  	v60 =	vld [tilespmem:s31+$0xFFFFFFF0];
	(erf) = vrcp.f32 v3  }
0x40f: {  	v5 =	vld.idx.msk [tilespmem:v11+s3+$0x0], $0xffff  }
0x410: {  	[tilespmem:s13+$0x60] =	vst v10;
	v3 =	vld [tilespmem:s22+$0xFFFFFF00];
	v10 =	vpop (erf)  }
0x411: {  	v11 =	vld [tilespmem:s0+$0x9980];
	v12 =	vpop (erf)  }
0x412: {  	v7 =	vld [tilespmem:s22+$0xFFFFFF80];
	v2 =	vmul.f32 v12, v2  }
0x413: {  	v4 =	vor.u32 $0x1, v4;
	v9 =	vld.idx.msk [tilespmem:v9+s3+$0x0], $0xffff  }
0x414: {  	v61 =	vld [tilespmem:s31+$0x70];
	v2 =	vadd.f32 v63, v2  }
0x415: {  	v6 =	vld [tilespmem:s23+$0x0];
	v3 =	vmul.f32 v10, v3  }
0x416: {  	v57 =	vld [tilespmem:s0+$0x99F0];
	v17 =	vpop (erf);
	v2 =	vadd.f32 v2, v11  }
0x417: {  	v58 =	vld [tilespmem:s31+$0xFFFFFF70];
	v7 =	vmul.f32 v17, v7;
	v3 =	vadd.f32 v14, v3;
	v63 =	vpop (erf)  }
0x418: {  	v4 =	vld.idx.msk [tilespmem:v4+s3+$0x0], $0xffff;
	v13 =	vmul.f32 v63, v13;
	[tilespmem:s22+$0x80] =	vst v2  }
0x419: {  	v3 =	vadd.f32 v11, v3;
	v2 =	vadd.f32 v15, v7;
	v7 =	vld [tilespmem:s23+$0x90]  }
0x41a: {  	v14 =	vld [tilespmem:s22+$0xFFFFFF90];
	v6 =	vadd.f32 v6, v13  }
0x41b: {  	[tilespmem:s22+$0xFFFFFF00] =	vst v3;
	v13 =	vld [tilespmem:s0+$0x9990];
	v2 =	vadd.f32 v2, v11  }
0x41c: {  	v15 =	vld [tilespmem:s23+$0xFFFFFF10];
	v3 =	vadd.f32 v6, v11;
	v11 =	vmul.f32 v19, v12  }
0x41d: {  	v6 =	vld [tilespmem:s22+$0x10];
	[tilespmem:s22+$0xFFFFFF80] =	vst v2  }
0x41e: {  	[tilespmem:s22+$0x0] =	vst v3;
	v2 =	vld [tilespmem:s23+$0xFFFFFF90];
	v3 =	vadd.f32 v7, v11  }
0x41f: {  	v7 =	vld [tilespmem:s23+$0x10]  }
0x420: {  	v11 =	vld [tilespmem:s0+$0x9990];
	v3 =	vadd.f32 v13, v3  }
0x421: {  	v13 =	vld [tilespmem:s22+$0xA0]  }
0x422: {  	v14 =	vmul.f32 v14, v17;
	v19 =	vld [tilespmem:s0+$0x9990];
	[tilespmem:s22+$0x90] =	vst v3  }
0x423: {  	v3 =	vmul.f32 v6, v63;
	v6 =	vld [tilespmem:s23+$0xA0]  }
0x424: {  	v2 =	vadd.f32 v2, v14;
	v14 =	vld [tilespmem:s0+$0x9990]  }
0x425: {  	v62 =	vmul.f32 v62, v10;
	v3 =	vadd.f32 v7, v3;
	v7 =	vld [tilespmem:s0+$0x99A0]  }
0x426: {  	v2 =	vadd.f32 v11, v2;
	v11 =	vld [tilespmem:s22+$0xFFFFFF20];
	v13 =	vmul.f32 v13, v12  }
0x427: {  	v15 =	vadd.f32 v15, v62;
	v3 =	vadd.f32 v19, v3;
	v19 =	vld [tilespmem:s22+$0xFFFFFFA0]  }
0x428: {  	[tilespmem:s22+$0xFFFFFF90] =	vst v2;
	v2 =	vld [tilespmem:s22+$0x20];
	v6 =	vadd.f32 v6, v13  }
0x429: {  	v62 =	vadd.f32 v14, v15;
	v14 =	vld [tilespmem:s23+$0xFFFFFFA0];
	[tilespmem:s22+$0x10] =	vst v3  }
0x42a: {  	v3 =	vld [tilespmem:s23+$0x20];
	v6 =	vadd.f32 v7, v6  }
0x42b: {  	v7 =	vld [tilespmem:s22+$0xB0]  }
0x42c: {  	v8 =	vmax.f32 v8, $9.999999710e-10;
	v15 =	vld [tilespmem:s0+$0x99A0];
	[tilespmem:s22+$0xA0] =	vst v6  }
0x42d: {  	(erf) = vrcp.f32 v8;
	[tilespmem:s22+$0xFFFFFF10] =	vst v62;
	v62 =	vmax.f32 v9, $9.999999710e-10;
	v8 =	vld [tilespmem:s23+$0xB0]  }
0x42e: {  	v5 =	vmax.f32 v5, $9.999999710e-10;
	(erf) = vrcp.f32 v62;
	v6 =	vld [tilespmem:s0+$0x99A0]  }
0x42f: {  	(erf) = vrcp.f32 v5;
	v2 =	vmul.f32 v2, v63;
	v9 =	vld [tilespmem:s0+$0x99B0]  }
0x430: {  	v4 =	vmax.f32 v4, $9.999999710e-10;
	v13 =	vld [tilespmem:s23+$0xFFFFFF20];
	v62 =	vmul.f32 v19, v17;
	v7 =	vmul.f32 v7, v12  }
0x431: {  	v56 =	vld [tilespmem:s0+$0x99F0];
	(erf) = vrcp.f32 v4;
	v2 =	vadd.f32 v3, v2  }
0x432: {  	v5 =	vld [tilespmem:s0+$0x99A0];
	v4 =	vadd.f32 v14, v62;
	v7 =	vadd.f32 v8, v7  }
0x433: {  	v62 =	vmul.f32 v11, v10;
	v12 =	vld [tilespmem:s22+$0xFFFFFF30];
	v2 =	vadd.f32 v15, v2  }
0x434: {  	v3 =	vadd.f32 v6, v4;
	v4 =	vld [tilespmem:s22+$0xFFFFFFB0];
	v7 =	vadd.f32 v9, v7  }
0x435: {  	v6 =	vld [tilespmem:s22+$0x30];
	v8 =	vadd.f32 v13, v62;
	[tilespmem:s22+$0x20] =	vst v2  }
0x436: {  	[tilespmem:s22+$0xFFFFFFA0] =	vst v3;
	v3 =	vld [tilespmem:s22+$0xC0]  }
0x437: {  	v62 =	vpop (erf);
	v11 =	vld [tilespmem:s23+$0x30];
	[tilespmem:s22+$0xB0] =	vst v7  }
0x438: {  	v5 =	vadd.f32 v5, v8;
	v2 =	vld [tilespmem:s23+$0xC0];
	v7 =	vpop (erf)  }
0x439: {  	v9 =	vld [tilespmem:s23+$0xFFFFFFB0];
	v8 =	vpop (erf)  }
0x43a: {  	[tilespmem:s22+$0xFFFFFF20] =	vst v5;
	v5 =	vld [tilespmem:s0+$0x99C0];
	v13 =	vpop (erf)  }
0x43b: {  	v15 =	vld [tilespmem:s0+$0x99B0];
	v3 =	vmul.f32 v3, v13  }
0x43c: {  	v10 =	vmul.f32 v12, v10;
	v12 =	vld [tilespmem:s22+$0xD0]  }
0x43d: {  	v14 =	vld [tilespmem:s23+$0xFFFFFF30];
	v2 =	vadd.f32 v2, v3  }
0x43e: {  	v4 =	vmul.f32 v4, v17;
	v6 =	vmul.f32 v6, v63;
	v3 =	vld [tilespmem:s0+$0x99B0]  }
0x43f: {  	v17 =	vld [tilespmem:s0+$0x99B0];
	v2 =	vadd.f32 v5, v2  }
0x440: {  	v6 =	vadd.f32 v11, v6;
	v11 =	vld [tilespmem:s22+$0xFFFFFFC0];
	v4 =	vadd.f32 v9, v4  }
0x441: {  	v5 =	vld [tilespmem:s22+$0xFFFFFF40];
	[tilespmem:s22+$0xC0] =	vst v2  }
0x442: {  	v4 =	vadd.f32 v15, v4;
	v2 =	vadd.f32 v14, v10;
	v10 =	vld [tilespmem:s23+$0xD0]  }
0x443: {  	v3 =	vadd.f32 v3, v6;
	v6 =	vld [tilespmem:s22+$0x40]  }
0x444: {  	[tilespmem:s22+$0xFFFFFFB0] =	vst v4;
	v63 =	vld [tilespmem:s0+$0x99D0];
	v2 =	vadd.f32 v17, v2  }
0x445: {  	[tilespmem:s22+$0x30] =	vst v3;
	v3 =	vld [tilespmem:s23+$0xFFFFFFC0]  }
0x446: {  	v9 =	vmul.f32 v12, v13;
	[tilespmem:s22+$0xFFFFFF30] =	vst v2;
	v2 =	vld [tilespmem:s23+$0x40]  }
0x447: {  	v14 =	vld [tilespmem:s0+$0x99C0]  }
0x448: {  	v12 =	vld [tilespmem:s23+$0xFFFFFF40];
	v9 =	vadd.f32 v10, v9  }
0x449: {  	v10 =	vld [tilespmem:s0+$0x99C0];
	v6 =	vmul.f32 v6, v8  }
0x44a: {  	v59 =	vld [tilespmem:s0+$0x99F0];
	v4 =	vadd.f32 v63, v9;
	v63 =	vmul.f32 v11, v7  }
0x44b: {  	v15 =	vld [tilespmem:s0+$0x99C0];
	v2 =	vadd.f32 v2, v6  }
0x44c: {  	v17 =	vld [tilespmem:s22+$0xF0];
	v5 =	vmul.f32 v5, v62;
	v3 =	vadd.f32 v3, v63  }
0x44d: {  	v11 =	vld [tilespmem:s22+$0xE0];
	v2 =	vadd.f32 v14, v2  }
0x44e: {  	v6 =	vld [tilespmem:s22+$0xFFFFFF50];
	v5 =	vadd.f32 v12, v5;
	v3 =	vadd.f32 v10, v3  }
0x44f: {  	v10 =	vld [tilespmem:s22+$0xFFFFFFD0];
	[tilespmem:s22+$0x40] =	vst v2  }
0x450: {  	v5 =	vadd.f32 v15, v5;
	[tilespmem:s22+$0xFFFFFFC0] =	vst v3;
	v3 =	vld [tilespmem:s22+$0x50]  }
0x451: {  	v12 =	vld [tilespmem:s23+$0x50]  }
0x452: {  	[tilespmem:s22+$0xFFFFFF40] =	vst v5;
	v2 =	vld [tilespmem:s23+$0xFFFFFFD0]  }
0x453: {  	v63 =	vld [tilespmem:s23+$0xFFFFFF50]  }
0x454: {  	[tilespmem:s22+$0xD0] =	vst v4;
	v5 =	vld [tilespmem:s0+$0x99D0]  }
0x455: {  	v4 =	vld [tilespmem:s23+$0xE0];
	v10 =	vmul.f32 v10, v7  }
0x456: {  	v15 =	vld [tilespmem:s0+$0x99D0];
	v6 =	vmul.f32 v6, v62  }
0x457: {  	v3 =	vmul.f32 v3, v8;
	v2 =	vadd.f32 v2, v10;
	v10 =	vld [tilespmem:s0+$0x99D0]  }
0x458: {  	v9 =	vld [tilespmem:s0+$0x99E0];
	v6 =	vadd.f32 v63, v6  }
0x459: {  	v63 =	vld [tilespmem:s22+$0xFFFFFFE0];
	v3 =	vadd.f32 v12, v3;
	v2 =	vadd.f32 v5, v2  }
0x45a: {  	v5 =	vld [tilespmem:s22+$0xFFFFFF60]  }
0x45b: {  	v3 =	vadd.f32 v15, v3;
	[tilespmem:s22+$0xFFFFFFD0] =	vst v2;
	v2 =	vmul.f32 v11, v13;
	v11 =	vld [tilespmem:s22+$0x60]  }
0x45c: {  	v6 =	vadd.f32 v10, v6;
	v10 =	vld [tilespmem:s23+$0xFFFFFFE0]  }
0x45d: {  	[tilespmem:s22+$0x50] =	vst v3;
	v2 =	vadd.f32 v4, v2;
	v4 =	vld [tilespmem:s0+$0x99E0]  }
0x45e: {  	v3 =	vld [tilespmem:s23+$0x60];
	[tilespmem:s22+$0xFFFFFF50] =	vst v6  }
0x45f: {  	v2 =	vadd.f32 v9, v2;
	v6 =	vld [tilespmem:s23+$0xFFFFFF60]  }
0x460: {  	v9 =	vmul.f32 v63, v7;
	v63 =	vld [tilespmem:s0+$0x99E0]  }
0x461: {  	v14 =	vld [tilespmem:s0+$0x99E0];
	[tilespmem:s22+$0xE0] =	vst v2;
	v2 =	vmul.f32 v11, v8  }
0x462: {  	v9 =	vadd.f32 v10, v9;
	v10 =	vld [tilespmem:s23+$0xF0]  }
0x463: {  	v5 =	vmul.f32 v5, v62;
	v2 =	vadd.f32 v3, v2;
	v3 =	vld [tilespmem:s0+$0x99F0]  }
0x464: {  	v4 =	vadd.f32 v4, v9;
	v9 =	vld [tilespmem:s22+$0xFFFFFFF0]  }
0x465: {  	v5 =	vadd.f32 v6, v5;
	v6 =	vld [tilespmem:s22+$0xFFFFFF70]  }
0x466: {  	v2 =	vadd.f32 v63, v2;
	[tilespmem:s22+$0xFFFFFFE0] =	vst v4;
	v63 =	vld [tilespmem:s22+$0x70]  }
0x467: {  	v52 =	vmul.f32 v54, v52;
	v13 =	vmul.f32 v17, v13;
	v4 =	vadd.f32 v14, v5;
	v17 =	vld [tilespmem:s0+$0x99F0]  }
0x468: {  	v51 =	vmul.f32 v55, v51;
	[tilespmem:s22+$0x60] =	vst v2;
	v2 =	vld [tilespmem:s23+$0xFFFFFFF0]  }
0x469: {  	v12 =	vadd.f32 v61, v52;
	[tilespmem:s22+$0xFFFFFF60] =	vst v4;
	v54 =	vld [tilespmem:s23+$0x70]  }
0x46a: {  	v55 =	vmul.f32 v53, v50;
	v11 =	vadd.f32 v60, v51;
	v15 =	vld [tilespmem:s23+$0xFFFFFF70]  }
0x46b: {  	v12 =	vadd.f32 v57, v12;
	v10 =	vadd.f32 v10, v13;
	v7 =	vmul.f32 v9, v7;
	v60 =	vld [tilespmem:s0+$0x99F0]  }
0x46c: {  	v11 =	vadd.f32 v59, v11;
	v14 =	vadd.f32 v58, v55;
	v61 =	vld [tilespmem:s0+$0x99F0];
	v5 =	vmul.f32 v63, v8  }
0x46d: {  	[tilespmem:s11+$0x70] =	vst v12;
	v6 =	vmul.f32 v6, v62;
	v3 =	vadd.f32 v3, v10;
	v2 =	vadd.f32 v2, v7  }
0x46e: {  	[tilespmem:s11+$0xFFFFFFF0] =	vst v11;
	v63 =	vadd.f32 v56, v14;
	v4 =	vadd.f32 v54, v5  }
0x46f: {  	[tilespmem:s22+$0xF0] =	vst v3;
	v12 =	vadd.f32 v15, v6;
	v2 =	vadd.f32 v17, v2  }
0x470: {  	[tilespmem:s11+$0xFFFFFF70] =	vst v63;
	v3 =	vadd.f32 v60, v4  }
0x471: {  	v13 =	vadd.f32 v61, v12;
	[tilespmem:s22+$0xFFFFFFF0] =	vst v2  }
0x472: {  	[tilespmem:s22+$0x70] =	vst v3  }
0x473: {  	[tilespmem:s22+$0xFFFFFF70] =	vst v13  }
0x474: {  	s13 =	simm.s32 $0x0;
	s12 =	rddreg [dreg:$0x8]  }
0x475: {  	[hbm4b:s12+s13] =	stream.linear.scatter [tilespmem:s1], [sflag:$0x2], $0x4000, $0x38;
	[tilespmem:$0x1FA10] =	vst v63  }
0x476: {  	_ =	swait.ge [sflag:s2], $0x4000  }
0x477: {  	[sflag:s2] =	ssyncset.done $0x0  }
0x478: {  	[sflag:s2] =	ssyncadd.s32 $0xFFFFC000  }
0x479: {  	[tilespmem:s1], [sflag:$0x2] =	stream.linear.gather [spmem:s26], $0x4000, $0x38;
	[tilespmem:$0x1FA10] =	vst v63  }
0x47a: {  	_ =	swait.ge [sflag:s2], $0x4000  }
0x47b: {  	[sflag:s2] =	ssyncset.done $0x0  }
0x47c: {  	[sflag:s2] =	ssyncadd.s32 $0xFFFFC000  }
0x47d: {  	[tilespmem:s3], [sflag:$0x2] =	stream.linear.gather [spmem:s28], $0x800, $0x38;
	[tilespmem:$0x1FA10] =	vst v63  }
0x47e: {  	_ =	swait.ge [sflag:s2], $0x800  }
0x47f: {  	s22 =	simm.s32 $0x0;
	[sflag:s2] =	ssyncset.done $0x0  }
0x480: {  	s23 =	simm.s32 $0x30;
	v2 =	vmov s22;
	s15 =	rddreg [dreg:$0x9];
	[sflag:s2] =	ssyncadd.s32 $0xFFFFF800  }
0x481: {  	v3 =	vmov s23;
	[tilespmem:s7], [sflag:$0x2] =	stream.linear.gather [hbm4b:s15+s13], $0x4000, $0x38;
	[tilespmem:$0x1FA10] =	vst v63  }
0x482: {  	_ =	swait.ge [sflag:s2], $0x4000  }
0x483: {  	[sflag:s2] =	ssyncset.done $0x0  }
0x484: {  	s22 =	simm.s32 $0x10;
	[sflag:s2] =	ssyncadd.s32 $0xFFFFC000  }
0x485: {  	s23 =	simm.s32 $0x20;
	v14 =	vmov s22;
	v50 =	vld.idx.msk [tilespmem:v2+s3+$0x0], $0xffff  }
0x486: {  	v52 =	vmov s23;
	v51 =	vld.idx.msk [tilespmem:v3+s3+$0x0], $0xffff;
	_ =	sdelay $0x1  }
0x487: {  	v54 =	vor.u32 $0x1, v52;
	_ =	sdelay $0x1  }
0x488: {  	v4 =	vld.idx.msk [tilespmem:v14+s3+$0x0], $0xffff;
	v5 =	vmax.f32 v50, $9.999999710e-10  }
0x489: {  	v55 =	vld.idx.msk [tilespmem:v52+s3+$0x0], $0xffff;
	v6 =	vmax.f32 v51, $9.999999710e-10;
	(erf) = vrcp.f32 v5  }
0x48a: {  	(erf) = vrcp.f32 v6  }
0x48b: {  	s13 =	simm.s32 $0x5A80;
	v7 =	vld.idx.msk [tilespmem:v54+s3+$0x0], $0xffff  }
0x48c: {  	v56 =	vld [tilespmem:s13+$0x80]  }
0x48d: {  	s31 =	simm.s32 $0x1A80;
	v57 =	vld [tilespmem:s13+$0xFFFFFF00];
	v4 =	vmax.f32 v4, $9.999999710e-10  }
0x48e: {  	v58 =	vld [tilespmem:s31+$0x80];
	v5 =	vmax.f32 v55, $9.999999710e-10;
	(erf) = vrcp.f32 v4  }
0x48f: {  	v59 =	vld [tilespmem:s13+$0xFFFFFF80];
	(erf) = vrcp.f32 v5  }
0x490: {  	v60 =	vld [tilespmem:s0+$0x9980]  }
0x491: {  	v61 =	vld [tilespmem:s13+$0x0]  }
0x492: {  	v2 =	vor.u32 $0x1, v2;
	v62 =	vld [tilespmem:s31+$0xFFFFFF80];
	v10 =	vpop (erf)  }
0x493: {  	v53 =	vor.u32 $0x1, v14;
	v15 =	vld [tilespmem:s31+$0xFFFFFF00];
	v12 =	vpop (erf)  }
0x494: {  	v3 =	vor.u32 $0x1, v3;
	v17 =	vld [tilespmem:s31+$0x0];
	v4 =	vmul.f32 v12, v56  }
0x495: {  	v19 =	vld [tilespmem:s13+$0x90]  }
0x496: {  	v54 =	vld [tilespmem:s13+$0xFFFFFF90];
	v4 =	vadd.f32 v58, v4  }
0x497: {  	v2 =	vld.idx.msk [tilespmem:v2+s3+$0x0], $0xffff;
	v8 =	vmul.f32 v10, v57;
	v5 =	vpop (erf)  }
0x498: {  	v6 =	vld.idx.msk [tilespmem:v53+s3+$0x0], $0xffff;
	v9 =	vmul.f32 v5, v59;
	v53 =	vpop (erf);
	v4 =	vadd.f32 v4, v60  }
0x499: {  	v3 =	vld.idx.msk [tilespmem:v3+s3+$0x0], $0xffff;
	v8 =	vadd.f32 v15, v8;
	v51 =	vmul.f32 v53, v61  }
0x49a: {  	v50 =	vld [tilespmem:s13+$0xFFFFFF10];
	v63 =	vadd.f32 v62, v9;
	[tilespmem:s13+$0x80] =	vst v4  }
0x49b: {  	v8 =	vadd.f32 v60, v8;
	v9 =	vadd.f32 v17, v51;
	v52 =	vld [tilespmem:s31+$0x90]  }
0x49c: {  	v17 =	vld [tilespmem:s13+$0x10];
	v4 =	vadd.f32 v63, v60  }
0x49d: {  	[tilespmem:s13+$0xFFFFFF00] =	vst v8;
	v55 =	vadd.f32 v9, v60;
	v15 =	vld [tilespmem:s0+$0x9990]  }
0x49e: {  	v19 =	vmul.f32 v19, v12;
	v57 =	vld [tilespmem:s31+$0xFFFFFF10];
	[tilespmem:s13+$0xFFFFFF80] =	vst v4  }
0x49f: {  	[tilespmem:s13+$0x0] =	vst v55;
	v55 =	vld [tilespmem:s13+$0xFFFFFF20]  }
0x4a0: {  	v56 =	vld [tilespmem:s31+$0xFFFFFF90];
	v58 =	vadd.f32 v52, v19  }
0x4a1: {  	v59 =	vld [tilespmem:s0+$0x9990]  }
0x4a2: {  	v61 =	vld [tilespmem:s31+$0x10];
	v11 =	vadd.f32 v15, v58  }
0x4a3: {  	v15 =	vld [tilespmem:s13+$0xA0]  }
0x4a4: {  	v19 =	vld [tilespmem:s0+$0x9990];
	[tilespmem:s13+$0x90] =	vst v11  }
0x4a5: {  	v60 =	vmul.f32 v54, v5;
	v63 =	vld [tilespmem:s31+$0xA0]  }
0x4a6: {  	v62 =	vmul.f32 v17, v53;
	v17 =	vld [tilespmem:s0+$0x9990];
	v52 =	vmul.f32 v50, v10  }
0x4a7: {  	v8 =	vadd.f32 v56, v60;
	v54 =	vld [tilespmem:s0+$0x99A0]  }
0x4a8: {  	v56 =	vadd.f32 v57, v52;
	v57 =	vld [tilespmem:s13+$0xFFFFFFA0];
	v11 =	vadd.f32 v61, v62;
	v15 =	vmul.f32 v15, v12  }
0x4a9: {  	v60 =	vld [tilespmem:s13+$0xB0];
	v4 =	vadd.f32 v59, v8  }
0x4aa: {  	v59 =	vld [tilespmem:s13+$0x20];
	v58 =	vadd.f32 v19, v11;
	v13 =	vadd.f32 v63, v15  }
0x4ab: {  	[tilespmem:s13+$0xFFFFFF90] =	vst v4;
	v4 =	vadd.f32 v17, v56;
	v56 =	vld [tilespmem:s13+$0xFFFFFFB0]  }
0x4ac: {  	v62 =	vld [tilespmem:s0+$0x99A0];
	[tilespmem:s13+$0x10] =	vst v58;
	v13 =	vadd.f32 v54, v13  }
0x4ad: {  	[tilespmem:s13+$0xFFFFFF10] =	vst v4;
	v9 =	vld [tilespmem:s31+$0x20]  }
0x4ae: {  	v2 =	vmax.f32 v2, $9.999999710e-10;
	v61 =	vld [tilespmem:s31+$0xFFFFFF20];
	[tilespmem:s13+$0xA0] =	vst v13  }
0x4af: {  	v6 =	vmax.f32 v6, $9.999999710e-10;
	(erf) = vrcp.f32 v2;
	v2 =	vld [tilespmem:s31+$0xB0]  }
0x4b0: {  	v7 =	vmax.f32 v7, $9.999999710e-10;
	(erf) = vrcp.f32 v6;
	v15 =	vld [tilespmem:s31+$0xFFFFFFA0]  }
0x4b1: {  	v3 =	vmax.f32 v3, $9.999999710e-10;
	(erf) = vrcp.f32 v7;
	v51 =	vld [tilespmem:s0+$0x99B0]  }
0x4b2: {  	(erf) = vrcp.f32 v3;
	v4 =	vmul.f32 v60, v12;
	v52 =	vld [tilespmem:s0+$0x99A0]  }
0x4b3: {  	v12 =	vld [tilespmem:s13+$0xFFFFFF30];
	v3 =	vmul.f32 v59, v53  }
0x4b4: {  	v63 =	vmul.f32 v57, v5;
	v54 =	vld [tilespmem:s0+$0x99A0];
	v2 =	vadd.f32 v2, v4  }
0x4b5: {  	v55 =	vmul.f32 v55, v10;
	v58 =	vld [tilespmem:s13+$0xC0];
	v3 =	vadd.f32 v9, v3  }
0x4b6: {  	v57 =	vld [tilespmem:s13+$0x30];
	v7 =	vadd.f32 v15, v63;
	v2 =	vadd.f32 v51, v2  }
0x4b7: {  	v5 =	vmul.f32 v56, v5;
	v56 =	vld [tilespmem:s13+$0xFFFFFFC0];
	v3 =	vadd.f32 v52, v3;
	v4 =	vadd.f32 v61, v55  }
0x4b8: {  	v50 =	vpop (erf);
	v9 =	vld [tilespmem:s13+$0xFFFFFF40];
	v6 =	vadd.f32 v62, v7;
	[tilespmem:s13+$0xB0] =	vst v2  }
0x4b9: {  	[tilespmem:s13+$0x20] =	vst v3;
	v51 =	vpop (erf);
	v2 =	vadd.f32 v54, v4;
	v3 =	vld [tilespmem:s31+$0xC0]  }
0x4ba: {  	[tilespmem:s13+$0xFFFFFFA0] =	vst v6;
	v60 =	vld [tilespmem:s31+$0x30];
	v52 =	vpop (erf)  }
0x4bb: {  	v11 =	vpop (erf);
	[tilespmem:s13+$0xFFFFFF20] =	vst v2;
	v2 =	vld [tilespmem:s0+$0x99C0]  }
0x4bc: {  	v59 =	vld [tilespmem:s31+$0xFFFFFFB0];
	v6 =	vmul.f32 v58, v11  }
0x4bd: {  	v15 =	vld [tilespmem:s0+$0x99B0]  }
0x4be: {  	v62 =	vld [tilespmem:s0+$0x99B0];
	v54 =	vmul.f32 v57, v53;
	v3 =	vadd.f32 v3, v6  }
0x4bf: {  	v55 =	vld [tilespmem:s13+$0xD0]  }
0x4c0: {  	v53 =	vld [tilespmem:s13+$0xE0];
	v4 =	vadd.f32 v60, v54;
	v2 =	vadd.f32 v2, v3  }
0x4c1: {  	v58 =	vld [tilespmem:s13+$0x40];
	v3 =	vadd.f32 v59, v5  }
0x4c2: {  	v61 =	vld [tilespmem:s31+$0xFFFFFF30];
	v4 =	vadd.f32 v15, v4;
	[tilespmem:s13+$0xC0] =	vst v2  }
0x4c3: {  	v3 =	vadd.f32 v62, v3;
	v57 =	vld [tilespmem:s31+$0xD0]  }
0x4c4: {  	v63 =	vld [tilespmem:s0+$0x99B0];
	[tilespmem:s13+$0x30] =	vst v4  }
0x4c5: {  	v2 =	vmul.f32 v12, v10;
	[tilespmem:s13+$0xFFFFFFB0] =	vst v3;
	v3 =	vld [tilespmem:s0+$0x99D0]  }
0x4c6: {  	v60 =	vld [tilespmem:s31+$0x40];
	v5 =	vmul.f32 v55, v11  }
0x4c7: {  	v62 =	vld [tilespmem:s0+$0x99C0];
	v2 =	vadd.f32 v61, v2  }
0x4c8: {  	v59 =	vld [tilespmem:s31+$0xFFFFFFC0];
	v5 =	vadd.f32 v57, v5  }
0x4c9: {  	v10 =	vmul.f32 v58, v52;
	v58 =	vld [tilespmem:s13+$0x50];
	v2 =	vadd.f32 v63, v2  }
0x4ca: {  	v61 =	vld [tilespmem:s0+$0x99C0];
	v3 =	vadd.f32 v3, v5  }
0x4cb: {  	[tilespmem:s13+$0xFFFFFF30] =	vst v2;
	v2 =	vmul.f32 v56, v51;
	v56 =	vld [tilespmem:s13+$0xFFFFFF50]  }
0x4cc: {  	v6 =	vadd.f32 v60, v10;
	v63 =	vld [tilespmem:s31+$0xFFFFFF40];
	[tilespmem:s13+$0xD0] =	vst v3  }
0x4cd: {  	v2 =	vadd.f32 v59, v2;
	v55 =	vld [tilespmem:s31+$0xE0]  }
0x4ce: {  	v6 =	vadd.f32 v62, v6;
	v54 =	vld [tilespmem:s0+$0x99C0]  }
0x4cf: {  	v3 =	vmul.f32 v9, v50;
	v2 =	vadd.f32 v61, v2;
	v57 =	vld [tilespmem:s0+$0x99E0]  }
0x4d0: {  	v4 =	vmul.f32 v53, v11;
	[tilespmem:s13+$0x40] =	vst v6;
	v61 =	vld [tilespmem:s13+$0xF0]  }
0x4d1: {  	v3 =	vadd.f32 v63, v3;
	[tilespmem:s13+$0xFFFFFFC0] =	vst v2;
	v2 =	vld [tilespmem:s13+$0xFFFFFFD0]  }
0x4d2: {  	v63 =	vld [tilespmem:s0+$0x99D0];
	v4 =	vadd.f32 v55, v4  }
0x4d3: {  	v59 =	vld [tilespmem:s31+$0xFFFFFFD0];
	v3 =	vadd.f32 v54, v3  }
0x4d4: {  	v62 =	vld [tilespmem:s0+$0x99D0];
	v4 =	vadd.f32 v57, v4  }
0x4d5: {  	[tilespmem:s13+$0xFFFFFF40] =	vst v3;
	v3 =	vld [tilespmem:s31+$0x50]  }
0x4d6: {  	v60 =	vld [tilespmem:s31+$0xFFFFFF50];
	v2 =	vmul.f32 v2, v51;
	[tilespmem:s13+$0xE0] =	vst v4  }
0x4d7: {  	v4 =	vld [tilespmem:s31+$0xF0]  }
0x4d8: {  	v5 =	vmul.f32 v58, v52;
	v54 =	vld [tilespmem:s0+$0x99D0];
	v2 =	vadd.f32 v59, v2  }
0x4d9: {  	v8 =	vmul.f32 v56, v50;
	v6 =	vld [tilespmem:s0+$0x99F0]  }
0x4da: {  	v14 =	vld [tilespmem:s13+$0xFFFFFF60];
	v7 =	vmul.f32 v61, v11;
	v3 =	vadd.f32 v3, v5;
	v2 =	vadd.f32 v62, v2  }
0x4db: {  	v53 =	vld [tilespmem:s13+$0xFFFFFFE0];
	v55 =	vadd.f32 v60, v8  }
0x4dc: {  	v61 =	vld [tilespmem:s13+$0x60];
	[tilespmem:s13+$0xFFFFFFD0] =	vst v2;
	v2 =	vadd.f32 v63, v3;
	v4 =	vadd.f32 v4, v7  }
0x4dd: {  	v58 =	vld [tilespmem:s31+$0xFFFFFFE0];
	v63 =	vadd.f32 v54, v55  }
0x4de: {  	v56 =	vld [tilespmem:s0+$0x99E0];
	[tilespmem:s13+$0x50] =	vst v2;
	v3 =	vadd.f32 v6, v4  }
0x4df: {  	v59 =	vld [tilespmem:s31+$0x60];
	[tilespmem:s13+$0xFFFFFF50] =	vst v63  }
0x4e0: {  	s11 =	simm.s32 $0x5A80;
	s12 =	simm.s32 $0x8;
	s15 =	simm.s32 $0x40;
	v57 =	vmul.f32 v14, v50;
	v62 =	vmul.f32 v53, v51;
	v60 =	vld [tilespmem:s0+$0x99E0];
	[tilespmem:s13+$0xF0] =	vst v3  }
.LBB2_12:
0x4e1: {  	p4 =	slt.u32 s12, $0x7C;
	v2 =	vmov s15;
	s22 =	sadd.s32 $0x10, s15;
	s23 =	sadd.s32 $0x30, s15;
	v3 =	vld [tilespmem:s31+$0xFFFFFF60];
	v4 =	vmul.f32 v61, v52  }
0x4e2: {  	s15 =	sadd.s32 $0x20, s15;
	v5 =	vor.u32 $0x1, v2;
	v6 =	vmov s22;
	v7 =	vmov s23;
	v8 =	vld [tilespmem:s0+$0x99E0]  }
0x4e3: {  	v10 =	vmov s15;
	v12 =	vadd.f32 v58, v62;
	v9 =	vor.u32 $0x1, v6;
	v11 =	vld [tilespmem:s13+$0xFFFFFF70]  }
0x4e4: {  	v13 =	vor.u32 $0x1, v10;
	v14 =	vld [tilespmem:s13+$0xFFFFFFF0];
	v4 =	vadd.f32 v59, v4  }
0x4e5: {  	v12 =	vadd.f32 v56, v12;
	v15 =	vld [tilespmem:s13+$0x70]  }
0x4e6: {  	v2 =	vld.idx.msk [tilespmem:v2+s3+$0x0], $0xffff;
	v3 =	vadd.f32 v3, v57;
	v4 =	vadd.f32 v60, v4  }
0x4e7: {  	v17 =	vld.idx.msk [tilespmem:v7+s3+$0x0], $0xffff;
	[tilespmem:s13+$0xFFFFFFE0] =	vst v12  }
0x4e8: {  	v6 =	vld.idx.msk [tilespmem:v6+s3+$0x0], $0xffff;
	v3 =	vadd.f32 v8, v3;
	v8 =	vmul.f32 v11, v50;
	[tilespmem:s13+$0x60] =	vst v4  }
0x4e9: {  	v4 =	vld.idx.msk [tilespmem:v10+s3+$0x0], $0xffff;
	v10 =	vmul.f32 v14, v51  }
0x4ea: {  	v5 =	vld.idx.msk [tilespmem:v5+s3+$0x0], $0xffff;
	[tilespmem:s13+$0xFFFFFF60] =	vst v3;
	v3 =	vmul.f32 v15, v52  }
0x4eb: {  	v9 =	vld.idx.msk [tilespmem:v9+s3+$0x0], $0xffff  }
0x4ec: {  	v2 =	vmax.f32 v2, $9.999999710e-10;
	v11 =	vld.idx.msk [tilespmem:v13+s3+$0x0], $0xffff  }
0x4ed: {  	v12 =	vmax.f32 v17, $9.999999710e-10;
	(erf) = vrcp.f32 v2;
	v2 =	vld [tilespmem:s31+$0xFFFFFFF0]  }
0x4ee: {  	v6 =	vmax.f32 v6, $9.999999710e-10;
	(erf) = vrcp.f32 v12;
	v12 =	vld [tilespmem:s31+$0x70]  }
0x4ef: {  	v4 =	vmax.f32 v4, $9.999999710e-10;
	(erf) = vrcp.f32 v6;
	v6 =	vld [tilespmem:s31+$0xFFFFFF70]  }
0x4f0: {  	v5 =	vmax.f32 v5, $9.999999710e-10;
	(erf) = vrcp.f32 v4;
	v4 =	vld [tilespmem:s0+$0x99F0]  }
0x4f1: {  	v9 =	vmax.f32 v9, $9.999999710e-10;
	(erf) = vrcp.f32 v5;
	v5 =	vld [tilespmem:s0+$0x99F0]  }
0x4f2: {  	s13 =	sadd.s32 $0x200, s13;
	v11 =	vmax.f32 v11, $9.999999710e-10;
	(erf) = vrcp.f32 v9;
	v9 =	vld [tilespmem:s0+$0x99F0];
	v2 =	vadd.f32 v2, v10  }
0x4f3: {  	v10 =	vld [tilespmem:s13+$0x80];
	(erf) = vrcp.f32 v11;
	v3 =	vadd.f32 v12, v3  }
0x4f4: {  	s31 =	sadd.s32 $0x200, s31;
	v11 =	vld [tilespmem:s13+$0xFFFFFF00];
	v6 =	vadd.f32 v6, v8  }
0x4f5: {  	v8 =	vld [tilespmem:s31+$0x80];
	v2 =	vadd.f32 v4, v2  }
0x4f6: {  	v4 =	vld [tilespmem:s13+$0xFFFFFF80];
	v53 =	vpop (erf);
	v3 =	vadd.f32 v5, v3  }
0x4f7: {  	v5 =	vld [tilespmem:s0+$0x9980];
	v12 =	vpop (erf);
	v6 =	vadd.f32 v9, v6;
	[tilespmem:s11+$0xFFFFFFF0] =	vst v2  }
0x4f8: {  	v2 =	vld [tilespmem:s13+$0x0];
	v9 =	vmul.f32 v12, v10;
	v54 =	vpop (erf);
	[tilespmem:s11+$0x70] =	vst v3  }
0x4f9: {  	v7 =	vor.u32 $0x1, v7;
	v3 =	vmul.f32 v53, v11;
	v10 =	vld [tilespmem:s31+$0xFFFFFF00];
	v55 =	vpop (erf);
	[tilespmem:s11+$0xFFFFFF70] =	vst v6;
	s11 =	smov.u32 s13  }
0x4fa: {  	v6 =	vld [tilespmem:s31+$0xFFFFFF80];
	v8 =	vadd.f32 v8, v9;
	v50 =	vpop (erf)  }
0x4fb: {  	v4 =	vmul.f32 v54, v4;
	v9 =	vld [tilespmem:s31+$0x0];
	v51 =	vpop (erf)  }
0x4fc: {  	v11 =	vld [tilespmem:s13+$0xFFFFFF10];
	v8 =	vadd.f32 v8, v5;
	v52 =	vpop (erf)  }
0x4fd: {  	v2 =	vmul.f32 v55, v2;
	v13 =	vld [tilespmem:s13+$0x90]  }
0x4fe: {  	v3 =	vadd.f32 v10, v3;
	v7 =	vld.idx.msk [tilespmem:v7+s3+$0x0], $0xffff;
	[tilespmem:s13+$0x80] =	vst v8  }
0x4ff: {  	v4 =	vadd.f32 v6, v4;
	v6 =	vld [tilespmem:s31+$0x90]  }
0x500: {  	v3 =	vadd.f32 v5, v3;
	v8 =	vld [tilespmem:s13+$0xFFFFFF90];
	v2 =	vadd.f32 v9, v2  }
0x501: {  	v9 =	vmul.f32 v11, v53;
	v4 =	vadd.f32 v4, v5;
	v10 =	vld [tilespmem:s0+$0x9990]  }
0x502: {  	[tilespmem:s13+$0xFFFFFF00] =	vst v3;
	v2 =	vadd.f32 v2, v5;
	v3 =	vld [tilespmem:s13+$0x10];
	v5 =	vmul.f32 v13, v12  }
0x503: {  	v11 =	vld [tilespmem:s31+$0xFFFFFF10];
	[tilespmem:s13+$0xFFFFFF80] =	vst v4  }
0x504: {  	v4 =	vld [tilespmem:s31+$0xFFFFFF90];
	[tilespmem:s13+$0x0] =	vst v2;
	v2 =	vadd.f32 v6, v5  }
0x505: {  	v5 =	vmul.f32 v8, v54;
	v6 =	vld [tilespmem:s31+$0x10]  }
0x506: {  	v8 =	vld [tilespmem:s0+$0x9990];
	v2 =	vadd.f32 v10, v2  }
0x507: {  	v3 =	vmul.f32 v3, v55;
	v10 =	vld [tilespmem:s13+$0xA0]  }
0x508: {  	v9 =	vadd.f32 v11, v9;
	v11 =	vld [tilespmem:s0+$0x9990];
	[tilespmem:s13+$0x90] =	vst v2  }
0x509: {  	v2 =	vadd.f32 v4, v5;
	v4 =	vld [tilespmem:s31+$0xA0]  }
0x50a: {  	v5 =	vld [tilespmem:s0+$0x9990];
	v3 =	vadd.f32 v6, v3  }
0x50b: {  	v2 =	vadd.f32 v8, v2;
	v6 =	vld [tilespmem:s0+$0x99A0]  }
0x50c: {  	v8 =	vld [tilespmem:s13+$0xFFFFFF20];
	v10 =	vmul.f32 v10, v12  }
0x50d: {  	[tilespmem:s13+$0xFFFFFF90] =	vst v2;
	v2 =	vld [tilespmem:s13+$0xFFFFFFA0];
	v3 =	vadd.f32 v11, v3  }
0x50e: {  	v11 =	vld [tilespmem:s13+$0x20];
	v4 =	vadd.f32 v4, v10  }
0x50f: {  	v5 =	vadd.f32 v5, v9;
	v9 =	vld [tilespmem:s31+$0xFFFFFFA0];
	[tilespmem:s13+$0x10] =	vst v3  }
0x510: {  	v3 =	vld [tilespmem:s31+$0x20];
	v4 =	vadd.f32 v6, v4  }
0x511: {  	[tilespmem:s13+$0xFFFFFF10] =	vst v5;
	v5 =	vmul.f32 v8, v53;
	v6 =	vld [tilespmem:s13+$0xB0]  }
0x512: {  	v8 =	vld [tilespmem:s31+$0xFFFFFF20];
	v2 =	vmul.f32 v2, v54;
	[tilespmem:s13+$0xA0] =	vst v4  }
0x513: {  	v4 =	vmul.f32 v11, v55;
	v10 =	vld [tilespmem:s31+$0xB0]  }
0x514: {  	v2 =	vadd.f32 v9, v2;
	v9 =	vld [tilespmem:s0+$0x99A0]  }
0x515: {  	v3 =	vadd.f32 v3, v4;
	v4 =	vmax.f32 v7, $9.999999710e-10;
	v7 =	vld [tilespmem:s0+$0x99B0]  }
0x516: {  	v11 =	vld [tilespmem:s0+$0x99A0];
	v6 =	vmul.f32 v6, v12;
	(erf) = vrcp.f32 v4  }
0x517: {  	v4 =	vadd.f32 v8, v5;
	v5 =	vld [tilespmem:s0+$0x99A0]  }
0x518: {  	v8 =	vld [tilespmem:s13+$0xFFFFFF30];
	v6 =	vadd.f32 v10, v6  }
0x519: {  	v2 =	vadd.f32 v9, v2;
	v9 =	vld [tilespmem:s13+$0xFFFFFFB0]  }
0x51a: {  	v10 =	vld [tilespmem:s13+$0x30];
	v6 =	vadd.f32 v7, v6  }
0x51b: {  	[tilespmem:s13+$0xFFFFFFA0] =	vst v2;
	v2 =	vadd.f32 v11, v3;
	v3 =	vld [tilespmem:s13+$0xC0]  }
0x51c: {  	v4 =	vadd.f32 v5, v4;
	v5 =	vld [tilespmem:s31+$0xFFFFFFB0];
	[tilespmem:s13+$0xB0] =	vst v6  }
0x51d: {  	v6 =	vmul.f32 v8, v53;
	[tilespmem:s13+$0x20] =	vst v2;
	v2 =	vld [tilespmem:s31+$0xC0]  }
0x51e: {  	[tilespmem:s13+$0xFFFFFF20] =	vst v4;
	v4 =	vmul.f32 v9, v54;
	v7 =	vld [tilespmem:s31+$0x30]  }
0x51f: {  	v8 =	vmul.f32 v10, v55;
	v9 =	vld [tilespmem:s0+$0x99C0];
	v10 =	vpop (erf)  }
0x520: {  	v11 =	vld [tilespmem:s31+$0xFFFFFF30];
	v3 =	vmul.f32 v3, v10  }
0x521: {  	v4 =	vadd.f32 v5, v4;
	v5 =	vld [tilespmem:s0+$0x99B0]  }
0x522: {  	v12 =	vld [tilespmem:s0+$0x99B0];
	v2 =	vadd.f32 v2, v3  }
0x523: {  	v3 =	vld [tilespmem:s0+$0x99B0];
	v7 =	vadd.f32 v7, v8  }
0x524: {  	v8 =	vld [tilespmem:s13+$0xFFFFFF40];
	v2 =	vadd.f32 v9, v2  }
0x525: {  	v6 =	vadd.f32 v11, v6;
	v9 =	vld [tilespmem:s13+$0xD0]  }
0x526: {  	v4 =	vadd.f32 v5, v4;
	v5 =	vld [tilespmem:s13+$0xFFFFFFC0];
	[tilespmem:s13+$0xC0] =	vst v2  }
0x527: {  	v2 =	vadd.f32 v12, v7;
	v7 =	vld [tilespmem:s31+$0xD0]  }
0x528: {  	v3 =	vadd.f32 v3, v6;
	[tilespmem:s13+$0xFFFFFFB0] =	vst v4;
	v4 =	vld [tilespmem:s13+$0x40]  }
0x529: {  	v6 =	vmul.f32 v8, v50;
	[tilespmem:s13+$0x30] =	vst v2;
	v2 =	vld [tilespmem:s0+$0x99D0]  }
0x52a: {  	[tilespmem:s13+$0xFFFFFF30] =	vst v3;
	v3 =	vld [tilespmem:s31+$0xFFFFFFC0];
	v8 =	vmul.f32 v9, v10  }
0x52b: {  	v5 =	vmul.f32 v5, v51;
	v9 =	vld [tilespmem:s31+$0x40]  }
0x52c: {  	v11 =	vld [tilespmem:s31+$0xFFFFFF40];
	v7 =	vadd.f32 v7, v8  }
0x52d: {  	v8 =	vld [tilespmem:s0+$0x99C0];
	v4 =	vmul.f32 v4, v52  }
0x52e: {  	v12 =	vld [tilespmem:s0+$0x99C0];
	v2 =	vadd.f32 v2, v7  }
0x52f: {  	v3 =	vadd.f32 v3, v5;
	v5 =	vld [tilespmem:s13+$0xE0]  }
0x530: {  	v7 =	vld [tilespmem:s0+$0x99C0];
	v4 =	vadd.f32 v9, v4;
	[tilespmem:s13+$0xD0] =	vst v2  }
0x531: {  	v2 =	vadd.f32 v11, v6;
	v6 =	vld [tilespmem:s31+$0xE0]  }
0x532: {  	v9 =	vld [tilespmem:s13+$0xFFFFFF50];
	v3 =	vadd.f32 v8, v3  }
0x533: {  	v4 =	vadd.f32 v12, v4;
	v8 =	vld [tilespmem:s0+$0x99E0]  }
0x534: {  	[tilespmem:s13+$0xFFFFFFC0] =	vst v3;
	v3 =	vld [tilespmem:s13+$0xFFFFFFD0];
	v5 =	vmul.f32 v5, v10  }
0x535: {  	v2 =	vadd.f32 v7, v2;
	[tilespmem:s13+$0x40] =	vst v4;
	v4 =	vld [tilespmem:s13+$0x50]  }
0x536: {  	v7 =	vld [tilespmem:s31+$0xFFFFFFD0];
	v5 =	vadd.f32 v6, v5  }
0x537: {  	[tilespmem:s13+$0xFFFFFF40] =	vst v2;
	v2 =	vmul.f32 v9, v50;
	v6 =	vld [tilespmem:s31+$0x50]  }
0x538: {  	v9 =	vld [tilespmem:s31+$0xFFFFFF50];
	v5 =	vadd.f32 v8, v5  }
0x539: {  	v3 =	vmul.f32 v3, v51;
	v8 =	vld [tilespmem:s13+$0xF0]  }
0x53a: {  	v11 =	vld [tilespmem:s0+$0x99D0];
	v4 =	vmul.f32 v4, v52;
	[tilespmem:s13+$0xE0] =	vst v5  }
0x53b: {  	v3 =	vadd.f32 v7, v3;
	v5 =	vld [tilespmem:s31+$0xF0]  }
0x53c: {  	v4 =	vadd.f32 v6, v4;
	v6 =	vld [tilespmem:s0+$0x99D0]  }
0x53d: {  	v2 =	vadd.f32 v9, v2;
	v7 =	vld [tilespmem:s0+$0x99F0]  }
0x53e: {  	v9 =	vld [tilespmem:s0+$0x99D0];
	v8 =	vmul.f32 v8, v10  }
0x53f: {  	v10 =	vld [tilespmem:s13+$0xFFFFFF60];
	v3 =	vadd.f32 v11, v3  }
0x540: {  	v11 =	vld [tilespmem:s13+$0xFFFFFFE0];
	v5 =	vadd.f32 v5, v8  }
.Ltmp7:
0x541: {  	[tilespmem:s13+$0xFFFFFFD0] =	vst v3;
	v3 =	vadd.f32 v6, v4;
	v61 =	vld [tilespmem:s13+$0x60];
	(pc) =	sbr.rel @p4 .LBB2_12-.Ltmp7, $4  }
0x542: {  	v58 =	vld [tilespmem:s31+$0xFFFFFFE0];
	v4 =	vadd.f32 v7, v5  }
0x543: {  	v2 =	vadd.f32 v9, v2;
	v56 =	vld [tilespmem:s0+$0x99E0];
	[tilespmem:s13+$0x50] =	vst v3  }
0x544: {  	v57 =	vmul.f32 v10, v50;
	v59 =	vld [tilespmem:s31+$0x60];
	[tilespmem:s13+$0xF0] =	vst v4  }
0x545: {  	s15 =	sshll.u32 s12, $0x4;
	s12 =	sadd.s32 $0x4, s12;
	[tilespmem:s13+$0xFFFFFF50] =	vst v2;
	v62 =	vmul.f32 v11, v51;
	v60 =	vld [tilespmem:s0+$0x99E0]  }
0x546: {  	v2 =	vmov s15;
	s12 =	sadd.s32 $0x30, s15  }
0x547: {  	v3 =	vld [tilespmem:s31+$0xFFFFFF60];
	v4 =	vmov s12  }
0x548: {  	v5 =	vld [tilespmem:s0+$0x99E0]  }
0x549: {  	v53 =	vld [tilespmem:s13+$0xFFFFFF70]  }
0x54a: {  	v55 =	vld [tilespmem:s13+$0xFFFFFFF0]  }
0x54b: {  	s22 =	sadd.s32 $0x10, s15;
	v8 =	vor.u32 $0x1, v2;
	v2 =	vld.idx.msk [tilespmem:v2+s3+$0x0], $0xffff  }
0x54c: {  	s15 =	sadd.s32 $0x20, s15;
	v6 =	vmov s22;
	v12 =	vld.idx.msk [tilespmem:v4+s3+$0x0], $0xffff  }
0x54d: {  	v54 =	vld [tilespmem:s13+$0x70];
	s23 =	sadd.s32 $0x200, s31;
	v7 =	vmov s15  }
0x54e: {  	v63 =	vld [tilespmem:s23+$0x80]  }
0x54f: {  	v10 =	vmul.f32 v61, v52;
	v14 =	vld [tilespmem:s23+$0xFFFFFF00]  }
0x550: {  	v13 =	vadd.f32 v58, v62;
	v15 =	vld [tilespmem:s23+$0xFFFFFF80];
	v9 =	vor.u32 $0x1, v6;
	v2 =	vmax.f32 v2, $9.999999710e-10  }
0x551: {  	v10 =	vadd.f32 v59, v10;
	v6 =	vld.idx.msk [tilespmem:v6+s3+$0x0], $0xffff;
	v59 =	vmax.f32 v12, $9.999999710e-10;
	(erf) = vrcp.f32 v2  }
0x552: {  	s22 =	sadd.s32 $0x200, s13;
	v11 =	vor.u32 $0x1, v7;
	v7 =	vld.idx.msk [tilespmem:v7+s3+$0x0], $0xffff;
	(erf) = vrcp.f32 v59  }
0x553: {  	v19 =	vld [tilespmem:s22+$0x90];
	v13 =	vadd.f32 v56, v13;
	v3 =	vadd.f32 v3, v57  }
0x554: {  	v62 =	vld [tilespmem:s22+$0xFFFFFF10]  }
0x555: {  	[tilespmem:s13+$0xFFFFFFE0] =	vst v13;
	v13 =	vld [tilespmem:s22+$0x0];
	v3 =	vadd.f32 v5, v3  }
0x556: {  	v10 =	vadd.f32 v60, v10;
	v8 =	vld.idx.msk [tilespmem:v8+s3+$0x0], $0xffff;
	v2 =	vmax.f32 v6, $9.999999710e-10  }
0x557: {  	[tilespmem:s13+$0xFFFFFF60] =	vst v3;
	v3 =	vmax.f32 v7, $9.999999710e-10;
	(erf) = vrcp.f32 v2;
	v2 =	vld [tilespmem:s22+$0x80]  }
0x558: {  	v60 =	vld [tilespmem:s31+$0xFFFFFFF0];
	(erf) = vrcp.f32 v3  }
0x559: {  	v5 =	vld.idx.msk [tilespmem:v11+s3+$0x0], $0xffff  }
0x55a: {  	[tilespmem:s13+$0x60] =	vst v10;
	v3 =	vld [tilespmem:s22+$0xFFFFFF00];
	v10 =	vpop (erf)  }
0x55b: {  	v11 =	vld [tilespmem:s0+$0x9980];
	v12 =	vpop (erf)  }
0x55c: {  	v7 =	vld [tilespmem:s22+$0xFFFFFF80];
	v2 =	vmul.f32 v12, v2  }
0x55d: {  	v4 =	vor.u32 $0x1, v4;
	v9 =	vld.idx.msk [tilespmem:v9+s3+$0x0], $0xffff  }
0x55e: {  	v61 =	vld [tilespmem:s31+$0x70];
	v2 =	vadd.f32 v63, v2  }
0x55f: {  	v6 =	vld [tilespmem:s23+$0x0];
	v3 =	vmul.f32 v10, v3  }
0x560: {  	v57 =	vld [tilespmem:s0+$0x99F0];
	v17 =	vpop (erf);
	v2 =	vadd.f32 v2, v11  }
0x561: {  	v58 =	vld [tilespmem:s31+$0xFFFFFF70];
	v7 =	vmul.f32 v17, v7;
	v3 =	vadd.f32 v14, v3;
	v63 =	vpop (erf)  }
0x562: {  	v4 =	vld.idx.msk [tilespmem:v4+s3+$0x0], $0xffff;
	v13 =	vmul.f32 v63, v13;
	[tilespmem:s22+$0x80] =	vst v2  }
0x563: {  	v3 =	vadd.f32 v11, v3;
	v2 =	vadd.f32 v15, v7;
	v7 =	vld [tilespmem:s23+$0x90]  }
0x564: {  	v14 =	vld [tilespmem:s22+$0xFFFFFF90];
	v6 =	vadd.f32 v6, v13  }
0x565: {  	[tilespmem:s22+$0xFFFFFF00] =	vst v3;
	v13 =	vld [tilespmem:s0+$0x9990];
	v2 =	vadd.f32 v2, v11  }
0x566: {  	v15 =	vld [tilespmem:s23+$0xFFFFFF10];
	v3 =	vadd.f32 v6, v11;
	v11 =	vmul.f32 v19, v12  }
0x567: {  	v6 =	vld [tilespmem:s22+$0x10];
	[tilespmem:s22+$0xFFFFFF80] =	vst v2  }
0x568: {  	[tilespmem:s22+$0x0] =	vst v3;
	v2 =	vld [tilespmem:s23+$0xFFFFFF90];
	v3 =	vadd.f32 v7, v11  }
0x569: {  	v7 =	vld [tilespmem:s23+$0x10]  }
0x56a: {  	v11 =	vld [tilespmem:s0+$0x9990];
	v3 =	vadd.f32 v13, v3  }
0x56b: {  	v13 =	vld [tilespmem:s22+$0xA0]  }
0x56c: {  	v14 =	vmul.f32 v14, v17;
	v19 =	vld [tilespmem:s0+$0x9990];
	[tilespmem:s22+$0x90] =	vst v3  }
0x56d: {  	v3 =	vmul.f32 v6, v63;
	v6 =	vld [tilespmem:s23+$0xA0]  }
0x56e: {  	v2 =	vadd.f32 v2, v14;
	v14 =	vld [tilespmem:s0+$0x9990]  }
0x56f: {  	v62 =	vmul.f32 v62, v10;
	v3 =	vadd.f32 v7, v3;
	v7 =	vld [tilespmem:s0+$0x99A0]  }
0x570: {  	v2 =	vadd.f32 v11, v2;
	v11 =	vld [tilespmem:s22+$0xFFFFFF20];
	v13 =	vmul.f32 v13, v12  }
0x571: {  	v15 =	vadd.f32 v15, v62;
	v3 =	vadd.f32 v19, v3;
	v19 =	vld [tilespmem:s22+$0xFFFFFFA0]  }
0x572: {  	[tilespmem:s22+$0xFFFFFF90] =	vst v2;
	v2 =	vld [tilespmem:s22+$0x20];
	v6 =	vadd.f32 v6, v13  }
0x573: {  	v62 =	vadd.f32 v14, v15;
	v14 =	vld [tilespmem:s23+$0xFFFFFFA0];
	[tilespmem:s22+$0x10] =	vst v3  }
0x574: {  	v3 =	vld [tilespmem:s23+$0x20];
	v6 =	vadd.f32 v7, v6  }
0x575: {  	v7 =	vld [tilespmem:s22+$0xB0]  }
0x576: {  	v8 =	vmax.f32 v8, $9.999999710e-10;
	v15 =	vld [tilespmem:s0+$0x99A0];
	[tilespmem:s22+$0xA0] =	vst v6  }
0x577: {  	(erf) = vrcp.f32 v8;
	[tilespmem:s22+$0xFFFFFF10] =	vst v62;
	v62 =	vmax.f32 v9, $9.999999710e-10;
	v8 =	vld [tilespmem:s23+$0xB0]  }
0x578: {  	v5 =	vmax.f32 v5, $9.999999710e-10;
	(erf) = vrcp.f32 v62;
	v6 =	vld [tilespmem:s0+$0x99A0]  }
0x579: {  	(erf) = vrcp.f32 v5;
	v2 =	vmul.f32 v2, v63;
	v9 =	vld [tilespmem:s0+$0x99B0]  }
0x57a: {  	v4 =	vmax.f32 v4, $9.999999710e-10;
	v13 =	vld [tilespmem:s23+$0xFFFFFF20];
	v62 =	vmul.f32 v19, v17;
	v7 =	vmul.f32 v7, v12  }
0x57b: {  	v56 =	vld [tilespmem:s0+$0x99F0];
	(erf) = vrcp.f32 v4;
	v2 =	vadd.f32 v3, v2  }
0x57c: {  	v5 =	vld [tilespmem:s0+$0x99A0];
	v4 =	vadd.f32 v14, v62;
	v7 =	vadd.f32 v8, v7  }
0x57d: {  	v62 =	vmul.f32 v11, v10;
	v12 =	vld [tilespmem:s22+$0xFFFFFF30];
	v2 =	vadd.f32 v15, v2  }
0x57e: {  	v3 =	vadd.f32 v6, v4;
	v4 =	vld [tilespmem:s22+$0xFFFFFFB0];
	v7 =	vadd.f32 v9, v7  }
0x57f: {  	v6 =	vld [tilespmem:s22+$0x30];
	v8 =	vadd.f32 v13, v62;
	[tilespmem:s22+$0x20] =	vst v2  }
0x580: {  	[tilespmem:s22+$0xFFFFFFA0] =	vst v3;
	v3 =	vld [tilespmem:s22+$0xC0]  }
0x581: {  	v62 =	vpop (erf);
	v11 =	vld [tilespmem:s23+$0x30];
	[tilespmem:s22+$0xB0] =	vst v7  }
0x582: {  	v5 =	vadd.f32 v5, v8;
	v2 =	vld [tilespmem:s23+$0xC0];
	v7 =	vpop (erf)  }
0x583: {  	v9 =	vld [tilespmem:s23+$0xFFFFFFB0];
	v8 =	vpop (erf)  }
0x584: {  	[tilespmem:s22+$0xFFFFFF20] =	vst v5;
	v5 =	vld [tilespmem:s0+$0x99C0];
	v13 =	vpop (erf)  }
0x585: {  	v15 =	vld [tilespmem:s0+$0x99B0];
	v3 =	vmul.f32 v3, v13  }
0x586: {  	v10 =	vmul.f32 v12, v10;
	v12 =	vld [tilespmem:s22+$0xD0]  }
0x587: {  	v14 =	vld [tilespmem:s23+$0xFFFFFF30];
	v2 =	vadd.f32 v2, v3  }
0x588: {  	v4 =	vmul.f32 v4, v17;
	v6 =	vmul.f32 v6, v63;
	v3 =	vld [tilespmem:s0+$0x99B0]  }
0x589: {  	v17 =	vld [tilespmem:s0+$0x99B0];
	v2 =	vadd.f32 v5, v2  }
0x58a: {  	v6 =	vadd.f32 v11, v6;
	v11 =	vld [tilespmem:s22+$0xFFFFFFC0];
	v4 =	vadd.f32 v9, v4  }
0x58b: {  	v5 =	vld [tilespmem:s22+$0xFFFFFF40];
	[tilespmem:s22+$0xC0] =	vst v2  }
0x58c: {  	v4 =	vadd.f32 v15, v4;
	v2 =	vadd.f32 v14, v10;
	v10 =	vld [tilespmem:s23+$0xD0]  }
0x58d: {  	v3 =	vadd.f32 v3, v6;
	v6 =	vld [tilespmem:s22+$0x40]  }
0x58e: {  	[tilespmem:s22+$0xFFFFFFB0] =	vst v4;
	v63 =	vld [tilespmem:s0+$0x99D0];
	v2 =	vadd.f32 v17, v2  }
0x58f: {  	[tilespmem:s22+$0x30] =	vst v3;
	v3 =	vld [tilespmem:s23+$0xFFFFFFC0]  }
0x590: {  	v9 =	vmul.f32 v12, v13;
	[tilespmem:s22+$0xFFFFFF30] =	vst v2;
	v2 =	vld [tilespmem:s23+$0x40]  }
0x591: {  	v14 =	vld [tilespmem:s0+$0x99C0]  }
0x592: {  	v12 =	vld [tilespmem:s23+$0xFFFFFF40];
	v9 =	vadd.f32 v10, v9  }
0x593: {  	v10 =	vld [tilespmem:s0+$0x99C0];
	v6 =	vmul.f32 v6, v8  }
0x594: {  	v59 =	vld [tilespmem:s0+$0x99F0];
	v4 =	vadd.f32 v63, v9;
	v63 =	vmul.f32 v11, v7  }
0x595: {  	v15 =	vld [tilespmem:s0+$0x99C0];
	v2 =	vadd.f32 v2, v6  }
0x596: {  	v17 =	vld [tilespmem:s22+$0xF0];
	v5 =	vmul.f32 v5, v62;
	v3 =	vadd.f32 v3, v63  }
0x597: {  	v11 =	vld [tilespmem:s22+$0xE0];
	v2 =	vadd.f32 v14, v2  }
0x598: {  	v6 =	vld [tilespmem:s22+$0xFFFFFF50];
	v5 =	vadd.f32 v12, v5;
	v3 =	vadd.f32 v10, v3  }
0x599: {  	v10 =	vld [tilespmem:s22+$0xFFFFFFD0];
	[tilespmem:s22+$0x40] =	vst v2  }
0x59a: {  	v5 =	vadd.f32 v15, v5;
	[tilespmem:s22+$0xFFFFFFC0] =	vst v3;
	v3 =	vld [tilespmem:s22+$0x50]  }
0x59b: {  	v12 =	vld [tilespmem:s23+$0x50]  }
0x59c: {  	[tilespmem:s22+$0xFFFFFF40] =	vst v5;
	v2 =	vld [tilespmem:s23+$0xFFFFFFD0]  }
0x59d: {  	v63 =	vld [tilespmem:s23+$0xFFFFFF50]  }
0x59e: {  	[tilespmem:s22+$0xD0] =	vst v4;
	v5 =	vld [tilespmem:s0+$0x99D0]  }
0x59f: {  	v4 =	vld [tilespmem:s23+$0xE0];
	v10 =	vmul.f32 v10, v7  }
0x5a0: {  	v15 =	vld [tilespmem:s0+$0x99D0];
	v6 =	vmul.f32 v6, v62  }
0x5a1: {  	v3 =	vmul.f32 v3, v8;
	v2 =	vadd.f32 v2, v10;
	v10 =	vld [tilespmem:s0+$0x99D0]  }
0x5a2: {  	v9 =	vld [tilespmem:s0+$0x99E0];
	v6 =	vadd.f32 v63, v6  }
0x5a3: {  	v63 =	vld [tilespmem:s22+$0xFFFFFFE0];
	v3 =	vadd.f32 v12, v3;
	v2 =	vadd.f32 v5, v2  }
0x5a4: {  	v5 =	vld [tilespmem:s22+$0xFFFFFF60]  }
0x5a5: {  	v3 =	vadd.f32 v15, v3;
	[tilespmem:s22+$0xFFFFFFD0] =	vst v2;
	v2 =	vmul.f32 v11, v13;
	v11 =	vld [tilespmem:s22+$0x60]  }
0x5a6: {  	v6 =	vadd.f32 v10, v6;
	v10 =	vld [tilespmem:s23+$0xFFFFFFE0]  }
0x5a7: {  	[tilespmem:s22+$0x50] =	vst v3;
	v2 =	vadd.f32 v4, v2;
	v4 =	vld [tilespmem:s0+$0x99E0]  }
0x5a8: {  	v3 =	vld [tilespmem:s23+$0x60];
	[tilespmem:s22+$0xFFFFFF50] =	vst v6  }
0x5a9: {  	v2 =	vadd.f32 v9, v2;
	v6 =	vld [tilespmem:s23+$0xFFFFFF60]  }
0x5aa: {  	v9 =	vmul.f32 v63, v7;
	v63 =	vld [tilespmem:s0+$0x99E0]  }
0x5ab: {  	v14 =	vld [tilespmem:s0+$0x99E0];
	[tilespmem:s22+$0xE0] =	vst v2;
	v2 =	vmul.f32 v11, v8  }
0x5ac: {  	v9 =	vadd.f32 v10, v9;
	v10 =	vld [tilespmem:s23+$0xF0]  }
0x5ad: {  	v5 =	vmul.f32 v5, v62;
	v2 =	vadd.f32 v3, v2;
	v3 =	vld [tilespmem:s0+$0x99F0]  }
0x5ae: {  	v4 =	vadd.f32 v4, v9;
	v9 =	vld [tilespmem:s22+$0xFFFFFFF0]  }
0x5af: {  	v5 =	vadd.f32 v6, v5;
	v6 =	vld [tilespmem:s22+$0xFFFFFF70]  }
0x5b0: {  	v2 =	vadd.f32 v63, v2;
	[tilespmem:s22+$0xFFFFFFE0] =	vst v4;
	v63 =	vld [tilespmem:s22+$0x70]  }
0x5b1: {  	v52 =	vmul.f32 v54, v52;
	v13 =	vmul.f32 v17, v13;
	v4 =	vadd.f32 v14, v5;
	v17 =	vld [tilespmem:s0+$0x99F0]  }
0x5b2: {  	v51 =	vmul.f32 v55, v51;
	[tilespmem:s22+$0x60] =	vst v2;
	v2 =	vld [tilespmem:s23+$0xFFFFFFF0]  }
0x5b3: {  	v12 =	vadd.f32 v61, v52;
	[tilespmem:s22+$0xFFFFFF60] =	vst v4;
	v54 =	vld [tilespmem:s23+$0x70]  }
0x5b4: {  	v55 =	vmul.f32 v53, v50;
	v11 =	vadd.f32 v60, v51;
	v15 =	vld [tilespmem:s23+$0xFFFFFF70]  }
0x5b5: {  	v12 =	vadd.f32 v57, v12;
	v10 =	vadd.f32 v10, v13;
	v7 =	vmul.f32 v9, v7;
	v60 =	vld [tilespmem:s0+$0x99F0]  }
0x5b6: {  	v11 =	vadd.f32 v59, v11;
	v14 =	vadd.f32 v58, v55;
	v61 =	vld [tilespmem:s0+$0x99F0];
	v5 =	vmul.f32 v63, v8  }
0x5b7: {  	[tilespmem:s11+$0x70] =	vst v12;
	v6 =	vmul.f32 v6, v62;
	v3 =	vadd.f32 v3, v10;
	v2 =	vadd.f32 v2, v7  }
0x5b8: {  	[tilespmem:s11+$0xFFFFFFF0] =	vst v11;
	v63 =	vadd.f32 v56, v14;
	v4 =	vadd.f32 v54, v5  }
0x5b9: {  	[tilespmem:s22+$0xF0] =	vst v3;
	v12 =	vadd.f32 v15, v6;
	v2 =	vadd.f32 v17, v2  }
0x5ba: {  	[tilespmem:s11+$0xFFFFFF70] =	vst v63;
	v3 =	vadd.f32 v60, v4  }
0x5bb: {  	v13 =	vadd.f32 v61, v12;
	[tilespmem:s22+$0xFFFFFFF0] =	vst v2  }
0x5bc: {  	[tilespmem:s22+$0x70] =	vst v3  }
0x5bd: {  	[tilespmem:s22+$0xFFFFFF70] =	vst v13  }
0x5be: {  	s13 =	simm.s32 $0x0;
	s12 =	rddreg [dreg:$0xa]  }
0x5bf: {  	[hbm4b:s12+s13] =	stream.linear.scatter [tilespmem:s1], [sflag:$0x2], $0x4000, $0x38;
	[tilespmem:$0x1FA10] =	vst v63  }
0x5c0: {  	_ =	swait.ge [sflag:s2], $0x4000  }
0x5c1: {  	[sflag:s2] =	ssyncset.done $0x0  }
0x5c2: {  	[sflag:s2] =	ssyncadd.s32 $0xFFFFC000  }
0x5c3: {  	[tilespmem:s1], [sflag:$0x2] =	stream.linear.gather [spmem:s29], $0x4000, $0x38;
	[tilespmem:$0x1FA10] =	vst v63  }
0x5c4: {  	_ =	swait.ge [sflag:s2], $0x4000  }
0x5c5: {  	[sflag:s2] =	ssyncset.done $0x0  }
0x5c6: {  	[sflag:s2] =	ssyncadd.s32 $0xFFFFC000  }
0x5c7: {  	[tilespmem:s3], [sflag:$0x2] =	stream.linear.gather [spmem:s30], $0x800, $0x38;
	[tilespmem:$0x1FA10] =	vst v63  }
0x5c8: {  	_ =	swait.ge [sflag:s2], $0x800  }
0x5c9: {  	s22 =	simm.s32 $0x0;
	[sflag:s2] =	ssyncset.done $0x0  }
0x5ca: {  	s23 =	simm.s32 $0x30;
	v2 =	vmov s22;
	s15 =	rddreg [dreg:$0xb];
	[sflag:s2] =	ssyncadd.s32 $0xFFFFF800  }
0x5cb: {  	v3 =	vmov s23;
	[tilespmem:s7], [sflag:$0x2] =	stream.linear.gather [hbm4b:s15+s13], $0x4000, $0x38;
	[tilespmem:$0x1FA10] =	vst v63  }
0x5cc: {  	_ =	swait.ge [sflag:s2], $0x4000  }
0x5cd: {  	[sflag:s2] =	ssyncset.done $0x0  }
0x5ce: {  	s22 =	simm.s32 $0x10;
	[sflag:s2] =	ssyncadd.s32 $0xFFFFC000  }
0x5cf: {  	s23 =	simm.s32 $0x20;
	v14 =	vmov s22;
	v50 =	vld.idx.msk [tilespmem:v2+s3+$0x0], $0xffff  }
0x5d0: {  	v52 =	vmov s23;
	v51 =	vld.idx.msk [tilespmem:v3+s3+$0x0], $0xffff;
	_ =	sdelay $0x1  }
0x5d1: {  	v54 =	vor.u32 $0x1, v52;
	_ =	sdelay $0x1  }
0x5d2: {  	v4 =	vld.idx.msk [tilespmem:v14+s3+$0x0], $0xffff;
	v5 =	vmax.f32 v50, $9.999999710e-10  }
0x5d3: {  	v55 =	vld.idx.msk [tilespmem:v52+s3+$0x0], $0xffff;
	v6 =	vmax.f32 v51, $9.999999710e-10;
	(erf) = vrcp.f32 v5  }
0x5d4: {  	(erf) = vrcp.f32 v6  }
0x5d5: {  	s13 =	simm.s32 $0x5A80;
	v7 =	vld.idx.msk [tilespmem:v54+s3+$0x0], $0xffff  }
0x5d6: {  	v56 =	vld [tilespmem:s13+$0x80]  }
0x5d7: {  	s31 =	simm.s32 $0x1A80;
	v57 =	vld [tilespmem:s13+$0xFFFFFF00];
	v4 =	vmax.f32 v4, $9.999999710e-10  }
0x5d8: {  	v58 =	vld [tilespmem:s31+$0x80];
	v5 =	vmax.f32 v55, $9.999999710e-10;
	(erf) = vrcp.f32 v4  }
0x5d9: {  	v59 =	vld [tilespmem:s13+$0xFFFFFF80];
	(erf) = vrcp.f32 v5  }
0x5da: {  	v60 =	vld [tilespmem:s0+$0x9980]  }
0x5db: {  	v61 =	vld [tilespmem:s13+$0x0]  }
0x5dc: {  	v2 =	vor.u32 $0x1, v2;
	v62 =	vld [tilespmem:s31+$0xFFFFFF80];
	v10 =	vpop (erf)  }
0x5dd: {  	v53 =	vor.u32 $0x1, v14;
	v15 =	vld [tilespmem:s31+$0xFFFFFF00];
	v12 =	vpop (erf)  }
0x5de: {  	v3 =	vor.u32 $0x1, v3;
	v17 =	vld [tilespmem:s31+$0x0];
	v4 =	vmul.f32 v12, v56  }
0x5df: {  	v19 =	vld [tilespmem:s13+$0x90]  }
0x5e0: {  	v54 =	vld [tilespmem:s13+$0xFFFFFF90];
	v4 =	vadd.f32 v58, v4  }
0x5e1: {  	v2 =	vld.idx.msk [tilespmem:v2+s3+$0x0], $0xffff;
	v8 =	vmul.f32 v10, v57;
	v5 =	vpop (erf)  }
0x5e2: {  	v6 =	vld.idx.msk [tilespmem:v53+s3+$0x0], $0xffff;
	v9 =	vmul.f32 v5, v59;
	v53 =	vpop (erf);
	v4 =	vadd.f32 v4, v60  }
0x5e3: {  	v3 =	vld.idx.msk [tilespmem:v3+s3+$0x0], $0xffff;
	v8 =	vadd.f32 v15, v8;
	v51 =	vmul.f32 v53, v61  }
0x5e4: {  	v50 =	vld [tilespmem:s13+$0xFFFFFF10];
	v63 =	vadd.f32 v62, v9;
	[tilespmem:s13+$0x80] =	vst v4  }
0x5e5: {  	v8 =	vadd.f32 v60, v8;
	v9 =	vadd.f32 v17, v51;
	v52 =	vld [tilespmem:s31+$0x90]  }
0x5e6: {  	v17 =	vld [tilespmem:s13+$0x10];
	v4 =	vadd.f32 v63, v60  }
0x5e7: {  	[tilespmem:s13+$0xFFFFFF00] =	vst v8;
	v55 =	vadd.f32 v9, v60;
	v15 =	vld [tilespmem:s0+$0x9990]  }
0x5e8: {  	v19 =	vmul.f32 v19, v12;
	v57 =	vld [tilespmem:s31+$0xFFFFFF10];
	[tilespmem:s13+$0xFFFFFF80] =	vst v4  }
0x5e9: {  	[tilespmem:s13+$0x0] =	vst v55;
	v55 =	vld [tilespmem:s13+$0xFFFFFF20]  }
0x5ea: {  	v56 =	vld [tilespmem:s31+$0xFFFFFF90];
	v58 =	vadd.f32 v52, v19  }
0x5eb: {  	v59 =	vld [tilespmem:s0+$0x9990]  }
0x5ec: {  	v61 =	vld [tilespmem:s31+$0x10];
	v11 =	vadd.f32 v15, v58  }
0x5ed: {  	v15 =	vld [tilespmem:s13+$0xA0]  }
0x5ee: {  	v19 =	vld [tilespmem:s0+$0x9990];
	[tilespmem:s13+$0x90] =	vst v11  }
0x5ef: {  	v60 =	vmul.f32 v54, v5;
	v63 =	vld [tilespmem:s31+$0xA0]  }
0x5f0: {  	v62 =	vmul.f32 v17, v53;
	v17 =	vld [tilespmem:s0+$0x9990];
	v52 =	vmul.f32 v50, v10  }
0x5f1: {  	v8 =	vadd.f32 v56, v60;
	v54 =	vld [tilespmem:s0+$0x99A0]  }
0x5f2: {  	v56 =	vadd.f32 v57, v52;
	v57 =	vld [tilespmem:s13+$0xFFFFFFA0];
	v11 =	vadd.f32 v61, v62;
	v15 =	vmul.f32 v15, v12  }
0x5f3: {  	v60 =	vld [tilespmem:s13+$0xB0];
	v4 =	vadd.f32 v59, v8  }
0x5f4: {  	v59 =	vld [tilespmem:s13+$0x20];
	v58 =	vadd.f32 v19, v11;
	v13 =	vadd.f32 v63, v15  }
0x5f5: {  	[tilespmem:s13+$0xFFFFFF90] =	vst v4;
	v4 =	vadd.f32 v17, v56;
	v56 =	vld [tilespmem:s13+$0xFFFFFFB0]  }
0x5f6: {  	v62 =	vld [tilespmem:s0+$0x99A0];
	[tilespmem:s13+$0x10] =	vst v58;
	v13 =	vadd.f32 v54, v13  }
0x5f7: {  	[tilespmem:s13+$0xFFFFFF10] =	vst v4;
	v9 =	vld [tilespmem:s31+$0x20]  }
0x5f8: {  	v2 =	vmax.f32 v2, $9.999999710e-10;
	v61 =	vld [tilespmem:s31+$0xFFFFFF20];
	[tilespmem:s13+$0xA0] =	vst v13  }
0x5f9: {  	v6 =	vmax.f32 v6, $9.999999710e-10;
	(erf) = vrcp.f32 v2;
	v2 =	vld [tilespmem:s31+$0xB0]  }
0x5fa: {  	v7 =	vmax.f32 v7, $9.999999710e-10;
	(erf) = vrcp.f32 v6;
	v15 =	vld [tilespmem:s31+$0xFFFFFFA0]  }
0x5fb: {  	v3 =	vmax.f32 v3, $9.999999710e-10;
	(erf) = vrcp.f32 v7;
	v51 =	vld [tilespmem:s0+$0x99B0]  }
0x5fc: {  	(erf) = vrcp.f32 v3;
	v4 =	vmul.f32 v60, v12;
	v52 =	vld [tilespmem:s0+$0x99A0]  }
0x5fd: {  	v12 =	vld [tilespmem:s13+$0xFFFFFF30];
	v3 =	vmul.f32 v59, v53  }
0x5fe: {  	v63 =	vmul.f32 v57, v5;
	v54 =	vld [tilespmem:s0+$0x99A0];
	v2 =	vadd.f32 v2, v4  }
0x5ff: {  	v55 =	vmul.f32 v55, v10;
	v58 =	vld [tilespmem:s13+$0xC0];
	v3 =	vadd.f32 v9, v3  }
0x600: {  	v57 =	vld [tilespmem:s13+$0x30];
	v7 =	vadd.f32 v15, v63;
	v2 =	vadd.f32 v51, v2  }
0x601: {  	v5 =	vmul.f32 v56, v5;
	v56 =	vld [tilespmem:s13+$0xFFFFFFC0];
	v3 =	vadd.f32 v52, v3;
	v4 =	vadd.f32 v61, v55  }
0x602: {  	v50 =	vpop (erf);
	v9 =	vld [tilespmem:s13+$0xFFFFFF40];
	v6 =	vadd.f32 v62, v7;
	[tilespmem:s13+$0xB0] =	vst v2  }
0x603: {  	[tilespmem:s13+$0x20] =	vst v3;
	v51 =	vpop (erf);
	v2 =	vadd.f32 v54, v4;
	v3 =	vld [tilespmem:s31+$0xC0]  }
0x604: {  	[tilespmem:s13+$0xFFFFFFA0] =	vst v6;
	v60 =	vld [tilespmem:s31+$0x30];
	v52 =	vpop (erf)  }
0x605: {  	v11 =	vpop (erf);
	[tilespmem:s13+$0xFFFFFF20] =	vst v2;
	v2 =	vld [tilespmem:s0+$0x99C0]  }
0x606: {  	v59 =	vld [tilespmem:s31+$0xFFFFFFB0];
	v6 =	vmul.f32 v58, v11  }
0x607: {  	v15 =	vld [tilespmem:s0+$0x99B0]  }
0x608: {  	v62 =	vld [tilespmem:s0+$0x99B0];
	v54 =	vmul.f32 v57, v53;
	v3 =	vadd.f32 v3, v6  }
0x609: {  	v55 =	vld [tilespmem:s13+$0xD0]  }
0x60a: {  	v53 =	vld [tilespmem:s13+$0xE0];
	v4 =	vadd.f32 v60, v54;
	v2 =	vadd.f32 v2, v3  }
0x60b: {  	v58 =	vld [tilespmem:s13+$0x40];
	v3 =	vadd.f32 v59, v5  }
0x60c: {  	v61 =	vld [tilespmem:s31+$0xFFFFFF30];
	v4 =	vadd.f32 v15, v4;
	[tilespmem:s13+$0xC0] =	vst v2  }
0x60d: {  	v3 =	vadd.f32 v62, v3;
	v57 =	vld [tilespmem:s31+$0xD0]  }
0x60e: {  	v63 =	vld [tilespmem:s0+$0x99B0];
	[tilespmem:s13+$0x30] =	vst v4  }
0x60f: {  	v2 =	vmul.f32 v12, v10;
	[tilespmem:s13+$0xFFFFFFB0] =	vst v3;
	v3 =	vld [tilespmem:s0+$0x99D0]  }
0x610: {  	v60 =	vld [tilespmem:s31+$0x40];
	v5 =	vmul.f32 v55, v11  }
0x611: {  	v62 =	vld [tilespmem:s0+$0x99C0];
	v2 =	vadd.f32 v61, v2  }
0x612: {  	v59 =	vld [tilespmem:s31+$0xFFFFFFC0];
	v5 =	vadd.f32 v57, v5  }
0x613: {  	v10 =	vmul.f32 v58, v52;
	v58 =	vld [tilespmem:s13+$0x50];
	v2 =	vadd.f32 v63, v2  }
0x614: {  	v61 =	vld [tilespmem:s0+$0x99C0];
	v3 =	vadd.f32 v3, v5  }
0x615: {  	[tilespmem:s13+$0xFFFFFF30] =	vst v2;
	v2 =	vmul.f32 v56, v51;
	v56 =	vld [tilespmem:s13+$0xFFFFFF50]  }
0x616: {  	v6 =	vadd.f32 v60, v10;
	v63 =	vld [tilespmem:s31+$0xFFFFFF40];
	[tilespmem:s13+$0xD0] =	vst v3  }
0x617: {  	v2 =	vadd.f32 v59, v2;
	v55 =	vld [tilespmem:s31+$0xE0]  }
0x618: {  	v6 =	vadd.f32 v62, v6;
	v54 =	vld [tilespmem:s0+$0x99C0]  }
0x619: {  	v3 =	vmul.f32 v9, v50;
	v2 =	vadd.f32 v61, v2;
	v57 =	vld [tilespmem:s0+$0x99E0]  }
0x61a: {  	v4 =	vmul.f32 v53, v11;
	[tilespmem:s13+$0x40] =	vst v6;
	v61 =	vld [tilespmem:s13+$0xF0]  }
0x61b: {  	v3 =	vadd.f32 v63, v3;
	[tilespmem:s13+$0xFFFFFFC0] =	vst v2;
	v2 =	vld [tilespmem:s13+$0xFFFFFFD0]  }
0x61c: {  	v63 =	vld [tilespmem:s0+$0x99D0];
	v4 =	vadd.f32 v55, v4  }
0x61d: {  	v59 =	vld [tilespmem:s31+$0xFFFFFFD0];
	v3 =	vadd.f32 v54, v3  }
0x61e: {  	v62 =	vld [tilespmem:s0+$0x99D0];
	v4 =	vadd.f32 v57, v4  }
0x61f: {  	[tilespmem:s13+$0xFFFFFF40] =	vst v3;
	v3 =	vld [tilespmem:s31+$0x50]  }
0x620: {  	v60 =	vld [tilespmem:s31+$0xFFFFFF50];
	v2 =	vmul.f32 v2, v51;
	[tilespmem:s13+$0xE0] =	vst v4  }
0x621: {  	v4 =	vld [tilespmem:s31+$0xF0]  }
0x622: {  	v5 =	vmul.f32 v58, v52;
	v54 =	vld [tilespmem:s0+$0x99D0];
	v2 =	vadd.f32 v59, v2  }
0x623: {  	v8 =	vmul.f32 v56, v50;
	v6 =	vld [tilespmem:s0+$0x99F0]  }
0x624: {  	v14 =	vld [tilespmem:s13+$0xFFFFFF60];
	v7 =	vmul.f32 v61, v11;
	v3 =	vadd.f32 v3, v5;
	v2 =	vadd.f32 v62, v2  }
0x625: {  	v53 =	vld [tilespmem:s13+$0xFFFFFFE0];
	v55 =	vadd.f32 v60, v8  }
0x626: {  	v61 =	vld [tilespmem:s13+$0x60];
	[tilespmem:s13+$0xFFFFFFD0] =	vst v2;
	v2 =	vadd.f32 v63, v3;
	v4 =	vadd.f32 v4, v7  }
0x627: {  	v58 =	vld [tilespmem:s31+$0xFFFFFFE0];
	v63 =	vadd.f32 v54, v55  }
0x628: {  	v56 =	vld [tilespmem:s0+$0x99E0];
	[tilespmem:s13+$0x50] =	vst v2;
	v3 =	vadd.f32 v6, v4  }
0x629: {  	v59 =	vld [tilespmem:s31+$0x60];
	[tilespmem:s13+$0xFFFFFF50] =	vst v63  }
0x62a: {  	s11 =	simm.s32 $0x5A80;
	s12 =	simm.s32 $0x8;
	s15 =	simm.s32 $0x40;
	v57 =	vmul.f32 v14, v50;
	v62 =	vmul.f32 v53, v51;
	v60 =	vld [tilespmem:s0+$0x99E0];
	[tilespmem:s13+$0xF0] =	vst v3  }
.LBB2_14:
0x62b: {  	p4 =	slt.u32 s12, $0x7C;
	v2 =	vmov s15;
	s22 =	sadd.s32 $0x10, s15;
	s23 =	sadd.s32 $0x30, s15;
	v3 =	vld [tilespmem:s31+$0xFFFFFF60];
	v4 =	vmul.f32 v61, v52  }
0x62c: {  	s15 =	sadd.s32 $0x20, s15;
	v5 =	vor.u32 $0x1, v2;
	v6 =	vmov s22;
	v7 =	vmov s23;
	v8 =	vld [tilespmem:s0+$0x99E0]  }
0x62d: {  	v10 =	vmov s15;
	v12 =	vadd.f32 v58, v62;
	v9 =	vor.u32 $0x1, v6;
	v11 =	vld [tilespmem:s13+$0xFFFFFF70]  }
0x62e: {  	v13 =	vor.u32 $0x1, v10;
	v14 =	vld [tilespmem:s13+$0xFFFFFFF0];
	v4 =	vadd.f32 v59, v4  }
0x62f: {  	v12 =	vadd.f32 v56, v12;
	v15 =	vld [tilespmem:s13+$0x70]  }
0x630: {  	v2 =	vld.idx.msk [tilespmem:v2+s3+$0x0], $0xffff;
	v3 =	vadd.f32 v3, v57;
	v4 =	vadd.f32 v60, v4  }
0x631: {  	v17 =	vld.idx.msk [tilespmem:v7+s3+$0x0], $0xffff;
	[tilespmem:s13+$0xFFFFFFE0] =	vst v12  }
0x632: {  	v6 =	vld.idx.msk [tilespmem:v6+s3+$0x0], $0xffff;
	v3 =	vadd.f32 v8, v3;
	v8 =	vmul.f32 v11, v50;
	[tilespmem:s13+$0x60] =	vst v4  }
0x633: {  	v4 =	vld.idx.msk [tilespmem:v10+s3+$0x0], $0xffff;
	v10 =	vmul.f32 v14, v51  }
0x634: {  	v5 =	vld.idx.msk [tilespmem:v5+s3+$0x0], $0xffff;
	[tilespmem:s13+$0xFFFFFF60] =	vst v3;
	v3 =	vmul.f32 v15, v52  }
0x635: {  	v9 =	vld.idx.msk [tilespmem:v9+s3+$0x0], $0xffff  }
0x636: {  	v2 =	vmax.f32 v2, $9.999999710e-10;
	v11 =	vld.idx.msk [tilespmem:v13+s3+$0x0], $0xffff  }
0x637: {  	v12 =	vmax.f32 v17, $9.999999710e-10;
	(erf) = vrcp.f32 v2;
	v2 =	vld [tilespmem:s31+$0xFFFFFFF0]  }
0x638: {  	v6 =	vmax.f32 v6, $9.999999710e-10;
	(erf) = vrcp.f32 v12;
	v12 =	vld [tilespmem:s31+$0x70]  }
0x639: {  	v4 =	vmax.f32 v4, $9.999999710e-10;
	(erf) = vrcp.f32 v6;
	v6 =	vld [tilespmem:s31+$0xFFFFFF70]  }
0x63a: {  	v5 =	vmax.f32 v5, $9.999999710e-10;
	(erf) = vrcp.f32 v4;
	v4 =	vld [tilespmem:s0+$0x99F0]  }
0x63b: {  	v9 =	vmax.f32 v9, $9.999999710e-10;
	(erf) = vrcp.f32 v5;
	v5 =	vld [tilespmem:s0+$0x99F0]  }
0x63c: {  	s13 =	sadd.s32 $0x200, s13;
	v11 =	vmax.f32 v11, $9.999999710e-10;
	(erf) = vrcp.f32 v9;
	v9 =	vld [tilespmem:s0+$0x99F0];
	v2 =	vadd.f32 v2, v10  }
0x63d: {  	v10 =	vld [tilespmem:s13+$0x80];
	(erf) = vrcp.f32 v11;
	v3 =	vadd.f32 v12, v3  }
0x63e: {  	s31 =	sadd.s32 $0x200, s31;
	v11 =	vld [tilespmem:s13+$0xFFFFFF00];
	v6 =	vadd.f32 v6, v8  }
0x63f: {  	v8 =	vld [tilespmem:s31+$0x80];
	v2 =	vadd.f32 v4, v2  }
0x640: {  	v4 =	vld [tilespmem:s13+$0xFFFFFF80];
	v53 =	vpop (erf);
	v3 =	vadd.f32 v5, v3  }
0x641: {  	v5 =	vld [tilespmem:s0+$0x9980];
	v12 =	vpop (erf);
	v6 =	vadd.f32 v9, v6;
	[tilespmem:s11+$0xFFFFFFF0] =	vst v2  }
0x642: {  	v2 =	vld [tilespmem:s13+$0x0];
	v9 =	vmul.f32 v12, v10;
	v54 =	vpop (erf);
	[tilespmem:s11+$0x70] =	vst v3  }
0x643: {  	v7 =	vor.u32 $0x1, v7;
	v3 =	vmul.f32 v53, v11;
	v10 =	vld [tilespmem:s31+$0xFFFFFF00];
	v55 =	vpop (erf);
	[tilespmem:s11+$0xFFFFFF70] =	vst v6;
	s11 =	smov.u32 s13  }
0x644: {  	v6 =	vld [tilespmem:s31+$0xFFFFFF80];
	v8 =	vadd.f32 v8, v9;
	v50 =	vpop (erf)  }
0x645: {  	v4 =	vmul.f32 v54, v4;
	v9 =	vld [tilespmem:s31+$0x0];
	v51 =	vpop (erf)  }
0x646: {  	v11 =	vld [tilespmem:s13+$0xFFFFFF10];
	v8 =	vadd.f32 v8, v5;
	v52 =	vpop (erf)  }
0x647: {  	v2 =	vmul.f32 v55, v2;
	v13 =	vld [tilespmem:s13+$0x90]  }
0x648: {  	v3 =	vadd.f32 v10, v3;
	v7 =	vld.idx.msk [tilespmem:v7+s3+$0x0], $0xffff;
	[tilespmem:s13+$0x80] =	vst v8  }
0x649: {  	v4 =	vadd.f32 v6, v4;
	v6 =	vld [tilespmem:s31+$0x90]  }
0x64a: {  	v3 =	vadd.f32 v5, v3;
	v8 =	vld [tilespmem:s13+$0xFFFFFF90];
	v2 =	vadd.f32 v9, v2  }
0x64b: {  	v9 =	vmul.f32 v11, v53;
	v4 =	vadd.f32 v4, v5;
	v10 =	vld [tilespmem:s0+$0x9990]  }
0x64c: {  	[tilespmem:s13+$0xFFFFFF00] =	vst v3;
	v2 =	vadd.f32 v2, v5;
	v3 =	vld [tilespmem:s13+$0x10];
	v5 =	vmul.f32 v13, v12  }
0x64d: {  	v11 =	vld [tilespmem:s31+$0xFFFFFF10];
	[tilespmem:s13+$0xFFFFFF80] =	vst v4  }
0x64e: {  	v4 =	vld [tilespmem:s31+$0xFFFFFF90];
	[tilespmem:s13+$0x0] =	vst v2;
	v2 =	vadd.f32 v6, v5  }
0x64f: {  	v5 =	vmul.f32 v8, v54;
	v6 =	vld [tilespmem:s31+$0x10]  }
0x650: {  	v8 =	vld [tilespmem:s0+$0x9990];
	v2 =	vadd.f32 v10, v2  }
0x651: {  	v3 =	vmul.f32 v3, v55;
	v10 =	vld [tilespmem:s13+$0xA0]  }
0x652: {  	v9 =	vadd.f32 v11, v9;
	v11 =	vld [tilespmem:s0+$0x9990];
	[tilespmem:s13+$0x90] =	vst v2  }
0x653: {  	v2 =	vadd.f32 v4, v5;
	v4 =	vld [tilespmem:s31+$0xA0]  }
0x654: {  	v5 =	vld [tilespmem:s0+$0x9990];
	v3 =	vadd.f32 v6, v3  }
0x655: {  	v2 =	vadd.f32 v8, v2;
	v6 =	vld [tilespmem:s0+$0x99A0]  }
0x656: {  	v8 =	vld [tilespmem:s13+$0xFFFFFF20];
	v10 =	vmul.f32 v10, v12  }
0x657: {  	[tilespmem:s13+$0xFFFFFF90] =	vst v2;
	v2 =	vld [tilespmem:s13+$0xFFFFFFA0];
	v3 =	vadd.f32 v11, v3  }
0x658: {  	v11 =	vld [tilespmem:s13+$0x20];
	v4 =	vadd.f32 v4, v10  }
0x659: {  	v5 =	vadd.f32 v5, v9;
	v9 =	vld [tilespmem:s31+$0xFFFFFFA0];
	[tilespmem:s13+$0x10] =	vst v3  }
0x65a: {  	v3 =	vld [tilespmem:s31+$0x20];
	v4 =	vadd.f32 v6, v4  }
0x65b: {  	[tilespmem:s13+$0xFFFFFF10] =	vst v5;
	v5 =	vmul.f32 v8, v53;
	v6 =	vld [tilespmem:s13+$0xB0]  }
0x65c: {  	v8 =	vld [tilespmem:s31+$0xFFFFFF20];
	v2 =	vmul.f32 v2, v54;
	[tilespmem:s13+$0xA0] =	vst v4  }
0x65d: {  	v4 =	vmul.f32 v11, v55;
	v10 =	vld [tilespmem:s31+$0xB0]  }
0x65e: {  	v2 =	vadd.f32 v9, v2;
	v9 =	vld [tilespmem:s0+$0x99A0]  }
0x65f: {  	v3 =	vadd.f32 v3, v4;
	v4 =	vmax.f32 v7, $9.999999710e-10;
	v7 =	vld [tilespmem:s0+$0x99B0]  }
0x660: {  	v11 =	vld [tilespmem:s0+$0x99A0];
	v6 =	vmul.f32 v6, v12;
	(erf) = vrcp.f32 v4  }
0x661: {  	v4 =	vadd.f32 v8, v5;
	v5 =	vld [tilespmem:s0+$0x99A0]  }
0x662: {  	v8 =	vld [tilespmem:s13+$0xFFFFFF30];
	v6 =	vadd.f32 v10, v6  }
0x663: {  	v2 =	vadd.f32 v9, v2;
	v9 =	vld [tilespmem:s13+$0xFFFFFFB0]  }
0x664: {  	v10 =	vld [tilespmem:s13+$0x30];
	v6 =	vadd.f32 v7, v6  }
0x665: {  	[tilespmem:s13+$0xFFFFFFA0] =	vst v2;
	v2 =	vadd.f32 v11, v3;
	v3 =	vld [tilespmem:s13+$0xC0]  }
0x666: {  	v4 =	vadd.f32 v5, v4;
	v5 =	vld [tilespmem:s31+$0xFFFFFFB0];
	[tilespmem:s13+$0xB0] =	vst v6  }
0x667: {  	v6 =	vmul.f32 v8, v53;
	[tilespmem:s13+$0x20] =	vst v2;
	v2 =	vld [tilespmem:s31+$0xC0]  }
0x668: {  	[tilespmem:s13+$0xFFFFFF20] =	vst v4;
	v4 =	vmul.f32 v9, v54;
	v7 =	vld [tilespmem:s31+$0x30]  }
0x669: {  	v8 =	vmul.f32 v10, v55;
	v9 =	vld [tilespmem:s0+$0x99C0];
	v10 =	vpop (erf)  }
0x66a: {  	v11 =	vld [tilespmem:s31+$0xFFFFFF30];
	v3 =	vmul.f32 v3, v10  }
0x66b: {  	v4 =	vadd.f32 v5, v4;
	v5 =	vld [tilespmem:s0+$0x99B0]  }
0x66c: {  	v12 =	vld [tilespmem:s0+$0x99B0];
	v2 =	vadd.f32 v2, v3  }
0x66d: {  	v3 =	vld [tilespmem:s0+$0x99B0];
	v7 =	vadd.f32 v7, v8  }
0x66e: {  	v8 =	vld [tilespmem:s13+$0xFFFFFF40];
	v2 =	vadd.f32 v9, v2  }
0x66f: {  	v6 =	vadd.f32 v11, v6;
	v9 =	vld [tilespmem:s13+$0xD0]  }
0x670: {  	v4 =	vadd.f32 v5, v4;
	v5 =	vld [tilespmem:s13+$0xFFFFFFC0];
	[tilespmem:s13+$0xC0] =	vst v2  }
0x671: {  	v2 =	vadd.f32 v12, v7;
	v7 =	vld [tilespmem:s31+$0xD0]  }
0x672: {  	v3 =	vadd.f32 v3, v6;
	[tilespmem:s13+$0xFFFFFFB0] =	vst v4;
	v4 =	vld [tilespmem:s13+$0x40]  }
0x673: {  	v6 =	vmul.f32 v8, v50;
	[tilespmem:s13+$0x30] =	vst v2;
	v2 =	vld [tilespmem:s0+$0x99D0]  }
0x674: {  	[tilespmem:s13+$0xFFFFFF30] =	vst v3;
	v3 =	vld [tilespmem:s31+$0xFFFFFFC0];
	v8 =	vmul.f32 v9, v10  }
0x675: {  	v5 =	vmul.f32 v5, v51;
	v9 =	vld [tilespmem:s31+$0x40]  }
0x676: {  	v11 =	vld [tilespmem:s31+$0xFFFFFF40];
	v7 =	vadd.f32 v7, v8  }
0x677: {  	v8 =	vld [tilespmem:s0+$0x99C0];
	v4 =	vmul.f32 v4, v52  }
0x678: {  	v12 =	vld [tilespmem:s0+$0x99C0];
	v2 =	vadd.f32 v2, v7  }
0x679: {  	v3 =	vadd.f32 v3, v5;
	v5 =	vld [tilespmem:s13+$0xE0]  }
0x67a: {  	v7 =	vld [tilespmem:s0+$0x99C0];
	v4 =	vadd.f32 v9, v4;
	[tilespmem:s13+$0xD0] =	vst v2  }
0x67b: {  	v2 =	vadd.f32 v11, v6;
	v6 =	vld [tilespmem:s31+$0xE0]  }
0x67c: {  	v9 =	vld [tilespmem:s13+$0xFFFFFF50];
	v3 =	vadd.f32 v8, v3  }
0x67d: {  	v4 =	vadd.f32 v12, v4;
	v8 =	vld [tilespmem:s0+$0x99E0]  }
0x67e: {  	[tilespmem:s13+$0xFFFFFFC0] =	vst v3;
	v3 =	vld [tilespmem:s13+$0xFFFFFFD0];
	v5 =	vmul.f32 v5, v10  }
0x67f: {  	v2 =	vadd.f32 v7, v2;
	[tilespmem:s13+$0x40] =	vst v4;
	v4 =	vld [tilespmem:s13+$0x50]  }
0x680: {  	v7 =	vld [tilespmem:s31+$0xFFFFFFD0];
	v5 =	vadd.f32 v6, v5  }
0x681: {  	[tilespmem:s13+$0xFFFFFF40] =	vst v2;
	v2 =	vmul.f32 v9, v50;
	v6 =	vld [tilespmem:s31+$0x50]  }
0x682: {  	v9 =	vld [tilespmem:s31+$0xFFFFFF50];
	v5 =	vadd.f32 v8, v5  }
0x683: {  	v3 =	vmul.f32 v3, v51;
	v8 =	vld [tilespmem:s13+$0xF0]  }
0x684: {  	v11 =	vld [tilespmem:s0+$0x99D0];
	v4 =	vmul.f32 v4, v52;
	[tilespmem:s13+$0xE0] =	vst v5  }
0x685: {  	v3 =	vadd.f32 v7, v3;
	v5 =	vld [tilespmem:s31+$0xF0]  }
0x686: {  	v4 =	vadd.f32 v6, v4;
	v6 =	vld [tilespmem:s0+$0x99D0]  }
0x687: {  	v2 =	vadd.f32 v9, v2;
	v7 =	vld [tilespmem:s0+$0x99F0]  }
0x688: {  	v9 =	vld [tilespmem:s0+$0x99D0];
	v8 =	vmul.f32 v8, v10  }
0x689: {  	v10 =	vld [tilespmem:s13+$0xFFFFFF60];
	v3 =	vadd.f32 v11, v3  }
0x68a: {  	v11 =	vld [tilespmem:s13+$0xFFFFFFE0];
	v5 =	vadd.f32 v5, v8  }
.Ltmp8:
0x68b: {  	[tilespmem:s13+$0xFFFFFFD0] =	vst v3;
	v3 =	vadd.f32 v6, v4;
	v61 =	vld [tilespmem:s13+$0x60];
	(pc) =	sbr.rel @p4 .LBB2_14-.Ltmp8, $4  }
0x68c: {  	v58 =	vld [tilespmem:s31+$0xFFFFFFE0];
	v4 =	vadd.f32 v7, v5  }
0x68d: {  	v2 =	vadd.f32 v9, v2;
	v56 =	vld [tilespmem:s0+$0x99E0];
	[tilespmem:s13+$0x50] =	vst v3  }
0x68e: {  	v57 =	vmul.f32 v10, v50;
	v59 =	vld [tilespmem:s31+$0x60];
	[tilespmem:s13+$0xF0] =	vst v4  }
0x68f: {  	s15 =	sshll.u32 s12, $0x4;
	s12 =	sadd.s32 $0x4, s12;
	[tilespmem:s13+$0xFFFFFF50] =	vst v2;
	v62 =	vmul.f32 v11, v51;
	v60 =	vld [tilespmem:s0+$0x99E0]  }
0x690: {  	v2 =	vmov s15;
	s12 =	sadd.s32 $0x30, s15  }
0x691: {  	v3 =	vld [tilespmem:s31+$0xFFFFFF60];
	v4 =	vmov s12  }
0x692: {  	v5 =	vld [tilespmem:s0+$0x99E0]  }
0x693: {  	v53 =	vld [tilespmem:s13+$0xFFFFFF70]  }
0x694: {  	v55 =	vld [tilespmem:s13+$0xFFFFFFF0]  }
0x695: {  	s22 =	sadd.s32 $0x10, s15;
	v8 =	vor.u32 $0x1, v2;
	v2 =	vld.idx.msk [tilespmem:v2+s3+$0x0], $0xffff  }
0x696: {  	v6 =	vmov s22;
	s22 =	sadd.s32 $0x20, s15;
	v13 =	vadd.f32 v58, v62;
	v12 =	vld.idx.msk [tilespmem:v4+s3+$0x0], $0xffff  }
0x697: {  	v54 =	vld [tilespmem:s13+$0x70];
	s23 =	sadd.s32 $0x200, s13;
	v7 =	vmov s22  }
0x698: {  	v10 =	vmul.f32 v61, v52;
	v19 =	vld [tilespmem:s23+$0x90];
	v13 =	vadd.f32 v56, v13  }
0x699: {  	v62 =	vld [tilespmem:s23+$0xFFFFFF10];
	v11 =	vor.u32 $0x1, v7  }
0x69a: {  	v10 =	vadd.f32 v59, v10;
	[tilespmem:s13+$0xFFFFFFE0] =	vst v13;
	v13 =	vld [tilespmem:s23+$0x0];
	v2 =	vmax.f32 v2, $9.999999710e-10  }
0x69b: {  	v9 =	vor.u32 $0x1, v6;
	v6 =	vld.idx.msk [tilespmem:v6+s3+$0x0], $0xffff;
	v59 =	vmax.f32 v12, $9.999999710e-10;
	(erf) = vrcp.f32 v2  }
0x69c: {  	v3 =	vadd.f32 v3, v57;
	v10 =	vadd.f32 v60, v10;
	v7 =	vld.idx.msk [tilespmem:v7+s3+$0x0], $0xffff;
	(erf) = vrcp.f32 v59  }
0x69d: {  	v60 =	vld [tilespmem:s31+$0xFFFFFFF0]  }
0x69e: {  	v3 =	vadd.f32 v5, v3;
	[tilespmem:s13+$0x60] =	vst v10;
	v5 =	vld.idx.msk [tilespmem:v11+s3+$0x0], $0xffff  }
0x69f: {  	v61 =	vld [tilespmem:s31+$0x70]  }
0x6a0: {  	v11 =	vld [tilespmem:s0+$0x9980];
	v2 =	vmax.f32 v6, $9.999999710e-10  }
0x6a1: {  	[tilespmem:s13+$0xFFFFFF60] =	vst v3;
	v3 =	vmax.f32 v7, $9.999999710e-10;
	(erf) = vrcp.f32 v2;
	v2 =	vld [tilespmem:s23+$0x80]  }
0x6a2: {  	v58 =	vld [tilespmem:s31+$0xFFFFFF70];
	s31 =	sadd.s32 $0x200, s31;
	(erf) = vrcp.f32 v3  }
0x6a3: {  	v63 =	vld [tilespmem:s31+$0x80]  }
0x6a4: {  	v3 =	vld [tilespmem:s23+$0xFFFFFF00];
	v10 =	vpop (erf)  }
0x6a5: {  	v14 =	vld [tilespmem:s31+$0xFFFFFF00];
	v12 =	vpop (erf)  }
0x6a6: {  	v7 =	vld [tilespmem:s23+$0xFFFFFF80];
	v2 =	vmul.f32 v12, v2  }
0x6a7: {  	v8 =	vld.idx.msk [tilespmem:v8+s3+$0x0], $0xffff;
	v4 =	vor.u32 $0x1, v4  }
0x6a8: {  	v15 =	vld [tilespmem:s31+$0xFFFFFF80];
	v2 =	vadd.f32 v63, v2  }
0x6a9: {  	v6 =	vld [tilespmem:s31+$0x0];
	v3 =	vmul.f32 v10, v3  }
0x6aa: {  	v9 =	vld.idx.msk [tilespmem:v9+s3+$0x0], $0xffff;
	v17 =	vpop (erf);
	v2 =	vadd.f32 v2, v11  }
0x6ab: {  	v57 =	vld [tilespmem:s0+$0x99F0];
	v7 =	vmul.f32 v17, v7;
	v3 =	vadd.f32 v14, v3;
	v63 =	vpop (erf)  }
0x6ac: {  	v4 =	vld.idx.msk [tilespmem:v4+s3+$0x0], $0xffff;
	v13 =	vmul.f32 v63, v13;
	[tilespmem:s23+$0x80] =	vst v2  }
0x6ad: {  	v3 =	vadd.f32 v11, v3;
	v2 =	vadd.f32 v15, v7;
	v7 =	vld [tilespmem:s31+$0x90]  }
0x6ae: {  	v14 =	vld [tilespmem:s23+$0xFFFFFF90];
	v6 =	vadd.f32 v6, v13  }
0x6af: {  	[tilespmem:s23+$0xFFFFFF00] =	vst v3;
	v13 =	vld [tilespmem:s0+$0x9990];
	v2 =	vadd.f32 v2, v11  }
0x6b0: {  	v15 =	vld [tilespmem:s31+$0xFFFFFF10];
	v3 =	vadd.f32 v6, v11;
	v11 =	vmul.f32 v19, v12  }
0x6b1: {  	v6 =	vld [tilespmem:s23+$0x10];
	[tilespmem:s23+$0xFFFFFF80] =	vst v2  }
0x6b2: {  	[tilespmem:s23+$0x0] =	vst v3;
	v2 =	vld [tilespmem:s31+$0xFFFFFF90];
	v3 =	vadd.f32 v7, v11  }
0x6b3: {  	v7 =	vld [tilespmem:s31+$0x10]  }
0x6b4: {  	v11 =	vld [tilespmem:s0+$0x9990];
	v3 =	vadd.f32 v13, v3  }
0x6b5: {  	v13 =	vld [tilespmem:s23+$0xA0]  }
0x6b6: {  	v14 =	vmul.f32 v14, v17;
	v19 =	vld [tilespmem:s0+$0x9990];
	[tilespmem:s23+$0x90] =	vst v3  }
0x6b7: {  	v3 =	vmul.f32 v6, v63;
	v6 =	vld [tilespmem:s31+$0xA0]  }
0x6b8: {  	v2 =	vadd.f32 v2, v14;
	v14 =	vld [tilespmem:s0+$0x9990]  }
0x6b9: {  	v62 =	vmul.f32 v62, v10;
	v3 =	vadd.f32 v7, v3;
	v7 =	vld [tilespmem:s0+$0x99A0]  }
0x6ba: {  	v2 =	vadd.f32 v11, v2;
	v11 =	vld [tilespmem:s23+$0xFFFFFF20];
	v13 =	vmul.f32 v13, v12  }
0x6bb: {  	v15 =	vadd.f32 v15, v62;
	v3 =	vadd.f32 v19, v3;
	v19 =	vld [tilespmem:s23+$0xFFFFFFA0]  }
0x6bc: {  	[tilespmem:s23+$0xFFFFFF90] =	vst v2;
	v2 =	vld [tilespmem:s23+$0x20];
	v6 =	vadd.f32 v6, v13  }
0x6bd: {  	v62 =	vadd.f32 v14, v15;
	v14 =	vld [tilespmem:s31+$0xFFFFFFA0];
	[tilespmem:s23+$0x10] =	vst v3  }
0x6be: {  	v3 =	vld [tilespmem:s31+$0x20];
	v6 =	vadd.f32 v7, v6  }
0x6bf: {  	v7 =	vld [tilespmem:s23+$0xB0]  }
0x6c0: {  	v8 =	vmax.f32 v8, $9.999999710e-10;
	v15 =	vld [tilespmem:s0+$0x99A0];
	[tilespmem:s23+$0xA0] =	vst v6  }
0x6c1: {  	(erf) = vrcp.f32 v8;
	[tilespmem:s23+$0xFFFFFF10] =	vst v62;
	v62 =	vmax.f32 v9, $9.999999710e-10;
	v8 =	vld [tilespmem:s31+$0xB0]  }
0x6c2: {  	v5 =	vmax.f32 v5, $9.999999710e-10;
	(erf) = vrcp.f32 v62;
	v6 =	vld [tilespmem:s0+$0x99A0]  }
0x6c3: {  	(erf) = vrcp.f32 v5;
	v2 =	vmul.f32 v2, v63;
	v9 =	vld [tilespmem:s0+$0x99B0]  }
0x6c4: {  	v4 =	vmax.f32 v4, $9.999999710e-10;
	v13 =	vld [tilespmem:s31+$0xFFFFFF20];
	v62 =	vmul.f32 v19, v17;
	v7 =	vmul.f32 v7, v12  }
0x6c5: {  	v56 =	vld [tilespmem:s0+$0x99F0];
	(erf) = vrcp.f32 v4;
	v2 =	vadd.f32 v3, v2  }
0x6c6: {  	v5 =	vld [tilespmem:s0+$0x99A0];
	v4 =	vadd.f32 v14, v62;
	v7 =	vadd.f32 v8, v7  }
0x6c7: {  	v62 =	vmul.f32 v11, v10;
	v12 =	vld [tilespmem:s23+$0xFFFFFF30];
	v2 =	vadd.f32 v15, v2  }
0x6c8: {  	v3 =	vadd.f32 v6, v4;
	v4 =	vld [tilespmem:s23+$0xFFFFFFB0];
	v7 =	vadd.f32 v9, v7  }
0x6c9: {  	v6 =	vld [tilespmem:s23+$0x30];
	v8 =	vadd.f32 v13, v62;
	[tilespmem:s23+$0x20] =	vst v2  }
0x6ca: {  	[tilespmem:s23+$0xFFFFFFA0] =	vst v3;
	v3 =	vld [tilespmem:s23+$0xC0]  }
0x6cb: {  	v62 =	vpop (erf);
	v11 =	vld [tilespmem:s31+$0x30];
	[tilespmem:s23+$0xB0] =	vst v7  }
0x6cc: {  	v5 =	vadd.f32 v5, v8;
	v2 =	vld [tilespmem:s31+$0xC0];
	v7 =	vpop (erf)  }
0x6cd: {  	v9 =	vld [tilespmem:s31+$0xFFFFFFB0];
	v8 =	vpop (erf)  }
0x6ce: {  	[tilespmem:s23+$0xFFFFFF20] =	vst v5;
	v5 =	vld [tilespmem:s0+$0x99C0];
	v13 =	vpop (erf)  }
0x6cf: {  	v15 =	vld [tilespmem:s0+$0x99B0];
	v3 =	vmul.f32 v3, v13  }
0x6d0: {  	v10 =	vmul.f32 v12, v10;
	v12 =	vld [tilespmem:s23+$0xD0]  }
0x6d1: {  	v14 =	vld [tilespmem:s31+$0xFFFFFF30];
	v2 =	vadd.f32 v2, v3  }
0x6d2: {  	v4 =	vmul.f32 v4, v17;
	v6 =	vmul.f32 v6, v63;
	v3 =	vld [tilespmem:s0+$0x99B0]  }
0x6d3: {  	v17 =	vld [tilespmem:s0+$0x99B0];
	v2 =	vadd.f32 v5, v2  }
0x6d4: {  	v6 =	vadd.f32 v11, v6;
	v11 =	vld [tilespmem:s23+$0xFFFFFFC0];
	v4 =	vadd.f32 v9, v4  }
0x6d5: {  	v5 =	vld [tilespmem:s23+$0xFFFFFF40];
	[tilespmem:s23+$0xC0] =	vst v2  }
0x6d6: {  	v4 =	vadd.f32 v15, v4;
	v2 =	vadd.f32 v14, v10;
	v10 =	vld [tilespmem:s31+$0xD0]  }
0x6d7: {  	v3 =	vadd.f32 v3, v6;
	v6 =	vld [tilespmem:s23+$0x40]  }
0x6d8: {  	[tilespmem:s23+$0xFFFFFFB0] =	vst v4;
	v63 =	vld [tilespmem:s0+$0x99D0];
	v2 =	vadd.f32 v17, v2  }
0x6d9: {  	[tilespmem:s23+$0x30] =	vst v3;
	v3 =	vld [tilespmem:s31+$0xFFFFFFC0]  }
0x6da: {  	v9 =	vmul.f32 v12, v13;
	[tilespmem:s23+$0xFFFFFF30] =	vst v2;
	v2 =	vld [tilespmem:s31+$0x40]  }
0x6db: {  	v14 =	vld [tilespmem:s0+$0x99C0]  }
0x6dc: {  	v12 =	vld [tilespmem:s31+$0xFFFFFF40];
	v9 =	vadd.f32 v10, v9  }
0x6dd: {  	v10 =	vld [tilespmem:s0+$0x99C0];
	v6 =	vmul.f32 v6, v8  }
0x6de: {  	v59 =	vld [tilespmem:s0+$0x99F0];
	v4 =	vadd.f32 v63, v9;
	v63 =	vmul.f32 v11, v7  }
0x6df: {  	v15 =	vld [tilespmem:s0+$0x99C0];
	v2 =	vadd.f32 v2, v6  }
0x6e0: {  	v17 =	vld [tilespmem:s23+$0xF0];
	v5 =	vmul.f32 v5, v62;
	v3 =	vadd.f32 v3, v63  }
0x6e1: {  	v11 =	vld [tilespmem:s23+$0xE0];
	v2 =	vadd.f32 v14, v2  }
0x6e2: {  	v6 =	vld [tilespmem:s23+$0xFFFFFF50];
	v5 =	vadd.f32 v12, v5;
	v3 =	vadd.f32 v10, v3  }
0x6e3: {  	v10 =	vld [tilespmem:s23+$0xFFFFFFD0];
	[tilespmem:s23+$0x40] =	vst v2  }
0x6e4: {  	v5 =	vadd.f32 v15, v5;
	[tilespmem:s23+$0xFFFFFFC0] =	vst v3;
	v3 =	vld [tilespmem:s23+$0x50]  }
0x6e5: {  	v12 =	vld [tilespmem:s31+$0x50]  }
0x6e6: {  	[tilespmem:s23+$0xFFFFFF40] =	vst v5;
	v2 =	vld [tilespmem:s31+$0xFFFFFFD0]  }
0x6e7: {  	v63 =	vld [tilespmem:s31+$0xFFFFFF50]  }
0x6e8: {  	[tilespmem:s23+$0xD0] =	vst v4;
	v5 =	vld [tilespmem:s0+$0x99D0]  }
0x6e9: {  	v4 =	vld [tilespmem:s31+$0xE0];
	v10 =	vmul.f32 v10, v7  }
0x6ea: {  	v15 =	vld [tilespmem:s0+$0x99D0];
	v6 =	vmul.f32 v6, v62  }
0x6eb: {  	v3 =	vmul.f32 v3, v8;
	v2 =	vadd.f32 v2, v10;
	v10 =	vld [tilespmem:s0+$0x99D0]  }
0x6ec: {  	v9 =	vld [tilespmem:s0+$0x99E0];
	v6 =	vadd.f32 v63, v6  }
0x6ed: {  	v63 =	vld [tilespmem:s23+$0xFFFFFFE0];
	v3 =	vadd.f32 v12, v3;
	v2 =	vadd.f32 v5, v2  }
0x6ee: {  	v5 =	vld [tilespmem:s23+$0xFFFFFF60]  }
0x6ef: {  	v3 =	vadd.f32 v15, v3;
	[tilespmem:s23+$0xFFFFFFD0] =	vst v2;
	v2 =	vmul.f32 v11, v13;
	v11 =	vld [tilespmem:s23+$0x60]  }
0x6f0: {  	v6 =	vadd.f32 v10, v6;
	v10 =	vld [tilespmem:s31+$0xFFFFFFE0]  }
0x6f1: {  	[tilespmem:s23+$0x50] =	vst v3;
	v2 =	vadd.f32 v4, v2;
	v4 =	vld [tilespmem:s0+$0x99E0]  }
0x6f2: {  	v3 =	vld [tilespmem:s31+$0x60];
	[tilespmem:s23+$0xFFFFFF50] =	vst v6  }
0x6f3: {  	v2 =	vadd.f32 v9, v2;
	v6 =	vld [tilespmem:s31+$0xFFFFFF60]  }
0x6f4: {  	v9 =	vmul.f32 v63, v7;
	v63 =	vld [tilespmem:s0+$0x99E0]  }
0x6f5: {  	v14 =	vld [tilespmem:s0+$0x99E0];
	[tilespmem:s23+$0xE0] =	vst v2;
	v2 =	vmul.f32 v11, v8  }
0x6f6: {  	v9 =	vadd.f32 v10, v9;
	v10 =	vld [tilespmem:s31+$0xF0]  }
0x6f7: {  	v5 =	vmul.f32 v5, v62;
	v2 =	vadd.f32 v3, v2;
	v3 =	vld [tilespmem:s0+$0x99F0]  }
0x6f8: {  	v4 =	vadd.f32 v4, v9;
	v9 =	vld [tilespmem:s23+$0xFFFFFFF0]  }
0x6f9: {  	v5 =	vadd.f32 v6, v5;
	v6 =	vld [tilespmem:s23+$0xFFFFFF70]  }
0x6fa: {  	v52 =	vmul.f32 v54, v52;
	v2 =	vadd.f32 v63, v2;
	[tilespmem:s23+$0xFFFFFFE0] =	vst v4;
	v63 =	vld [tilespmem:s23+$0x70]  }
0x6fb: {  	v51 =	vmul.f32 v55, v51;
	v13 =	vmul.f32 v17, v13;
	v4 =	vadd.f32 v14, v5;
	v17 =	vld [tilespmem:s0+$0x99F0]  }
0x6fc: {  	v12 =	vadd.f32 v61, v52;
	[tilespmem:s23+$0x60] =	vst v2;
	v2 =	vld [tilespmem:s31+$0xFFFFFFF0]  }
0x6fd: {  	v55 =	vmul.f32 v53, v50;
	v11 =	vadd.f32 v60, v51;
	[tilespmem:s23+$0xFFFFFF60] =	vst v4;
	v54 =	vld [tilespmem:s31+$0x70]  }
0x6fe: {  	v12 =	vadd.f32 v57, v12;
	v15 =	vld [tilespmem:s31+$0xFFFFFF70]  }
0x6ff: {  	v11 =	vadd.f32 v59, v11;
	v14 =	vadd.f32 v58, v55;
	v7 =	vmul.f32 v9, v7;
	v59 =	vld [tilespmem:s0+$0x99F0]  }
0x700: {  	v10 =	vadd.f32 v10, v13;
	v60 =	vld [tilespmem:s0+$0x99F0];
	v5 =	vmul.f32 v63, v8  }
0x701: {  	[tilespmem:s11+$0x70] =	vst v12;
	v61 =	vadd.f32 v56, v14;
	v6 =	vmul.f32 v6, v62;
	v2 =	vadd.f32 v2, v7  }
0x702: {  	[tilespmem:s11+$0xFFFFFFF0] =	vst v11;
	v3 =	vadd.f32 v3, v10;
	v4 =	vadd.f32 v54, v5  }
0x703: {  	[tilespmem:s11+$0xFFFFFF70] =	vst v61;
	v62 =	vadd.f32 v15, v6;
	v2 =	vadd.f32 v17, v2  }
0x704: {  	[tilespmem:s23+$0xF0] =	vst v3;
	v3 =	vadd.f32 v59, v4  }
0x705: {  	v63 =	vadd.f32 v60, v62;
	[tilespmem:s23+$0xFFFFFFF0] =	vst v2  }
0x706: {  	[tilespmem:s23+$0x70] =	vst v3  }
0x707: {  	[tilespmem:s23+$0xFFFFFF70] =	vst v63  }
.Ltmp9:
0x708: {  	s11 =	rddreg [dreg:$0xc];
	(pc) =	sbr.rel @p0 .LBB2_19-.Ltmp9, $4  }
0x709: {  	[hbm4b:s11+s24] =	stream.linear.scatter [tilespmem:s1], [sflag:$0x2], $0x4000, $0x38;
	[tilespmem:$0x1FA10] =	vst v63  }
0x70a: {  	_ =	swait.ge [sflag:s2], $0x4000  }
0x70b: {  	[sflag:s2] =	ssyncset.done $0x0  }
0x70c: {  	[sflag:s2] =	ssyncadd.s32 $0xFFFFC000  }
0x70d: {  	s11 =	rddreg [dreg:$0x15]  }
0x70e: {  	[tilespmem:s1], [sflag:$0x2] =	stream.linear.gather [spmem:s11], $0x4000, $0x38;
	[tilespmem:$0x1FA10] =	vst v63  }
0x70f: {  	_ =	swait.ge [sflag:s2], $0x4000  }
0x710: {  	[sflag:s2] =	ssyncset.done $0x0  }
0x711: {  	s12 =	rddreg [dreg:$0x16];
	[sflag:s2] =	ssyncadd.s32 $0xFFFFC000  }
0x712: {  	[tilespmem:s3], [sflag:$0x2] =	stream.linear.gather [spmem:s12], $0x800, $0x38;
	[tilespmem:$0x1FA10] =	vst v63  }
0x713: {  	_ =	swait.ge [sflag:s2], $0x800  }
0x714: {  	s13 =	simm.s32 $0x0;
	s15 =	simm.s32 $0x30;
	[sflag:s2] =	ssyncset.done $0x0  }
0x715: {  	v2 =	vmov s13;
	s12 =	simm.s32 $0x0;
	s13 =	rddreg [dreg:$0xd];
	[sflag:s2] =	ssyncadd.s32 $0xFFFFF800  }
0x716: {  	v3 =	vmov s15;
	[tilespmem:s7], [sflag:$0x2] =	stream.linear.gather [hbm4b:s13+s12], $0x4000, $0x38;
	[tilespmem:$0x1FA10] =	vst v63  }
0x717: {  	_ =	swait.ge [sflag:s2], $0x4000  }
0x718: {  	[sflag:s2] =	ssyncset.done $0x0  }
0x719: {  	s22 =	simm.s32 $0x10;
	[sflag:s2] =	ssyncadd.s32 $0xFFFFC000  }
0x71a: {  	s23 =	simm.s32 $0x20;
	v4 =	vmov s22;
	v5 =	vld.idx.msk [tilespmem:v2+s3+$0x0], $0xffff  }
0x71b: {  	v7 =	vmov s23;
	v6 =	vld.idx.msk [tilespmem:v3+s3+$0x0], $0xffff;
	_ =	sdelay $0x1  }
0x71c: {  	v9 =	vor.u32 $0x1, v7;
	_ =	sdelay $0x1  }
0x71d: {  	v8 =	vor.u32 $0x1, v4;
	v4 =	vld.idx.msk [tilespmem:v4+s3+$0x0], $0xffff;
	v5 =	vmax.f32 v5, $9.999999710e-10  }
0x71e: {  	v58 =	vld.idx.msk [tilespmem:v7+s3+$0x0], $0xffff;
	v6 =	vmax.f32 v6, $9.999999710e-10;
	(erf) = vrcp.f32 v5  }
0x71f: {  	(erf) = vrcp.f32 v6  }
0x720: {  	s13 =	simm.s32 $0x5A80;
	v7 =	vld.idx.msk [tilespmem:v9+s3+$0x0], $0xffff  }
0x721: {  	v59 =	vld [tilespmem:s13+$0x80]  }
0x722: {  	s31 =	simm.s32 $0x1A80;
	v60 =	vld [tilespmem:s13+$0xFFFFFF00];
	v4 =	vmax.f32 v4, $9.999999710e-10  }
0x723: {  	v61 =	vld [tilespmem:s31+$0x80];
	v5 =	vmax.f32 v58, $9.999999710e-10;
	(erf) = vrcp.f32 v4  }
0x724: {  	v62 =	vld [tilespmem:s13+$0xFFFFFF80];
	(erf) = vrcp.f32 v5  }
0x725: {  	v11 =	vld [tilespmem:s0+$0x9980]  }
0x726: {  	v13 =	vld [tilespmem:s13+$0x0]  }
0x727: {  	v14 =	vld [tilespmem:s31+$0xFFFFFF80];
	v10 =	vpop (erf)  }
0x728: {  	v15 =	vld [tilespmem:s31+$0xFFFFFF00];
	v12 =	vpop (erf)  }
0x729: {  	v2 =	vor.u32 $0x1, v2;
	v17 =	vld [tilespmem:s31+$0x0];
	v4 =	vmul.f32 v12, v59  }
0x72a: {  	v3 =	vor.u32 $0x1, v3;
	v19 =	vld [tilespmem:s13+$0x90]  }
0x72b: {  	v50 =	vld [tilespmem:s13+$0xFFFFFF10];
	v4 =	vadd.f32 v61, v4  }
0x72c: {  	v6 =	vld.idx.msk [tilespmem:v8+s3+$0x0], $0xffff;
	v8 =	vmul.f32 v10, v60;
	v5 =	vpop (erf)  }
0x72d: {  	v54 =	vld [tilespmem:s13+$0xFFFFFF90];
	v9 =	vmul.f32 v5, v62;
	v53 =	vpop (erf);
	v4 =	vadd.f32 v4, v11  }
0x72e: {  	v2 =	vld.idx.msk [tilespmem:v2+s3+$0x0], $0xffff;
	v8 =	vadd.f32 v15, v8;
	v51 =	vmul.f32 v53, v13  }
0x72f: {  	v3 =	vld.idx.msk [tilespmem:v3+s3+$0x0], $0xffff;
	v63 =	vadd.f32 v14, v9;
	[tilespmem:s13+$0x80] =	vst v4  }
0x730: {  	v8 =	vadd.f32 v11, v8;
	v9 =	vadd.f32 v17, v51;
	v52 =	vld [tilespmem:s31+$0x90]  }
0x731: {  	v17 =	vld [tilespmem:s13+$0x10];
	v4 =	vadd.f32 v63, v11  }
0x732: {  	[tilespmem:s13+$0xFFFFFF00] =	vst v8;
	v55 =	vadd.f32 v9, v11;
	v15 =	vld [tilespmem:s0+$0x9990]  }
0x733: {  	v19 =	vmul.f32 v19, v12;
	v57 =	vld [tilespmem:s31+$0xFFFFFF10];
	[tilespmem:s13+$0xFFFFFF80] =	vst v4  }
0x734: {  	[tilespmem:s13+$0x0] =	vst v55;
	v55 =	vld [tilespmem:s13+$0xFFFFFF20]  }
0x735: {  	v56 =	vld [tilespmem:s31+$0xFFFFFF90];
	v58 =	vadd.f32 v52, v19  }
0x736: {  	v59 =	vld [tilespmem:s0+$0x9990]  }
0x737: {  	v61 =	vld [tilespmem:s31+$0x10];
	v11 =	vadd.f32 v15, v58  }
0x738: {  	v15 =	vld [tilespmem:s13+$0xA0]  }
0x739: {  	v19 =	vld [tilespmem:s0+$0x9990];
	[tilespmem:s13+$0x90] =	vst v11  }
0x73a: {  	v60 =	vmul.f32 v54, v5;
	v63 =	vld [tilespmem:s31+$0xA0]  }
0x73b: {  	v62 =	vmul.f32 v17, v53;
	v17 =	vld [tilespmem:s0+$0x9990];
	v52 =	vmul.f32 v50, v10  }
0x73c: {  	v8 =	vadd.f32 v56, v60;
	v54 =	vld [tilespmem:s0+$0x99A0]  }
0x73d: {  	v56 =	vadd.f32 v57, v52;
	v57 =	vld [tilespmem:s13+$0xFFFFFFA0];
	v11 =	vadd.f32 v61, v62;
	v15 =	vmul.f32 v15, v12  }
0x73e: {  	v60 =	vld [tilespmem:s13+$0xB0];
	v4 =	vadd.f32 v59, v8  }
0x73f: {  	v59 =	vld [tilespmem:s13+$0x20];
	v58 =	vadd.f32 v19, v11;
	v13 =	vadd.f32 v63, v15  }
0x740: {  	[tilespmem:s13+$0xFFFFFF90] =	vst v4;
	v4 =	vadd.f32 v17, v56;
	v56 =	vld [tilespmem:s13+$0xFFFFFFB0]  }
0x741: {  	v62 =	vld [tilespmem:s0+$0x99A0];
	[tilespmem:s13+$0x10] =	vst v58;
	v13 =	vadd.f32 v54, v13  }
0x742: {  	[tilespmem:s13+$0xFFFFFF10] =	vst v4;
	v9 =	vld [tilespmem:s31+$0x20]  }
0x743: {  	v2 =	vmax.f32 v2, $9.999999710e-10;
	v61 =	vld [tilespmem:s31+$0xFFFFFF20];
	[tilespmem:s13+$0xA0] =	vst v13  }
0x744: {  	v6 =	vmax.f32 v6, $9.999999710e-10;
	(erf) = vrcp.f32 v2;
	v2 =	vld [tilespmem:s31+$0xB0]  }
0x745: {  	v7 =	vmax.f32 v7, $9.999999710e-10;
	(erf) = vrcp.f32 v6;
	v15 =	vld [tilespmem:s31+$0xFFFFFFA0]  }
0x746: {  	v3 =	vmax.f32 v3, $9.999999710e-10;
	(erf) = vrcp.f32 v7;
	v51 =	vld [tilespmem:s0+$0x99B0]  }
0x747: {  	(erf) = vrcp.f32 v3;
	v4 =	vmul.f32 v60, v12;
	v52 =	vld [tilespmem:s0+$0x99A0]  }
0x748: {  	v12 =	vld [tilespmem:s13+$0xFFFFFF30];
	v3 =	vmul.f32 v59, v53  }
0x749: {  	v63 =	vmul.f32 v57, v5;
	v54 =	vld [tilespmem:s0+$0x99A0];
	v2 =	vadd.f32 v2, v4  }
0x74a: {  	v55 =	vmul.f32 v55, v10;
	v58 =	vld [tilespmem:s13+$0xC0];
	v3 =	vadd.f32 v9, v3  }
0x74b: {  	v57 =	vld [tilespmem:s13+$0x30];
	v7 =	vadd.f32 v15, v63;
	v2 =	vadd.f32 v51, v2  }
0x74c: {  	v5 =	vmul.f32 v56, v5;
	v56 =	vld [tilespmem:s13+$0xFFFFFFC0];
	v3 =	vadd.f32 v52, v3;
	v4 =	vadd.f32 v61, v55  }
0x74d: {  	v50 =	vpop (erf);
	v9 =	vld [tilespmem:s13+$0xFFFFFF40];
	v6 =	vadd.f32 v62, v7;
	[tilespmem:s13+$0xB0] =	vst v2  }
0x74e: {  	[tilespmem:s13+$0x20] =	vst v3;
	v51 =	vpop (erf);
	v2 =	vadd.f32 v54, v4;
	v3 =	vld [tilespmem:s31+$0xC0]  }
0x74f: {  	[tilespmem:s13+$0xFFFFFFA0] =	vst v6;
	v60 =	vld [tilespmem:s31+$0x30];
	v52 =	vpop (erf)  }
0x750: {  	v11 =	vpop (erf);
	[tilespmem:s13+$0xFFFFFF20] =	vst v2;
	v2 =	vld [tilespmem:s0+$0x99C0]  }
0x751: {  	v59 =	vld [tilespmem:s31+$0xFFFFFFB0];
	v6 =	vmul.f32 v58, v11  }
0x752: {  	v15 =	vld [tilespmem:s0+$0x99B0]  }
0x753: {  	v62 =	vld [tilespmem:s0+$0x99B0];
	v54 =	vmul.f32 v57, v53;
	v3 =	vadd.f32 v3, v6  }
0x754: {  	v55 =	vld [tilespmem:s13+$0xD0]  }
0x755: {  	v53 =	vld [tilespmem:s13+$0xE0];
	v4 =	vadd.f32 v60, v54;
	v2 =	vadd.f32 v2, v3  }
0x756: {  	v58 =	vld [tilespmem:s13+$0x40];
	v3 =	vadd.f32 v59, v5  }
0x757: {  	v61 =	vld [tilespmem:s31+$0xFFFFFF30];
	v4 =	vadd.f32 v15, v4;
	[tilespmem:s13+$0xC0] =	vst v2  }
0x758: {  	v3 =	vadd.f32 v62, v3;
	v57 =	vld [tilespmem:s31+$0xD0]  }
0x759: {  	v63 =	vld [tilespmem:s0+$0x99B0];
	[tilespmem:s13+$0x30] =	vst v4  }
0x75a: {  	v2 =	vmul.f32 v12, v10;
	[tilespmem:s13+$0xFFFFFFB0] =	vst v3;
	v3 =	vld [tilespmem:s0+$0x99D0]  }
0x75b: {  	v60 =	vld [tilespmem:s31+$0x40];
	v5 =	vmul.f32 v55, v11  }
0x75c: {  	v62 =	vld [tilespmem:s0+$0x99C0];
	v2 =	vadd.f32 v61, v2  }
0x75d: {  	v59 =	vld [tilespmem:s31+$0xFFFFFFC0];
	v5 =	vadd.f32 v57, v5  }
0x75e: {  	v10 =	vmul.f32 v58, v52;
	v58 =	vld [tilespmem:s13+$0x50];
	v2 =	vadd.f32 v63, v2  }
0x75f: {  	v61 =	vld [tilespmem:s0+$0x99C0];
	v3 =	vadd.f32 v3, v5  }
0x760: {  	[tilespmem:s13+$0xFFFFFF30] =	vst v2;
	v2 =	vmul.f32 v56, v51;
	v56 =	vld [tilespmem:s13+$0xFFFFFF50]  }
0x761: {  	v6 =	vadd.f32 v60, v10;
	v63 =	vld [tilespmem:s31+$0xFFFFFF40];
	[tilespmem:s13+$0xD0] =	vst v3  }
0x762: {  	v2 =	vadd.f32 v59, v2;
	v55 =	vld [tilespmem:s31+$0xE0]  }
0x763: {  	v6 =	vadd.f32 v62, v6;
	v54 =	vld [tilespmem:s0+$0x99C0]  }
0x764: {  	v3 =	vmul.f32 v9, v50;
	v2 =	vadd.f32 v61, v2;
	v57 =	vld [tilespmem:s0+$0x99E0]  }
0x765: {  	v4 =	vmul.f32 v53, v11;
	[tilespmem:s13+$0x40] =	vst v6;
	v61 =	vld [tilespmem:s13+$0xF0]  }
0x766: {  	v3 =	vadd.f32 v63, v3;
	[tilespmem:s13+$0xFFFFFFC0] =	vst v2;
	v2 =	vld [tilespmem:s13+$0xFFFFFFD0]  }
0x767: {  	v63 =	vld [tilespmem:s0+$0x99D0];
	v4 =	vadd.f32 v55, v4  }
0x768: {  	v59 =	vld [tilespmem:s31+$0xFFFFFFD0];
	v3 =	vadd.f32 v54, v3  }
0x769: {  	v62 =	vld [tilespmem:s0+$0x99D0];
	v4 =	vadd.f32 v57, v4  }
0x76a: {  	[tilespmem:s13+$0xFFFFFF40] =	vst v3;
	v3 =	vld [tilespmem:s31+$0x50]  }
0x76b: {  	v60 =	vld [tilespmem:s31+$0xFFFFFF50];
	v2 =	vmul.f32 v2, v51;
	[tilespmem:s13+$0xE0] =	vst v4  }
0x76c: {  	v4 =	vld [tilespmem:s31+$0xF0]  }
0x76d: {  	v5 =	vmul.f32 v58, v52;
	v54 =	vld [tilespmem:s0+$0x99D0];
	v2 =	vadd.f32 v59, v2  }
0x76e: {  	v8 =	vmul.f32 v56, v50;
	v6 =	vld [tilespmem:s0+$0x99F0]  }
0x76f: {  	v14 =	vld [tilespmem:s13+$0xFFFFFF60];
	v7 =	vmul.f32 v61, v11;
	v3 =	vadd.f32 v3, v5;
	v2 =	vadd.f32 v62, v2  }
0x770: {  	v53 =	vld [tilespmem:s13+$0xFFFFFFE0];
	v55 =	vadd.f32 v60, v8  }
0x771: {  	v61 =	vld [tilespmem:s13+$0x60];
	[tilespmem:s13+$0xFFFFFFD0] =	vst v2;
	v2 =	vadd.f32 v63, v3;
	v4 =	vadd.f32 v4, v7  }
0x772: {  	v58 =	vld [tilespmem:s31+$0xFFFFFFE0];
	v63 =	vadd.f32 v54, v55  }
0x773: {  	v56 =	vld [tilespmem:s0+$0x99E0];
	[tilespmem:s13+$0x50] =	vst v2;
	v3 =	vadd.f32 v6, v4  }
0x774: {  	v59 =	vld [tilespmem:s31+$0x60];
	[tilespmem:s13+$0xFFFFFF50] =	vst v63  }
0x775: {  	s15 =	simm.s32 $0x40;
	s11 =	simm.s32 $0x5A80;
	s12 =	simm.s32 $0x8;
	v57 =	vmul.f32 v14, v50;
	v62 =	vmul.f32 v53, v51;
	v60 =	vld [tilespmem:s0+$0x99E0];
	[tilespmem:s13+$0xF0] =	vst v3  }
.LBB2_17:
0x776: {  	p4 =	slt.u32 s12, $0x7C;
	v2 =	vmov s15;
	s22 =	sadd.s32 $0x10, s15;
	s23 =	sadd.s32 $0x30, s15;
	v3 =	vld [tilespmem:s31+$0xFFFFFF60];
	v4 =	vmul.f32 v61, v52  }
0x777: {  	s15 =	sadd.s32 $0x20, s15;
	v5 =	vor.u32 $0x1, v2;
	v6 =	vmov s22;
	v7 =	vmov s23;
	v8 =	vld [tilespmem:s0+$0x99E0]  }
0x778: {  	v10 =	vmov s15;
	v12 =	vadd.f32 v58, v62;
	v9 =	vor.u32 $0x1, v6;
	v11 =	vld [tilespmem:s13+$0xFFFFFF70]  }
0x779: {  	v13 =	vor.u32 $0x1, v10;
	v14 =	vld [tilespmem:s13+$0xFFFFFFF0];
	v4 =	vadd.f32 v59, v4  }
0x77a: {  	v12 =	vadd.f32 v56, v12;
	v15 =	vld [tilespmem:s13+$0x70]  }
0x77b: {  	v2 =	vld.idx.msk [tilespmem:v2+s3+$0x0], $0xffff;
	v3 =	vadd.f32 v3, v57;
	v4 =	vadd.f32 v60, v4  }
0x77c: {  	v17 =	vld.idx.msk [tilespmem:v7+s3+$0x0], $0xffff;
	[tilespmem:s13+$0xFFFFFFE0] =	vst v12  }
0x77d: {  	v6 =	vld.idx.msk [tilespmem:v6+s3+$0x0], $0xffff;
	v3 =	vadd.f32 v8, v3;
	v8 =	vmul.f32 v11, v50;
	[tilespmem:s13+$0x60] =	vst v4  }
0x77e: {  	v4 =	vld.idx.msk [tilespmem:v10+s3+$0x0], $0xffff;
	v10 =	vmul.f32 v14, v51  }
0x77f: {  	v5 =	vld.idx.msk [tilespmem:v5+s3+$0x0], $0xffff;
	[tilespmem:s13+$0xFFFFFF60] =	vst v3;
	v3 =	vmul.f32 v15, v52  }
0x780: {  	v9 =	vld.idx.msk [tilespmem:v9+s3+$0x0], $0xffff  }
0x781: {  	v2 =	vmax.f32 v2, $9.999999710e-10;
	v11 =	vld.idx.msk [tilespmem:v13+s3+$0x0], $0xffff  }
0x782: {  	v12 =	vmax.f32 v17, $9.999999710e-10;
	(erf) = vrcp.f32 v2;
	v2 =	vld [tilespmem:s31+$0xFFFFFFF0]  }
0x783: {  	v6 =	vmax.f32 v6, $9.999999710e-10;
	(erf) = vrcp.f32 v12;
	v12 =	vld [tilespmem:s31+$0x70]  }
0x784: {  	v4 =	vmax.f32 v4, $9.999999710e-10;
	(erf) = vrcp.f32 v6;
	v6 =	vld [tilespmem:s31+$0xFFFFFF70]  }
0x785: {  	v5 =	vmax.f32 v5, $9.999999710e-10;
	(erf) = vrcp.f32 v4;
	v4 =	vld [tilespmem:s0+$0x99F0]  }
0x786: {  	v9 =	vmax.f32 v9, $9.999999710e-10;
	(erf) = vrcp.f32 v5;
	v5 =	vld [tilespmem:s0+$0x99F0]  }
0x787: {  	s13 =	sadd.s32 $0x200, s13;
	v11 =	vmax.f32 v11, $9.999999710e-10;
	(erf) = vrcp.f32 v9;
	v9 =	vld [tilespmem:s0+$0x99F0];
	v2 =	vadd.f32 v2, v10  }
0x788: {  	v10 =	vld [tilespmem:s13+$0x80];
	(erf) = vrcp.f32 v11;
	v3 =	vadd.f32 v12, v3  }
0x789: {  	s31 =	sadd.s32 $0x200, s31;
	v11 =	vld [tilespmem:s13+$0xFFFFFF00];
	v6 =	vadd.f32 v6, v8  }
0x78a: {  	v8 =	vld [tilespmem:s31+$0x80];
	v2 =	vadd.f32 v4, v2  }
0x78b: {  	v4 =	vld [tilespmem:s13+$0xFFFFFF80];
	v53 =	vpop (erf);
	v3 =	vadd.f32 v5, v3  }
0x78c: {  	v5 =	vld [tilespmem:s0+$0x9980];
	v12 =	vpop (erf);
	v6 =	vadd.f32 v9, v6;
	[tilespmem:s11+$0xFFFFFFF0] =	vst v2  }
0x78d: {  	v2 =	vld [tilespmem:s13+$0x0];
	v9 =	vmul.f32 v12, v10;
	v54 =	vpop (erf);
	[tilespmem:s11+$0x70] =	vst v3  }
0x78e: {  	v7 =	vor.u32 $0x1, v7;
	v3 =	vmul.f32 v53, v11;
	v10 =	vld [tilespmem:s31+$0xFFFFFF00];
	v55 =	vpop (erf);
	[tilespmem:s11+$0xFFFFFF70] =	vst v6;
	s11 =	smov.u32 s13  }
0x78f: {  	v6 =	vld [tilespmem:s31+$0xFFFFFF80];
	v8 =	vadd.f32 v8, v9;
	v50 =	vpop (erf)  }
0x790: {  	v4 =	vmul.f32 v54, v4;
	v9 =	vld [tilespmem:s31+$0x0];
	v51 =	vpop (erf)  }
0x791: {  	v11 =	vld [tilespmem:s13+$0xFFFFFF10];
	v8 =	vadd.f32 v8, v5;
	v52 =	vpop (erf)  }
0x792: {  	v2 =	vmul.f32 v55, v2;
	v13 =	vld [tilespmem:s13+$0x90]  }
0x793: {  	v3 =	vadd.f32 v10, v3;
	v7 =	vld.idx.msk [tilespmem:v7+s3+$0x0], $0xffff;
	[tilespmem:s13+$0x80] =	vst v8  }
0x794: {  	v4 =	vadd.f32 v6, v4;
	v6 =	vld [tilespmem:s31+$0x90]  }
0x795: {  	v3 =	vadd.f32 v5, v3;
	v8 =	vld [tilespmem:s13+$0xFFFFFF90];
	v2 =	vadd.f32 v9, v2  }
0x796: {  	v9 =	vmul.f32 v11, v53;
	v4 =	vadd.f32 v4, v5;
	v10 =	vld [tilespmem:s0+$0x9990]  }
0x797: {  	[tilespmem:s13+$0xFFFFFF00] =	vst v3;
	v2 =	vadd.f32 v2, v5;
	v3 =	vld [tilespmem:s13+$0x10];
	v5 =	vmul.f32 v13, v12  }
0x798: {  	v11 =	vld [tilespmem:s31+$0xFFFFFF10];
	[tilespmem:s13+$0xFFFFFF80] =	vst v4  }
0x799: {  	v4 =	vld [tilespmem:s31+$0xFFFFFF90];
	[tilespmem:s13+$0x0] =	vst v2;
	v2 =	vadd.f32 v6, v5  }
0x79a: {  	v5 =	vmul.f32 v8, v54;
	v6 =	vld [tilespmem:s31+$0x10]  }
0x79b: {  	v8 =	vld [tilespmem:s0+$0x9990];
	v2 =	vadd.f32 v10, v2  }
0x79c: {  	v3 =	vmul.f32 v3, v55;
	v10 =	vld [tilespmem:s13+$0xA0]  }
0x79d: {  	v9 =	vadd.f32 v11, v9;
	v11 =	vld [tilespmem:s0+$0x9990];
	[tilespmem:s13+$0x90] =	vst v2  }
0x79e: {  	v2 =	vadd.f32 v4, v5;
	v4 =	vld [tilespmem:s31+$0xA0]  }
0x79f: {  	v5 =	vld [tilespmem:s0+$0x9990];
	v3 =	vadd.f32 v6, v3  }
0x7a0: {  	v2 =	vadd.f32 v8, v2;
	v6 =	vld [tilespmem:s0+$0x99A0]  }
0x7a1: {  	v8 =	vld [tilespmem:s13+$0xFFFFFF20];
	v10 =	vmul.f32 v10, v12  }
0x7a2: {  	[tilespmem:s13+$0xFFFFFF90] =	vst v2;
	v2 =	vld [tilespmem:s13+$0xFFFFFFA0];
	v3 =	vadd.f32 v11, v3  }
0x7a3: {  	v11 =	vld [tilespmem:s13+$0x20];
	v4 =	vadd.f32 v4, v10  }
0x7a4: {  	v5 =	vadd.f32 v5, v9;
	v9 =	vld [tilespmem:s31+$0xFFFFFFA0];
	[tilespmem:s13+$0x10] =	vst v3  }
0x7a5: {  	v3 =	vld [tilespmem:s31+$0x20];
	v4 =	vadd.f32 v6, v4  }
0x7a6: {  	[tilespmem:s13+$0xFFFFFF10] =	vst v5;
	v5 =	vmul.f32 v8, v53;
	v6 =	vld [tilespmem:s13+$0xB0]  }
0x7a7: {  	v8 =	vld [tilespmem:s31+$0xFFFFFF20];
	v2 =	vmul.f32 v2, v54;
	[tilespmem:s13+$0xA0] =	vst v4  }
0x7a8: {  	v4 =	vmul.f32 v11, v55;
	v10 =	vld [tilespmem:s31+$0xB0]  }
0x7a9: {  	v2 =	vadd.f32 v9, v2;
	v9 =	vld [tilespmem:s0+$0x99A0]  }
0x7aa: {  	v3 =	vadd.f32 v3, v4;
	v4 =	vmax.f32 v7, $9.999999710e-10;
	v7 =	vld [tilespmem:s0+$0x99B0]  }
0x7ab: {  	v11 =	vld [tilespmem:s0+$0x99A0];
	v6 =	vmul.f32 v6, v12;
	(erf) = vrcp.f32 v4  }
0x7ac: {  	v4 =	vadd.f32 v8, v5;
	v5 =	vld [tilespmem:s0+$0x99A0]  }
0x7ad: {  	v8 =	vld [tilespmem:s13+$0xFFFFFF30];
	v6 =	vadd.f32 v10, v6  }
0x7ae: {  	v2 =	vadd.f32 v9, v2;
	v9 =	vld [tilespmem:s13+$0xFFFFFFB0]  }
0x7af: {  	v10 =	vld [tilespmem:s13+$0x30];
	v6 =	vadd.f32 v7, v6  }
0x7b0: {  	[tilespmem:s13+$0xFFFFFFA0] =	vst v2;
	v2 =	vadd.f32 v11, v3;
	v3 =	vld [tilespmem:s13+$0xC0]  }
0x7b1: {  	v4 =	vadd.f32 v5, v4;
	v5 =	vld [tilespmem:s31+$0xFFFFFFB0];
	[tilespmem:s13+$0xB0] =	vst v6  }
0x7b2: {  	v6 =	vmul.f32 v8, v53;
	[tilespmem:s13+$0x20] =	vst v2;
	v2 =	vld [tilespmem:s31+$0xC0]  }
0x7b3: {  	[tilespmem:s13+$0xFFFFFF20] =	vst v4;
	v4 =	vmul.f32 v9, v54;
	v7 =	vld [tilespmem:s31+$0x30]  }
0x7b4: {  	v8 =	vmul.f32 v10, v55;
	v9 =	vld [tilespmem:s0+$0x99C0];
	v10 =	vpop (erf)  }
0x7b5: {  	v11 =	vld [tilespmem:s31+$0xFFFFFF30];
	v3 =	vmul.f32 v3, v10  }
0x7b6: {  	v4 =	vadd.f32 v5, v4;
	v5 =	vld [tilespmem:s0+$0x99B0]  }
0x7b7: {  	v12 =	vld [tilespmem:s0+$0x99B0];
	v2 =	vadd.f32 v2, v3  }
0x7b8: {  	v3 =	vld [tilespmem:s0+$0x99B0];
	v7 =	vadd.f32 v7, v8  }
0x7b9: {  	v8 =	vld [tilespmem:s13+$0xFFFFFF40];
	v2 =	vadd.f32 v9, v2  }
0x7ba: {  	v6 =	vadd.f32 v11, v6;
	v9 =	vld [tilespmem:s13+$0xD0]  }
0x7bb: {  	v4 =	vadd.f32 v5, v4;
	v5 =	vld [tilespmem:s13+$0xFFFFFFC0];
	[tilespmem:s13+$0xC0] =	vst v2  }
0x7bc: {  	v2 =	vadd.f32 v12, v7;
	v7 =	vld [tilespmem:s31+$0xD0]  }
0x7bd: {  	v3 =	vadd.f32 v3, v6;
	[tilespmem:s13+$0xFFFFFFB0] =	vst v4;
	v4 =	vld [tilespmem:s13+$0x40]  }
0x7be: {  	v6 =	vmul.f32 v8, v50;
	[tilespmem:s13+$0x30] =	vst v2;
	v2 =	vld [tilespmem:s0+$0x99D0]  }
0x7bf: {  	[tilespmem:s13+$0xFFFFFF30] =	vst v3;
	v3 =	vld [tilespmem:s31+$0xFFFFFFC0];
	v8 =	vmul.f32 v9, v10  }
0x7c0: {  	v5 =	vmul.f32 v5, v51;
	v9 =	vld [tilespmem:s31+$0x40]  }
0x7c1: {  	v11 =	vld [tilespmem:s31+$0xFFFFFF40];
	v7 =	vadd.f32 v7, v8  }
0x7c2: {  	v8 =	vld [tilespmem:s0+$0x99C0];
	v4 =	vmul.f32 v4, v52  }
0x7c3: {  	v12 =	vld [tilespmem:s0+$0x99C0];
	v2 =	vadd.f32 v2, v7  }
0x7c4: {  	v3 =	vadd.f32 v3, v5;
	v5 =	vld [tilespmem:s13+$0xE0]  }
0x7c5: {  	v7 =	vld [tilespmem:s0+$0x99C0];
	v4 =	vadd.f32 v9, v4;
	[tilespmem:s13+$0xD0] =	vst v2  }
0x7c6: {  	v2 =	vadd.f32 v11, v6;
	v6 =	vld [tilespmem:s31+$0xE0]  }
0x7c7: {  	v9 =	vld [tilespmem:s13+$0xFFFFFF50];
	v3 =	vadd.f32 v8, v3  }
0x7c8: {  	v4 =	vadd.f32 v12, v4;
	v8 =	vld [tilespmem:s0+$0x99E0]  }
0x7c9: {  	[tilespmem:s13+$0xFFFFFFC0] =	vst v3;
	v3 =	vld [tilespmem:s13+$0xFFFFFFD0];
	v5 =	vmul.f32 v5, v10  }
0x7ca: {  	v2 =	vadd.f32 v7, v2;
	[tilespmem:s13+$0x40] =	vst v4;
	v4 =	vld [tilespmem:s13+$0x50]  }
0x7cb: {  	v7 =	vld [tilespmem:s31+$0xFFFFFFD0];
	v5 =	vadd.f32 v6, v5  }
0x7cc: {  	[tilespmem:s13+$0xFFFFFF40] =	vst v2;
	v2 =	vmul.f32 v9, v50;
	v6 =	vld [tilespmem:s31+$0x50]  }
0x7cd: {  	v9 =	vld [tilespmem:s31+$0xFFFFFF50];
	v5 =	vadd.f32 v8, v5  }
0x7ce: {  	v3 =	vmul.f32 v3, v51;
	v8 =	vld [tilespmem:s13+$0xF0]  }
0x7cf: {  	v11 =	vld [tilespmem:s0+$0x99D0];
	v4 =	vmul.f32 v4, v52;
	[tilespmem:s13+$0xE0] =	vst v5  }
0x7d0: {  	v3 =	vadd.f32 v7, v3;
	v5 =	vld [tilespmem:s31+$0xF0]  }
0x7d1: {  	v4 =	vadd.f32 v6, v4;
	v6 =	vld [tilespmem:s0+$0x99D0]  }
0x7d2: {  	v2 =	vadd.f32 v9, v2;
	v7 =	vld [tilespmem:s0+$0x99F0]  }
0x7d3: {  	v9 =	vld [tilespmem:s0+$0x99D0];
	v8 =	vmul.f32 v8, v10  }
0x7d4: {  	v10 =	vld [tilespmem:s13+$0xFFFFFF60];
	v3 =	vadd.f32 v11, v3  }
0x7d5: {  	v11 =	vld [tilespmem:s13+$0xFFFFFFE0];
	v5 =	vadd.f32 v5, v8  }
.Ltmp10:
0x7d6: {  	[tilespmem:s13+$0xFFFFFFD0] =	vst v3;
	v3 =	vadd.f32 v6, v4;
	v61 =	vld [tilespmem:s13+$0x60];
	(pc) =	sbr.rel @p4 .LBB2_17-.Ltmp10, $4  }
0x7d7: {  	v58 =	vld [tilespmem:s31+$0xFFFFFFE0];
	v4 =	vadd.f32 v7, v5  }
0x7d8: {  	v2 =	vadd.f32 v9, v2;
	v56 =	vld [tilespmem:s0+$0x99E0];
	[tilespmem:s13+$0x50] =	vst v3  }
0x7d9: {  	v57 =	vmul.f32 v10, v50;
	v59 =	vld [tilespmem:s31+$0x60];
	[tilespmem:s13+$0xF0] =	vst v4  }
0x7da: {  	s15 =	sshll.u32 s12, $0x4;
	s12 =	sadd.s32 $0x4, s12;
	[tilespmem:s13+$0xFFFFFF50] =	vst v2;
	v62 =	vmul.f32 v11, v51;
	v60 =	vld [tilespmem:s0+$0x99E0]  }
0x7db: {  	v2 =	vmov s15;
	s12 =	sadd.s32 $0x30, s15  }
0x7dc: {  	v3 =	vld [tilespmem:s31+$0xFFFFFF60];
	v4 =	vmov s12  }
0x7dd: {  	v5 =	vld [tilespmem:s0+$0x99E0]  }
0x7de: {  	v53 =	vld [tilespmem:s13+$0xFFFFFF70]  }
0x7df: {  	v55 =	vld [tilespmem:s13+$0xFFFFFFF0]  }
0x7e0: {  	s22 =	sadd.s32 $0x10, s15;
	v8 =	vor.u32 $0x1, v2;
	v2 =	vld.idx.msk [tilespmem:v2+s3+$0x0], $0xffff  }
0x7e1: {  	v6 =	vmov s22;
	s22 =	sadd.s32 $0x20, s15;
	v13 =	vadd.f32 v58, v62;
	v12 =	vld.idx.msk [tilespmem:v4+s3+$0x0], $0xffff  }
0x7e2: {  	v54 =	vld [tilespmem:s13+$0x70];
	s23 =	sadd.s32 $0x200, s13;
	v7 =	vmov s22  }
0x7e3: {  	v10 =	vmul.f32 v61, v52;
	v19 =	vld [tilespmem:s23+$0x90];
	v13 =	vadd.f32 v56, v13  }
0x7e4: {  	v62 =	vld [tilespmem:s23+$0xFFFFFF10];
	v11 =	vor.u32 $0x1, v7  }
0x7e5: {  	v10 =	vadd.f32 v59, v10;
	[tilespmem:s13+$0xFFFFFFE0] =	vst v13;
	v13 =	vld [tilespmem:s23+$0x0];
	v2 =	vmax.f32 v2, $9.999999710e-10  }
0x7e6: {  	v9 =	vor.u32 $0x1, v6;
	v6 =	vld.idx.msk [tilespmem:v6+s3+$0x0], $0xffff;
	v59 =	vmax.f32 v12, $9.999999710e-10;
	(erf) = vrcp.f32 v2  }
0x7e7: {  	v3 =	vadd.f32 v3, v57;
	v10 =	vadd.f32 v60, v10;
	v7 =	vld.idx.msk [tilespmem:v7+s3+$0x0], $0xffff;
	(erf) = vrcp.f32 v59  }
0x7e8: {  	v60 =	vld [tilespmem:s31+$0xFFFFFFF0]  }
0x7e9: {  	v3 =	vadd.f32 v5, v3;
	[tilespmem:s13+$0x60] =	vst v10;
	v5 =	vld.idx.msk [tilespmem:v11+s3+$0x0], $0xffff  }
0x7ea: {  	v61 =	vld [tilespmem:s31+$0x70]  }
0x7eb: {  	v11 =	vld [tilespmem:s0+$0x9980];
	v2 =	vmax.f32 v6, $9.999999710e-10  }
0x7ec: {  	[tilespmem:s13+$0xFFFFFF60] =	vst v3;
	v3 =	vmax.f32 v7, $9.999999710e-10;
	(erf) = vrcp.f32 v2;
	v2 =	vld [tilespmem:s23+$0x80]  }
0x7ed: {  	v58 =	vld [tilespmem:s31+$0xFFFFFF70];
	s31 =	sadd.s32 $0x200, s31;
	(erf) = vrcp.f32 v3  }
0x7ee: {  	v63 =	vld [tilespmem:s31+$0x80]  }
0x7ef: {  	v3 =	vld [tilespmem:s23+$0xFFFFFF00];
	v10 =	vpop (erf)  }
0x7f0: {  	v14 =	vld [tilespmem:s31+$0xFFFFFF00];
	v12 =	vpop (erf)  }
0x7f1: {  	v7 =	vld [tilespmem:s23+$0xFFFFFF80];
	v2 =	vmul.f32 v12, v2  }
0x7f2: {  	v8 =	vld.idx.msk [tilespmem:v8+s3+$0x0], $0xffff;
	v4 =	vor.u32 $0x1, v4  }
0x7f3: {  	v15 =	vld [tilespmem:s31+$0xFFFFFF80];
	v2 =	vadd.f32 v63, v2  }
0x7f4: {  	v6 =	vld [tilespmem:s31+$0x0];
	v3 =	vmul.f32 v10, v3  }
0x7f5: {  	v9 =	vld.idx.msk [tilespmem:v9+s3+$0x0], $0xffff;
	v17 =	vpop (erf);
	v2 =	vadd.f32 v2, v11  }
0x7f6: {  	v57 =	vld [tilespmem:s0+$0x99F0];
	v7 =	vmul.f32 v17, v7;
	v3 =	vadd.f32 v14, v3;
	v63 =	vpop (erf)  }
0x7f7: {  	v4 =	vld.idx.msk [tilespmem:v4+s3+$0x0], $0xffff;
	v13 =	vmul.f32 v63, v13;
	[tilespmem:s23+$0x80] =	vst v2  }
0x7f8: {  	v3 =	vadd.f32 v11, v3;
	v2 =	vadd.f32 v15, v7;
	v7 =	vld [tilespmem:s31+$0x90]  }
0x7f9: {  	v14 =	vld [tilespmem:s23+$0xFFFFFF90];
	v6 =	vadd.f32 v6, v13  }
0x7fa: {  	[tilespmem:s23+$0xFFFFFF00] =	vst v3;
	v13 =	vld [tilespmem:s0+$0x9990];
	v2 =	vadd.f32 v2, v11  }
0x7fb: {  	v15 =	vld [tilespmem:s31+$0xFFFFFF10];
	v3 =	vadd.f32 v6, v11;
	v11 =	vmul.f32 v19, v12  }
0x7fc: {  	v6 =	vld [tilespmem:s23+$0x10];
	[tilespmem:s23+$0xFFFFFF80] =	vst v2  }
0x7fd: {  	[tilespmem:s23+$0x0] =	vst v3;
	v2 =	vld [tilespmem:s31+$0xFFFFFF90];
	v3 =	vadd.f32 v7, v11  }
0x7fe: {  	v7 =	vld [tilespmem:s31+$0x10]  }
0x7ff: {  	v11 =	vld [tilespmem:s0+$0x9990];
	v3 =	vadd.f32 v13, v3  }
0x800: {  	v13 =	vld [tilespmem:s23+$0xA0]  }
0x801: {  	v14 =	vmul.f32 v14, v17;
	v19 =	vld [tilespmem:s0+$0x9990];
	[tilespmem:s23+$0x90] =	vst v3  }
0x802: {  	v3 =	vmul.f32 v6, v63;
	v6 =	vld [tilespmem:s31+$0xA0]  }
0x803: {  	v2 =	vadd.f32 v2, v14;
	v14 =	vld [tilespmem:s0+$0x9990]  }
0x804: {  	v62 =	vmul.f32 v62, v10;
	v3 =	vadd.f32 v7, v3;
	v7 =	vld [tilespmem:s0+$0x99A0]  }
0x805: {  	v2 =	vadd.f32 v11, v2;
	v11 =	vld [tilespmem:s23+$0xFFFFFF20];
	v13 =	vmul.f32 v13, v12  }
0x806: {  	v15 =	vadd.f32 v15, v62;
	v3 =	vadd.f32 v19, v3;
	v19 =	vld [tilespmem:s23+$0xFFFFFFA0]  }
0x807: {  	[tilespmem:s23+$0xFFFFFF90] =	vst v2;
	v2 =	vld [tilespmem:s23+$0x20];
	v6 =	vadd.f32 v6, v13  }
0x808: {  	v62 =	vadd.f32 v14, v15;
	v14 =	vld [tilespmem:s31+$0xFFFFFFA0];
	[tilespmem:s23+$0x10] =	vst v3  }
0x809: {  	v3 =	vld [tilespmem:s31+$0x20];
	v6 =	vadd.f32 v7, v6  }
0x80a: {  	v7 =	vld [tilespmem:s23+$0xB0]  }
0x80b: {  	v8 =	vmax.f32 v8, $9.999999710e-10;
	v15 =	vld [tilespmem:s0+$0x99A0];
	[tilespmem:s23+$0xA0] =	vst v6  }
0x80c: {  	(erf) = vrcp.f32 v8;
	[tilespmem:s23+$0xFFFFFF10] =	vst v62;
	v62 =	vmax.f32 v9, $9.999999710e-10;
	v8 =	vld [tilespmem:s31+$0xB0]  }
0x80d: {  	v5 =	vmax.f32 v5, $9.999999710e-10;
	(erf) = vrcp.f32 v62;
	v6 =	vld [tilespmem:s0+$0x99A0]  }
0x80e: {  	(erf) = vrcp.f32 v5;
	v2 =	vmul.f32 v2, v63;
	v9 =	vld [tilespmem:s0+$0x99B0]  }
0x80f: {  	v4 =	vmax.f32 v4, $9.999999710e-10;
	v13 =	vld [tilespmem:s31+$0xFFFFFF20];
	v62 =	vmul.f32 v19, v17;
	v7 =	vmul.f32 v7, v12  }
0x810: {  	v56 =	vld [tilespmem:s0+$0x99F0];
	(erf) = vrcp.f32 v4;
	v2 =	vadd.f32 v3, v2  }
0x811: {  	v5 =	vld [tilespmem:s0+$0x99A0];
	v4 =	vadd.f32 v14, v62;
	v7 =	vadd.f32 v8, v7  }
0x812: {  	v62 =	vmul.f32 v11, v10;
	v12 =	vld [tilespmem:s23+$0xFFFFFF30];
	v2 =	vadd.f32 v15, v2  }
0x813: {  	v3 =	vadd.f32 v6, v4;
	v4 =	vld [tilespmem:s23+$0xFFFFFFB0];
	v7 =	vadd.f32 v9, v7  }
0x814: {  	v6 =	vld [tilespmem:s23+$0x30];
	v8 =	vadd.f32 v13, v62;
	[tilespmem:s23+$0x20] =	vst v2  }
0x815: {  	[tilespmem:s23+$0xFFFFFFA0] =	vst v3;
	v3 =	vld [tilespmem:s23+$0xC0]  }
0x816: {  	v62 =	vpop (erf);
	v11 =	vld [tilespmem:s31+$0x30];
	[tilespmem:s23+$0xB0] =	vst v7  }
0x817: {  	v5 =	vadd.f32 v5, v8;
	v2 =	vld [tilespmem:s31+$0xC0];
	v7 =	vpop (erf)  }
0x818: {  	v9 =	vld [tilespmem:s31+$0xFFFFFFB0];
	v8 =	vpop (erf)  }
0x819: {  	[tilespmem:s23+$0xFFFFFF20] =	vst v5;
	v5 =	vld [tilespmem:s0+$0x99C0];
	v13 =	vpop (erf)  }
0x81a: {  	v15 =	vld [tilespmem:s0+$0x99B0];
	v3 =	vmul.f32 v3, v13  }
0x81b: {  	v10 =	vmul.f32 v12, v10;
	v12 =	vld [tilespmem:s23+$0xD0]  }
0x81c: {  	v14 =	vld [tilespmem:s31+$0xFFFFFF30];
	v2 =	vadd.f32 v2, v3  }
0x81d: {  	v4 =	vmul.f32 v4, v17;
	v6 =	vmul.f32 v6, v63;
	v3 =	vld [tilespmem:s0+$0x99B0]  }
0x81e: {  	v17 =	vld [tilespmem:s0+$0x99B0];
	v2 =	vadd.f32 v5, v2  }
0x81f: {  	v6 =	vadd.f32 v11, v6;
	v11 =	vld [tilespmem:s23+$0xFFFFFFC0];
	v4 =	vadd.f32 v9, v4  }
0x820: {  	v5 =	vld [tilespmem:s23+$0xFFFFFF40];
	[tilespmem:s23+$0xC0] =	vst v2  }
0x821: {  	v4 =	vadd.f32 v15, v4;
	v2 =	vadd.f32 v14, v10;
	v10 =	vld [tilespmem:s31+$0xD0]  }
0x822: {  	v3 =	vadd.f32 v3, v6;
	v6 =	vld [tilespmem:s23+$0x40]  }
0x823: {  	[tilespmem:s23+$0xFFFFFFB0] =	vst v4;
	v63 =	vld [tilespmem:s0+$0x99D0];
	v2 =	vadd.f32 v17, v2  }
0x824: {  	[tilespmem:s23+$0x30] =	vst v3;
	v3 =	vld [tilespmem:s31+$0xFFFFFFC0]  }
0x825: {  	v9 =	vmul.f32 v12, v13;
	[tilespmem:s23+$0xFFFFFF30] =	vst v2;
	v2 =	vld [tilespmem:s31+$0x40]  }
0x826: {  	v14 =	vld [tilespmem:s0+$0x99C0]  }
0x827: {  	v12 =	vld [tilespmem:s31+$0xFFFFFF40];
	v9 =	vadd.f32 v10, v9  }
0x828: {  	v10 =	vld [tilespmem:s0+$0x99C0];
	v6 =	vmul.f32 v6, v8  }
0x829: {  	v59 =	vld [tilespmem:s0+$0x99F0];
	v4 =	vadd.f32 v63, v9;
	v63 =	vmul.f32 v11, v7  }
0x82a: {  	v15 =	vld [tilespmem:s0+$0x99C0];
	v2 =	vadd.f32 v2, v6  }
0x82b: {  	v17 =	vld [tilespmem:s23+$0xF0];
	v5 =	vmul.f32 v5, v62;
	v3 =	vadd.f32 v3, v63  }
0x82c: {  	v11 =	vld [tilespmem:s23+$0xE0];
	v2 =	vadd.f32 v14, v2  }
0x82d: {  	v6 =	vld [tilespmem:s23+$0xFFFFFF50];
	v5 =	vadd.f32 v12, v5;
	v3 =	vadd.f32 v10, v3  }
0x82e: {  	v10 =	vld [tilespmem:s23+$0xFFFFFFD0];
	[tilespmem:s23+$0x40] =	vst v2  }
0x82f: {  	v5 =	vadd.f32 v15, v5;
	[tilespmem:s23+$0xFFFFFFC0] =	vst v3;
	v3 =	vld [tilespmem:s23+$0x50]  }
0x830: {  	v12 =	vld [tilespmem:s31+$0x50]  }
0x831: {  	[tilespmem:s23+$0xFFFFFF40] =	vst v5;
	v2 =	vld [tilespmem:s31+$0xFFFFFFD0]  }
0x832: {  	v63 =	vld [tilespmem:s31+$0xFFFFFF50]  }
0x833: {  	[tilespmem:s23+$0xD0] =	vst v4;
	v5 =	vld [tilespmem:s0+$0x99D0]  }
0x834: {  	v4 =	vld [tilespmem:s31+$0xE0];
	v10 =	vmul.f32 v10, v7  }
0x835: {  	v15 =	vld [tilespmem:s0+$0x99D0];
	v6 =	vmul.f32 v6, v62  }
0x836: {  	v3 =	vmul.f32 v3, v8;
	v2 =	vadd.f32 v2, v10;
	v10 =	vld [tilespmem:s0+$0x99D0]  }
0x837: {  	v9 =	vld [tilespmem:s0+$0x99E0];
	v6 =	vadd.f32 v63, v6  }
0x838: {  	v63 =	vld [tilespmem:s23+$0xFFFFFFE0];
	v3 =	vadd.f32 v12, v3;
	v2 =	vadd.f32 v5, v2  }
0x839: {  	v5 =	vld [tilespmem:s23+$0xFFFFFF60]  }
0x83a: {  	v3 =	vadd.f32 v15, v3;
	[tilespmem:s23+$0xFFFFFFD0] =	vst v2;
	v2 =	vmul.f32 v11, v13;
	v11 =	vld [tilespmem:s23+$0x60]  }
0x83b: {  	v6 =	vadd.f32 v10, v6;
	v10 =	vld [tilespmem:s31+$0xFFFFFFE0]  }
0x83c: {  	[tilespmem:s23+$0x50] =	vst v3;
	v2 =	vadd.f32 v4, v2;
	v4 =	vld [tilespmem:s0+$0x99E0]  }
0x83d: {  	v3 =	vld [tilespmem:s31+$0x60];
	[tilespmem:s23+$0xFFFFFF50] =	vst v6  }
0x83e: {  	v2 =	vadd.f32 v9, v2;
	v6 =	vld [tilespmem:s31+$0xFFFFFF60]  }
0x83f: {  	v9 =	vmul.f32 v63, v7;
	v63 =	vld [tilespmem:s0+$0x99E0]  }
0x840: {  	v14 =	vld [tilespmem:s0+$0x99E0];
	[tilespmem:s23+$0xE0] =	vst v2;
	v2 =	vmul.f32 v11, v8  }
0x841: {  	v9 =	vadd.f32 v10, v9;
	v10 =	vld [tilespmem:s31+$0xF0]  }
0x842: {  	v5 =	vmul.f32 v5, v62;
	v2 =	vadd.f32 v3, v2;
	v3 =	vld [tilespmem:s0+$0x99F0]  }
0x843: {  	v4 =	vadd.f32 v4, v9;
	v9 =	vld [tilespmem:s23+$0xFFFFFFF0]  }
0x844: {  	v5 =	vadd.f32 v6, v5;
	v6 =	vld [tilespmem:s23+$0xFFFFFF70]  }
0x845: {  	v52 =	vmul.f32 v54, v52;
	v2 =	vadd.f32 v63, v2;
	[tilespmem:s23+$0xFFFFFFE0] =	vst v4;
	v63 =	vld [tilespmem:s23+$0x70]  }
0x846: {  	v51 =	vmul.f32 v55, v51;
	v13 =	vmul.f32 v17, v13;
	v4 =	vadd.f32 v14, v5;
	v17 =	vld [tilespmem:s0+$0x99F0]  }
0x847: {  	v12 =	vadd.f32 v61, v52;
	[tilespmem:s23+$0x60] =	vst v2;
	v2 =	vld [tilespmem:s31+$0xFFFFFFF0]  }
0x848: {  	v55 =	vmul.f32 v53, v50;
	v11 =	vadd.f32 v60, v51;
	[tilespmem:s23+$0xFFFFFF60] =	vst v4;
	v54 =	vld [tilespmem:s31+$0x70]  }
0x849: {  	v12 =	vadd.f32 v57, v12;
	v15 =	vld [tilespmem:s31+$0xFFFFFF70]  }
0x84a: {  	v11 =	vadd.f32 v59, v11;
	v14 =	vadd.f32 v58, v55;
	v7 =	vmul.f32 v9, v7;
	v59 =	vld [tilespmem:s0+$0x99F0]  }
0x84b: {  	v10 =	vadd.f32 v10, v13;
	v60 =	vld [tilespmem:s0+$0x99F0];
	v5 =	vmul.f32 v63, v8  }
0x84c: {  	[tilespmem:s11+$0x70] =	vst v12;
	v61 =	vadd.f32 v56, v14;
	v6 =	vmul.f32 v6, v62;
	v2 =	vadd.f32 v2, v7  }
0x84d: {  	[tilespmem:s11+$0xFFFFFFF0] =	vst v11;
	v3 =	vadd.f32 v3, v10;
	v4 =	vadd.f32 v54, v5  }
0x84e: {  	[tilespmem:s11+$0xFFFFFF70] =	vst v61;
	v62 =	vadd.f32 v15, v6;
	v2 =	vadd.f32 v17, v2  }
0x84f: {  	[tilespmem:s23+$0xF0] =	vst v3;
	v3 =	vadd.f32 v59, v4  }
0x850: {  	v63 =	vadd.f32 v60, v62;
	[tilespmem:s23+$0xFFFFFFF0] =	vst v2  }
0x851: {  	[tilespmem:s23+$0x70] =	vst v3  }
0x852: {  	[tilespmem:s23+$0xFFFFFF70] =	vst v63  }
0x853: {  	s11 =	rddreg [dreg:$0xe]  }
0x854: {  	[hbm4b:s11+s24] =	stream.linear.scatter [tilespmem:s1], [sflag:$0x2], $0x4000, $0x38;
	[tilespmem:$0x1FA10] =	vst v63  }
0x855: {  	_ =	swait.ge [sflag:s2], $0x4000  }
0x856: {  	[sflag:s2] =	ssyncset.done $0x0  }
0x857: {  	[sflag:s2] =	ssyncadd.s32 $0xFFFFC000  }
.LBB2_19:
.Ltmp11:
0x858: {  	(pc) =	sbr.rel @!p3 .LBB2_23-.Ltmp11, $1  }
0x859: {  	_ =	sdelay $0x3  }
0x85a: {  	s11 =	rddreg [dreg:$0x18]  }
0x85b: {  	[tilespmem:s1], [sflag:$0x2] =	stream.linear.gather [spmem:s11], $0x800, $0x38;
	[tilespmem:$0x1FA10] =	vst v63  }
0x85c: {  	_ =	swait.ge [sflag:s2], $0x800  }
0x85d: {  	[sflag:s2] =	ssyncset.done $0x0  }
0x85e: {  	s12 =	rddreg [dreg:$0x19];
	[sflag:s2] =	ssyncadd.s32 $0xFFFFF800  }
0x85f: {  	[tilespmem:s3], [sflag:$0x2] =	stream.linear.gather [spmem:s12], $0x100, $0x38;
	[tilespmem:$0x1FA10] =	vst v63  }
0x860: {  	_ =	swait.ge [sflag:s2], $0x100  }
0x861: {  	s13 =	simm.s32 $0x0;
	s15 =	simm.s32 $0x30;
	[sflag:s2] =	ssyncset.done $0x0  }
0x862: {  	v2 =	vmov s13;
	s12 =	simm.s32 $0x0;
	s13 =	rddreg [dreg:$0xf];
	[sflag:s2] =	ssyncadd.s32 $0xFFFFFF00  }
0x863: {  	v3 =	vmov s15;
	[tilespmem:s7], [sflag:$0x2] =	stream.linear.gather [hbm4b:s13+s12], $0x800, $0x38;
	[tilespmem:$0x1FA10] =	vst v63  }
0x864: {  	_ =	swait.ge [sflag:s2], $0x800  }
0x865: {  	[sflag:s2] =	ssyncset.done $0x0  }
0x866: {  	s22 =	simm.s32 $0x10;
	[sflag:s2] =	ssyncadd.s32 $0xFFFFF800  }
0x867: {  	s23 =	simm.s32 $0x20;
	v4 =	vmov s22;
	v5 =	vld.idx.msk [tilespmem:v2+s3+$0x0], $0xffff  }
0x868: {  	v7 =	vmov s23;
	v6 =	vld.idx.msk [tilespmem:v3+s3+$0x0], $0xffff;
	_ =	sdelay $0x1  }
0x869: {  	v9 =	vor.u32 $0x1, v7;
	_ =	sdelay $0x1  }
0x86a: {  	v8 =	vor.u32 $0x1, v4;
	v4 =	vld.idx.msk [tilespmem:v4+s3+$0x0], $0xffff;
	v5 =	vmax.f32 v5, $9.999999710e-10  }
0x86b: {  	v58 =	vld.idx.msk [tilespmem:v7+s3+$0x0], $0xffff;
	v6 =	vmax.f32 v6, $9.999999710e-10;
	(erf) = vrcp.f32 v5  }
0x86c: {  	(erf) = vrcp.f32 v6  }
0x86d: {  	s13 =	simm.s32 $0x5A80;
	v7 =	vld.idx.msk [tilespmem:v9+s3+$0x0], $0xffff  }
0x86e: {  	v59 =	vld [tilespmem:s13+$0x80]  }
0x86f: {  	s31 =	simm.s32 $0x1A80;
	v60 =	vld [tilespmem:s13+$0xFFFFFF00];
	v4 =	vmax.f32 v4, $9.999999710e-10  }
0x870: {  	v61 =	vld [tilespmem:s31+$0x80];
	v5 =	vmax.f32 v58, $9.999999710e-10;
	(erf) = vrcp.f32 v4  }
0x871: {  	v62 =	vld [tilespmem:s13+$0xFFFFFF80];
	(erf) = vrcp.f32 v5  }
0x872: {  	v11 =	vld [tilespmem:s0+$0x9980]  }
0x873: {  	v13 =	vld [tilespmem:s13+$0x0]  }
0x874: {  	v14 =	vld [tilespmem:s31+$0xFFFFFF80];
	v10 =	vpop (erf)  }
0x875: {  	v15 =	vld [tilespmem:s31+$0xFFFFFF00];
	v12 =	vpop (erf)  }
0x876: {  	v2 =	vor.u32 $0x1, v2;
	v17 =	vld [tilespmem:s31+$0x0];
	v4 =	vmul.f32 v12, v59  }
0x877: {  	v3 =	vor.u32 $0x1, v3;
	v19 =	vld [tilespmem:s13+$0x90]  }
0x878: {  	v50 =	vld [tilespmem:s13+$0xFFFFFF10];
	v4 =	vadd.f32 v61, v4  }
0x879: {  	v6 =	vld.idx.msk [tilespmem:v8+s3+$0x0], $0xffff;
	v8 =	vmul.f32 v10, v60;
	v5 =	vpop (erf)  }
0x87a: {  	v54 =	vld [tilespmem:s13+$0xFFFFFF90];
	v9 =	vmul.f32 v5, v62;
	v53 =	vpop (erf);
	v4 =	vadd.f32 v4, v11  }
0x87b: {  	v2 =	vld.idx.msk [tilespmem:v2+s3+$0x0], $0xffff;
	v8 =	vadd.f32 v15, v8;
	v51 =	vmul.f32 v53, v13  }
0x87c: {  	v3 =	vld.idx.msk [tilespmem:v3+s3+$0x0], $0xffff;
	v63 =	vadd.f32 v14, v9;
	[tilespmem:s13+$0x80] =	vst v4  }
0x87d: {  	v8 =	vadd.f32 v11, v8;
	v9 =	vadd.f32 v17, v51;
	v52 =	vld [tilespmem:s31+$0x90]  }
0x87e: {  	v17 =	vld [tilespmem:s13+$0x10];
	v4 =	vadd.f32 v63, v11  }
0x87f: {  	[tilespmem:s13+$0xFFFFFF00] =	vst v8;
	v55 =	vadd.f32 v9, v11;
	v15 =	vld [tilespmem:s0+$0x9990]  }
0x880: {  	v19 =	vmul.f32 v19, v12;
	v57 =	vld [tilespmem:s31+$0xFFFFFF10];
	[tilespmem:s13+$0xFFFFFF80] =	vst v4  }
0x881: {  	[tilespmem:s13+$0x0] =	vst v55;
	v55 =	vld [tilespmem:s13+$0xFFFFFF20]  }
0x882: {  	v56 =	vld [tilespmem:s31+$0xFFFFFF90];
	v58 =	vadd.f32 v52, v19  }
0x883: {  	v59 =	vld [tilespmem:s0+$0x9990]  }
0x884: {  	v61 =	vld [tilespmem:s31+$0x10];
	v11 =	vadd.f32 v15, v58  }
0x885: {  	v15 =	vld [tilespmem:s13+$0xA0]  }
0x886: {  	v19 =	vld [tilespmem:s0+$0x9990];
	[tilespmem:s13+$0x90] =	vst v11  }
0x887: {  	v60 =	vmul.f32 v54, v5;
	v63 =	vld [tilespmem:s31+$0xA0]  }
0x888: {  	v62 =	vmul.f32 v17, v53;
	v17 =	vld [tilespmem:s0+$0x9990];
	v52 =	vmul.f32 v50, v10  }
0x889: {  	v8 =	vadd.f32 v56, v60;
	v54 =	vld [tilespmem:s0+$0x99A0]  }
0x88a: {  	v56 =	vadd.f32 v57, v52;
	v57 =	vld [tilespmem:s13+$0xFFFFFFA0];
	v11 =	vadd.f32 v61, v62;
	v15 =	vmul.f32 v15, v12  }
0x88b: {  	v60 =	vld [tilespmem:s13+$0xB0];
	v4 =	vadd.f32 v59, v8  }
0x88c: {  	v59 =	vld [tilespmem:s13+$0x20];
	v58 =	vadd.f32 v19, v11;
	v13 =	vadd.f32 v63, v15  }
0x88d: {  	[tilespmem:s13+$0xFFFFFF90] =	vst v4;
	v4 =	vadd.f32 v17, v56;
	v56 =	vld [tilespmem:s13+$0xFFFFFFB0]  }
0x88e: {  	v62 =	vld [tilespmem:s0+$0x99A0];
	[tilespmem:s13+$0x10] =	vst v58;
	v13 =	vadd.f32 v54, v13  }
0x88f: {  	[tilespmem:s13+$0xFFFFFF10] =	vst v4;
	v9 =	vld [tilespmem:s31+$0x20]  }
0x890: {  	v2 =	vmax.f32 v2, $9.999999710e-10;
	v61 =	vld [tilespmem:s31+$0xFFFFFF20];
	[tilespmem:s13+$0xA0] =	vst v13  }
0x891: {  	v6 =	vmax.f32 v6, $9.999999710e-10;
	(erf) = vrcp.f32 v2;
	v2 =	vld [tilespmem:s31+$0xB0]  }
0x892: {  	v7 =	vmax.f32 v7, $9.999999710e-10;
	(erf) = vrcp.f32 v6;
	v15 =	vld [tilespmem:s31+$0xFFFFFFA0]  }
0x893: {  	v3 =	vmax.f32 v3, $9.999999710e-10;
	(erf) = vrcp.f32 v7;
	v51 =	vld [tilespmem:s0+$0x99B0]  }
0x894: {  	(erf) = vrcp.f32 v3;
	v4 =	vmul.f32 v60, v12;
	v52 =	vld [tilespmem:s0+$0x99A0]  }
0x895: {  	v12 =	vld [tilespmem:s13+$0xFFFFFF30];
	v3 =	vmul.f32 v59, v53  }
0x896: {  	v63 =	vmul.f32 v57, v5;
	v54 =	vld [tilespmem:s0+$0x99A0];
	v2 =	vadd.f32 v2, v4  }
0x897: {  	v55 =	vmul.f32 v55, v10;
	v58 =	vld [tilespmem:s13+$0xC0];
	v3 =	vadd.f32 v9, v3  }
0x898: {  	v57 =	vld [tilespmem:s13+$0x30];
	v7 =	vadd.f32 v15, v63;
	v2 =	vadd.f32 v51, v2  }
0x899: {  	v5 =	vmul.f32 v56, v5;
	v56 =	vld [tilespmem:s13+$0xFFFFFFC0];
	v3 =	vadd.f32 v52, v3;
	v4 =	vadd.f32 v61, v55  }
0x89a: {  	v50 =	vpop (erf);
	v9 =	vld [tilespmem:s13+$0xFFFFFF40];
	v6 =	vadd.f32 v62, v7;
	[tilespmem:s13+$0xB0] =	vst v2  }
0x89b: {  	[tilespmem:s13+$0x20] =	vst v3;
	v51 =	vpop (erf);
	v2 =	vadd.f32 v54, v4;
	v3 =	vld [tilespmem:s31+$0xC0]  }
0x89c: {  	[tilespmem:s13+$0xFFFFFFA0] =	vst v6;
	v60 =	vld [tilespmem:s31+$0x30];
	v52 =	vpop (erf)  }
0x89d: {  	v11 =	vpop (erf);
	[tilespmem:s13+$0xFFFFFF20] =	vst v2;
	v2 =	vld [tilespmem:s0+$0x99C0]  }
0x89e: {  	v59 =	vld [tilespmem:s31+$0xFFFFFFB0];
	v6 =	vmul.f32 v58, v11  }
0x89f: {  	v15 =	vld [tilespmem:s0+$0x99B0]  }
0x8a0: {  	v62 =	vld [tilespmem:s0+$0x99B0];
	v54 =	vmul.f32 v57, v53;
	v3 =	vadd.f32 v3, v6  }
0x8a1: {  	v55 =	vld [tilespmem:s13+$0xD0]  }
0x8a2: {  	v53 =	vld [tilespmem:s13+$0xE0];
	v4 =	vadd.f32 v60, v54;
	v2 =	vadd.f32 v2, v3  }
0x8a3: {  	v58 =	vld [tilespmem:s13+$0x40];
	v3 =	vadd.f32 v59, v5  }
0x8a4: {  	v61 =	vld [tilespmem:s31+$0xFFFFFF30];
	v4 =	vadd.f32 v15, v4;
	[tilespmem:s13+$0xC0] =	vst v2  }
0x8a5: {  	v3 =	vadd.f32 v62, v3;
	v57 =	vld [tilespmem:s31+$0xD0]  }
0x8a6: {  	v63 =	vld [tilespmem:s0+$0x99B0];
	[tilespmem:s13+$0x30] =	vst v4  }
0x8a7: {  	v2 =	vmul.f32 v12, v10;
	[tilespmem:s13+$0xFFFFFFB0] =	vst v3;
	v3 =	vld [tilespmem:s0+$0x99D0]  }
0x8a8: {  	v60 =	vld [tilespmem:s31+$0x40];
	v5 =	vmul.f32 v55, v11  }
0x8a9: {  	v62 =	vld [tilespmem:s0+$0x99C0];
	v2 =	vadd.f32 v61, v2  }
0x8aa: {  	v59 =	vld [tilespmem:s31+$0xFFFFFFC0];
	v5 =	vadd.f32 v57, v5  }
0x8ab: {  	v10 =	vmul.f32 v58, v52;
	v58 =	vld [tilespmem:s13+$0x50];
	v2 =	vadd.f32 v63, v2  }
0x8ac: {  	v61 =	vld [tilespmem:s0+$0x99C0];
	v3 =	vadd.f32 v3, v5  }
0x8ad: {  	[tilespmem:s13+$0xFFFFFF30] =	vst v2;
	v2 =	vmul.f32 v56, v51;
	v56 =	vld [tilespmem:s13+$0xFFFFFF50]  }
0x8ae: {  	v6 =	vadd.f32 v60, v10;
	v63 =	vld [tilespmem:s31+$0xFFFFFF40];
	[tilespmem:s13+$0xD0] =	vst v3  }
0x8af: {  	v2 =	vadd.f32 v59, v2;
	v55 =	vld [tilespmem:s31+$0xE0]  }
0x8b0: {  	v6 =	vadd.f32 v62, v6;
	v54 =	vld [tilespmem:s0+$0x99C0]  }
0x8b1: {  	v3 =	vmul.f32 v9, v50;
	v2 =	vadd.f32 v61, v2;
	v57 =	vld [tilespmem:s0+$0x99E0]  }
0x8b2: {  	v4 =	vmul.f32 v53, v11;
	[tilespmem:s13+$0x40] =	vst v6;
	v61 =	vld [tilespmem:s13+$0xF0]  }
0x8b3: {  	v3 =	vadd.f32 v63, v3;
	[tilespmem:s13+$0xFFFFFFC0] =	vst v2;
	v2 =	vld [tilespmem:s13+$0xFFFFFFD0]  }
0x8b4: {  	v63 =	vld [tilespmem:s0+$0x99D0];
	v4 =	vadd.f32 v55, v4  }
0x8b5: {  	v59 =	vld [tilespmem:s31+$0xFFFFFFD0];
	v3 =	vadd.f32 v54, v3  }
0x8b6: {  	v62 =	vld [tilespmem:s0+$0x99D0];
	v4 =	vadd.f32 v57, v4  }
0x8b7: {  	[tilespmem:s13+$0xFFFFFF40] =	vst v3;
	v3 =	vld [tilespmem:s31+$0x50]  }
0x8b8: {  	v60 =	vld [tilespmem:s31+$0xFFFFFF50];
	v2 =	vmul.f32 v2, v51;
	[tilespmem:s13+$0xE0] =	vst v4  }
0x8b9: {  	v4 =	vld [tilespmem:s31+$0xF0]  }
0x8ba: {  	v5 =	vmul.f32 v58, v52;
	v54 =	vld [tilespmem:s0+$0x99D0];
	v2 =	vadd.f32 v59, v2  }
0x8bb: {  	v8 =	vmul.f32 v56, v50;
	v6 =	vld [tilespmem:s0+$0x99F0]  }
0x8bc: {  	v14 =	vld [tilespmem:s13+$0xFFFFFF60];
	v7 =	vmul.f32 v61, v11;
	v3 =	vadd.f32 v3, v5;
	v2 =	vadd.f32 v62, v2  }
0x8bd: {  	v53 =	vld [tilespmem:s13+$0xFFFFFFE0];
	v55 =	vadd.f32 v60, v8  }
0x8be: {  	v61 =	vld [tilespmem:s13+$0x60];
	[tilespmem:s13+$0xFFFFFFD0] =	vst v2;
	v2 =	vadd.f32 v63, v3;
	v4 =	vadd.f32 v4, v7  }
0x8bf: {  	v58 =	vld [tilespmem:s31+$0xFFFFFFE0];
	v63 =	vadd.f32 v54, v55  }
0x8c0: {  	v56 =	vld [tilespmem:s0+$0x99E0];
	[tilespmem:s13+$0x50] =	vst v2;
	v3 =	vadd.f32 v6, v4  }
0x8c1: {  	v59 =	vld [tilespmem:s31+$0x60];
	[tilespmem:s13+$0xFFFFFF50] =	vst v63  }
0x8c2: {  	s15 =	simm.s32 $0x40;
	s11 =	simm.s32 $0x5A80;
	s12 =	simm.s32 $0x8;
	v57 =	vmul.f32 v14, v50;
	v62 =	vmul.f32 v53, v51;
	v60 =	vld [tilespmem:s0+$0x99E0];
	[tilespmem:s13+$0xF0] =	vst v3  }
.LBB2_21:
0x8c3: {  	p3 =	slt.u32 s12, $0xC;
	v2 =	vmov s15;
	s22 =	sadd.s32 $0x10, s15;
	s23 =	sadd.s32 $0x30, s15;
	v3 =	vld [tilespmem:s31+$0xFFFFFF60];
	v4 =	vmul.f32 v61, v52  }
0x8c4: {  	s15 =	sadd.s32 $0x20, s15;
	v5 =	vor.u32 $0x1, v2;
	v6 =	vmov s22;
	v7 =	vmov s23;
	v8 =	vld [tilespmem:s0+$0x99E0]  }
0x8c5: {  	v10 =	vmov s15;
	v12 =	vadd.f32 v58, v62;
	v9 =	vor.u32 $0x1, v6;
	v11 =	vld [tilespmem:s13+$0xFFFFFF70]  }
0x8c6: {  	v13 =	vor.u32 $0x1, v10;
	v14 =	vld [tilespmem:s13+$0xFFFFFFF0];
	v4 =	vadd.f32 v59, v4  }
0x8c7: {  	v12 =	vadd.f32 v56, v12;
	v15 =	vld [tilespmem:s13+$0x70]  }
0x8c8: {  	v2 =	vld.idx.msk [tilespmem:v2+s3+$0x0], $0xffff;
	v3 =	vadd.f32 v3, v57;
	v4 =	vadd.f32 v60, v4  }
0x8c9: {  	v17 =	vld.idx.msk [tilespmem:v7+s3+$0x0], $0xffff;
	[tilespmem:s13+$0xFFFFFFE0] =	vst v12  }
0x8ca: {  	v6 =	vld.idx.msk [tilespmem:v6+s3+$0x0], $0xffff;
	v3 =	vadd.f32 v8, v3;
	v8 =	vmul.f32 v11, v50;
	[tilespmem:s13+$0x60] =	vst v4  }
0x8cb: {  	v4 =	vld.idx.msk [tilespmem:v10+s3+$0x0], $0xffff;
	v10 =	vmul.f32 v14, v51  }
0x8cc: {  	v5 =	vld.idx.msk [tilespmem:v5+s3+$0x0], $0xffff;
	[tilespmem:s13+$0xFFFFFF60] =	vst v3;
	v3 =	vmul.f32 v15, v52  }
0x8cd: {  	v9 =	vld.idx.msk [tilespmem:v9+s3+$0x0], $0xffff  }
0x8ce: {  	v2 =	vmax.f32 v2, $9.999999710e-10;
	v11 =	vld.idx.msk [tilespmem:v13+s3+$0x0], $0xffff  }
0x8cf: {  	v12 =	vmax.f32 v17, $9.999999710e-10;
	(erf) = vrcp.f32 v2;
	v2 =	vld [tilespmem:s31+$0xFFFFFFF0]  }
0x8d0: {  	v6 =	vmax.f32 v6, $9.999999710e-10;
	(erf) = vrcp.f32 v12;
	v12 =	vld [tilespmem:s31+$0x70]  }
0x8d1: {  	v4 =	vmax.f32 v4, $9.999999710e-10;
	(erf) = vrcp.f32 v6;
	v6 =	vld [tilespmem:s31+$0xFFFFFF70]  }
0x8d2: {  	v5 =	vmax.f32 v5, $9.999999710e-10;
	(erf) = vrcp.f32 v4;
	v4 =	vld [tilespmem:s0+$0x99F0]  }
0x8d3: {  	v9 =	vmax.f32 v9, $9.999999710e-10;
	(erf) = vrcp.f32 v5;
	v5 =	vld [tilespmem:s0+$0x99F0]  }
0x8d4: {  	s13 =	sadd.s32 $0x200, s13;
	v11 =	vmax.f32 v11, $9.999999710e-10;
	(erf) = vrcp.f32 v9;
	v9 =	vld [tilespmem:s0+$0x99F0];
	v2 =	vadd.f32 v2, v10  }
0x8d5: {  	v10 =	vld [tilespmem:s13+$0x80];
	(erf) = vrcp.f32 v11;
	v3 =	vadd.f32 v12, v3  }
0x8d6: {  	s31 =	sadd.s32 $0x200, s31;
	v11 =	vld [tilespmem:s13+$0xFFFFFF00];
	v6 =	vadd.f32 v6, v8  }
0x8d7: {  	v8 =	vld [tilespmem:s31+$0x80];
	v2 =	vadd.f32 v4, v2  }
0x8d8: {  	v4 =	vld [tilespmem:s13+$0xFFFFFF80];
	v53 =	vpop (erf);
	v3 =	vadd.f32 v5, v3  }
0x8d9: {  	v5 =	vld [tilespmem:s0+$0x9980];
	v12 =	vpop (erf);
	v6 =	vadd.f32 v9, v6;
	[tilespmem:s11+$0xFFFFFFF0] =	vst v2  }
0x8da: {  	v2 =	vld [tilespmem:s13+$0x0];
	v9 =	vmul.f32 v12, v10;
	v54 =	vpop (erf);
	[tilespmem:s11+$0x70] =	vst v3  }
0x8db: {  	v7 =	vor.u32 $0x1, v7;
	v3 =	vmul.f32 v53, v11;
	v10 =	vld [tilespmem:s31+$0xFFFFFF00];
	v55 =	vpop (erf);
	[tilespmem:s11+$0xFFFFFF70] =	vst v6;
	s11 =	smov.u32 s13  }
0x8dc: {  	v6 =	vld [tilespmem:s31+$0xFFFFFF80];
	v8 =	vadd.f32 v8, v9;
	v50 =	vpop (erf)  }
0x8dd: {  	v4 =	vmul.f32 v54, v4;
	v9 =	vld [tilespmem:s31+$0x0];
	v51 =	vpop (erf)  }
0x8de: {  	v11 =	vld [tilespmem:s13+$0xFFFFFF10];
	v8 =	vadd.f32 v8, v5;
	v52 =	vpop (erf)  }
0x8df: {  	v2 =	vmul.f32 v55, v2;
	v13 =	vld [tilespmem:s13+$0x90]  }
0x8e0: {  	v3 =	vadd.f32 v10, v3;
	v7 =	vld.idx.msk [tilespmem:v7+s3+$0x0], $0xffff;
	[tilespmem:s13+$0x80] =	vst v8  }
0x8e1: {  	v4 =	vadd.f32 v6, v4;
	v6 =	vld [tilespmem:s31+$0x90]  }
0x8e2: {  	v3 =	vadd.f32 v5, v3;
	v8 =	vld [tilespmem:s13+$0xFFFFFF90];
	v2 =	vadd.f32 v9, v2  }
0x8e3: {  	v9 =	vmul.f32 v11, v53;
	v4 =	vadd.f32 v4, v5;
	v10 =	vld [tilespmem:s0+$0x9990]  }
0x8e4: {  	[tilespmem:s13+$0xFFFFFF00] =	vst v3;
	v2 =	vadd.f32 v2, v5;
	v3 =	vld [tilespmem:s13+$0x10];
	v5 =	vmul.f32 v13, v12  }
0x8e5: {  	v11 =	vld [tilespmem:s31+$0xFFFFFF10];
	[tilespmem:s13+$0xFFFFFF80] =	vst v4  }
0x8e6: {  	v4 =	vld [tilespmem:s31+$0xFFFFFF90];
	[tilespmem:s13+$0x0] =	vst v2;
	v2 =	vadd.f32 v6, v5  }
0x8e7: {  	v5 =	vmul.f32 v8, v54;
	v6 =	vld [tilespmem:s31+$0x10]  }
0x8e8: {  	v8 =	vld [tilespmem:s0+$0x9990];
	v2 =	vadd.f32 v10, v2  }
0x8e9: {  	v3 =	vmul.f32 v3, v55;
	v10 =	vld [tilespmem:s13+$0xA0]  }
0x8ea: {  	v9 =	vadd.f32 v11, v9;
	v11 =	vld [tilespmem:s0+$0x9990];
	[tilespmem:s13+$0x90] =	vst v2  }
0x8eb: {  	v2 =	vadd.f32 v4, v5;
	v4 =	vld [tilespmem:s31+$0xA0]  }
0x8ec: {  	v5 =	vld [tilespmem:s0+$0x9990];
	v3 =	vadd.f32 v6, v3  }
0x8ed: {  	v2 =	vadd.f32 v8, v2;
	v6 =	vld [tilespmem:s0+$0x99A0]  }
0x8ee: {  	v8 =	vld [tilespmem:s13+$0xFFFFFF20];
	v10 =	vmul.f32 v10, v12  }
0x8ef: {  	[tilespmem:s13+$0xFFFFFF90] =	vst v2;
	v2 =	vld [tilespmem:s13+$0xFFFFFFA0];
	v3 =	vadd.f32 v11, v3  }
0x8f0: {  	v11 =	vld [tilespmem:s13+$0x20];
	v4 =	vadd.f32 v4, v10  }
0x8f1: {  	v5 =	vadd.f32 v5, v9;
	v9 =	vld [tilespmem:s31+$0xFFFFFFA0];
	[tilespmem:s13+$0x10] =	vst v3  }
0x8f2: {  	v3 =	vld [tilespmem:s31+$0x20];
	v4 =	vadd.f32 v6, v4  }
0x8f3: {  	[tilespmem:s13+$0xFFFFFF10] =	vst v5;
	v5 =	vmul.f32 v8, v53;
	v6 =	vld [tilespmem:s13+$0xB0]  }
0x8f4: {  	v8 =	vld [tilespmem:s31+$0xFFFFFF20];
	v2 =	vmul.f32 v2, v54;
	[tilespmem:s13+$0xA0] =	vst v4  }
0x8f5: {  	v4 =	vmul.f32 v11, v55;
	v10 =	vld [tilespmem:s31+$0xB0]  }
0x8f6: {  	v2 =	vadd.f32 v9, v2;
	v9 =	vld [tilespmem:s0+$0x99A0]  }
0x8f7: {  	v3 =	vadd.f32 v3, v4;
	v4 =	vmax.f32 v7, $9.999999710e-10;
	v7 =	vld [tilespmem:s0+$0x99B0]  }
0x8f8: {  	v11 =	vld [tilespmem:s0+$0x99A0];
	v6 =	vmul.f32 v6, v12;
	(erf) = vrcp.f32 v4  }
0x8f9: {  	v4 =	vadd.f32 v8, v5;
	v5 =	vld [tilespmem:s0+$0x99A0]  }
0x8fa: {  	v8 =	vld [tilespmem:s13+$0xFFFFFF30];
	v6 =	vadd.f32 v10, v6  }
0x8fb: {  	v2 =	vadd.f32 v9, v2;
	v9 =	vld [tilespmem:s13+$0xFFFFFFB0]  }
0x8fc: {  	v10 =	vld [tilespmem:s13+$0x30];
	v6 =	vadd.f32 v7, v6  }
0x8fd: {  	[tilespmem:s13+$0xFFFFFFA0] =	vst v2;
	v2 =	vadd.f32 v11, v3;
	v3 =	vld [tilespmem:s13+$0xC0]  }
0x8fe: {  	v4 =	vadd.f32 v5, v4;
	v5 =	vld [tilespmem:s31+$0xFFFFFFB0];
	[tilespmem:s13+$0xB0] =	vst v6  }
0x8ff: {  	v6 =	vmul.f32 v8, v53;
	[tilespmem:s13+$0x20] =	vst v2;
	v2 =	vld [tilespmem:s31+$0xC0]  }
0x900: {  	[tilespmem:s13+$0xFFFFFF20] =	vst v4;
	v4 =	vmul.f32 v9, v54;
	v7 =	vld [tilespmem:s31+$0x30]  }
0x901: {  	v8 =	vmul.f32 v10, v55;
	v9 =	vld [tilespmem:s0+$0x99C0];
	v10 =	vpop (erf)  }
0x902: {  	v11 =	vld [tilespmem:s31+$0xFFFFFF30];
	v3 =	vmul.f32 v3, v10  }
0x903: {  	v4 =	vadd.f32 v5, v4;
	v5 =	vld [tilespmem:s0+$0x99B0]  }
0x904: {  	v12 =	vld [tilespmem:s0+$0x99B0];
	v2 =	vadd.f32 v2, v3  }
0x905: {  	v3 =	vld [tilespmem:s0+$0x99B0];
	v7 =	vadd.f32 v7, v8  }
0x906: {  	v8 =	vld [tilespmem:s13+$0xFFFFFF40];
	v2 =	vadd.f32 v9, v2  }
0x907: {  	v6 =	vadd.f32 v11, v6;
	v9 =	vld [tilespmem:s13+$0xD0]  }
0x908: {  	v4 =	vadd.f32 v5, v4;
	v5 =	vld [tilespmem:s13+$0xFFFFFFC0];
	[tilespmem:s13+$0xC0] =	vst v2  }
0x909: {  	v2 =	vadd.f32 v12, v7;
	v7 =	vld [tilespmem:s31+$0xD0]  }
0x90a: {  	v3 =	vadd.f32 v3, v6;
	[tilespmem:s13+$0xFFFFFFB0] =	vst v4;
	v4 =	vld [tilespmem:s13+$0x40]  }
0x90b: {  	v6 =	vmul.f32 v8, v50;
	[tilespmem:s13+$0x30] =	vst v2;
	v2 =	vld [tilespmem:s0+$0x99D0]  }
0x90c: {  	[tilespmem:s13+$0xFFFFFF30] =	vst v3;
	v3 =	vld [tilespmem:s31+$0xFFFFFFC0];
	v8 =	vmul.f32 v9, v10  }
0x90d: {  	v5 =	vmul.f32 v5, v51;
	v9 =	vld [tilespmem:s31+$0x40]  }
0x90e: {  	v11 =	vld [tilespmem:s31+$0xFFFFFF40];
	v7 =	vadd.f32 v7, v8  }
0x90f: {  	v8 =	vld [tilespmem:s0+$0x99C0];
	v4 =	vmul.f32 v4, v52  }
0x910: {  	v12 =	vld [tilespmem:s0+$0x99C0];
	v2 =	vadd.f32 v2, v7  }
0x911: {  	v3 =	vadd.f32 v3, v5;
	v5 =	vld [tilespmem:s13+$0xE0]  }
0x912: {  	v7 =	vld [tilespmem:s0+$0x99C0];
	v4 =	vadd.f32 v9, v4;
	[tilespmem:s13+$0xD0] =	vst v2  }
0x913: {  	v2 =	vadd.f32 v11, v6;
	v6 =	vld [tilespmem:s31+$0xE0]  }
0x914: {  	v9 =	vld [tilespmem:s13+$0xFFFFFF50];
	v3 =	vadd.f32 v8, v3  }
0x915: {  	v4 =	vadd.f32 v12, v4;
	v8 =	vld [tilespmem:s0+$0x99E0]  }
0x916: {  	[tilespmem:s13+$0xFFFFFFC0] =	vst v3;
	v3 =	vld [tilespmem:s13+$0xFFFFFFD0];
	v5 =	vmul.f32 v5, v10  }
0x917: {  	v2 =	vadd.f32 v7, v2;
	[tilespmem:s13+$0x40] =	vst v4;
	v4 =	vld [tilespmem:s13+$0x50]  }
0x918: {  	v7 =	vld [tilespmem:s31+$0xFFFFFFD0];
	v5 =	vadd.f32 v6, v5  }
0x919: {  	[tilespmem:s13+$0xFFFFFF40] =	vst v2;
	v2 =	vmul.f32 v9, v50;
	v6 =	vld [tilespmem:s31+$0x50]  }
0x91a: {  	v9 =	vld [tilespmem:s31+$0xFFFFFF50];
	v5 =	vadd.f32 v8, v5  }
0x91b: {  	v3 =	vmul.f32 v3, v51;
	v8 =	vld [tilespmem:s13+$0xF0]  }
0x91c: {  	v11 =	vld [tilespmem:s0+$0x99D0];
	v4 =	vmul.f32 v4, v52;
	[tilespmem:s13+$0xE0] =	vst v5  }
0x91d: {  	v3 =	vadd.f32 v7, v3;
	v5 =	vld [tilespmem:s31+$0xF0]  }
0x91e: {  	v4 =	vadd.f32 v6, v4;
	v6 =	vld [tilespmem:s0+$0x99D0]  }
0x91f: {  	v2 =	vadd.f32 v9, v2;
	v7 =	vld [tilespmem:s0+$0x99F0]  }
0x920: {  	v9 =	vld [tilespmem:s0+$0x99D0];
	v8 =	vmul.f32 v8, v10  }
0x921: {  	v10 =	vld [tilespmem:s13+$0xFFFFFF60];
	v3 =	vadd.f32 v11, v3  }
0x922: {  	v11 =	vld [tilespmem:s13+$0xFFFFFFE0];
	v5 =	vadd.f32 v5, v8  }
.Ltmp12:
0x923: {  	[tilespmem:s13+$0xFFFFFFD0] =	vst v3;
	v3 =	vadd.f32 v6, v4;
	v61 =	vld [tilespmem:s13+$0x60];
	(pc) =	sbr.rel @p3 .LBB2_21-.Ltmp12, $4  }
0x924: {  	v58 =	vld [tilespmem:s31+$0xFFFFFFE0];
	v4 =	vadd.f32 v7, v5  }
0x925: {  	v2 =	vadd.f32 v9, v2;
	v56 =	vld [tilespmem:s0+$0x99E0];
	[tilespmem:s13+$0x50] =	vst v3  }
0x926: {  	v57 =	vmul.f32 v10, v50;
	v59 =	vld [tilespmem:s31+$0x60];
	[tilespmem:s13+$0xF0] =	vst v4  }
0x927: {  	s15 =	sshll.u32 s12, $0x4;
	s12 =	sadd.s32 $0x4, s12;
	[tilespmem:s13+$0xFFFFFF50] =	vst v2;
	v62 =	vmul.f32 v11, v51;
	v60 =	vld [tilespmem:s0+$0x99E0]  }
0x928: {  	v2 =	vmov s15;
	s12 =	sadd.s32 $0x30, s15  }
0x929: {  	v3 =	vld [tilespmem:s31+$0xFFFFFF60];
	v4 =	vmov s12  }
0x92a: {  	v5 =	vld [tilespmem:s0+$0x99E0]  }
0x92b: {  	v53 =	vld [tilespmem:s13+$0xFFFFFF70]  }
0x92c: {  	v55 =	vld [tilespmem:s13+$0xFFFFFFF0]  }
0x92d: {  	s22 =	sadd.s32 $0x10, s15;
	v8 =	vor.u32 $0x1, v2;
	v2 =	vld.idx.msk [tilespmem:v2+s3+$0x0], $0xffff  }
0x92e: {  	v6 =	vmov s22;
	s22 =	sadd.s32 $0x20, s15;
	v13 =	vadd.f32 v58, v62;
	v12 =	vld.idx.msk [tilespmem:v4+s3+$0x0], $0xffff  }
0x92f: {  	v54 =	vld [tilespmem:s13+$0x70];
	s23 =	sadd.s32 $0x200, s13;
	v7 =	vmov s22  }
0x930: {  	v10 =	vmul.f32 v61, v52;
	v19 =	vld [tilespmem:s23+$0x90];
	v13 =	vadd.f32 v56, v13  }
0x931: {  	v62 =	vld [tilespmem:s23+$0xFFFFFF10];
	v11 =	vor.u32 $0x1, v7  }
0x932: {  	v10 =	vadd.f32 v59, v10;
	[tilespmem:s13+$0xFFFFFFE0] =	vst v13;
	v13 =	vld [tilespmem:s23+$0x0];
	v2 =	vmax.f32 v2, $9.999999710e-10  }
0x933: {  	v9 =	vor.u32 $0x1, v6;
	v6 =	vld.idx.msk [tilespmem:v6+s3+$0x0], $0xffff;
	v59 =	vmax.f32 v12, $9.999999710e-10;
	(erf) = vrcp.f32 v2  }
0x934: {  	v3 =	vadd.f32 v3, v57;
	v10 =	vadd.f32 v60, v10;
	v7 =	vld.idx.msk [tilespmem:v7+s3+$0x0], $0xffff;
	(erf) = vrcp.f32 v59  }
0x935: {  	v60 =	vld [tilespmem:s31+$0xFFFFFFF0]  }
0x936: {  	v3 =	vadd.f32 v5, v3;
	[tilespmem:s13+$0x60] =	vst v10;
	v5 =	vld.idx.msk [tilespmem:v11+s3+$0x0], $0xffff  }
0x937: {  	v61 =	vld [tilespmem:s31+$0x70]  }
0x938: {  	v11 =	vld [tilespmem:s0+$0x9980];
	v2 =	vmax.f32 v6, $9.999999710e-10  }
0x939: {  	[tilespmem:s13+$0xFFFFFF60] =	vst v3;
	v3 =	vmax.f32 v7, $9.999999710e-10;
	(erf) = vrcp.f32 v2;
	v2 =	vld [tilespmem:s23+$0x80]  }
0x93a: {  	v58 =	vld [tilespmem:s31+$0xFFFFFF70];
	s31 =	sadd.s32 $0x200, s31;
	(erf) = vrcp.f32 v3  }
0x93b: {  	v63 =	vld [tilespmem:s31+$0x80]  }
0x93c: {  	v3 =	vld [tilespmem:s23+$0xFFFFFF00];
	v10 =	vpop (erf)  }
0x93d: {  	v14 =	vld [tilespmem:s31+$0xFFFFFF00];
	v12 =	vpop (erf)  }
0x93e: {  	v7 =	vld [tilespmem:s23+$0xFFFFFF80];
	v2 =	vmul.f32 v12, v2  }
0x93f: {  	v8 =	vld.idx.msk [tilespmem:v8+s3+$0x0], $0xffff;
	v4 =	vor.u32 $0x1, v4  }
0x940: {  	v15 =	vld [tilespmem:s31+$0xFFFFFF80];
	v2 =	vadd.f32 v63, v2  }
0x941: {  	v6 =	vld [tilespmem:s31+$0x0];
	v3 =	vmul.f32 v10, v3  }
0x942: {  	v9 =	vld.idx.msk [tilespmem:v9+s3+$0x0], $0xffff;
	v17 =	vpop (erf);
	v2 =	vadd.f32 v2, v11  }
0x943: {  	v57 =	vld [tilespmem:s0+$0x99F0];
	v7 =	vmul.f32 v17, v7;
	v3 =	vadd.f32 v14, v3;
	v63 =	vpop (erf)  }
0x944: {  	v4 =	vld.idx.msk [tilespmem:v4+s3+$0x0], $0xffff;
	v13 =	vmul.f32 v63, v13;
	[tilespmem:s23+$0x80] =	vst v2  }
0x945: {  	v3 =	vadd.f32 v11, v3;
	v2 =	vadd.f32 v15, v7;
	v7 =	vld [tilespmem:s31+$0x90]  }
0x946: {  	v14 =	vld [tilespmem:s23+$0xFFFFFF90];
	v6 =	vadd.f32 v6, v13  }
0x947: {  	[tilespmem:s23+$0xFFFFFF00] =	vst v3;
	v13 =	vld [tilespmem:s0+$0x9990];
	v2 =	vadd.f32 v2, v11  }
0x948: {  	v15 =	vld [tilespmem:s31+$0xFFFFFF10];
	v3 =	vadd.f32 v6, v11;
	v11 =	vmul.f32 v19, v12  }
0x949: {  	v6 =	vld [tilespmem:s23+$0x10];
	[tilespmem:s23+$0xFFFFFF80] =	vst v2  }
0x94a: {  	[tilespmem:s23+$0x0] =	vst v3;
	v2 =	vld [tilespmem:s31+$0xFFFFFF90];
	v3 =	vadd.f32 v7, v11  }
0x94b: {  	v7 =	vld [tilespmem:s31+$0x10]  }
0x94c: {  	v11 =	vld [tilespmem:s0+$0x9990];
	v3 =	vadd.f32 v13, v3  }
0x94d: {  	v13 =	vld [tilespmem:s23+$0xA0]  }
0x94e: {  	v14 =	vmul.f32 v14, v17;
	v19 =	vld [tilespmem:s0+$0x9990];
	[tilespmem:s23+$0x90] =	vst v3  }
0x94f: {  	v3 =	vmul.f32 v6, v63;
	v6 =	vld [tilespmem:s31+$0xA0]  }
0x950: {  	v2 =	vadd.f32 v2, v14;
	v14 =	vld [tilespmem:s0+$0x9990]  }
0x951: {  	v62 =	vmul.f32 v62, v10;
	v3 =	vadd.f32 v7, v3;
	v7 =	vld [tilespmem:s0+$0x99A0]  }
0x952: {  	v2 =	vadd.f32 v11, v2;
	v11 =	vld [tilespmem:s23+$0xFFFFFF20];
	v13 =	vmul.f32 v13, v12  }
0x953: {  	v15 =	vadd.f32 v15, v62;
	v3 =	vadd.f32 v19, v3;
	v19 =	vld [tilespmem:s23+$0xFFFFFFA0]  }
0x954: {  	[tilespmem:s23+$0xFFFFFF90] =	vst v2;
	v2 =	vld [tilespmem:s23+$0x20];
	v6 =	vadd.f32 v6, v13  }
0x955: {  	v62 =	vadd.f32 v14, v15;
	v14 =	vld [tilespmem:s31+$0xFFFFFFA0];
	[tilespmem:s23+$0x10] =	vst v3  }
0x956: {  	v3 =	vld [tilespmem:s31+$0x20];
	v6 =	vadd.f32 v7, v6  }
0x957: {  	v7 =	vld [tilespmem:s23+$0xB0]  }
0x958: {  	v8 =	vmax.f32 v8, $9.999999710e-10;
	v15 =	vld [tilespmem:s0+$0x99A0];
	[tilespmem:s23+$0xA0] =	vst v6  }
0x959: {  	(erf) = vrcp.f32 v8;
	[tilespmem:s23+$0xFFFFFF10] =	vst v62;
	v62 =	vmax.f32 v9, $9.999999710e-10;
	v8 =	vld [tilespmem:s31+$0xB0]  }
0x95a: {  	v5 =	vmax.f32 v5, $9.999999710e-10;
	(erf) = vrcp.f32 v62;
	v6 =	vld [tilespmem:s0+$0x99A0]  }
0x95b: {  	(erf) = vrcp.f32 v5;
	v2 =	vmul.f32 v2, v63;
	v9 =	vld [tilespmem:s0+$0x99B0]  }
0x95c: {  	v4 =	vmax.f32 v4, $9.999999710e-10;
	v13 =	vld [tilespmem:s31+$0xFFFFFF20];
	v62 =	vmul.f32 v19, v17;
	v7 =	vmul.f32 v7, v12  }
0x95d: {  	v56 =	vld [tilespmem:s0+$0x99F0];
	(erf) = vrcp.f32 v4;
	v2 =	vadd.f32 v3, v2  }
0x95e: {  	v5 =	vld [tilespmem:s0+$0x99A0];
	v4 =	vadd.f32 v14, v62;
	v7 =	vadd.f32 v8, v7  }
0x95f: {  	v62 =	vmul.f32 v11, v10;
	v12 =	vld [tilespmem:s23+$0xFFFFFF30];
	v2 =	vadd.f32 v15, v2  }
0x960: {  	v3 =	vadd.f32 v6, v4;
	v4 =	vld [tilespmem:s23+$0xFFFFFFB0];
	v7 =	vadd.f32 v9, v7  }
0x961: {  	v6 =	vld [tilespmem:s23+$0x30];
	v8 =	vadd.f32 v13, v62;
	[tilespmem:s23+$0x20] =	vst v2  }
0x962: {  	[tilespmem:s23+$0xFFFFFFA0] =	vst v3;
	v3 =	vld [tilespmem:s23+$0xC0]  }
0x963: {  	v62 =	vpop (erf);
	v11 =	vld [tilespmem:s31+$0x30];
	[tilespmem:s23+$0xB0] =	vst v7  }
0x964: {  	v5 =	vadd.f32 v5, v8;
	v2 =	vld [tilespmem:s31+$0xC0];
	v7 =	vpop (erf)  }
0x965: {  	v9 =	vld [tilespmem:s31+$0xFFFFFFB0];
	v8 =	vpop (erf)  }
0x966: {  	[tilespmem:s23+$0xFFFFFF20] =	vst v5;
	v5 =	vld [tilespmem:s0+$0x99C0];
	v13 =	vpop (erf)  }
0x967: {  	v15 =	vld [tilespmem:s0+$0x99B0];
	v3 =	vmul.f32 v3, v13  }
0x968: {  	v10 =	vmul.f32 v12, v10;
	v12 =	vld [tilespmem:s23+$0xD0]  }
0x969: {  	v14 =	vld [tilespmem:s31+$0xFFFFFF30];
	v2 =	vadd.f32 v2, v3  }
0x96a: {  	v4 =	vmul.f32 v4, v17;
	v6 =	vmul.f32 v6, v63;
	v3 =	vld [tilespmem:s0+$0x99B0]  }
0x96b: {  	v17 =	vld [tilespmem:s0+$0x99B0];
	v2 =	vadd.f32 v5, v2  }
0x96c: {  	v6 =	vadd.f32 v11, v6;
	v11 =	vld [tilespmem:s23+$0xFFFFFFC0];
	v4 =	vadd.f32 v9, v4  }
0x96d: {  	v5 =	vld [tilespmem:s23+$0xFFFFFF40];
	[tilespmem:s23+$0xC0] =	vst v2  }
0x96e: {  	v4 =	vadd.f32 v15, v4;
	v2 =	vadd.f32 v14, v10;
	v10 =	vld [tilespmem:s31+$0xD0]  }
0x96f: {  	v3 =	vadd.f32 v3, v6;
	v6 =	vld [tilespmem:s23+$0x40]  }
0x970: {  	[tilespmem:s23+$0xFFFFFFB0] =	vst v4;
	v63 =	vld [tilespmem:s0+$0x99D0];
	v2 =	vadd.f32 v17, v2  }
0x971: {  	[tilespmem:s23+$0x30] =	vst v3;
	v3 =	vld [tilespmem:s31+$0xFFFFFFC0]  }
0x972: {  	v9 =	vmul.f32 v12, v13;
	[tilespmem:s23+$0xFFFFFF30] =	vst v2;
	v2 =	vld [tilespmem:s31+$0x40]  }
0x973: {  	v14 =	vld [tilespmem:s0+$0x99C0]  }
0x974: {  	v12 =	vld [tilespmem:s31+$0xFFFFFF40];
	v9 =	vadd.f32 v10, v9  }
0x975: {  	v10 =	vld [tilespmem:s0+$0x99C0];
	v6 =	vmul.f32 v6, v8  }
0x976: {  	v59 =	vld [tilespmem:s0+$0x99F0];
	v4 =	vadd.f32 v63, v9;
	v63 =	vmul.f32 v11, v7  }
0x977: {  	v15 =	vld [tilespmem:s0+$0x99C0];
	v2 =	vadd.f32 v2, v6  }
0x978: {  	v17 =	vld [tilespmem:s23+$0xF0];
	v5 =	vmul.f32 v5, v62;
	v3 =	vadd.f32 v3, v63  }
0x979: {  	v11 =	vld [tilespmem:s23+$0xE0];
	v2 =	vadd.f32 v14, v2  }
0x97a: {  	v6 =	vld [tilespmem:s23+$0xFFFFFF50];
	v5 =	vadd.f32 v12, v5;
	v3 =	vadd.f32 v10, v3  }
0x97b: {  	v10 =	vld [tilespmem:s23+$0xFFFFFFD0];
	[tilespmem:s23+$0x40] =	vst v2  }
0x97c: {  	v5 =	vadd.f32 v15, v5;
	[tilespmem:s23+$0xFFFFFFC0] =	vst v3;
	v3 =	vld [tilespmem:s23+$0x50]  }
0x97d: {  	v12 =	vld [tilespmem:s31+$0x50]  }
0x97e: {  	[tilespmem:s23+$0xFFFFFF40] =	vst v5;
	v2 =	vld [tilespmem:s31+$0xFFFFFFD0]  }
0x97f: {  	v63 =	vld [tilespmem:s31+$0xFFFFFF50]  }
0x980: {  	[tilespmem:s23+$0xD0] =	vst v4;
	v5 =	vld [tilespmem:s0+$0x99D0]  }
0x981: {  	v4 =	vld [tilespmem:s31+$0xE0];
	v10 =	vmul.f32 v10, v7  }
0x982: {  	v15 =	vld [tilespmem:s0+$0x99D0];
	v6 =	vmul.f32 v6, v62  }
0x983: {  	v3 =	vmul.f32 v3, v8;
	v2 =	vadd.f32 v2, v10;
	v10 =	vld [tilespmem:s0+$0x99D0]  }
0x984: {  	v9 =	vld [tilespmem:s0+$0x99E0];
	v6 =	vadd.f32 v63, v6  }
0x985: {  	v63 =	vld [tilespmem:s23+$0xFFFFFFE0];
	v3 =	vadd.f32 v12, v3;
	v2 =	vadd.f32 v5, v2  }
0x986: {  	v5 =	vld [tilespmem:s23+$0xFFFFFF60]  }
0x987: {  	v3 =	vadd.f32 v15, v3;
	[tilespmem:s23+$0xFFFFFFD0] =	vst v2;
	v2 =	vmul.f32 v11, v13;
	v11 =	vld [tilespmem:s23+$0x60]  }
0x988: {  	v6 =	vadd.f32 v10, v6;
	v10 =	vld [tilespmem:s31+$0xFFFFFFE0]  }
0x989: {  	[tilespmem:s23+$0x50] =	vst v3;
	v2 =	vadd.f32 v4, v2;
	v4 =	vld [tilespmem:s0+$0x99E0]  }
0x98a: {  	v3 =	vld [tilespmem:s31+$0x60];
	[tilespmem:s23+$0xFFFFFF50] =	vst v6  }
0x98b: {  	v2 =	vadd.f32 v9, v2;
	v6 =	vld [tilespmem:s31+$0xFFFFFF60]  }
0x98c: {  	v9 =	vmul.f32 v63, v7;
	v63 =	vld [tilespmem:s0+$0x99E0]  }
0x98d: {  	v14 =	vld [tilespmem:s0+$0x99E0];
	[tilespmem:s23+$0xE0] =	vst v2;
	v2 =	vmul.f32 v11, v8  }
0x98e: {  	v9 =	vadd.f32 v10, v9;
	v10 =	vld [tilespmem:s31+$0xF0]  }
0x98f: {  	v5 =	vmul.f32 v5, v62;
	v2 =	vadd.f32 v3, v2;
	v3 =	vld [tilespmem:s0+$0x99F0]  }
0x990: {  	v4 =	vadd.f32 v4, v9;
	v9 =	vld [tilespmem:s23+$0xFFFFFFF0]  }
0x991: {  	v5 =	vadd.f32 v6, v5;
	v6 =	vld [tilespmem:s23+$0xFFFFFF70]  }
0x992: {  	v52 =	vmul.f32 v54, v52;
	v2 =	vadd.f32 v63, v2;
	[tilespmem:s23+$0xFFFFFFE0] =	vst v4;
	v63 =	vld [tilespmem:s23+$0x70]  }
0x993: {  	v51 =	vmul.f32 v55, v51;
	v13 =	vmul.f32 v17, v13;
	v4 =	vadd.f32 v14, v5;
	v17 =	vld [tilespmem:s0+$0x99F0]  }
0x994: {  	v12 =	vadd.f32 v61, v52;
	[tilespmem:s23+$0x60] =	vst v2;
	v2 =	vld [tilespmem:s31+$0xFFFFFFF0]  }
0x995: {  	v55 =	vmul.f32 v53, v50;
	v11 =	vadd.f32 v60, v51;
	[tilespmem:s23+$0xFFFFFF60] =	vst v4;
	v54 =	vld [tilespmem:s31+$0x70]  }
0x996: {  	v12 =	vadd.f32 v57, v12;
	v15 =	vld [tilespmem:s31+$0xFFFFFF70]  }
0x997: {  	v11 =	vadd.f32 v59, v11;
	v14 =	vadd.f32 v58, v55;
	v7 =	vmul.f32 v9, v7;
	v59 =	vld [tilespmem:s0+$0x99F0]  }
0x998: {  	v10 =	vadd.f32 v10, v13;
	v60 =	vld [tilespmem:s0+$0x99F0];
	v5 =	vmul.f32 v63, v8  }
0x999: {  	[tilespmem:s11+$0x70] =	vst v12;
	v61 =	vadd.f32 v56, v14;
	v6 =	vmul.f32 v6, v62;
	v2 =	vadd.f32 v2, v7  }
0x99a: {  	[tilespmem:s11+$0xFFFFFFF0] =	vst v11;
	v3 =	vadd.f32 v3, v10;
	v4 =	vadd.f32 v54, v5  }
0x99b: {  	[tilespmem:s11+$0xFFFFFF70] =	vst v61;
	v62 =	vadd.f32 v15, v6;
	v2 =	vadd.f32 v17, v2  }
0x99c: {  	[tilespmem:s23+$0xF0] =	vst v3;
	v3 =	vadd.f32 v59, v4  }
0x99d: {  	v63 =	vadd.f32 v60, v62;
	[tilespmem:s23+$0xFFFFFFF0] =	vst v2  }
0x99e: {  	[tilespmem:s23+$0x70] =	vst v3  }
0x99f: {  	[tilespmem:s23+$0xFFFFFF70] =	vst v63  }
.Ltmp13:
0x9a0: {  	s11 =	rddreg [dreg:$0x10];
	(pc) =	sbr.rel .LBB2_23-.Ltmp13, $4  }
0x9a1: {  	[hbm4b:s11+s24] =	stream.linear.scatter [tilespmem:s1], [sflag:$0x2], $0x800, $0x38;
	[tilespmem:$0x1FA10] =	vst v63  }
0x9a2: {  	_ =	swait.ge [sflag:s2], $0x800  }
0x9a3: {  	[sflag:s2] =	ssyncset.done $0x0  }
0x9a4: {  	[sflag:s2] =	ssyncadd.s32 $0xFFFFF800  }
.LBB2_24:
0x9a5: {  	_ =	sfence.sel $0x180000  }
0x9a6: {  	[bflag:$0x0] =	sbarrier.arrive $0xFFFF  }
0x9a7: {  	_ =	strace $0x90000047  }
0x9a8: {  	s0 =	stileid.u32;
	[bflag:$0x2] =	sbarrier.arrive $0xFFFF  }
0x9a9: {  	p0 =	sne.s32 s0, $0x0;
	s0 =	rddreg [dreg:$0x4]  }
0x9aa: {  	s0 =	sadd.s32 @!p0 $0x100000, s0  }
0x9ab: {  	[sflag:s0] =	ssyncadd.tile.s32 @!p0 $0x1;
	_ =	shalt  }
.Lfunc_end2:
_tile_overlayer_lowered:
.L_overlay_start_2:
0x9ac: {  	(tag) =	ssettag $0x2  }
0x9ad: {  	s0 =	rddreg [dreg:$0x0];
	s2 =	stileid.u32  }
0x9ae: {  	s1 =	rddreg [dreg:$0x1];
	p0 =	sne.s32 s2, $0x0  }
0x9af: {  	s3 =	rddreg [dreg:$0x2];
	[bflag:$0x3] =	sbarrier.arrive $0xFFFF;
	s2 =	simm.s32 @!p0 $0x1C02  }
0x9b0: {  	[timem:s3], [sflag:s2] =	dma.local @!p0 [hbm:s0], s1  }
0x9b1: {  	s0 =	simm.s32 @!p0 $0x2  }
0x9b2: {  	_ =	swait.ge @!p0 [sflag:s0], s1  }
0x9b3: {  	s1 =	ssub.s32 @!p0 $0x0, s1;
	[sflag:s0] =	ssyncset.done @!p0 $0x0  }
0x9b4: {  	[sflag:s0] =	ssyncadd.s32 @!p0 s1  }
0x9b5: {  	[bflag:$0x3] =	sbarrier.arrive $0xFFFF  }
0x9b6: {  	_ =	shalt  }

</sc_bundles>
